<compile_context>
chip_gen: v7x
topology: tpu7x:2x2x1
jax: 0.10.2.dev20260603
libtpu: 0.0.44.dev20260713+nightly
codegen_flags: <defaults>
</compile_context>

<pallas_src>
import numpy as np

import jax
import jax.numpy as jnp
from jax import lax
from jax.experimental import pallas as pl
from jax.experimental.pallas import tpu as pltpu
from jax.experimental.pallas import tpu_sc as plsc

N = 10000
E = 320000
D = 128
DE = 16
BN_EPS = 1e-5

NC = 2
NS = 16
NW = NC * NS
C = 64
GB = 8
CF = C // GB
EB = E // GB
CW = GB * (D // 2)
NCHT = E // C
NGMAX = NCHT // NW + 1
NBUF = 3
NP = 10240
RPT = NP // NS
RSUB = C

_ML = np.empty((D // 2,), np.int32)
for _w in range(D // 2):
    _ML[_w] = 32 * (_w // 16) + (_w % 16)
_MH = _ML + 16



def _round_bf16_bits(z):
    u = lax.bitcast_convert_type(z, jnp.uint32)
    u = u + jnp.uint32(0x7FFF) + ((u >> 16) & jnp.uint32(1))
    return u >> 16


BLK = 2000


YBLK = 1000


def _mm_pack_body(a_ref, wl_ref, wh_ref, bl_ref, bh_ref, x_ref, wa_ref,
                  o_ref, y_ref):
    a = a_ref[...]
    zl = jnp.dot(a, wl_ref[...], preferred_element_type=jnp.float32) + bl_ref[...]
    zh = jnp.dot(a, wh_ref[...], preferred_element_type=jnp.float32) + bh_ref[...]
    packed = _round_bf16_bits(zl) | (_round_bf16_bits(zh) << 16)
    o_ref[...] = lax.bitcast_convert_type(packed, jnp.int32)
    y_ref[...] = jnp.dot(
        x_ref[...], wa_ref[...], preferred_element_type=jnp.float32
    )


def _edge_linear(edge_attr, w_lo, w_hi, b_lo, b_hi, x, w_at):
    ea8 = edge_attr.reshape(EB, GB * DE)
    eye = jnp.eye(GB, dtype=jnp.float32)
    wl_big = jnp.kron(eye, w_lo)
    wh_big = jnp.kron(eye, w_hi)
    bl_big = jnp.tile(b_lo, GB).reshape(1, CW)
    bh_big = jnp.tile(b_hi, GB).reshape(1, CW)
    return pl.pallas_call(
        _mm_pack_body,
        grid=(EB // BLK,),
        in_specs=[
            pl.BlockSpec((BLK, GB * DE), lambda i: (i, 0)),
            pl.BlockSpec((GB * DE, CW), lambda i: (0, 0)),
            pl.BlockSpec((GB * DE, CW), lambda i: (0, 0)),
            pl.BlockSpec((1, CW), lambda i: (0, 0)),
            pl.BlockSpec((1, CW), lambda i: (0, 0)),
            pl.BlockSpec((YBLK, D), lambda i: (i % 10, 0)),
            pl.BlockSpec((D, D), lambda i: (0, 0)),
        ],
        out_specs=[
            pl.BlockSpec((BLK, CW), lambda i: (i, 0)),
            pl.BlockSpec((YBLK, D), lambda i: (i % 10, 0)),
        ],
        out_shape=[
            jax.ShapeDtypeStruct((EB, CW), jnp.int32),
            jax.ShapeDtypeStruct((N, D), jnp.float32),
        ],
    )(ea8, wl_big, wh_big, bl_big, bh_big, x, w_at)


def _combine_body(p_ref, cnt_ref, x_ref, w_ref, br_ref, g_ref, bt_ref, o_ref):
    p = p_ref[...]
    s = p[0] + p[1]
    cnt = jnp.sum(cnt_ref[...], axis=0)[:, None]
    scale = g_ref[...] * (1.0 / jnp.sqrt(1.0 + BN_EPS))
    mean = jnp.where(
        cnt > 0.0,
        s / jnp.maximum(cnt, 1.0) * scale + bt_ref[...],
        0.0,
    )
    res = (
        jnp.dot(x_ref[...], w_ref[...], preferred_element_type=jnp.float32)
        + br_ref[...]
    )
    o_ref[...] = mean + res


def _combine(partials, counts, x, w_rt, b_res, gamma, beta):
    blk = 1024
    grid = NP // blk
    return pl.pallas_call(
        _combine_body,
        grid=(grid,),
        in_specs=[
            pl.BlockSpec((NC, blk, D), lambda i: (0, i, 0)),
            pl.BlockSpec((NW, blk), lambda i: (0, i)),
            pl.BlockSpec((blk, D), lambda i: (i, 0)),
            pl.BlockSpec((D, D), lambda i: (0, 0)),
            pl.BlockSpec((1, D), lambda i: (0, 0)),
            pl.BlockSpec((1, D), lambda i: (0, 0)),
            pl.BlockSpec((1, D), lambda i: (0, 0)),
        ],
        out_specs=pl.BlockSpec((blk, D), lambda i: (i, 0)),
        out_shape=jax.ShapeDtypeStruct((N, D), jnp.float32),
    )(partials, counts, x, w_rt, b_res.reshape(1, D), gamma.reshape(1, D),
      beta.reshape(1, D))



def _sc_body(y_hbm, c_hbm, row_hbm, col_hbm, out_hbm, outcnt_hbm,
             acc_sh,
             ybuf0, ybuf1, ybuf2, cbuf0, cbuf1, cbuf2,
             rowbuf0, rowbuf1, rowbuf2, colbuf0, colbuf1, colbuf2,
             cntbuf,
             sl0, sl1, sl2, sg0, sg1, sg2, ss0, ss1, ss2):
    ybuf = (ybuf0, ybuf1, ybuf2)
    cbuf = (cbuf0, cbuf1, cbuf2)
    rowbuf = (rowbuf0, rowbuf1, rowbuf2)
    colbuf = (colbuf0, colbuf1, colbuf2)
    sem_l = (sl0, sl1, sl2)
    sem_g = (sg0, sg1, sg2)
    sem_s = (ss0, ss1, ss2)

    cid = lax.axis_index("c")
    sid = lax.axis_index("s")
    wid = sid * NC + cid
    ng = jnp.where(wid < NCHT % NW, NCHT // NW + 1, NCHT // NW)

    zero16 = jnp.zeros((16,), jnp.float32)

    @pl.loop(0, RSUB)
    def _zero_rows(r):
        for k in range(D // 16):
            ybuf0[r, pl.ds(k * 16, 16)] = zero16

    base = sid * RPT
    for j in range(RPT // RSUB):
        pltpu.sync_copy(ybuf0, acc_sh.at[pl.ds(base + j * RSUB, RSUB)])

    @pl.loop(0, NP // 16)
    def _zero_cnt(r):
        cntbuf[pl.ds(r * 16, 16)] = zero16

    plsc.subcore_barrier()

    def issue_loads(s, b):
        k = wid + s * NW
        eb = k * C
        pltpu.async_copy(row_hbm.at[pl.ds(eb, C)], rowbuf[b], sem_l[b])
        pltpu.async_copy(col_hbm.at[pl.ds(eb, C)], colbuf[b], sem_l[b])
        pltpu.async_copy(c_hbm.at[pl.ds(k * CF, CF)], cbuf[b], sem_l[b])

    def wait_loads(s, b):
        k = wid + s * NW
        eb = k * C
        pltpu.make_async_copy(row_hbm.at[pl.ds(eb, C)], rowbuf[b], sem_l[b]).wait()
        pltpu.make_async_copy(col_hbm.at[pl.ds(eb, C)], colbuf[b], sem_l[b]).wait()
        pltpu.make_async_copy(c_hbm.at[pl.ds(k * CF, CF)], cbuf[b], sem_l[b]).wait()

    def compute_scatter(b):
        @plsc.parallel_loop(0, CF, unroll=2)
        def _folded(fr):
            for e in range(GB):
                r = fr * GB + e
                for g in range(D // 32):
                    cv = plsc.bitcast(
                        cbuf[b][fr, pl.ds(e * (D // 2) + g * 16, 16)],
                        jnp.bfloat16,
                    )
                    ca, cb = plsc.unpack(
                        cv, format=plsc.PackFormat.INTERLEAVED
                    )
                    ya = ybuf[b][r, pl.ds(g * 32, 16)]
                    yb2 = ybuf[b][r, pl.ds(g * 32 + 16, 16)]
                    ybuf[b][r, pl.ds(g * 32, 16)] = jnp.maximum(ya + ca, 0.0)
                    ybuf[b][r, pl.ds(g * 32 + 16, 16)] = jnp.maximum(
                        yb2 + cb, 0.0
                    )

        for j in range(C // 16):
            cv = colbuf[b][pl.ds(j * 16, 16)]
            occ, last = plsc.scan_count(cv)
            plsc.addupdate_scatter(
                cntbuf, [cv], occ.astype(jnp.float32), mask=last
            )

        pltpu.async_copy(ybuf[b], acc_sh.at[colbuf[b]], sem_s[b], add=True)

    TT = (NGMAX + 2 + NBUF - 1) // NBUF + 1

    @pl.loop(0, TT)
    def _steady(t):
        for bb in range(NBUF):
            s = t * NBUF + bb

            @pl.when(jnp.logical_and(s >= 3, s <= ng + 2))
            def _():
                b = bb
                pltpu.make_async_copy(
                    ybuf[b], acc_sh.at[colbuf[b]], sem_s[b]
                ).wait()

            @pl.when(s < ng)
            def _():
                issue_loads(s, bb)

            @pl.when(jnp.logical_and(s >= 1, s <= ng))
            def _():
                b = (bb - 1) % NBUF
                wait_loads(s - 1, b)
                pltpu.async_copy(y_hbm.at[rowbuf[b]], ybuf[b], sem_g[b])

            @pl.when(jnp.logical_and(s >= 2, s <= ng + 1))
            def _():
                b = (bb - 2) % NBUF
                pltpu.make_async_copy(
                    y_hbm.at[rowbuf[b]], ybuf[b], sem_g[b]
                ).wait()
                compute_scatter(b)

    pltpu.sync_copy(cntbuf, outcnt_hbm.at[wid])

    plsc.subcore_barrier()

    for j in range(RPT // RSUB):
        rb = base + j * RSUB
        pltpu.sync_copy(acc_sh.at[pl.ds(rb, RSUB)], ybuf0)
        pltpu.sync_copy(ybuf0, out_hbm.at[cid, pl.ds(rb, RSUB)])


def _sc_scatter(y, c, row, col):
    mesh = plsc.VectorSubcoreMesh(core_axis_name="c", subcore_axis_name="s")
    f = pl.kernel(
        _sc_body,
        out_type=(
            jax.ShapeDtypeStruct((NC, NP, D), jnp.float32),
            jax.ShapeDtypeStruct((NW, NP), jnp.float32),
        ),
        mesh=mesh,
        scratch_types=[
            pltpu.VMEM_SHARED((NP, D), jnp.float32),
            pltpu.VMEM((C, D), jnp.float32),
            pltpu.VMEM((C, D), jnp.float32),
            pltpu.VMEM((C, D), jnp.float32),
            pltpu.VMEM((CF, CW), jnp.int32),
            pltpu.VMEM((CF, CW), jnp.int32),
            pltpu.VMEM((CF, CW), jnp.int32),
            pltpu.VMEM((C,), jnp.int32),
            pltpu.VMEM((C,), jnp.int32),
            pltpu.VMEM((C,), jnp.int32),
            pltpu.VMEM((C,), jnp.int32),
            pltpu.VMEM((C,), jnp.int32),
            pltpu.VMEM((C,), jnp.int32),
            pltpu.VMEM((NP,), jnp.float32),
            pltpu.SemaphoreType.DMA,
            pltpu.SemaphoreType.DMA,
            pltpu.SemaphoreType.DMA,
            pltpu.SemaphoreType.DMA,
            pltpu.SemaphoreType.DMA,
            pltpu.SemaphoreType.DMA,
            pltpu.SemaphoreType.DMA,
            pltpu.SemaphoreType.DMA,
            pltpu.SemaphoreType.DMA,
        ],
        compiler_params=pltpu.CompilerParams(
            needs_layout_passes=False, use_tc_tiling_on_sc=True
        ),
    )
    return f(y, c, row, col)



def kernel(x, edge_index, edge_attr, W_int, b_int, gamma, beta, W_res, b_res):
    x = x.astype(jnp.float32)
    edge_attr = edge_attr.astype(jnp.float32)
    ml = jnp.asarray(_ML)
    mh = jnp.asarray(_MH)
    w_at = W_int[:, :D].T
    w_et = W_int[:, D:].T
    row = edge_index[0]
    col = edge_index[1]

    c, y = _edge_linear(edge_attr, w_et[:, ml], w_et[:, mh],
                        b_int[ml], b_int[mh], x, w_at)
    partials, counts = _sc_scatter(y, c, row, col)
    return _combine(partials, counts, x, W_res.T, b_res, gamma, beta)

# --- scband reference (transcript-rebuilt; emitter-appended) ---
"""Pipeline reference for scband-atom-edge-interaction-38027640438917 (READ-ONLY COPY).

The authoritative reference and input builder live on the scoring server;
editing this copy changes nothing except your own understanding.
"""

import jax, jax.numpy as jnp
import numpy as np

N = 10000
E = 320000
D = 128
DE = 16
EDGE_IMPORTANCE = 1.0
BN_EPS = 1e-5


def setup_inputs(seed: int = 0) -> dict:
    key = jax.random.key(seed)
    ks = jax.random.split(key, 8)
    x = jax.random.normal(ks[0], (N, D), dtype=jnp.float32)
    edge_index = jax.random.randint(ks[1], (2, E), 0, N, dtype=jnp.int32)
    edge_attr = jax.random.normal(ks[2], (E, DE), dtype=jnp.float32)
    # Learned parameters (torch nn.Linear uses weight [out, in])
    W_int = jax.random.normal(ks[3], (D, D + DE), dtype=jnp.float32) * 0.05
    b_int = jnp.zeros((D,), dtype=jnp.float32)
    gamma = jnp.ones((D,), dtype=jnp.float32)
    beta = jnp.zeros((D,), dtype=jnp.float32)
    W_res = jax.random.normal(ks[4], (D, D), dtype=jnp.float32) * 0.05
    b_res = jnp.zeros((D,), dtype=jnp.float32)
    return {"x": x, "edge_index": edge_index, "edge_attr": edge_attr,
            "W_int": W_int, "b_int": b_int, "gamma": gamma, "beta": beta,
            "W_res": W_res, "b_res": b_res}


def reference(x, edge_index, edge_attr, W_int, b_int, gamma, beta, W_res, b_res):
    row = edge_index[0]
    col = edge_index[1]
    x = x.astype(jnp.float32)
    edge_features = edge_attr.astype(jnp.float32) * EDGE_IMPORTANCE
    atom_features = jnp.take(x, row, axis=0)
    combined = jnp.concatenate([atom_features, edge_features], axis=-1)
    updated = combined @ W_int.T + b_int
    updated = jax.nn.relu(updated)
    # BatchNorm1d in eval mode: running_mean=0, running_var=1
    updated = (updated - 0.0) / jnp.sqrt(1.0 + BN_EPS) * gamma + beta
    # Dropout in eval mode: identity
    residual = x @ W_res.T + b_res
    # scatter_mean over destination nodes
    sums = jax.ops.segment_sum(updated, col, num_segments=N)
    counts = jax.ops.segment_sum(jnp.ones((E,), dtype=jnp.float32), col, num_segments=N)
    mean = sums / jnp.clip(counts, 1.0)[:, None]
    return mean + residual

if __name__ == "__main__":
    import jax
    _d = setup_inputs()
    print(jax.jit(kernel)(*tuple(_d.values())))

</pallas_src>

<mosaic_0001>
#map = affine_map<(d0, d1) -> (0, 0)>
#map1 = affine_map<(d0, d1) -> (0)>
#map2 = affine_map<(d0, d1) -> (0, 0, 0)>
module attributes {stable_mosaic.version = 14 : i64} {
  func.func @_sc_body(%arg0: i32, %arg1: i32, %arg2: memref<10000x128xf32, #tpu.memory_space<hbm>>, %arg3: memref<40000x512xi32, #tpu.memory_space<hbm>>, %arg4: memref<320000xi32, #tpu.memory_space<hbm>>, %arg5: memref<320000xi32, #tpu.memory_space<hbm>>, %arg6: memref<2x10240x128xf32, #tpu.memory_space<hbm>>, %arg7: memref<32x10240xf32, #tpu.memory_space<hbm>>, %arg8: memref<10240x128xf32, #tpu.memory_space<vmem_shared>>, %arg9: memref<64x128xf32, #tpu.memory_space<vmem>>, %arg10: memref<64x128xf32, #tpu.memory_space<vmem>>, %arg11: memref<64x128xf32, #tpu.memory_space<vmem>>, %arg12: memref<8x512xi32, #tpu.memory_space<vmem>>, %arg13: memref<8x512xi32, #tpu.memory_space<vmem>>, %arg14: memref<8x512xi32, #tpu.memory_space<vmem>>, %arg15: memref<64xi32, #tpu.memory_space<vmem>>, %arg16: memref<64xi32, #tpu.memory_space<vmem>>, %arg17: memref<64xi32, #tpu.memory_space<vmem>>, %arg18: memref<64xi32, #tpu.memory_space<vmem>>, %arg19: memref<64xi32, #tpu.memory_space<vmem>>, %arg20: memref<64xi32, #tpu.memory_space<vmem>>, %arg21: memref<10240xf32, #tpu.memory_space<vmem>>, %arg22: memref<!tpu.dma_semaphore, #tpu.memory_space<semaphore_mem>>, %arg23: memref<!tpu.dma_semaphore, #tpu.memory_space<semaphore_mem>>, %arg24: memref<!tpu.dma_semaphore, #tpu.memory_space<semaphore_mem>>, %arg25: memref<!tpu.dma_semaphore, #tpu.memory_space<semaphore_mem>>, %arg26: memref<!tpu.dma_semaphore, #tpu.memory_space<semaphore_mem>>, %arg27: memref<!tpu.dma_semaphore, #tpu.memory_space<semaphore_mem>>, %arg28: memref<!tpu.dma_semaphore, #tpu.memory_space<semaphore_mem>>, %arg29: memref<!tpu.dma_semaphore, #tpu.memory_space<semaphore_mem>>, %arg30: memref<!tpu.dma_semaphore, #tpu.memory_space<semaphore_mem>>) attributes {dimension_semantics = [#tpu.dimension_semantics<core_parallel>, #tpu.dimension_semantics<subcore_parallel>], iteration_bounds = array<i64: 2, 16>, scalar_prefetch = 0 : i64, scratch_operands = 23 : i64, tpu.core_type = #tpu.core_type<sc_vector_subcore>, window_params = [{transform_indices = #map}, {transform_indices = #map}, {transform_indices = #map1}, {transform_indices = #map1}, {transform_indices = #map2}, {transform_indices = #map}]} {
    %mul3A = arith.constant 2 : i32
    %mul3A_0 = arith.muli %arg1, %mul3A : i32
    %add3A = arith.addi %mul3A_0, %arg0 : i32
    %lt3A = arith.constant 8 : i32
    %lt3A_1 = arith.cmpi slt, %add3A, %lt3A : i32
    %jit3A = arith.constant 157 : i32
    %jit3A_2 = arith.constant 156 : i32
    %select_n3A = arith.select %lt3A_1, %jit3A, %jit3A_2 : i32
    %broadcast_in_dim3A = arith.constant 0.000000e+00 : f32
    %broadcast_in_dim3A_3 = vector.broadcast %broadcast_in_dim3A : f32 to vector<16xf32>
    %scan3A = arith.constant 0 : i32
    %scan3A_4 = arith.constant 64 : i32
    %scan3A_5 = arith.addi %scan3A, %scan3A_4 : i32
    %scan3A_6 = arith.constant 1 : i32
    scf.for %scan3A_61 = %scan3A to %scan3A_5 step %scan3A_6  : i32 {
      %mul3A_62 = arith.constant 1 : i32
      %mul3A_63 = arith.muli %scan3A_61, %mul3A_62 : i32
      %add3A_64 = arith.constant 0 : i32
      %add3A_65 = arith.addi %add3A_64, %mul3A_63 : i32
      %swap3A = arith.index_cast %add3A_65 : i32 to index
      %swap3A_66 = arith.constant 0 : index
      %swap3A_67 = tpu.vector_load %arg9[%swap3A, %swap3A_66] {strides = array<i32>} : memref<64x128xf32, #tpu.memory_space<vmem>>, vector<16xf32>,
      tpu.vector_store %arg9[%swap3A, %swap3A_66], %broadcast_in_dim3A_3 {strides = array<i32>} : memref<64x128xf32, #tpu.memory_space<vmem>>, vector<16xf32>,
      %swap3A_68 = arith.index_cast %add3A_65 : i32 to index
      %swap3A_69 = arith.constant 16 : index
      %swap3A_70 = tpu.vector_load %arg9[%swap3A_68, %swap3A_69] {strides = array<i32>} : memref<64x128xf32, #tpu.memory_space<vmem>>, vector<16xf32>,
      tpu.vector_store %arg9[%swap3A_68, %swap3A_69], %broadcast_in_dim3A_3 {strides = array<i32>} : memref<64x128xf32, #tpu.memory_space<vmem>>, vector<16xf32>,
      %swap3A_71 = arith.index_cast %add3A_65 : i32 to index
      %swap3A_72 = arith.constant 32 : index
      %swap3A_73 = tpu.vector_load %arg9[%swap3A_71, %swap3A_72] {strides = array<i32>} : memref<64x128xf32, #tpu.memory_space<vmem>>, vector<16xf32>,
      tpu.vector_store %arg9[%swap3A_71, %swap3A_72], %broadcast_in_dim3A_3 {strides = array<i32>} : memref<64x128xf32, #tpu.memory_space<vmem>>, vector<16xf32>,
      %swap3A_74 = arith.index_cast %add3A_65 : i32 to index
      %swap3A_75 = arith.constant 48 : index
      %swap3A_76 = tpu.vector_load %arg9[%swap3A_74, %swap3A_75] {strides = array<i32>} : memref<64x128xf32, #tpu.memory_space<vmem>>, vector<16xf32>,
      tpu.vector_store %arg9[%swap3A_74, %swap3A_75], %broadcast_in_dim3A_3 {strides = array<i32>} : memref<64x128xf32, #tpu.memory_space<vmem>>, vector<16xf32>,
      %swap3A_77 = arith.index_cast %add3A_65 : i32 to index
      %swap3A_78 = arith.constant 64 : index
      %swap3A_79 = tpu.vector_load %arg9[%swap3A_77, %swap3A_78] {strides = array<i32>} : memref<64x128xf32, #tpu.memory_space<vmem>>, vector<16xf32>,
      tpu.vector_store %arg9[%swap3A_77, %swap3A_78], %broadcast_in_dim3A_3 {strides = array<i32>} : memref<64x128xf32, #tpu.memory_space<vmem>>, vector<16xf32>,
      %swap3A_80 = arith.index_cast %add3A_65 : i32 to index
      %swap3A_81 = arith.constant 80 : index
      %swap3A_82 = tpu.vector_load %arg9[%swap3A_80, %swap3A_81] {strides = array<i32>} : memref<64x128xf32, #tpu.memory_space<vmem>>, vector<16xf32>,
      tpu.vector_store %arg9[%swap3A_80, %swap3A_81], %broadcast_in_dim3A_3 {strides = array<i32>} : memref<64x128xf32, #tpu.memory_space<vmem>>, vector<16xf32>,
      %swap3A_83 = arith.index_cast %add3A_65 : i32 to index
      %swap3A_84 = arith.constant 96 : index
      %swap3A_85 = tpu.vector_load %arg9[%swap3A_83, %swap3A_84] {strides = array<i32>} : memref<64x128xf32, #tpu.memory_space<vmem>>, vector<16xf32>,
      tpu.vector_store %arg9[%swap3A_83, %swap3A_84], %broadcast_in_dim3A_3 {strides = array<i32>} : memref<64x128xf32, #tpu.memory_space<vmem>>, vector<16xf32>,
      %swap3A_86 = arith.index_cast %add3A_65 : i32 to index
      %swap3A_87 = arith.constant 112 : index
      %swap3A_88 = tpu.vector_load %arg9[%swap3A_86, %swap3A_87] {strides = array<i32>} : memref<64x128xf32, #tpu.memory_space<vmem>>, vector<16xf32>,
      tpu.vector_store %arg9[%swap3A_86, %swap3A_87], %broadcast_in_dim3A_3 {strides = array<i32>} : memref<64x128xf32, #tpu.memory_space<vmem>>, vector<16xf32>,
    }
    %scan3A_7 = arith.constant 64 : i32
    %mul3A_8 = arith.constant 640 : i32
    %mul3A_9 = arith.muli %arg1, %mul3A_8 : i32
    %add3A_10 = arith.constant 0 : i32
    %add3A_11 = arith.addi %mul3A_9, %add3A_10 : i32
    "tpu.region"() ({
      %run_scoped3A = tpu.sem_alloc : memref<!tpu.dma_semaphore, #tpu.memory_space<semaphore_mem>>
      %dma_start3A = arith.constant 0 : i32
      %dma_start3A_61 = tpu.memref_slice %arg8[%add3A_11, %dma_start3A] : memref<10240x128xf32, #tpu.memory_space<vmem_shared>> -> memref<64x128xf32, #tpu.memory_space<vmem_shared>>
      %dma_start3A_62 = arith.constant 0 : i32
      %dma_start3A_63 = tpu.memref_slice %arg8[%add3A_11, %dma_start3A_62] : memref<10240x128xf32, #tpu.memory_space<vmem_shared>> -> memref<64x128xf32, #tpu.memory_space<vmem_shared>>
      tpu.enqueue_dma source(%arg9 : memref<64x128xf32, #tpu.memory_space<vmem>>) target(%dma_start3A_63 : memref<64x128xf32, #tpu.memory_space<vmem_shared>>) target_semaphore(%run_scoped3A : memref<!tpu.dma_semaphore, #tpu.memory_space<semaphore_mem>>)
      %dma_wait3A = arith.constant 0 : i32
      %dma_wait3A_64 = tpu.memref_slice %arg8[%add3A_11, %dma_wait3A] : memref<10240x128xf32, #tpu.memory_space<vmem_shared>> -> memref<64x128xf32, #tpu.memory_space<vmem_shared>>
      %dma_wait3A_65 = arith.constant 0 : i32
      %dma_wait3A_66 = tpu.memref_slice %arg8[%add3A_11, %dma_wait3A_65] : memref<10240x128xf32, #tpu.memory_space<vmem_shared>> -> memref<64x128xf32, #tpu.memory_space<vmem_shared>>
      tpu.wait_dma2 semaphore(%run_scoped3A : memref<!tpu.dma_semaphore, #tpu.memory_space<semaphore_mem>>) src(%arg9 : memref<64x128xf32, #tpu.memory_space<vmem>>) dst(%dma_wait3A_66 : memref<64x128xf32, #tpu.memory_space<vmem_shared>>)
      tpu.yield
    }) : () -> ()
    %add3A_12 = arith.constant 64 : i32
    %add3A_13 = arith.addi %mul3A_9, %add3A_12 : i32
    "tpu.region"() ({
      %run_scoped3A = tpu.sem_alloc : memref<!tpu.dma_semaphore, #tpu.memory_space<semaphore_mem>>
      %dma_start3A = arith.constant 0 : i32
      %dma_start3A_61 = tpu.memref_slice %arg8[%add3A_13, %dma_start3A] : memref<10240x128xf32, #tpu.memory_space<vmem_shared>> -> memref<64x128xf32, #tpu.memory_space<vmem_shared>>
      %dma_start3A_62 = arith.constant 0 : i32
      %dma_start3A_63 = tpu.memref_slice %arg8[%add3A_13, %dma_start3A_62] : memref<10240x128xf32, #tpu.memory_space<vmem_shared>> -> memref<64x128xf32, #tpu.memory_space<vmem_shared>>
      tpu.enqueue_dma source(%arg9 : memref<64x128xf32, #tpu.memory_space<vmem>>) target(%dma_start3A_63 : memref<64x128xf32, #tpu.memory_space<vmem_shared>>) target_semaphore(%run_scoped3A : memref<!tpu.dma_semaphore, #tpu.memory_space<semaphore_mem>>)
      %dma_wait3A = arith.constant 0 : i32
      %dma_wait3A_64 = tpu.memref_slice %arg8[%add3A_13, %dma_wait3A] : memref<10240x128xf32, #tpu.memory_space<vmem_shared>> -> memref<64x128xf32, #tpu.memory_space<vmem_shared>>
      %dma_wait3A_65 = arith.constant 0 : i32
      %dma_wait3A_66 = tpu.memref_slice %arg8[%add3A_13, %dma_wait3A_65] : memref<10240x128xf32, #tpu.memory_space<vmem_shared>> -> memref<64x128xf32, #tpu.memory_space<vmem_shared>>
      tpu.wait_dma2 semaphore(%run_scoped3A : memref<!tpu.dma_semaphore, #tpu.memory_space<semaphore_mem>>) src(%arg9 : memref<64x128xf32, #tpu.memory_space<vmem>>) dst(%dma_wait3A_66 : memref<64x128xf32, #tpu.memory_space<vmem_shared>>)
      tpu.yield
    }) : () -> ()
    %add3A_14 = arith.constant 128 : i32
    %add3A_15 = arith.addi %mul3A_9, %add3A_14 : i32
    "tpu.region"() ({
      %run_scoped3A = tpu.sem_alloc : memref<!tpu.dma_semaphore, #tpu.memory_space<semaphore_mem>>
      %dma_start3A = arith.constant 0 : i32
      %dma_start3A_61 = tpu.memref_slice %arg8[%add3A_15, %dma_start3A] : memref<10240x128xf32, #tpu.memory_space<vmem_shared>> -> memref<64x128xf32, #tpu.memory_space<vmem_shared>>
      %dma_start3A_62 = arith.constant 0 : i32
      %dma_start3A_63 = tpu.memref_slice %arg8[%add3A_15, %dma_start3A_62] : memref<10240x128xf32, #tpu.memory_space<vmem_shared>> -> memref<64x128xf32, #tpu.memory_space<vmem_shared>>
      tpu.enqueue_dma source(%arg9 : memref<64x128xf32, #tpu.memory_space<vmem>>) target(%dma_start3A_63 : memref<64x128xf32, #tpu.memory_space<vmem_shared>>) target_semaphore(%run_scoped3A : memref<!tpu.dma_semaphore, #tpu.memory_space<semaphore_mem>>)
      %dma_wait3A = arith.constant 0 : i32
      %dma_wait3A_64 = tpu.memref_slice %arg8[%add3A_15, %dma_wait3A] : memref<10240x128xf32, #tpu.memory_space<vmem_shared>> -> memref<64x128xf32, #tpu.memory_space<vmem_shared>>
      %dma_wait3A_65 = arith.constant 0 : i32
      %dma_wait3A_66 = tpu.memref_slice %arg8[%add3A_15, %dma_wait3A_65] : memref<10240x128xf32, #tpu.memory_space<vmem_shared>> -> memref<64x128xf32, #tpu.memory_space<vmem_shared>>
      tpu.wait_dma2 semaphore(%run_scoped3A : memref<!tpu.dma_semaphore, #tpu.memory_space<semaphore_mem>>) src(%arg9 : memref<64x128xf32, #tpu.memory_space<vmem>>) dst(%dma_wait3A_66 : memref<64x128xf32, #tpu.memory_space<vmem_shared>>)
      tpu.yield
    }) : () -> ()
    %add3A_16 = arith.constant 192 : i32
    %add3A_17 = arith.addi %mul3A_9, %add3A_16 : i32
    "tpu.region"() ({
      %run_scoped3A = tpu.sem_alloc : memref<!tpu.dma_semaphore, #tpu.memory_space<semaphore_mem>>
      %dma_start3A = arith.constant 0 : i32
      %dma_start3A_61 = tpu.memref_slice %arg8[%add3A_17, %dma_start3A] : memref<10240x128xf32, #tpu.memory_space<vmem_shared>> -> memref<64x128xf32, #tpu.memory_space<vmem_shared>>
      %dma_start3A_62 = arith.constant 0 : i32
      %dma_start3A_63 = tpu.memref_slice %arg8[%add3A_17, %dma_start3A_62] : memref<10240x128xf32, #tpu.memory_space<vmem_shared>> -> memref<64x128xf32, #tpu.memory_space<vmem_shared>>
      tpu.enqueue_dma source(%arg9 : memref<64x128xf32, #tpu.memory_space<vmem>>) target(%dma_start3A_63 : memref<64x128xf32, #tpu.memory_space<vmem_shared>>) target_semaphore(%run_scoped3A : memref<!tpu.dma_semaphore, #tpu.memory_space<semaphore_mem>>)
      %dma_wait3A = arith.constant 0 : i32
      %dma_wait3A_64 = tpu.memref_slice %arg8[%add3A_17, %dma_wait3A] : memref<10240x128xf32, #tpu.memory_space<vmem_shared>> -> memref<64x128xf32, #tpu.memory_space<vmem_shared>>
      %dma_wait3A_65 = arith.constant 0 : i32
      %dma_wait3A_66 = tpu.memref_slice %arg8[%add3A_17, %dma_wait3A_65] : memref<10240x128xf32, #tpu.memory_space<vmem_shared>> -> memref<64x128xf32, #tpu.memory_space<vmem_shared>>
      tpu.wait_dma2 semaphore(%run_scoped3A : memref<!tpu.dma_semaphore, #tpu.memory_space<semaphore_mem>>) src(%arg9 : memref<64x128xf32, #tpu.memory_space<vmem>>) dst(%dma_wait3A_66 : memref<64x128xf32, #tpu.memory_space<vmem_shared>>)
      tpu.yield
    }) : () -> ()
    %add3A_18 = arith.constant 256 : i32
    %add3A_19 = arith.addi %mul3A_9, %add3A_18 : i32
    "tpu.region"() ({
      %run_scoped3A = tpu.sem_alloc : memref<!tpu.dma_semaphore, #tpu.memory_space<semaphore_mem>>
      %dma_start3A = arith.constant 0 : i32
      %dma_start3A_61 = tpu.memref_slice %arg8[%add3A_19, %dma_start3A] : memref<10240x128xf32, #tpu.memory_space<vmem_shared>> -> memref<64x128xf32, #tpu.memory_space<vmem_shared>>
      %dma_start3A_62 = arith.constant 0 : i32
      %dma_start3A_63 = tpu.memref_slice %arg8[%add3A_19, %dma_start3A_62] : memref<10240x128xf32, #tpu.memory_space<vmem_shared>> -> memref<64x128xf32, #tpu.memory_space<vmem_shared>>
      tpu.enqueue_dma source(%arg9 : memref<64x128xf32, #tpu.memory_space<vmem>>) target(%dma_start3A_63 : memref<64x128xf32, #tpu.memory_space<vmem_shared>>) target_semaphore(%run_scoped3A : memref<!tpu.dma_semaphore, #tpu.memory_space<semaphore_mem>>)
      %dma_wait3A = arith.constant 0 : i32
      %dma_wait3A_64 = tpu.memref_slice %arg8[%add3A_19, %dma_wait3A] : memref<10240x128xf32, #tpu.memory_space<vmem_shared>> -> memref<64x128xf32, #tpu.memory_space<vmem_shared>>
      %dma_wait3A_65 = arith.constant 0 : i32
      %dma_wait3A_66 = tpu.memref_slice %arg8[%add3A_19, %dma_wait3A_65] : memref<10240x128xf32, #tpu.memory_space<vmem_shared>> -> memref<64x128xf32, #tpu.memory_space<vmem_shared>>
      tpu.wait_dma2 semaphore(%run_scoped3A : memref<!tpu.dma_semaphore, #tpu.memory_space<semaphore_mem>>) src(%arg9 : memref<64x128xf32, #tpu.memory_space<vmem>>) dst(%dma_wait3A_66 : memref<64x128xf32, #tpu.memory_space<vmem_shared>>)
      tpu.yield
    }) : () -> ()
    %add3A_20 = arith.constant 320 : i32
    %add3A_21 = arith.addi %mul3A_9, %add3A_20 : i32
    "tpu.region"() ({
      %run_scoped3A = tpu.sem_alloc : memref<!tpu.dma_semaphore, #tpu.memory_space<semaphore_mem>>
      %dma_start3A = arith.constant 0 : i32
      %dma_start3A_61 = tpu.memref_slice %arg8[%add3A_21, %dma_start3A] : memref<10240x128xf32, #tpu.memory_space<vmem_shared>> -> memref<64x128xf32, #tpu.memory_space<vmem_shared>>
      %dma_start3A_62 = arith.constant 0 : i32
      %dma_start3A_63 = tpu.memref_slice %arg8[%add3A_21, %dma_start3A_62] : memref<10240x128xf32, #tpu.memory_space<vmem_shared>> -> memref<64x128xf32, #tpu.memory_space<vmem_shared>>
      tpu.enqueue_dma source(%arg9 : memref<64x128xf32, #tpu.memory_space<vmem>>) target(%dma_start3A_63 : memref<64x128xf32, #tpu.memory_space<vmem_shared>>) target_semaphore(%run_scoped3A : memref<!tpu.dma_semaphore, #tpu.memory_space<semaphore_mem>>)
      %dma_wait3A = arith.constant 0 : i32
      %dma_wait3A_64 = tpu.memref_slice %arg8[%add3A_21, %dma_wait3A] : memref<10240x128xf32, #tpu.memory_space<vmem_shared>> -> memref<64x128xf32, #tpu.memory_space<vmem_shared>>
      %dma_wait3A_65 = arith.constant 0 : i32
      %dma_wait3A_66 = tpu.memref_slice %arg8[%add3A_21, %dma_wait3A_65] : memref<10240x128xf32, #tpu.memory_space<vmem_shared>> -> memref<64x128xf32, #tpu.memory_space<vmem_shared>>
      tpu.wait_dma2 semaphore(%run_scoped3A : memref<!tpu.dma_semaphore, #tpu.memory_space<semaphore_mem>>) src(%arg9 : memref<64x128xf32, #tpu.memory_space<vmem>>) dst(%dma_wait3A_66 : memref<64x128xf32, #tpu.memory_space<vmem_shared>>)
      tpu.yield
    }) : () -> ()
    %add3A_22 = arith.constant 384 : i32
    %add3A_23 = arith.addi %mul3A_9, %add3A_22 : i32
    "tpu.region"() ({
      %run_scoped3A = tpu.sem_alloc : memref<!tpu.dma_semaphore, #tpu.memory_space<semaphore_mem>>
      %dma_start3A = arith.constant 0 : i32
      %dma_start3A_61 = tpu.memref_slice %arg8[%add3A_23, %dma_start3A] : memref<10240x128xf32, #tpu.memory_space<vmem_shared>> -> memref<64x128xf32, #tpu.memory_space<vmem_shared>>
      %dma_start3A_62 = arith.constant 0 : i32
      %dma_start3A_63 = tpu.memref_slice %arg8[%add3A_23, %dma_start3A_62] : memref<10240x128xf32, #tpu.memory_space<vmem_shared>> -> memref<64x128xf32, #tpu.memory_space<vmem_shared>>
      tpu.enqueue_dma source(%arg9 : memref<64x128xf32, #tpu.memory_space<vmem>>) target(%dma_start3A_63 : memref<64x128xf32, #tpu.memory_space<vmem_shared>>) target_semaphore(%run_scoped3A : memref<!tpu.dma_semaphore, #tpu.memory_space<semaphore_mem>>)
      %dma_wait3A = arith.constant 0 : i32
      %dma_wait3A_64 = tpu.memref_slice %arg8[%add3A_23, %dma_wait3A] : memref<10240x128xf32, #tpu.memory_space<vmem_shared>> -> memref<64x128xf32, #tpu.memory_space<vmem_shared>>
      %dma_wait3A_65 = arith.constant 0 : i32
      %dma_wait3A_66 = tpu.memref_slice %arg8[%add3A_23, %dma_wait3A_65] : memref<10240x128xf32, #tpu.memory_space<vmem_shared>> -> memref<64x128xf32, #tpu.memory_space<vmem_shared>>
      tpu.wait_dma2 semaphore(%run_scoped3A : memref<!tpu.dma_semaphore, #tpu.memory_space<semaphore_mem>>) src(%arg9 : memref<64x128xf32, #tpu.memory_space<vmem>>) dst(%dma_wait3A_66 : memref<64x128xf32, #tpu.memory_space<vmem_shared>>)
      tpu.yield
    }) : () -> ()
    %add3A_24 = arith.constant 448 : i32
    %add3A_25 = arith.addi %mul3A_9, %add3A_24 : i32
    "tpu.region"() ({
      %run_scoped3A = tpu.sem_alloc : memref<!tpu.dma_semaphore, #tpu.memory_space<semaphore_mem>>
      %dma_start3A = arith.constant 0 : i32
      %dma_start3A_61 = tpu.memref_slice %arg8[%add3A_25, %dma_start3A] : memref<10240x128xf32, #tpu.memory_space<vmem_shared>> -> memref<64x128xf32, #tpu.memory_space<vmem_shared>>
      %dma_start3A_62 = arith.constant 0 : i32
      %dma_start3A_63 = tpu.memref_slice %arg8[%add3A_25, %dma_start3A_62] : memref<10240x128xf32, #tpu.memory_space<vmem_shared>> -> memref<64x128xf32, #tpu.memory_space<vmem_shared>>
      tpu.enqueue_dma source(%arg9 : memref<64x128xf32, #tpu.memory_space<vmem>>) target(%dma_start3A_63 : memref<64x128xf32, #tpu.memory_space<vmem_shared>>) target_semaphore(%run_scoped3A : memref<!tpu.dma_semaphore, #tpu.memory_space<semaphore_mem>>)
      %dma_wait3A = arith.constant 0 : i32
      %dma_wait3A_64 = tpu.memref_slice %arg8[%add3A_25, %dma_wait3A] : memref<10240x128xf32, #tpu.memory_space<vmem_shared>> -> memref<64x128xf32, #tpu.memory_space<vmem_shared>>
      %dma_wait3A_65 = arith.constant 0 : i32
      %dma_wait3A_66 = tpu.memref_slice %arg8[%add3A_25, %dma_wait3A_65] : memref<10240x128xf32, #tpu.memory_space<vmem_shared>> -> memref<64x128xf32, #tpu.memory_space<vmem_shared>>
      tpu.wait_dma2 semaphore(%run_scoped3A : memref<!tpu.dma_semaphore, #tpu.memory_space<semaphore_mem>>) src(%arg9 : memref<64x128xf32, #tpu.memory_space<vmem>>) dst(%dma_wait3A_66 : memref<64x128xf32, #tpu.memory_space<vmem_shared>>)
      tpu.yield
    }) : () -> ()
    %add3A_26 = arith.constant 512 : i32
    %add3A_27 = arith.addi %mul3A_9, %add3A_26 : i32
    "tpu.region"() ({
      %run_scoped3A = tpu.sem_alloc : memref<!tpu.dma_semaphore, #tpu.memory_space<semaphore_mem>>
      %dma_start3A = arith.constant 0 : i32
      %dma_start3A_61 = tpu.memref_slice %arg8[%add3A_27, %dma_start3A] : memref<10240x128xf32, #tpu.memory_space<vmem_shared>> -> memref<64x128xf32, #tpu.memory_space<vmem_shared>>
      %dma_start3A_62 = arith.constant 0 : i32
      %dma_start3A_63 = tpu.memref_slice %arg8[%add3A_27, %dma_start3A_62] : memref<10240x128xf32, #tpu.memory_space<vmem_shared>> -> memref<64x128xf32, #tpu.memory_space<vmem_shared>>
      tpu.enqueue_dma source(%arg9 : memref<64x128xf32, #tpu.memory_space<vmem>>) target(%dma_start3A_63 : memref<64x128xf32, #tpu.memory_space<vmem_shared>>) target_semaphore(%run_scoped3A : memref<!tpu.dma_semaphore, #tpu.memory_space<semaphore_mem>>)
      %dma_wait3A = arith.constant 0 : i32
      %dma_wait3A_64 = tpu.memref_slice %arg8[%add3A_27, %dma_wait3A] : memref<10240x128xf32, #tpu.memory_space<vmem_shared>> -> memref<64x128xf32, #tpu.memory_space<vmem_shared>>
      %dma_wait3A_65 = arith.constant 0 : i32
      %dma_wait3A_66 = tpu.memref_slice %arg8[%add3A_27, %dma_wait3A_65] : memref<10240x128xf32, #tpu.memory_space<vmem_shared>> -> memref<64x128xf32, #tpu.memory_space<vmem_shared>>
      tpu.wait_dma2 semaphore(%run_scoped3A : memref<!tpu.dma_semaphore, #tpu.memory_space<semaphore_mem>>) src(%arg9 : memref<64x128xf32, #tpu.memory_space<vmem>>) dst(%dma_wait3A_66 : memref<64x128xf32, #tpu.memory_space<vmem_shared>>)
      tpu.yield
    }) : () -> ()
    %add3A_28 = arith.constant 576 : i32
    %add3A_29 = arith.addi %mul3A_9, %add3A_28 : i32
    "tpu.region"() ({
      %run_scoped3A = tpu.sem_alloc : memref<!tpu.dma_semaphore, #tpu.memory_space<semaphore_mem>>
      %dma_start3A = arith.constant 0 : i32
      %dma_start3A_61 = tpu.memref_slice %arg8[%add3A_29, %dma_start3A] : memref<10240x128xf32, #tpu.memory_space<vmem_shared>> -> memref<64x128xf32, #tpu.memory_space<vmem_shared>>
      %dma_start3A_62 = arith.constant 0 : i32
      %dma_start3A_63 = tpu.memref_slice %arg8[%add3A_29, %dma_start3A_62] : memref<10240x128xf32, #tpu.memory_space<vmem_shared>> -> memref<64x128xf32, #tpu.memory_space<vmem_shared>>
      tpu.enqueue_dma source(%arg9 : memref<64x128xf32, #tpu.memory_space<vmem>>) target(%dma_start3A_63 : memref<64x128xf32, #tpu.memory_space<vmem_shared>>) target_semaphore(%run_scoped3A : memref<!tpu.dma_semaphore, #tpu.memory_space<semaphore_mem>>)
      %dma_wait3A = arith.constant 0 : i32
      %dma_wait3A_64 = tpu.memref_slice %arg8[%add3A_29, %dma_wait3A] : memref<10240x128xf32, #tpu.memory_space<vmem_shared>> -> memref<64x128xf32, #tpu.memory_space<vmem_shared>>
      %dma_wait3A_65 = arith.constant 0 : i32
      %dma_wait3A_66 = tpu.memref_slice %arg8[%add3A_29, %dma_wait3A_65] : memref<10240x128xf32, #tpu.memory_space<vmem_shared>> -> memref<64x128xf32, #tpu.memory_space<vmem_shared>>
      tpu.wait_dma2 semaphore(%run_scoped3A : memref<!tpu.dma_semaphore, #tpu.memory_space<semaphore_mem>>) src(%arg9 : memref<64x128xf32, #tpu.memory_space<vmem>>) dst(%dma_wait3A_66 : memref<64x128xf32, #tpu.memory_space<vmem_shared>>)
      tpu.yield
    }) : () -> ()
    %scan3A_30 = arith.constant 0 : i32
    %scan3A_31 = arith.constant 640 : i32
    %scan3A_32 = arith.addi %scan3A_30, %scan3A_31 : i32
    %scan3A_33 = arith.constant 1 : i32
    scf.for %scan3A_61 = %scan3A_30 to %scan3A_32 step %scan3A_33  : i32 {
      %mul3A_62 = arith.constant 1 : i32
      %mul3A_63 = arith.muli %scan3A_61, %mul3A_62 : i32
      %add3A_64 = arith.constant 0 : i32
      %add3A_65 = arith.addi %add3A_64, %mul3A_63 : i32
      %mul3A_66 = arith.constant 16 : i32
      %mul3A_67 = arith.muli %add3A_65, %mul3A_66 : i32
      %swap3A = arith.index_cast %mul3A_67 : i32 to index
      %swap3A_68 = tpu.vector_load %arg21[%swap3A] {strides = array<i32>} : memref<10240xf32, #tpu.memory_space<vmem>>, vector<16xf32>,
      tpu.vector_store %arg21[%swap3A], %broadcast_in_dim3A_3 {strides = array<i32>} : memref<10240xf32, #tpu.memory_space<vmem>>, vector<16xf32>,
    }
    %scan3A_34 = arith.constant 640 : i32
    %barrier3A = arith.constant 0 : index
    tpu.barrier barrier_id(%barrier3A)
    %scan3A_35 = arith.constant 0 : i32
    %scan3A_36 = arith.constant 54 : i32
    %scan3A_37 = arith.addi %scan3A_35, %scan3A_36 : i32
    %scan3A_38 = arith.constant 1 : i32
    scf.for %scan3A_61 = %scan3A_35 to %scan3A_37 step %scan3A_38  : i32 {
      %mul3A_62 = arith.constant 1 : i32
      %mul3A_63 = arith.muli %scan3A_61, %mul3A_62 : i32
      %add3A_64 = arith.constant 0 : i32
      %add3A_65 = arith.addi %add3A_64, %mul3A_63 : i32
      %mul3A_66 = arith.constant 3 : i32
      %mul3A_67 = arith.muli %add3A_65, %mul3A_66 : i32
      %add3A_68 = arith.constant 0 : i32
      %add3A_69 = arith.addi %mul3A_67, %add3A_68 : i32
      %ge3A = arith.constant 3 : i32
      %ge3A_70 = arith.cmpi sge, %add3A_69, %ge3A : i32
      %add3A_71 = arith.constant 2 : i32
      %add3A_72 = arith.addi %select_n3A, %add3A_71 : i32
      %le3A = arith.cmpi sle, %add3A_69, %add3A_72 : i32
      %and3A = arith.andi %ge3A_70, %le3A : i1
      %convert_element_type3A = arith.extui %and3A : i1 to i32
      %cond3A = arith.constant 0 : i32
      %cond3A_73 = arith.cmpi ne, %convert_element_type3A, %cond3A : i32
      scf.if %cond3A_73 {
        %dma_wait3A = arith.constant 0 : i32
        %dma_wait3A_160 = arith.constant 0 : i32
        %dma_wait3A_161 = tpu.memref_slice %arg8[%dma_wait3A, %dma_wait3A_160] : memref<10240x128xf32, #tpu.memory_space<vmem_shared>> -> memref<10240x128xf32, #tpu.memory_space<vmem_shared>>
        tpu.wait_indirect_dma semaphore(%arg28 : memref<!tpu.dma_semaphore, #tpu.memory_space<semaphore_mem>>) src(%arg9 : memref<64x128xf32, #tpu.memory_space<vmem>>) dst(%dma_wait3A_161 : memref<10240x128xf32, #tpu.memory_space<vmem_shared>>)
      } else {
      }
      %lt3A_74 = arith.cmpi slt, %add3A_69, %select_n3A : i32
      %convert_element_type3A_75 = arith.extui %lt3A_74 : i1 to i32
      %cond3A_76 = arith.constant 0 : i32
      %cond3A_77 = arith.cmpi ne, %convert_element_type3A_75, %cond3A_76 : i32
      scf.if %cond3A_77 {
        %mul3A_160 = arith.constant 32 : i32
        %mul3A_161 = arith.muli %add3A_69, %mul3A_160 : i32
        %add3A_162 = arith.addi %add3A, %mul3A_161 : i32
        %mul3A_163 = arith.constant 64 : i32
        %mul3A_164 = arith.muli %add3A_162, %mul3A_163 : i32
        %dma_start3A = tpu.memref_slice %arg4[%mul3A_164] : memref<320000xi32, #tpu.memory_space<hbm>> -> memref<64xi32, #tpu.memory_space<hbm>>
        %dma_start3A_165 = tpu.memref_slice %arg4[%mul3A_164] : memref<320000xi32, #tpu.memory_space<hbm>> -> memref<64xi32, #tpu.memory_space<hbm>>
        tpu.enqueue_dma source(%dma_start3A_165 : memref<64xi32, #tpu.memory_space<hbm>>) target(%arg15 : memref<64xi32, #tpu.memory_space<vmem>>) target_semaphore(%arg22 : memref<!tpu.dma_semaphore, #tpu.memory_space<semaphore_mem>>)
        %dma_start3A_166 = tpu.memref_slice %arg5[%mul3A_164] : memref<320000xi32, #tpu.memory_space<hbm>> -> memref<64xi32, #tpu.memory_space<hbm>>
        %dma_start3A_167 = tpu.memref_slice %arg5[%mul3A_164] : memref<320000xi32, #tpu.memory_space<hbm>> -> memref<64xi32, #tpu.memory_space<hbm>>
        tpu.enqueue_dma source(%dma_start3A_167 : memref<64xi32, #tpu.memory_space<hbm>>) target(%arg18 : memref<64xi32, #tpu.memory_space<vmem>>) target_semaphore(%arg22 : memref<!tpu.dma_semaphore, #tpu.memory_space<semaphore_mem>>)
        %mul3A_168 = arith.constant 8 : i32
        %mul3A_169 = arith.muli %add3A_162, %mul3A_168 : i32
        %dma_start3A_170 = arith.constant 0 : i32
        %dma_start3A_171 = tpu.memref_slice %arg3[%mul3A_169, %dma_start3A_170] : memref<40000x512xi32, #tpu.memory_space<hbm>> -> memref<8x512xi32, #tpu.memory_space<hbm>>
        %dma_start3A_172 = arith.constant 0 : i32
        %dma_start3A_173 = tpu.memref_slice %arg3[%mul3A_169, %dma_start3A_172] : memref<40000x512xi32, #tpu.memory_space<hbm>> -> memref<8x512xi32, #tpu.memory_space<hbm>>
        tpu.enqueue_dma source(%dma_start3A_173 : memref<8x512xi32, #tpu.memory_space<hbm>>) target(%arg12 : memref<8x512xi32, #tpu.memory_space<vmem>>) target_semaphore(%arg22 : memref<!tpu.dma_semaphore, #tpu.memory_space<semaphore_mem>>)
      } else {
      }
      %ge3A_78 = arith.constant 1 : i32
      %ge3A_79 = arith.cmpi sge, %add3A_69, %ge3A_78 : i32
      %le3A_80 = arith.cmpi sle, %add3A_69, %select_n3A : i32
      %and3A_81 = arith.andi %ge3A_79, %le3A_80 : i1
      %convert_element_type3A_82 = arith.extui %and3A_81 : i1 to i32
      %cond3A_83 = arith.constant 0 : i32
      %cond3A_84 = arith.cmpi ne, %convert_element_type3A_82, %cond3A_83 : i32
      scf.if %cond3A_84 {
        %sub3A = arith.constant 1 : i32
        %sub3A_160 = arith.subi %add3A_69, %sub3A : i32
        %mul3A_161 = arith.constant 32 : i32
        %mul3A_162 = arith.muli %sub3A_160, %mul3A_161 : i32
        %add3A_163 = arith.addi %add3A, %mul3A_162 : i32
        %mul3A_164 = arith.constant 64 : i32
        %mul3A_165 = arith.muli %add3A_163, %mul3A_164 : i32
        %dma_wait3A = tpu.memref_slice %arg4[%mul3A_165] : memref<320000xi32, #tpu.memory_space<hbm>> -> memref<64xi32, #tpu.memory_space<hbm>>
        %dma_wait3A_166 = tpu.memref_slice %arg4[%mul3A_165] : memref<320000xi32, #tpu.memory_space<hbm>> -> memref<64xi32, #tpu.memory_space<hbm>>
        tpu.wait_dma2 semaphore(%arg24 : memref<!tpu.dma_semaphore, #tpu.memory_space<semaphore_mem>>) src(%dma_wait3A_166 : memref<64xi32, #tpu.memory_space<hbm>>) dst(%arg17 : memref<64xi32, #tpu.memory_space<vmem>>)
        %dma_wait3A_167 = tpu.memref_slice %arg5[%mul3A_165] : memref<320000xi32, #tpu.memory_space<hbm>> -> memref<64xi32, #tpu.memory_space<hbm>>
        %dma_wait3A_168 = tpu.memref_slice %arg5[%mul3A_165] : memref<320000xi32, #tpu.memory_space<hbm>> -> memref<64xi32, #tpu.memory_space<hbm>>
        tpu.wait_dma2 semaphore(%arg24 : memref<!tpu.dma_semaphore, #tpu.memory_space<semaphore_mem>>) src(%dma_wait3A_168 : memref<64xi32, #tpu.memory_space<hbm>>) dst(%arg20 : memref<64xi32, #tpu.memory_space<vmem>>)
        %mul3A_169 = arith.constant 8 : i32
        %mul3A_170 = arith.muli %add3A_163, %mul3A_169 : i32
        %dma_wait3A_171 = arith.constant 0 : i32
        %dma_wait3A_172 = tpu.memref_slice %arg3[%mul3A_170, %dma_wait3A_171] : memref<40000x512xi32, #tpu.memory_space<hbm>> -> memref<8x512xi32, #tpu.memory_space<hbm>>
        %dma_wait3A_173 = arith.constant 0 : i32
        %dma_wait3A_174 = tpu.memref_slice %arg3[%mul3A_170, %dma_wait3A_173] : memref<40000x512xi32, #tpu.memory_space<hbm>> -> memref<8x512xi32, #tpu.memory_space<hbm>>
        tpu.wait_dma2 semaphore(%arg24 : memref<!tpu.dma_semaphore, #tpu.memory_space<semaphore_mem>>) src(%dma_wait3A_174 : memref<8x512xi32, #tpu.memory_space<hbm>>) dst(%arg14 : memref<8x512xi32, #tpu.memory_space<vmem>>)
        %dma_start3A = arith.constant 0 : i32
        %dma_start3A_175 = arith.constant 0 : i32
        %dma_start3A_176 = tpu.memref_slice %arg2[%dma_start3A, %dma_start3A_175] : memref<10000x128xf32, #tpu.memory_space<hbm>> -> memref<10000x128xf32, #tpu.memory_space<hbm>>
        tpu.enqueue_indirect_dma source(%dma_start3A_176 : memref<10000x128xf32, #tpu.memory_space<hbm>>) target(%arg11 : memref<64x128xf32, #tpu.memory_space<vmem>>) offsets(%arg17 : memref<64xi32, #tpu.memory_space<vmem>>) semaphore(%arg27 : memref<!tpu.dma_semaphore, #tpu.memory_space<semaphore_mem>>)
      } else {
      }
      %ge3A_85 = arith.constant 2 : i32
      %ge3A_86 = arith.cmpi sge, %add3A_69, %ge3A_85 : i32
      %add3A_87 = arith.constant 1 : i32
      %add3A_88 = arith.addi %select_n3A, %add3A_87 : i32
      %le3A_89 = arith.cmpi sle, %add3A_69, %add3A_88 : i32
      %and3A_90 = arith.andi %ge3A_86, %le3A_89 : i1
      %convert_element_type3A_91 = arith.extui %and3A_90 : i1 to i32
      %cond3A_92 = arith.constant 0 : i32
      %cond3A_93 = arith.cmpi ne, %convert_element_type3A_91, %cond3A_92 : i32
      scf.if %cond3A_93 {
        %dma_wait3A = arith.constant 0 : i32
        %dma_wait3A_160 = arith.constant 0 : i32
        %dma_wait3A_161 = tpu.memref_slice %arg2[%dma_wait3A, %dma_wait3A_160] : memref<10000x128xf32, #tpu.memory_space<hbm>> -> memref<10000x128xf32, #tpu.memory_space<hbm>>
        tpu.wait_indirect_dma semaphore(%arg26 : memref<!tpu.dma_semaphore, #tpu.memory_space<semaphore_mem>>) src(%dma_wait3A_161 : memref<10000x128xf32, #tpu.memory_space<hbm>>) dst(%arg10 : memref<64x128xf32, #tpu.memory_space<vmem>>)
        %parallel_loop3A = arith.constant 0 : i32
        %parallel_loop3A_162 = arith.constant 8 : i32
        %parallel_loop3A_163 = arith.constant 1 : i32
        scf.for %parallel_loop3A_192 = %parallel_loop3A to %parallel_loop3A_162 step %parallel_loop3A_163  : i32 {
          %parallel_loop3A_193 = arith.constant 8 : i32
          %parallel_loop3A_194 = arith.muli %parallel_loop3A_192, %parallel_loop3A_193 : i32
          %parallel_loop3A_195 = arith.constant 0 : i32
          %parallel_loop3A_196 = arith.addi %parallel_loop3A_194, %parallel_loop3A_195 : i32
          %parallel_loop3A_197 = arith.index_cast %parallel_loop3A_192 : i32 to index
          %parallel_loop3A_198 = arith.constant 0 : index
          %parallel_loop3A_199 = tpu.vector_load %arg13[%parallel_loop3A_197, %parallel_loop3A_198] {strides = array<i32>} : memref<8x512xi32, #tpu.memory_space<vmem>>, vector<16xi32>,
          %parallel_loop3A_200 = vector.bitcast %parallel_loop3A_199 : vector<16xi32> to vector<32xbf16>
          %parallel_loop3A_201 = tpu.unpack_subelements %parallel_loop3A_200, 0 {pack_format = #tpu.pack_format<interleaved>} : vector<32xbf16> -> vector<16xf32>
          %parallel_loop3A_202 = tpu.unpack_subelements %parallel_loop3A_200, 1 {pack_format = #tpu.pack_format<interleaved>} : vector<32xbf16> -> vector<16xf32>
          %parallel_loop3A_203 = arith.index_cast %parallel_loop3A_196 : i32 to index
          %parallel_loop3A_204 = arith.constant 0 : index
          %parallel_loop3A_205 = tpu.vector_load %arg10[%parallel_loop3A_203, %parallel_loop3A_204] {strides = array<i32>} : memref<64x128xf32, #tpu.memory_space<vmem>>, vector<16xf32>,
          %parallel_loop3A_206 = arith.index_cast %parallel_loop3A_196 : i32 to index
          %parallel_loop3A_207 = arith.constant 16 : index
          %parallel_loop3A_208 = tpu.vector_load %arg10[%parallel_loop3A_206, %parallel_loop3A_207] {strides = array<i32>} : memref<64x128xf32, #tpu.memory_space<vmem>>, vector<16xf32>,
          %parallel_loop3A_209 = arith.addf %parallel_loop3A_205, %parallel_loop3A_201 : vector<16xf32>
          %parallel_loop3A_210 = arith.constant 0.000000e+00 : f32
          %parallel_loop3A_211 = vector.broadcast %parallel_loop3A_210 : f32 to vector<16xf32>
          %parallel_loop3A_212 = arith.maximumf %parallel_loop3A_209, %parallel_loop3A_211 : vector<16xf32>
          %parallel_loop3A_213 = arith.index_cast %parallel_loop3A_196 : i32 to index
          %parallel_loop3A_214 = arith.constant 0 : index
          %parallel_loop3A_215 = tpu.vector_load %arg10[%parallel_loop3A_213, %parallel_loop3A_214] {strides = array<i32>} : memref<64x128xf32, #tpu.memory_space<vmem>>, vector<16xf32>,
          tpu.vector_store %arg10[%parallel_loop3A_213, %parallel_loop3A_214], %parallel_loop3A_212 {strides = array<i32>} : memref<64x128xf32, #tpu.memory_space<vmem>>, vector<16xf32>,
          %parallel_loop3A_216 = arith.addf %parallel_loop3A_208, %parallel_loop3A_202 : vector<16xf32>
          %parallel_loop3A_217 = arith.constant 0.000000e+00 : f32
          %parallel_loop3A_218 = vector.broadcast %parallel_loop3A_217 : f32 to vector<16xf32>
          %parallel_loop3A_219 = arith.maximumf %parallel_loop3A_216, %parallel_loop3A_218 : vector<16xf32>
          %parallel_loop3A_220 = arith.index_cast %parallel_loop3A_196 : i32 to index
          %parallel_loop3A_221 = arith.constant 16 : index
          %parallel_loop3A_222 = tpu.vector_load %arg10[%parallel_loop3A_220, %parallel_loop3A_221] {strides = array<i32>} : memref<64x128xf32, #tpu.memory_space<vmem>>, vector<16xf32>,
          tpu.vector_store %arg10[%parallel_loop3A_220, %parallel_loop3A_221], %parallel_loop3A_219 {strides = array<i32>} : memref<64x128xf32, #tpu.memory_space<vmem>>, vector<16xf32>,
          %parallel_loop3A_223 = arith.index_cast %parallel_loop3A_192 : i32 to index
          %parallel_loop3A_224 = arith.constant 16 : index
          %parallel_loop3A_225 = tpu.vector_load %arg13[%parallel_loop3A_223, %parallel_loop3A_224] {strides = array<i32>} : memref<8x512xi32, #tpu.memory_space<vmem>>, vector<16xi32>,
          %parallel_loop3A_226 = vector.bitcast %parallel_loop3A_225 : vector<16xi32> to vector<32xbf16>
          %parallel_loop3A_227 = tpu.unpack_subelements %parallel_loop3A_226, 0 {pack_format = #tpu.pack_format<interleaved>} : vector<32xbf16> -> vector<16xf32>
          %parallel_loop3A_228 = tpu.unpack_subelements %parallel_loop3A_226, 1 {pack_format = #tpu.pack_format<interleaved>} : vector<32xbf16> -> vector<16xf32>
          %parallel_loop3A_229 = arith.index_cast %parallel_loop3A_196 : i32 to index
          %parallel_loop3A_230 = arith.constant 32 : index
          %parallel_loop3A_231 = tpu.vector_load %arg10[%parallel_loop3A_229, %parallel_loop3A_230] {strides = array<i32>} : memref<64x128xf32, #tpu.memory_space<vmem>>, vector<16xf32>,
          %parallel_loop3A_232 = arith.index_cast %parallel_loop3A_196 : i32 to index
          %parallel_loop3A_233 = arith.constant 48 : index
          %parallel_loop3A_234 = tpu.vector_load %arg10[%parallel_loop3A_232, %parallel_loop3A_233] {strides = array<i32>} : memref<64x128xf32, #tpu.memory_space<vmem>>, vector<16xf32>,
          %parallel_loop3A_235 = arith.addf %parallel_loop3A_231, %parallel_loop3A_227 : vector<16xf32>
          %parallel_loop3A_236 = arith.constant 0.000000e+00 : f32
          %parallel_loop3A_237 = vector.broadcast %parallel_loop3A_236 : f32 to vector<16xf32>
          %parallel_loop3A_238 = arith.maximumf %parallel_loop3A_235, %parallel_loop3A_237 : vector<16xf32>
          %parallel_loop3A_239 = arith.index_cast %parallel_loop3A_196 : i32 to index
          %parallel_loop3A_240 = arith.constant 32 : index
          %parallel_loop3A_241 = tpu.vector_load %arg10[%parallel_loop3A_239, %parallel_loop3A_240] {strides = array<i32>} : memref<64x128xf32, #tpu.memory_space<vmem>>, vector<16xf32>,
          tpu.vector_store %arg10[%parallel_loop3A_239, %parallel_loop3A_240], %parallel_loop3A_238 {strides = array<i32>} : memref<64x128xf32, #tpu.memory_space<vmem>>, vector<16xf32>,
          %parallel_loop3A_242 = arith.addf %parallel_loop3A_234, %parallel_loop3A_228 : vector<16xf32>
          %parallel_loop3A_243 = arith.constant 0.000000e+00 : f32
          %parallel_loop3A_244 = vector.broadcast %parallel_loop3A_243 : f32 to vector<16xf32>
          %parallel_loop3A_245 = arith.maximumf %parallel_loop3A_242, %parallel_loop3A_244 : vector<16xf32>
          %parallel_loop3A_246 = arith.index_cast %parallel_loop3A_196 : i32 to index
          %parallel_loop3A_247 = arith.constant 48 : index
          %parallel_loop3A_248 = tpu.vector_load %arg10[%parallel_loop3A_246, %parallel_loop3A_247] {strides = array<i32>} : memref<64x128xf32, #tpu.memory_space<vmem>>, vector<16xf32>,
          tpu.vector_store %arg10[%parallel_loop3A_246, %parallel_loop3A_247], %parallel_loop3A_245 {strides = array<i32>} : memref<64x128xf32, #tpu.memory_space<vmem>>, vector<16xf32>,
          %parallel_loop3A_249 = arith.index_cast %parallel_loop3A_192 : i32 to index
          %parallel_loop3A_250 = arith.constant 32 : index
          %parallel_loop3A_251 = tpu.vector_load %arg13[%parallel_loop3A_249, %parallel_loop3A_250] {strides = array<i32>} : memref<8x512xi32, #tpu.memory_space<vmem>>, vector<16xi32>,
          %parallel_loop3A_252 = vector.bitcast %parallel_loop3A_251 : vector<16xi32> to vector<32xbf16>
          %parallel_loop3A_253 = tpu.unpack_subelements %parallel_loop3A_252, 0 {pack_format = #tpu.pack_format<interleaved>} : vector<32xbf16> -> vector<16xf32>
          %parallel_loop3A_254 = tpu.unpack_subelements %parallel_loop3A_252, 1 {pack_format = #tpu.pack_format<interleaved>} : vector<32xbf16> -> vector<16xf32>
          %parallel_loop3A_255 = arith.index_cast %parallel_loop3A_196 : i32 to index
          %parallel_loop3A_256 = arith.constant 64 : index
          %parallel_loop3A_257 = tpu.vector_load %arg10[%parallel_loop3A_255, %parallel_loop3A_256] {strides = array<i32>} : memref<64x128xf32, #tpu.memory_space<vmem>>, vector<16xf32>,
          %parallel_loop3A_258 = arith.index_cast %parallel_loop3A_196 : i32 to index
          %parallel_loop3A_259 = arith.constant 80 : index
          %parallel_loop3A_260 = tpu.vector_load %arg10[%parallel_loop3A_258, %parallel_loop3A_259] {strides = array<i32>} : memref<64x128xf32, #tpu.memory_space<vmem>>, vector<16xf32>,
          %parallel_loop3A_261 = arith.addf %parallel_loop3A_257, %parallel_loop3A_253 : vector<16xf32>
          %parallel_loop3A_262 = arith.constant 0.000000e+00 : f32
          %parallel_loop3A_263 = vector.broadcast %parallel_loop3A_262 : f32 to vector<16xf32>
          %parallel_loop3A_264 = arith.maximumf %parallel_loop3A_261, %parallel_loop3A_263 : vector<16xf32>
          %parallel_loop3A_265 = arith.index_cast %parallel_loop3A_196 : i32 to index
          %parallel_loop3A_266 = arith.constant 64 : index
          %parallel_loop3A_267 = tpu.vector_load %arg10[%parallel_loop3A_265, %parallel_loop3A_266] {strides = array<i32>} : memref<64x128xf32, #tpu.memory_space<vmem>>, vector<16xf32>,
          tpu.vector_store %arg10[%parallel_loop3A_265, %parallel_loop3A_266], %parallel_loop3A_264 {strides = array<i32>} : memref<64x128xf32, #tpu.memory_space<vmem>>, vector<16xf32>,
          %parallel_loop3A_268 = arith.addf %parallel_loop3A_260, %parallel_loop3A_254 : vector<16xf32>
          %parallel_loop3A_269 = arith.constant 0.000000e+00 : f32
          %parallel_loop3A_270 = vector.broadcast %parallel_loop3A_269 : f32 to vector<16xf32>
          %parallel_loop3A_271 = arith.maximumf %parallel_loop3A_268, %parallel_loop3A_270 : vector<16xf32>
          %parallel_loop3A_272 = arith.index_cast %parallel_loop3A_196 : i32 to index
          %parallel_loop3A_273 = arith.constant 80 : index
          %parallel_loop3A_274 = tpu.vector_load %arg10[%parallel_loop3A_272, %parallel_loop3A_273] {strides = array<i32>} : memref<64x128xf32, #tpu.memory_space<vmem>>, vector<16xf32>,
          tpu.vector_store %arg10[%parallel_loop3A_272, %parallel_loop3A_273], %parallel_loop3A_271 {strides = array<i32>} : memref<64x128xf32, #tpu.memory_space<vmem>>, vector<16xf32>,
          %parallel_loop3A_275 = arith.index_cast %parallel_loop3A_192 : i32 to index
          %parallel_loop3A_276 = arith.constant 48 : index
          %parallel_loop3A_277 = tpu.vector_load %arg13[%parallel_loop3A_275, %parallel_loop3A_276] {strides = array<i32>} : memref<8x512xi32, #tpu.memory_space<vmem>>, vector<16xi32>,
          %parallel_loop3A_278 = vector.bitcast %parallel_loop3A_277 : vector<16xi32> to vector<32xbf16>
          %parallel_loop3A_279 = tpu.unpack_subelements %parallel_loop3A_278, 0 {pack_format = #tpu.pack_format<interleaved>} : vector<32xbf16> -> vector<16xf32>
          %parallel_loop3A_280 = tpu.unpack_subelements %parallel_loop3A_278, 1 {pack_format = #tpu.pack_format<interleaved>} : vector<32xbf16> -> vector<16xf32>
          %parallel_loop3A_281 = arith.index_cast %parallel_loop3A_196 : i32 to index
          %parallel_loop3A_282 = arith.constant 96 : index
          %parallel_loop3A_283 = tpu.vector_load %arg10[%parallel_loop3A_281, %parallel_loop3A_282] {strides = array<i32>} : memref<64x128xf32, #tpu.memory_space<vmem>>, vector<16xf32>,
          %parallel_loop3A_284 = arith.index_cast %parallel_loop3A_196 : i32 to index
          %parallel_loop3A_285 = arith.constant 112 : index
          %parallel_loop3A_286 = tpu.vector_load %arg10[%parallel_loop3A_284, %parallel_loop3A_285] {strides = array<i32>} : memref<64x128xf32, #tpu.memory_space<vmem>>, vector<16xf32>,
          %parallel_loop3A_287 = arith.addf %parallel_loop3A_283, %parallel_loop3A_279 : vector<16xf32>
          %parallel_loop3A_288 = arith.constant 0.000000e+00 : f32
          %parallel_loop3A_289 = vector.broadcast %parallel_loop3A_288 : f32 to vector<16xf32>
          %parallel_loop3A_290 = arith.maximumf %parallel_loop3A_287, %parallel_loop3A_289 : vector<16xf32>
          %parallel_loop3A_291 = arith.index_cast %parallel_loop3A_196 : i32 to index
          %parallel_loop3A_292 = arith.constant 96 : index
          %parallel_loop3A_293 = tpu.vector_load %arg10[%parallel_loop3A_291, %parallel_loop3A_292] {strides = array<i32>} : memref<64x128xf32, #tpu.memory_space<vmem>>, vector<16xf32>,
          tpu.vector_store %arg10[%parallel_loop3A_291, %parallel_loop3A_292], %parallel_loop3A_290 {strides = array<i32>} : memref<64x128xf32, #tpu.memory_space<vmem>>, vector<16xf32>,
          %parallel_loop3A_294 = arith.addf %parallel_loop3A_286, %parallel_loop3A_280 : vector<16xf32>
          %parallel_loop3A_295 = arith.constant 0.000000e+00 : f32
          %parallel_loop3A_296 = vector.broadcast %parallel_loop3A_295 : f32 to vector<16xf32>
          %parallel_loop3A_297 = arith.maximumf %parallel_loop3A_294, %parallel_loop3A_296 : vector<16xf32>
          %parallel_loop3A_298 = arith.index_cast %parallel_loop3A_196 : i32 to index
          %parallel_loop3A_299 = arith.constant 112 : index
          %parallel_loop3A_300 = tpu.vector_load %arg10[%parallel_loop3A_298, %parallel_loop3A_299] {strides = array<i32>} : memref<64x128xf32, #tpu.memory_space<vmem>>, vector<16xf32>,
          tpu.vector_store %arg10[%parallel_loop3A_298, %parallel_loop3A_299], %parallel_loop3A_297 {strides = array<i32>} : memref<64x128xf32, #tpu.memory_space<vmem>>, vector<16xf32>,
          %parallel_loop3A_301 = arith.constant 8 : i32
          %parallel_loop3A_302 = arith.muli %parallel_loop3A_192, %parallel_loop3A_301 : i32
          %parallel_loop3A_303 = arith.constant 1 : i32
          %parallel_loop3A_304 = arith.addi %parallel_loop3A_302, %parallel_loop3A_303 : i32
          %parallel_loop3A_305 = arith.index_cast %parallel_loop3A_192 : i32 to index
          %parallel_loop3A_306 = arith.constant 64 : index
          %parallel_loop3A_307 = tpu.vector_load %arg13[%parallel_loop3A_305, %parallel_loop3A_306] {strides = array<i32>} : memref<8x512xi32, #tpu.memory_space<vmem>>, vector<16xi32>,
          %parallel_loop3A_308 = vector.bitcast %parallel_loop3A_307 : vector<16xi32> to vector<32xbf16>
          %parallel_loop3A_309 = tpu.unpack_subelements %parallel_loop3A_308, 0 {pack_format = #tpu.pack_format<interleaved>} : vector<32xbf16> -> vector<16xf32>
          %parallel_loop3A_310 = tpu.unpack_subelements %parallel_loop3A_308, 1 {pack_format = #tpu.pack_format<interleaved>} : vector<32xbf16> -> vector<16xf32>
          %parallel_loop3A_311 = arith.index_cast %parallel_loop3A_304 : i32 to index
          %parallel_loop3A_312 = arith.constant 0 : index
          %parallel_loop3A_313 = tpu.vector_load %arg10[%parallel_loop3A_311, %parallel_loop3A_312] {strides = array<i32>} : memref<64x128xf32, #tpu.memory_space<vmem>>, vector<16xf32>,
          %parallel_loop3A_314 = arith.index_cast %parallel_loop3A_304 : i32 to index
          %parallel_loop3A_315 = arith.constant 16 : index
          %parallel_loop3A_316 = tpu.vector_load %arg10[%parallel_loop3A_314, %parallel_loop3A_315] {strides = array<i32>} : memref<64x128xf32, #tpu.memory_space<vmem>>, vector<16xf32>,
          %parallel_loop3A_317 = arith.addf %parallel_loop3A_313, %parallel_loop3A_309 : vector<16xf32>
          %parallel_loop3A_318 = arith.constant 0.000000e+00 : f32
          %parallel_loop3A_319 = vector.broadcast %parallel_loop3A_318 : f32 to vector<16xf32>
          %parallel_loop3A_320 = arith.maximumf %parallel_loop3A_317, %parallel_loop3A_319 : vector<16xf32>
          %parallel_loop3A_321 = arith.index_cast %parallel_loop3A_304 : i32 to index
          %parallel_loop3A_322 = arith.constant 0 : index
          %parallel_loop3A_323 = tpu.vector_load %arg10[%parallel_loop3A_321, %parallel_loop3A_322] {strides = array<i32>} : memref<64x128xf32, #tpu.memory_space<vmem>>, vector<16xf32>,
          tpu.vector_store %arg10[%parallel_loop3A_321, %parallel_loop3A_322], %parallel_loop3A_320 {strides = array<i32>} : memref<64x128xf32, #tpu.memory_space<vmem>>, vector<16xf32>,
          %parallel_loop3A_324 = arith.addf %parallel_loop3A_316, %parallel_loop3A_310 : vector<16xf32>
          %parallel_loop3A_325 = arith.constant 0.000000e+00 : f32
          %parallel_loop3A_326 = vector.broadcast %parallel_loop3A_325 : f32 to vector<16xf32>
          %parallel_loop3A_327 = arith.maximumf %parallel_loop3A_324, %parallel_loop3A_326 : vector<16xf32>
          %parallel_loop3A_328 = arith.index_cast %parallel_loop3A_304 : i32 to index
          %parallel_loop3A_329 = arith.constant 16 : index
          %parallel_loop3A_330 = tpu.vector_load %arg10[%parallel_loop3A_328, %parallel_loop3A_329] {strides = array<i32>} : memref<64x128xf32, #tpu.memory_space<vmem>>, vector<16xf32>,
          tpu.vector_store %arg10[%parallel_loop3A_328, %parallel_loop3A_329], %parallel_loop3A_327 {strides = array<i32>} : memref<64x128xf32, #tpu.memory_space<vmem>>, vector<16xf32>,
          %parallel_loop3A_331 = arith.index_cast %parallel_loop3A_192 : i32 to index
          %parallel_loop3A_332 = arith.constant 80 : index
          %parallel_loop3A_333 = tpu.vector_load %arg13[%parallel_loop3A_331, %parallel_loop3A_332] {strides = array<i32>} : memref<8x512xi32, #tpu.memory_space<vmem>>, vector<16xi32>,
          %parallel_loop3A_334 = vector.bitcast %parallel_loop3A_333 : vector<16xi32> to vector<32xbf16>
          %parallel_loop3A_335 = tpu.unpack_subelements %parallel_loop3A_334, 0 {pack_format = #tpu.pack_format<interleaved>} : vector<32xbf16> -> vector<16xf32>
          %parallel_loop3A_336 = tpu.unpack_subelements %parallel_loop3A_334, 1 {pack_format = #tpu.pack_format<interleaved>} : vector<32xbf16> -> vector<16xf32>
          %parallel_loop3A_337 = arith.index_cast %parallel_loop3A_304 : i32 to index
          %parallel_loop3A_338 = arith.constant 32 : index
          %parallel_loop3A_339 = tpu.vector_load %arg10[%parallel_loop3A_337, %parallel_loop3A_338] {strides = array<i32>} : memref<64x128xf32, #tpu.memory_space<vmem>>, vector<16xf32>,
          %parallel_loop3A_340 = arith.index_cast %parallel_loop3A_304 : i32 to index
          %parallel_loop3A_341 = arith.constant 48 : index
          %parallel_loop3A_342 = tpu.vector_load %arg10[%parallel_loop3A_340, %parallel_loop3A_341] {strides = array<i32>} : memref<64x128xf32, #tpu.memory_space<vmem>>, vector<16xf32>,
          %parallel_loop3A_343 = arith.addf %parallel_loop3A_339, %parallel_loop3A_335 : vector<16xf32>
          %parallel_loop3A_344 = arith.constant 0.000000e+00 : f32
          %parallel_loop3A_345 = vector.broadcast %parallel_loop3A_344 : f32 to vector<16xf32>
          %parallel_loop3A_346 = arith.maximumf %parallel_loop3A_343, %parallel_loop3A_345 : vector<16xf32>
          %parallel_loop3A_347 = arith.index_cast %parallel_loop3A_304 : i32 to index
          %parallel_loop3A_348 = arith.constant 32 : index
          %parallel_loop3A_349 = tpu.vector_load %arg10[%parallel_loop3A_347, %parallel_loop3A_348] {strides = array<i32>} : memref<64x128xf32, #tpu.memory_space<vmem>>, vector<16xf32>,
          tpu.vector_store %arg10[%parallel_loop3A_347, %parallel_loop3A_348], %parallel_loop3A_346 {strides = array<i32>} : memref<64x128xf32, #tpu.memory_space<vmem>>, vector<16xf32>,
          %parallel_loop3A_350 = arith.addf %parallel_loop3A_342, %parallel_loop3A_336 : vector<16xf32>
          %parallel_loop3A_351 = arith.constant 0.000000e+00 : f32
          %parallel_loop3A_352 = vector.broadcast %parallel_loop3A_351 : f32 to vector<16xf32>
          %parallel_loop3A_353 = arith.maximumf %parallel_loop3A_350, %parallel_loop3A_352 : vector<16xf32>
          %parallel_loop3A_354 = arith.index_cast %parallel_loop3A_304 : i32 to index
          %parallel_loop3A_355 = arith.constant 48 : index
          %parallel_loop3A_356 = tpu.vector_load %arg10[%parallel_loop3A_354, %parallel_loop3A_355] {strides = array<i32>} : memref<64x128xf32, #tpu.memory_space<vmem>>, vector<16xf32>,
          tpu.vector_store %arg10[%parallel_loop3A_354, %parallel_loop3A_355], %parallel_loop3A_353 {strides = array<i32>} : memref<64x128xf32, #tpu.memory_space<vmem>>, vector<16xf32>,
          %parallel_loop3A_357 = arith.index_cast %parallel_loop3A_192 : i32 to index
          %parallel_loop3A_358 = arith.constant 96 : index
          %parallel_loop3A_359 = tpu.vector_load %arg13[%parallel_loop3A_357, %parallel_loop3A_358] {strides = array<i32>} : memref<8x512xi32, #tpu.memory_space<vmem>>, vector<16xi32>,
          %parallel_loop3A_360 = vector.bitcast %parallel_loop3A_359 : vector<16xi32> to vector<32xbf16>
          %parallel_loop3A_361 = tpu.unpack_subelements %parallel_loop3A_360, 0 {pack_format = #tpu.pack_format<interleaved>} : vector<32xbf16> -> vector<16xf32>
          %parallel_loop3A_362 = tpu.unpack_subelements %parallel_loop3A_360, 1 {pack_format = #tpu.pack_format<interleaved>} : vector<32xbf16> -> vector<16xf32>
          %parallel_loop3A_363 = arith.index_cast %parallel_loop3A_304 : i32 to index
          %parallel_loop3A_364 = arith.constant 64 : index
          %parallel_loop3A_365 = tpu.vector_load %arg10[%parallel_loop3A_363, %parallel_loop3A_364] {strides = array<i32>} : memref<64x128xf32, #tpu.memory_space<vmem>>, vector<16xf32>,
          %parallel_loop3A_366 = arith.index_cast %parallel_loop3A_304 : i32 to index
          %parallel_loop3A_367 = arith.constant 80 : index
          %parallel_loop3A_368 = tpu.vector_load %arg10[%parallel_loop3A_366, %parallel_loop3A_367] {strides = array<i32>} : memref<64x128xf32, #tpu.memory_space<vmem>>, vector<16xf32>,
          %parallel_loop3A_369 = arith.addf %parallel_loop3A_365, %parallel_loop3A_361 : vector<16xf32>
          %parallel_loop3A_370 = arith.constant 0.000000e+00 : f32
          %parallel_loop3A_371 = vector.broadcast %parallel_loop3A_370 : f32 to vector<16xf32>
          %parallel_loop3A_372 = arith.maximumf %parallel_loop3A_369, %parallel_loop3A_371 : vector<16xf32>
          %parallel_loop3A_373 = arith.index_cast %parallel_loop3A_304 : i32 to index
          %parallel_loop3A_374 = arith.constant 64 : index
          %parallel_loop3A_375 = tpu.vector_load %arg10[%parallel_loop3A_373, %parallel_loop3A_374] {strides = array<i32>} : memref<64x128xf32, #tpu.memory_space<vmem>>, vector<16xf32>,
          tpu.vector_store %arg10[%parallel_loop3A_373, %parallel_loop3A_374], %parallel_loop3A_372 {strides = array<i32>} : memref<64x128xf32, #tpu.memory_space<vmem>>, vector<16xf32>,
          %parallel_loop3A_376 = arith.addf %parallel_loop3A_368, %parallel_loop3A_362 : vector<16xf32>
          %parallel_loop3A_377 = arith.constant 0.000000e+00 : f32
          %parallel_loop3A_378 = vector.broadcast %parallel_loop3A_377 : f32 to vector<16xf32>
          %parallel_loop3A_379 = arith.maximumf %parallel_loop3A_376, %parallel_loop3A_378 : vector<16xf32>
          %parallel_loop3A_380 = arith.index_cast %parallel_loop3A_304 : i32 to index
          %parallel_loop3A_381 = arith.constant 80 : index
          %parallel_loop3A_382 = tpu.vector_load %arg10[%parallel_loop3A_380, %parallel_loop3A_381] {strides = array<i32>} : memref<64x128xf32, #tpu.memory_space<vmem>>, vector<16xf32>,
          tpu.vector_store %arg10[%parallel_loop3A_380, %parallel_loop3A_381], %parallel_loop3A_379 {strides = array<i32>} : memref<64x128xf32, #tpu.memory_space<vmem>>, vector<16xf32>,
          %parallel_loop3A_383 = arith.index_cast %parallel_loop3A_192 : i32 to index
          %parallel_loop3A_384 = arith.constant 112 : index
          %parallel_loop3A_385 = tpu.vector_load %arg13[%parallel_loop3A_383, %parallel_loop3A_384] {strides = array<i32>} : memref<8x512xi32, #tpu.memory_space<vmem>>, vector<16xi32>,
          %parallel_loop3A_386 = vector.bitcast %parallel_loop3A_385 : vector<16xi32> to vector<32xbf16>
          %parallel_loop3A_387 = tpu.unpack_subelements %parallel_loop3A_386, 0 {pack_format = #tpu.pack_format<interleaved>} : vector<32xbf16> -> vector<16xf32>
          %parallel_loop3A_388 = tpu.unpack_subelements %parallel_loop3A_386, 1 {pack_format = #tpu.pack_format<interleaved>} : vector<32xbf16> -> vector<16xf32>
          %parallel_loop3A_389 = arith.index_cast %parallel_loop3A_304 : i32 to index
          %parallel_loop3A_390 = arith.constant 96 : index
          %parallel_loop3A_391 = tpu.vector_load %arg10[%parallel_loop3A_389, %parallel_loop3A_390] {strides = array<i32>} : memref<64x128xf32, #tpu.memory_space<vmem>>, vector<16xf32>,
          %parallel_loop3A_392 = arith.index_cast %parallel_loop3A_304 : i32 to index
          %parallel_loop3A_393 = arith.constant 112 : index
          %parallel_loop3A_394 = tpu.vector_load %arg10[%parallel_loop3A_392, %parallel_loop3A_393] {strides = array<i32>} : memref<64x128xf32, #tpu.memory_space<vmem>>, vector<16xf32>,
          %parallel_loop3A_395 = arith.addf %parallel_loop3A_391, %parallel_loop3A_387 : vector<16xf32>
          %parallel_loop3A_396 = arith.constant 0.000000e+00 : f32
          %parallel_loop3A_397 = vector.broadcast %parallel_loop3A_396 : f32 to vector<16xf32>
          %parallel_loop3A_398 = arith.maximumf %parallel_loop3A_395, %parallel_loop3A_397 : vector<16xf32>
          %parallel_loop3A_399 = arith.index_cast %parallel_loop3A_304 : i32 to index
          %parallel_loop3A_400 = arith.constant 96 : index
          %parallel_loop3A_401 = tpu.vector_load %arg10[%parallel_loop3A_399, %parallel_loop3A_400] {strides = array<i32>} : memref<64x128xf32, #tpu.memory_space<vmem>>, vector<16xf32>,
          tpu.vector_store %arg10[%parallel_loop3A_399, %parallel_loop3A_400], %parallel_loop3A_398 {strides = array<i32>} : memref<64x128xf32, #tpu.memory_space<vmem>>, vector<16xf32>,
          %parallel_loop3A_402 = arith.addf %parallel_loop3A_394, %parallel_loop3A_388 : vector<16xf32>
          %parallel_loop3A_403 = arith.constant 0.000000e+00 : f32
          %parallel_loop3A_404 = vector.broadcast %parallel_loop3A_403 : f32 to vector<16xf32>
          %parallel_loop3A_405 = arith.maximumf %parallel_loop3A_402, %parallel_loop3A_404 : vector<16xf32>
          %parallel_loop3A_406 = arith.index_cast %parallel_loop3A_304 : i32 to index
          %parallel_loop3A_407 = arith.constant 112 : index
          %parallel_loop3A_408 = tpu.vector_load %arg10[%parallel_loop3A_406, %parallel_loop3A_407] {strides = array<i32>} : memref<64x128xf32, #tpu.memory_space<vmem>>, vector<16xf32>,
          tpu.vector_store %arg10[%parallel_loop3A_406, %parallel_loop3A_407], %parallel_loop3A_405 {strides = array<i32>} : memref<64x128xf32, #tpu.memory_space<vmem>>, vector<16xf32>,
          %parallel_loop3A_409 = arith.constant 8 : i32
          %parallel_loop3A_410 = arith.muli %parallel_loop3A_192, %parallel_loop3A_409 : i32
          %parallel_loop3A_411 = arith.constant 2 : i32
          %parallel_loop3A_412 = arith.addi %parallel_loop3A_410, %parallel_loop3A_411 : i32
          %parallel_loop3A_413 = arith.index_cast %parallel_loop3A_192 : i32 to index
          %parallel_loop3A_414 = arith.constant 128 : index
          %parallel_loop3A_415 = tpu.vector_load %arg13[%parallel_loop3A_413, %parallel_loop3A_414] {strides = array<i32>} : memref<8x512xi32, #tpu.memory_space<vmem>>, vector<16xi32>,
          %parallel_loop3A_416 = vector.bitcast %parallel_loop3A_415 : vector<16xi32> to vector<32xbf16>
          %parallel_loop3A_417 = tpu.unpack_subelements %parallel_loop3A_416, 0 {pack_format = #tpu.pack_format<interleaved>} : vector<32xbf16> -> vector<16xf32>
          %parallel_loop3A_418 = tpu.unpack_subelements %parallel_loop3A_416, 1 {pack_format = #tpu.pack_format<interleaved>} : vector<32xbf16> -> vector<16xf32>
          %parallel_loop3A_419 = arith.index_cast %parallel_loop3A_412 : i32 to index
          %parallel_loop3A_420 = arith.constant 0 : index
          %parallel_loop3A_421 = tpu.vector_load %arg10[%parallel_loop3A_419, %parallel_loop3A_420] {strides = array<i32>} : memref<64x128xf32, #tpu.memory_space<vmem>>, vector<16xf32>,
          %parallel_loop3A_422 = arith.index_cast %parallel_loop3A_412 : i32 to index
          %parallel_loop3A_423 = arith.constant 16 : index
          %parallel_loop3A_424 = tpu.vector_load %arg10[%parallel_loop3A_422, %parallel_loop3A_423] {strides = array<i32>} : memref<64x128xf32, #tpu.memory_space<vmem>>, vector<16xf32>,
          %parallel_loop3A_425 = arith.addf %parallel_loop3A_421, %parallel_loop3A_417 : vector<16xf32>
          %parallel_loop3A_426 = arith.constant 0.000000e+00 : f32
          %parallel_loop3A_427 = vector.broadcast %parallel_loop3A_426 : f32 to vector<16xf32>
          %parallel_loop3A_428 = arith.maximumf %parallel_loop3A_425, %parallel_loop3A_427 : vector<16xf32>
          %parallel_loop3A_429 = arith.index_cast %parallel_loop3A_412 : i32 to index
          %parallel_loop3A_430 = arith.constant 0 : index
          %parallel_loop3A_431 = tpu.vector_load %arg10[%parallel_loop3A_429, %parallel_loop3A_430] {strides = array<i32>} : memref<64x128xf32, #tpu.memory_space<vmem>>, vector<16xf32>,
          tpu.vector_store %arg10[%parallel_loop3A_429, %parallel_loop3A_430], %parallel_loop3A_428 {strides = array<i32>} : memref<64x128xf32, #tpu.memory_space<vmem>>, vector<16xf32>,
          %parallel_loop3A_432 = arith.addf %parallel_loop3A_424, %parallel_loop3A_418 : vector<16xf32>
          %parallel_loop3A_433 = arith.constant 0.000000e+00 : f32
          %parallel_loop3A_434 = vector.broadcast %parallel_loop3A_433 : f32 to vector<16xf32>
          %parallel_loop3A_435 = arith.maximumf %parallel_loop3A_432, %parallel_loop3A_434 : vector<16xf32>
          %parallel_loop3A_436 = arith.index_cast %parallel_loop3A_412 : i32 to index
          %parallel_loop3A_437 = arith.constant 16 : index
          %parallel_loop3A_438 = tpu.vector_load %arg10[%parallel_loop3A_436, %parallel_loop3A_437] {strides = array<i32>} : memref<64x128xf32, #tpu.memory_space<vmem>>, vector<16xf32>,
          tpu.vector_store %arg10[%parallel_loop3A_436, %parallel_loop3A_437], %parallel_loop3A_435 {strides = array<i32>} : memref<64x128xf32, #tpu.memory_space<vmem>>, vector<16xf32>,
          %parallel_loop3A_439 = arith.index_cast %parallel_loop3A_192 : i32 to index
          %parallel_loop3A_440 = arith.constant 144 : index
          %parallel_loop3A_441 = tpu.vector_load %arg13[%parallel_loop3A_439, %parallel_loop3A_440] {strides = array<i32>} : memref<8x512xi32, #tpu.memory_space<vmem>>, vector<16xi32>,
          %parallel_loop3A_442 = vector.bitcast %parallel_loop3A_441 : vector<16xi32> to vector<32xbf16>
          %parallel_loop3A_443 = tpu.unpack_subelements %parallel_loop3A_442, 0 {pack_format = #tpu.pack_format<interleaved>} : vector<32xbf16> -> vector<16xf32>
          %parallel_loop3A_444 = tpu.unpack_subelements %parallel_loop3A_442, 1 {pack_format = #tpu.pack_format<interleaved>} : vector<32xbf16> -> vector<16xf32>
          %parallel_loop3A_445 = arith.index_cast %parallel_loop3A_412 : i32 to index
          %parallel_loop3A_446 = arith.constant 32 : index
          %parallel_loop3A_447 = tpu.vector_load %arg10[%parallel_loop3A_445, %parallel_loop3A_446] {strides = array<i32>} : memref<64x128xf32, #tpu.memory_space<vmem>>, vector<16xf32>,
          %parallel_loop3A_448 = arith.index_cast %parallel_loop3A_412 : i32 to index
          %parallel_loop3A_449 = arith.constant 48 : index
          %parallel_loop3A_450 = tpu.vector_load %arg10[%parallel_loop3A_448, %parallel_loop3A_449] {strides = array<i32>} : memref<64x128xf32, #tpu.memory_space<vmem>>, vector<16xf32>,
          %parallel_loop3A_451 = arith.addf %parallel_loop3A_447, %parallel_loop3A_443 : vector<16xf32>
          %parallel_loop3A_452 = arith.constant 0.000000e+00 : f32
          %parallel_loop3A_453 = vector.broadcast %parallel_loop3A_452 : f32 to vector<16xf32>
          %parallel_loop3A_454 = arith.maximumf %parallel_loop3A_451, %parallel_loop3A_453 : vector<16xf32>
          %parallel_loop3A_455 = arith.index_cast %parallel_loop3A_412 : i32 to index
          %parallel_loop3A_456 = arith.constant 32 : index
          %parallel_loop3A_457 = tpu.vector_load %arg10[%parallel_loop3A_455, %parallel_loop3A_456] {strides = array<i32>} : memref<64x128xf32, #tpu.memory_space<vmem>>, vector<16xf32>,
          tpu.vector_store %arg10[%parallel_loop3A_455, %parallel_loop3A_456], %parallel_loop3A_454 {strides = array<i32>} : memref<64x128xf32, #tpu.memory_space<vmem>>, vector<16xf32>,
          %parallel_loop3A_458 = arith.addf %parallel_loop3A_450, %parallel_loop3A_444 : vector<16xf32>
          %parallel_loop3A_459 = arith.constant 0.000000e+00 : f32
          %parallel_loop3A_460 = vector.broadcast %parallel_loop3A_459 : f32 to vector<16xf32>
          %parallel_loop3A_461 = arith.maximumf %parallel_loop3A_458, %parallel_loop3A_460 : vector<16xf32>
          %parallel_loop3A_462 = arith.index_cast %parallel_loop3A_412 : i32 to index
          %parallel_loop3A_463 = arith.constant 48 : index
          %parallel_loop3A_464 = tpu.vector_load %arg10[%parallel_loop3A_462, %parallel_loop3A_463] {strides = array<i32>} : memref<64x128xf32, #tpu.memory_space<vmem>>, vector<16xf32>,
          tpu.vector_store %arg10[%parallel_loop3A_462, %parallel_loop3A_463], %parallel_loop3A_461 {strides = array<i32>} : memref<64x128xf32, #tpu.memory_space<vmem>>, vector<16xf32>,
          %parallel_loop3A_465 = arith.index_cast %parallel_loop3A_192 : i32 to index
          %parallel_loop3A_466 = arith.constant 160 : index
          %parallel_loop3A_467 = tpu.vector_load %arg13[%parallel_loop3A_465, %parallel_loop3A_466] {strides = array<i32>} : memref<8x512xi32, #tpu.memory_space<vmem>>, vector<16xi32>,
          %parallel_loop3A_468 = vector.bitcast %parallel_loop3A_467 : vector<16xi32> to vector<32xbf16>
          %parallel_loop3A_469 = tpu.unpack_subelements %parallel_loop3A_468, 0 {pack_format = #tpu.pack_format<interleaved>} : vector<32xbf16> -> vector<16xf32>
          %parallel_loop3A_470 = tpu.unpack_subelements %parallel_loop3A_468, 1 {pack_format = #tpu.pack_format<interleaved>} : vector<32xbf16> -> vector<16xf32>
          %parallel_loop3A_471 = arith.index_cast %parallel_loop3A_412 : i32 to index
          %parallel_loop3A_472 = arith.constant 64 : index
          %parallel_loop3A_473 = tpu.vector_load %arg10[%parallel_loop3A_471, %parallel_loop3A_472] {strides = array<i32>} : memref<64x128xf32, #tpu.memory_space<vmem>>, vector<16xf32>,
          %parallel_loop3A_474 = arith.index_cast %parallel_loop3A_412 : i32 to index
          %parallel_loop3A_475 = arith.constant 80 : index
          %parallel_loop3A_476 = tpu.vector_load %arg10[%parallel_loop3A_474, %parallel_loop3A_475] {strides = array<i32>} : memref<64x128xf32, #tpu.memory_space<vmem>>, vector<16xf32>,
          %parallel_loop3A_477 = arith.addf %parallel_loop3A_473, %parallel_loop3A_469 : vector<16xf32>
          %parallel_loop3A_478 = arith.constant 0.000000e+00 : f32
          %parallel_loop3A_479 = vector.broadcast %parallel_loop3A_478 : f32 to vector<16xf32>
          %parallel_loop3A_480 = arith.maximumf %parallel_loop3A_477, %parallel_loop3A_479 : vector<16xf32>
          %parallel_loop3A_481 = arith.index_cast %parallel_loop3A_412 : i32 to index
          %parallel_loop3A_482 = arith.constant 64 : index
          %parallel_loop3A_483 = tpu.vector_load %arg10[%parallel_loop3A_481, %parallel_loop3A_482] {strides = array<i32>} : memref<64x128xf32, #tpu.memory_space<vmem>>, vector<16xf32>,
          tpu.vector_store %arg10[%parallel_loop3A_481, %parallel_loop3A_482], %parallel_loop3A_480 {strides = array<i32>} : memref<64x128xf32, #tpu.memory_space<vmem>>, vector<16xf32>,
          %parallel_loop3A_484 = arith.addf %parallel_loop3A_476, %parallel_loop3A_470 : vector<16xf32>
          %parallel_loop3A_485 = arith.constant 0.000000e+00 : f32
          %parallel_loop3A_486 = vector.broadcast %parallel_loop3A_485 : f32 to vector<16xf32>
          %parallel_loop3A_487 = arith.maximumf %parallel_loop3A_484, %parallel_loop3A_486 : vector<16xf32>
          %parallel_loop3A_488 = arith.index_cast %parallel_loop3A_412 : i32 to index
          %parallel_loop3A_489 = arith.constant 80 : index
          %parallel_loop3A_490 = tpu.vector_load %arg10[%parallel_loop3A_488, %parallel_loop3A_489] {strides = array<i32>} : memref<64x128xf32, #tpu.memory_space<vmem>>, vector<16xf32>,
          tpu.vector_store %arg10[%parallel_loop3A_488, %parallel_loop3A_489], %parallel_loop3A_487 {strides = array<i32>} : memref<64x128xf32, #tpu.memory_space<vmem>>, vector<16xf32>,
          %parallel_loop3A_491 = arith.index_cast %parallel_loop3A_192 : i32 to index
          %parallel_loop3A_492 = arith.constant 176 : index
          %parallel_loop3A_493 = tpu.vector_load %arg13[%parallel_loop3A_491, %parallel_loop3A_492] {strides = array<i32>} : memref<8x512xi32, #tpu.memory_space<vmem>>, vector<16xi32>,
          %parallel_loop3A_494 = vector.bitcast %parallel_loop3A_493 : vector<16xi32> to vector<32xbf16>
          %parallel_loop3A_495 = tpu.unpack_subelements %parallel_loop3A_494, 0 {pack_format = #tpu.pack_format<interleaved>} : vector<32xbf16> -> vector<16xf32>
          %parallel_loop3A_496 = tpu.unpack_subelements %parallel_loop3A_494, 1 {pack_format = #tpu.pack_format<interleaved>} : vector<32xbf16> -> vector<16xf32>
          %parallel_loop3A_497 = arith.index_cast %parallel_loop3A_412 : i32 to index
          %parallel_loop3A_498 = arith.constant 96 : index
          %parallel_loop3A_499 = tpu.vector_load %arg10[%parallel_loop3A_497, %parallel_loop3A_498] {strides = array<i32>} : memref<64x128xf32, #tpu.memory_space<vmem>>, vector<16xf32>,
          %parallel_loop3A_500 = arith.index_cast %parallel_loop3A_412 : i32 to index
          %parallel_loop3A_501 = arith.constant 112 : index
          %parallel_loop3A_502 = tpu.vector_load %arg10[%parallel_loop3A_500, %parallel_loop3A_501] {strides = array<i32>} : memref<64x128xf32, #tpu.memory_space<vmem>>, vector<16xf32>,
          %parallel_loop3A_503 = arith.addf %parallel_loop3A_499, %parallel_loop3A_495 : vector<16xf32>
          %parallel_loop3A_504 = arith.constant 0.000000e+00 : f32
          %parallel_loop3A_505 = vector.broadcast %parallel_loop3A_504 : f32 to vector<16xf32>
          %parallel_loop3A_506 = arith.maximumf %parallel_loop3A_503, %parallel_loop3A_505 : vector<16xf32>
          %parallel_loop3A_507 = arith.index_cast %parallel_loop3A_412 : i32 to index
          %parallel_loop3A_508 = arith.constant 96 : index
          %parallel_loop3A_509 = tpu.vector_load %arg10[%parallel_loop3A_507, %parallel_loop3A_508] {strides = array<i32>} : memref<64x128xf32, #tpu.memory_space<vmem>>, vector<16xf32>,
          tpu.vector_store %arg10[%parallel_loop3A_507, %parallel_loop3A_508], %parallel_loop3A_506 {strides = array<i32>} : memref<64x128xf32, #tpu.memory_space<vmem>>, vector<16xf32>,
          %parallel_loop3A_510 = arith.addf %parallel_loop3A_502, %parallel_loop3A_496 : vector<16xf32>
          %parallel_loop3A_511 = arith.constant 0.000000e+00 : f32
          %parallel_loop3A_512 = vector.broadcast %parallel_loop3A_511 : f32 to vector<16xf32>
          %parallel_loop3A_513 = arith.maximumf %parallel_loop3A_510, %parallel_loop3A_512 : vector<16xf32>
          %parallel_loop3A_514 = arith.index_cast %parallel_loop3A_412 : i32 to index
          %parallel_loop3A_515 = arith.constant 112 : index
          %parallel_loop3A_516 = tpu.vector_load %arg10[%parallel_loop3A_514, %parallel_loop3A_515] {strides = array<i32>} : memref<64x128xf32, #tpu.memory_space<vmem>>, vector<16xf32>,
          tpu.vector_store %arg10[%parallel_loop3A_514, %parallel_loop3A_515], %parallel_loop3A_513 {strides = array<i32>} : memref<64x128xf32, #tpu.memory_space<vmem>>, vector<16xf32>,
          %parallel_loop3A_517 = arith.constant 8 : i32
          %parallel_loop3A_518 = arith.muli %parallel_loop3A_192, %parallel_loop3A_517 : i32
          %parallel_loop3A_519 = arith.constant 3 : i32
          %parallel_loop3A_520 = arith.addi %parallel_loop3A_518, %parallel_loop3A_519 : i32
          %parallel_loop3A_521 = arith.index_cast %parallel_loop3A_192 : i32 to index
          %parallel_loop3A_522 = arith.constant 192 : index
          %parallel_loop3A_523 = tpu.vector_load %arg13[%parallel_loop3A_521, %parallel_loop3A_522] {strides = array<i32>} : memref<8x512xi32, #tpu.memory_space<vmem>>, vector<16xi32>,
          %parallel_loop3A_524 = vector.bitcast %parallel_loop3A_523 : vector<16xi32> to vector<32xbf16>
          %parallel_loop3A_525 = tpu.unpack_subelements %parallel_loop3A_524, 0 {pack_format = #tpu.pack_format<interleaved>} : vector<32xbf16> -> vector<16xf32>
          %parallel_loop3A_526 = tpu.unpack_subelements %parallel_loop3A_524, 1 {pack_format = #tpu.pack_format<interleaved>} : vector<32xbf16> -> vector<16xf32>
          %parallel_loop3A_527 = arith.index_cast %parallel_loop3A_520 : i32 to index
          %parallel_loop3A_528 = arith.constant 0 : index
          %parallel_loop3A_529 = tpu.vector_load %arg10[%parallel_loop3A_527, %parallel_loop3A_528] {strides = array<i32>} : memref<64x128xf32, #tpu.memory_space<vmem>>, vector<16xf32>,
          %parallel_loop3A_530 = arith.index_cast %parallel_loop3A_520 : i32 to index
          %parallel_loop3A_531 = arith.constant 16 : index
          %parallel_loop3A_532 = tpu.vector_load %arg10[%parallel_loop3A_530, %parallel_loop3A_531] {strides = array<i32>} : memref<64x128xf32, #tpu.memory_space<vmem>>, vector<16xf32>,
          %parallel_loop3A_533 = arith.addf %parallel_loop3A_529, %parallel_loop3A_525 : vector<16xf32>
          %parallel_loop3A_534 = arith.constant 0.000000e+00 : f32
          %parallel_loop3A_535 = vector.broadcast %parallel_loop3A_534 : f32 to vector<16xf32>
          %parallel_loop3A_536 = arith.maximumf %parallel_loop3A_533, %parallel_loop3A_535 : vector<16xf32>
          %parallel_loop3A_537 = arith.index_cast %parallel_loop3A_520 : i32 to index
          %parallel_loop3A_538 = arith.constant 0 : index
          %parallel_loop3A_539 = tpu.vector_load %arg10[%parallel_loop3A_537, %parallel_loop3A_538] {strides = array<i32>} : memref<64x128xf32, #tpu.memory_space<vmem>>, vector<16xf32>,
          tpu.vector_store %arg10[%parallel_loop3A_537, %parallel_loop3A_538], %parallel_loop3A_536 {strides = array<i32>} : memref<64x128xf32, #tpu.memory_space<vmem>>, vector<16xf32>,
          %parallel_loop3A_540 = arith.addf %parallel_loop3A_532, %parallel_loop3A_526 : vector<16xf32>
          %parallel_loop3A_541 = arith.constant 0.000000e+00 : f32
          %parallel_loop3A_542 = vector.broadcast %parallel_loop3A_541 : f32 to vector<16xf32>
          %parallel_loop3A_543 = arith.maximumf %parallel_loop3A_540, %parallel_loop3A_542 : vector<16xf32>
          %parallel_loop3A_544 = arith.index_cast %parallel_loop3A_520 : i32 to index
          %parallel_loop3A_545 = arith.constant 16 : index
          %parallel_loop3A_546 = tpu.vector_load %arg10[%parallel_loop3A_544, %parallel_loop3A_545] {strides = array<i32>} : memref<64x128xf32, #tpu.memory_space<vmem>>, vector<16xf32>,
          tpu.vector_store %arg10[%parallel_loop3A_544, %parallel_loop3A_545], %parallel_loop3A_543 {strides = array<i32>} : memref<64x128xf32, #tpu.memory_space<vmem>>, vector<16xf32>,
          %parallel_loop3A_547 = arith.index_cast %parallel_loop3A_192 : i32 to index
          %parallel_loop3A_548 = arith.constant 208 : index
          %parallel_loop3A_549 = tpu.vector_load %arg13[%parallel_loop3A_547, %parallel_loop3A_548] {strides = array<i32>} : memref<8x512xi32, #tpu.memory_space<vmem>>, vector<16xi32>,
          %parallel_loop3A_550 = vector.bitcast %parallel_loop3A_549 : vector<16xi32> to vector<32xbf16>
          %parallel_loop3A_551 = tpu.unpack_subelements %parallel_loop3A_550, 0 {pack_format = #tpu.pack_format<interleaved>} : vector<32xbf16> -> vector<16xf32>
          %parallel_loop3A_552 = tpu.unpack_subelements %parallel_loop3A_550, 1 {pack_format = #tpu.pack_format<interleaved>} : vector<32xbf16> -> vector<16xf32>
          %parallel_loop3A_553 = arith.index_cast %parallel_loop3A_520 : i32 to index
          %parallel_loop3A_554 = arith.constant 32 : index
          %parallel_loop3A_555 = tpu.vector_load %arg10[%parallel_loop3A_553, %parallel_loop3A_554] {strides = array<i32>} : memref<64x128xf32, #tpu.memory_space<vmem>>, vector<16xf32>,
          %parallel_loop3A_556 = arith.index_cast %parallel_loop3A_520 : i32 to index
          %parallel_loop3A_557 = arith.constant 48 : index
          %parallel_loop3A_558 = tpu.vector_load %arg10[%parallel_loop3A_556, %parallel_loop3A_557] {strides = array<i32>} : memref<64x128xf32, #tpu.memory_space<vmem>>, vector<16xf32>,
          %parallel_loop3A_559 = arith.addf %parallel_loop3A_555, %parallel_loop3A_551 : vector<16xf32>
          %parallel_loop3A_560 = arith.constant 0.000000e+00 : f32
          %parallel_loop3A_561 = vector.broadcast %parallel_loop3A_560 : f32 to vector<16xf32>
          %parallel_loop3A_562 = arith.maximumf %parallel_loop3A_559, %parallel_loop3A_561 : vector<16xf32>
          %parallel_loop3A_563 = arith.index_cast %parallel_loop3A_520 : i32 to index
          %parallel_loop3A_564 = arith.constant 32 : index
          %parallel_loop3A_565 = tpu.vector_load %arg10[%parallel_loop3A_563, %parallel_loop3A_564] {strides = array<i32>} : memref<64x128xf32, #tpu.memory_space<vmem>>, vector<16xf32>,
          tpu.vector_store %arg10[%parallel_loop3A_563, %parallel_loop3A_564], %parallel_loop3A_562 {strides = array<i32>} : memref<64x128xf32, #tpu.memory_space<vmem>>, vector<16xf32>,
          %parallel_loop3A_566 = arith.addf %parallel_loop3A_558, %parallel_loop3A_552 : vector<16xf32>
          %parallel_loop3A_567 = arith.constant 0.000000e+00 : f32
          %parallel_loop3A_568 = vector.broadcast %parallel_loop3A_567 : f32 to vector<16xf32>
          %parallel_loop3A_569 = arith.maximumf %parallel_loop3A_566, %parallel_loop3A_568 : vector<16xf32>
          %parallel_loop3A_570 = arith.index_cast %parallel_loop3A_520 : i32 to index
          %parallel_loop3A_571 = arith.constant 48 : index
          %parallel_loop3A_572 = tpu.vector_load %arg10[%parallel_loop3A_570, %parallel_loop3A_571] {strides = array<i32>} : memref<64x128xf32, #tpu.memory_space<vmem>>, vector<16xf32>,
          tpu.vector_store %arg10[%parallel_loop3A_570, %parallel_loop3A_571], %parallel_loop3A_569 {strides = array<i32>} : memref<64x128xf32, #tpu.memory_space<vmem>>, vector<16xf32>,
          %parallel_loop3A_573 = arith.index_cast %parallel_loop3A_192 : i32 to index
          %parallel_loop3A_574 = arith.constant 224 : index
          %parallel_loop3A_575 = tpu.vector_load %arg13[%parallel_loop3A_573, %parallel_loop3A_574] {strides = array<i32>} : memref<8x512xi32, #tpu.memory_space<vmem>>, vector<16xi32>,
          %parallel_loop3A_576 = vector.bitcast %parallel_loop3A_575 : vector<16xi32> to vector<32xbf16>
          %parallel_loop3A_577 = tpu.unpack_subelements %parallel_loop3A_576, 0 {pack_format = #tpu.pack_format<interleaved>} : vector<32xbf16> -> vector<16xf32>
          %parallel_loop3A_578 = tpu.unpack_subelements %parallel_loop3A_576, 1 {pack_format = #tpu.pack_format<interleaved>} : vector<32xbf16> -> vector<16xf32>
          %parallel_loop3A_579 = arith.index_cast %parallel_loop3A_520 : i32 to index
          %parallel_loop3A_580 = arith.constant 64 : index
          %parallel_loop3A_581 = tpu.vector_load %arg10[%parallel_loop3A_579, %parallel_loop3A_580] {strides = array<i32>} : memref<64x128xf32, #tpu.memory_space<vmem>>, vector<16xf32>,
          %parallel_loop3A_582 = arith.index_cast %parallel_loop3A_520 : i32 to index
          %parallel_loop3A_583 = arith.constant 80 : index
          %parallel_loop3A_584 = tpu.vector_load %arg10[%parallel_loop3A_582, %parallel_loop3A_583] {strides = array<i32>} : memref<64x128xf32, #tpu.memory_space<vmem>>, vector<16xf32>,
          %parallel_loop3A_585 = arith.addf %parallel_loop3A_581, %parallel_loop3A_577 : vector<16xf32>
          %parallel_loop3A_586 = arith.constant 0.000000e+00 : f32
          %parallel_loop3A_587 = vector.broadcast %parallel_loop3A_586 : f32 to vector<16xf32>
          %parallel_loop3A_588 = arith.maximumf %parallel_loop3A_585, %parallel_loop3A_587 : vector<16xf32>
          %parallel_loop3A_589 = arith.index_cast %parallel_loop3A_520 : i32 to index
          %parallel_loop3A_590 = arith.constant 64 : index
          %parallel_loop3A_591 = tpu.vector_load %arg10[%parallel_loop3A_589, %parallel_loop3A_590] {strides = array<i32>} : memref<64x128xf32, #tpu.memory_space<vmem>>, vector<16xf32>,
          tpu.vector_store %arg10[%parallel_loop3A_589, %parallel_loop3A_590], %parallel_loop3A_588 {strides = array<i32>} : memref<64x128xf32, #tpu.memory_space<vmem>>, vector<16xf32>,
          %parallel_loop3A_592 = arith.addf %parallel_loop3A_584, %parallel_loop3A_578 : vector<16xf32>
          %parallel_loop3A_593 = arith.constant 0.000000e+00 : f32
          %parallel_loop3A_594 = vector.broadcast %parallel_loop3A_593 : f32 to vector<16xf32>
          %parallel_loop3A_595 = arith.maximumf %parallel_loop3A_592, %parallel_loop3A_594 : vector<16xf32>
          %parallel_loop3A_596 = arith.index_cast %parallel_loop3A_520 : i32 to index
          %parallel_loop3A_597 = arith.constant 80 : index
          %parallel_loop3A_598 = tpu.vector_load %arg10[%parallel_loop3A_596, %parallel_loop3A_597] {strides = array<i32>} : memref<64x128xf32, #tpu.memory_space<vmem>>, vector<16xf32>,
          tpu.vector_store %arg10[%parallel_loop3A_596, %parallel_loop3A_597], %parallel_loop3A_595 {strides = array<i32>} : memref<64x128xf32, #tpu.memory_space<vmem>>, vector<16xf32>,
          %parallel_loop3A_599 = arith.index_cast %parallel_loop3A_192 : i32 to index
          %parallel_loop3A_600 = arith.constant 240 : index
          %parallel_loop3A_601 = tpu.vector_load %arg13[%parallel_loop3A_599, %parallel_loop3A_600] {strides = array<i32>} : memref<8x512xi32, #tpu.memory_space<vmem>>, vector<16xi32>,
          %parallel_loop3A_602 = vector.bitcast %parallel_loop3A_601 : vector<16xi32> to vector<32xbf16>
          %parallel_loop3A_603 = tpu.unpack_subelements %parallel_loop3A_602, 0 {pack_format = #tpu.pack_format<interleaved>} : vector<32xbf16> -> vector<16xf32>
          %parallel_loop3A_604 = tpu.unpack_subelements %parallel_loop3A_602, 1 {pack_format = #tpu.pack_format<interleaved>} : vector<32xbf16> -> vector<16xf32>
          %parallel_loop3A_605 = arith.index_cast %parallel_loop3A_520 : i32 to index
          %parallel_loop3A_606 = arith.constant 96 : index
          %parallel_loop3A_607 = tpu.vector_load %arg10[%parallel_loop3A_605, %parallel_loop3A_606] {strides = array<i32>} : memref<64x128xf32, #tpu.memory_space<vmem>>, vector<16xf32>,
          %parallel_loop3A_608 = arith.index_cast %parallel_loop3A_520 : i32 to index
          %parallel_loop3A_609 = arith.constant 112 : index
          %parallel_loop3A_610 = tpu.vector_load %arg10[%parallel_loop3A_608, %parallel_loop3A_609] {strides = array<i32>} : memref<64x128xf32, #tpu.memory_space<vmem>>, vector<16xf32>,
          %parallel_loop3A_611 = arith.addf %parallel_loop3A_607, %parallel_loop3A_603 : vector<16xf32>
          %parallel_loop3A_612 = arith.constant 0.000000e+00 : f32
          %parallel_loop3A_613 = vector.broadcast %parallel_loop3A_612 : f32 to vector<16xf32>
          %parallel_loop3A_614 = arith.maximumf %parallel_loop3A_611, %parallel_loop3A_613 : vector<16xf32>
          %parallel_loop3A_615 = arith.index_cast %parallel_loop3A_520 : i32 to index
          %parallel_loop3A_616 = arith.constant 96 : index
          %parallel_loop3A_617 = tpu.vector_load %arg10[%parallel_loop3A_615, %parallel_loop3A_616] {strides = array<i32>} : memref<64x128xf32, #tpu.memory_space<vmem>>, vector<16xf32>,
          tpu.vector_store %arg10[%parallel_loop3A_615, %parallel_loop3A_616], %parallel_loop3A_614 {strides = array<i32>} : memref<64x128xf32, #tpu.memory_space<vmem>>, vector<16xf32>,
          %parallel_loop3A_618 = arith.addf %parallel_loop3A_610, %parallel_loop3A_604 : vector<16xf32>
          %parallel_loop3A_619 = arith.constant 0.000000e+00 : f32
          %parallel_loop3A_620 = vector.broadcast %parallel_loop3A_619 : f32 to vector<16xf32>
          %parallel_loop3A_621 = arith.maximumf %parallel_loop3A_618, %parallel_loop3A_620 : vector<16xf32>
          %parallel_loop3A_622 = arith.index_cast %parallel_loop3A_520 : i32 to index
          %parallel_loop3A_623 = arith.constant 112 : index
          %parallel_loop3A_624 = tpu.vector_load %arg10[%parallel_loop3A_622, %parallel_loop3A_623] {strides = array<i32>} : memref<64x128xf32, #tpu.memory_space<vmem>>, vector<16xf32>,
          tpu.vector_store %arg10[%parallel_loop3A_622, %parallel_loop3A_623], %parallel_loop3A_621 {strides = array<i32>} : memref<64x128xf32, #tpu.memory_space<vmem>>, vector<16xf32>,
          %parallel_loop3A_625 = arith.constant 8 : i32
          %parallel_loop3A_626 = arith.muli %parallel_loop3A_192, %parallel_loop3A_625 : i32
          %parallel_loop3A_627 = arith.constant 4 : i32
          %parallel_loop3A_628 = arith.addi %parallel_loop3A_626, %parallel_loop3A_627 : i32
          %parallel_loop3A_629 = arith.index_cast %parallel_loop3A_192 : i32 to index
          %parallel_loop3A_630 = arith.constant 256 : index
          %parallel_loop3A_631 = tpu.vector_load %arg13[%parallel_loop3A_629, %parallel_loop3A_630] {strides = array<i32>} : memref<8x512xi32, #tpu.memory_space<vmem>>, vector<16xi32>,
          %parallel_loop3A_632 = vector.bitcast %parallel_loop3A_631 : vector<16xi32> to vector<32xbf16>
          %parallel_loop3A_633 = tpu.unpack_subelements %parallel_loop3A_632, 0 {pack_format = #tpu.pack_format<interleaved>} : vector<32xbf16> -> vector<16xf32>
          %parallel_loop3A_634 = tpu.unpack_subelements %parallel_loop3A_632, 1 {pack_format = #tpu.pack_format<interleaved>} : vector<32xbf16> -> vector<16xf32>
          %parallel_loop3A_635 = arith.index_cast %parallel_loop3A_628 : i32 to index
          %parallel_loop3A_636 = arith.constant 0 : index
          %parallel_loop3A_637 = tpu.vector_load %arg10[%parallel_loop3A_635, %parallel_loop3A_636] {strides = array<i32>} : memref<64x128xf32, #tpu.memory_space<vmem>>, vector<16xf32>,
          %parallel_loop3A_638 = arith.index_cast %parallel_loop3A_628 : i32 to index
          %parallel_loop3A_639 = arith.constant 16 : index
          %parallel_loop3A_640 = tpu.vector_load %arg10[%parallel_loop3A_638, %parallel_loop3A_639] {strides = array<i32>} : memref<64x128xf32, #tpu.memory_space<vmem>>, vector<16xf32>,
          %parallel_loop3A_641 = arith.addf %parallel_loop3A_637, %parallel_loop3A_633 : vector<16xf32>
          %parallel_loop3A_642 = arith.constant 0.000000e+00 : f32
          %parallel_loop3A_643 = vector.broadcast %parallel_loop3A_642 : f32 to vector<16xf32>
          %parallel_loop3A_644 = arith.maximumf %parallel_loop3A_641, %parallel_loop3A_643 : vector<16xf32>
          %parallel_loop3A_645 = arith.index_cast %parallel_loop3A_628 : i32 to index
          %parallel_loop3A_646 = arith.constant 0 : index
          %parallel_loop3A_647 = tpu.vector_load %arg10[%parallel_loop3A_645, %parallel_loop3A_646] {strides = array<i32>} : memref<64x128xf32, #tpu.memory_space<vmem>>, vector<16xf32>,
          tpu.vector_store %arg10[%parallel_loop3A_645, %parallel_loop3A_646], %parallel_loop3A_644 {strides = array<i32>} : memref<64x128xf32, #tpu.memory_space<vmem>>, vector<16xf32>,
          %parallel_loop3A_648 = arith.addf %parallel_loop3A_640, %parallel_loop3A_634 : vector<16xf32>
          %parallel_loop3A_649 = arith.constant 0.000000e+00 : f32
          %parallel_loop3A_650 = vector.broadcast %parallel_loop3A_649 : f32 to vector<16xf32>
          %parallel_loop3A_651 = arith.maximumf %parallel_loop3A_648, %parallel_loop3A_650 : vector<16xf32>
          %parallel_loop3A_652 = arith.index_cast %parallel_loop3A_628 : i32 to index
          %parallel_loop3A_653 = arith.constant 16 : index
          %parallel_loop3A_654 = tpu.vector_load %arg10[%parallel_loop3A_652, %parallel_loop3A_653] {strides = array<i32>} : memref<64x128xf32, #tpu.memory_space<vmem>>, vector<16xf32>,
          tpu.vector_store %arg10[%parallel_loop3A_652, %parallel_loop3A_653], %parallel_loop3A_651 {strides = array<i32>} : memref<64x128xf32, #tpu.memory_space<vmem>>, vector<16xf32>,
          %parallel_loop3A_655 = arith.index_cast %parallel_loop3A_192 : i32 to index
          %parallel_loop3A_656 = arith.constant 272 : index
          %parallel_loop3A_657 = tpu.vector_load %arg13[%parallel_loop3A_655, %parallel_loop3A_656] {strides = array<i32>} : memref<8x512xi32, #tpu.memory_space<vmem>>, vector<16xi32>,
          %parallel_loop3A_658 = vector.bitcast %parallel_loop3A_657 : vector<16xi32> to vector<32xbf16>
          %parallel_loop3A_659 = tpu.unpack_subelements %parallel_loop3A_658, 0 {pack_format = #tpu.pack_format<interleaved>} : vector<32xbf16> -> vector<16xf32>
          %parallel_loop3A_660 = tpu.unpack_subelements %parallel_loop3A_658, 1 {pack_format = #tpu.pack_format<interleaved>} : vector<32xbf16> -> vector<16xf32>
          %parallel_loop3A_661 = arith.index_cast %parallel_loop3A_628 : i32 to index
          %parallel_loop3A_662 = arith.constant 32 : index
          %parallel_loop3A_663 = tpu.vector_load %arg10[%parallel_loop3A_661, %parallel_loop3A_662] {strides = array<i32>} : memref<64x128xf32, #tpu.memory_space<vmem>>, vector<16xf32>,
          %parallel_loop3A_664 = arith.index_cast %parallel_loop3A_628 : i32 to index
          %parallel_loop3A_665 = arith.constant 48 : index
          %parallel_loop3A_666 = tpu.vector_load %arg10[%parallel_loop3A_664, %parallel_loop3A_665] {strides = array<i32>} : memref<64x128xf32, #tpu.memory_space<vmem>>, vector<16xf32>,
          %parallel_loop3A_667 = arith.addf %parallel_loop3A_663, %parallel_loop3A_659 : vector<16xf32>
          %parallel_loop3A_668 = arith.constant 0.000000e+00 : f32
          %parallel_loop3A_669 = vector.broadcast %parallel_loop3A_668 : f32 to vector<16xf32>
          %parallel_loop3A_670 = arith.maximumf %parallel_loop3A_667, %parallel_loop3A_669 : vector<16xf32>
          %parallel_loop3A_671 = arith.index_cast %parallel_loop3A_628 : i32 to index
          %parallel_loop3A_672 = arith.constant 32 : index
          %parallel_loop3A_673 = tpu.vector_load %arg10[%parallel_loop3A_671, %parallel_loop3A_672] {strides = array<i32>} : memref<64x128xf32, #tpu.memory_space<vmem>>, vector<16xf32>,
          tpu.vector_store %arg10[%parallel_loop3A_671, %parallel_loop3A_672], %parallel_loop3A_670 {strides = array<i32>} : memref<64x128xf32, #tpu.memory_space<vmem>>, vector<16xf32>,
          %parallel_loop3A_674 = arith.addf %parallel_loop3A_666, %parallel_loop3A_660 : vector<16xf32>
          %parallel_loop3A_675 = arith.constant 0.000000e+00 : f32
          %parallel_loop3A_676 = vector.broadcast %parallel_loop3A_675 : f32 to vector<16xf32>
          %parallel_loop3A_677 = arith.maximumf %parallel_loop3A_674, %parallel_loop3A_676 : vector<16xf32>
          %parallel_loop3A_678 = arith.index_cast %parallel_loop3A_628 : i32 to index
          %parallel_loop3A_679 = arith.constant 48 : index
          %parallel_loop3A_680 = tpu.vector_load %arg10[%parallel_loop3A_678, %parallel_loop3A_679] {strides = array<i32>} : memref<64x128xf32, #tpu.memory_space<vmem>>, vector<16xf32>,
          tpu.vector_store %arg10[%parallel_loop3A_678, %parallel_loop3A_679], %parallel_loop3A_677 {strides = array<i32>} : memref<64x128xf32, #tpu.memory_space<vmem>>, vector<16xf32>,
          %parallel_loop3A_681 = arith.index_cast %parallel_loop3A_192 : i32 to index
          %parallel_loop3A_682 = arith.constant 288 : index
          %parallel_loop3A_683 = tpu.vector_load %arg13[%parallel_loop3A_681, %parallel_loop3A_682] {strides = array<i32>} : memref<8x512xi32, #tpu.memory_space<vmem>>, vector<16xi32>,
          %parallel_loop3A_684 = vector.bitcast %parallel_loop3A_683 : vector<16xi32> to vector<32xbf16>
          %parallel_loop3A_685 = tpu.unpack_subelements %parallel_loop3A_684, 0 {pack_format = #tpu.pack_format<interleaved>} : vector<32xbf16> -> vector<16xf32>
          %parallel_loop3A_686 = tpu.unpack_subelements %parallel_loop3A_684, 1 {pack_format = #tpu.pack_format<interleaved>} : vector<32xbf16> -> vector<16xf32>
          %parallel_loop3A_687 = arith.index_cast %parallel_loop3A_628 : i32 to index
          %parallel_loop3A_688 = arith.constant 64 : index
          %parallel_loop3A_689 = tpu.vector_load %arg10[%parallel_loop3A_687, %parallel_loop3A_688] {strides = array<i32>} : memref<64x128xf32, #tpu.memory_space<vmem>>, vector<16xf32>,
          %parallel_loop3A_690 = arith.index_cast %parallel_loop3A_628 : i32 to index
          %parallel_loop3A_691 = arith.constant 80 : index
          %parallel_loop3A_692 = tpu.vector_load %arg10[%parallel_loop3A_690, %parallel_loop3A_691] {strides = array<i32>} : memref<64x128xf32, #tpu.memory_space<vmem>>, vector<16xf32>,
          %parallel_loop3A_693 = arith.addf %parallel_loop3A_689, %parallel_loop3A_685 : vector<16xf32>
          %parallel_loop3A_694 = arith.constant 0.000000e+00 : f32
          %parallel_loop3A_695 = vector.broadcast %parallel_loop3A_694 : f32 to vector<16xf32>
          %parallel_loop3A_696 = arith.maximumf %parallel_loop3A_693, %parallel_loop3A_695 : vector<16xf32>
          %parallel_loop3A_697 = arith.index_cast %parallel_loop3A_628 : i32 to index
          %parallel_loop3A_698 = arith.constant 64 : index
          %parallel_loop3A_699 = tpu.vector_load %arg10[%parallel_loop3A_697, %parallel_loop3A_698] {strides = array<i32>} : memref<64x128xf32, #tpu.memory_space<vmem>>, vector<16xf32>,
          tpu.vector_store %arg10[%parallel_loop3A_697, %parallel_loop3A_698], %parallel_loop3A_696 {strides = array<i32>} : memref<64x128xf32, #tpu.memory_space<vmem>>, vector<16xf32>,
          %parallel_loop3A_700 = arith.addf %parallel_loop3A_692, %parallel_loop3A_686 : vector<16xf32>
          %parallel_loop3A_701 = arith.constant 0.000000e+00 : f32
          %parallel_loop3A_702 = vector.broadcast %parallel_loop3A_701 : f32 to vector<16xf32>
          %parallel_loop3A_703 = arith.maximumf %parallel_loop3A_700, %parallel_loop3A_702 : vector<16xf32>
          %parallel_loop3A_704 = arith.index_cast %parallel_loop3A_628 : i32 to index
          %parallel_loop3A_705 = arith.constant 80 : index
          %parallel_loop3A_706 = tpu.vector_load %arg10[%parallel_loop3A_704, %parallel_loop3A_705] {strides = array<i32>} : memref<64x128xf32, #tpu.memory_space<vmem>>, vector<16xf32>,
          tpu.vector_store %arg10[%parallel_loop3A_704, %parallel_loop3A_705], %parallel_loop3A_703 {strides = array<i32>} : memref<64x128xf32, #tpu.memory_space<vmem>>, vector<16xf32>,
          %parallel_loop3A_707 = arith.index_cast %parallel_loop3A_192 : i32 to index
          %parallel_loop3A_708 = arith.constant 304 : index
          %parallel_loop3A_709 = tpu.vector_load %arg13[%parallel_loop3A_707, %parallel_loop3A_708] {strides = array<i32>} : memref<8x512xi32, #tpu.memory_space<vmem>>, vector<16xi32>,
          %parallel_loop3A_710 = vector.bitcast %parallel_loop3A_709 : vector<16xi32> to vector<32xbf16>
          %parallel_loop3A_711 = tpu.unpack_subelements %parallel_loop3A_710, 0 {pack_format = #tpu.pack_format<interleaved>} : vector<32xbf16> -> vector<16xf32>
          %parallel_loop3A_712 = tpu.unpack_subelements %parallel_loop3A_710, 1 {pack_format = #tpu.pack_format<interleaved>} : vector<32xbf16> -> vector<16xf32>
          %parallel_loop3A_713 = arith.index_cast %parallel_loop3A_628 : i32 to index
          %parallel_loop3A_714 = arith.constant 96 : index
          %parallel_loop3A_715 = tpu.vector_load %arg10[%parallel_loop3A_713, %parallel_loop3A_714] {strides = array<i32>} : memref<64x128xf32, #tpu.memory_space<vmem>>, vector<16xf32>,
          %parallel_loop3A_716 = arith.index_cast %parallel_loop3A_628 : i32 to index
          %parallel_loop3A_717 = arith.constant 112 : index
          %parallel_loop3A_718 = tpu.vector_load %arg10[%parallel_loop3A_716, %parallel_loop3A_717] {strides = array<i32>} : memref<64x128xf32, #tpu.memory_space<vmem>>, vector<16xf32>,
          %parallel_loop3A_719 = arith.addf %parallel_loop3A_715, %parallel_loop3A_711 : vector<16xf32>
          %parallel_loop3A_720 = arith.constant 0.000000e+00 : f32
          %parallel_loop3A_721 = vector.broadcast %parallel_loop3A_720 : f32 to vector<16xf32>
          %parallel_loop3A_722 = arith.maximumf %parallel_loop3A_719, %parallel_loop3A_721 : vector<16xf32>
          %parallel_loop3A_723 = arith.index_cast %parallel_loop3A_628 : i32 to index
          %parallel_loop3A_724 = arith.constant 96 : index
          %parallel_loop3A_725 = tpu.vector_load %arg10[%parallel_loop3A_723, %parallel_loop3A_724] {strides = array<i32>} : memref<64x128xf32, #tpu.memory_space<vmem>>, vector<16xf32>,
          tpu.vector_store %arg10[%parallel_loop3A_723, %parallel_loop3A_724], %parallel_loop3A_722 {strides = array<i32>} : memref<64x128xf32, #tpu.memory_space<vmem>>, vector<16xf32>,
          %parallel_loop3A_726 = arith.addf %parallel_loop3A_718, %parallel_loop3A_712 : vector<16xf32>
          %parallel_loop3A_727 = arith.constant 0.000000e+00 : f32
          %parallel_loop3A_728 = vector.broadcast %parallel_loop3A_727 : f32 to vector<16xf32>
          %parallel_loop3A_729 = arith.maximumf %parallel_loop3A_726, %parallel_loop3A_728 : vector<16xf32>
          %parallel_loop3A_730 = arith.index_cast %parallel_loop3A_628 : i32 to index
          %parallel_loop3A_731 = arith.constant 112 : index
          %parallel_loop3A_732 = tpu.vector_load %arg10[%parallel_loop3A_730, %parallel_loop3A_731] {strides = array<i32>} : memref<64x128xf32, #tpu.memory_space<vmem>>, vector<16xf32>,
          tpu.vector_store %arg10[%parallel_loop3A_730, %parallel_loop3A_731], %parallel_loop3A_729 {strides = array<i32>} : memref<64x128xf32, #tpu.memory_space<vmem>>, vector<16xf32>,
          %parallel_loop3A_733 = arith.constant 8 : i32
          %parallel_loop3A_734 = arith.muli %parallel_loop3A_192, %parallel_loop3A_733 : i32
          %parallel_loop3A_735 = arith.constant 5 : i32
          %parallel_loop3A_736 = arith.addi %parallel_loop3A_734, %parallel_loop3A_735 : i32
          %parallel_loop3A_737 = arith.index_cast %parallel_loop3A_192 : i32 to index
          %parallel_loop3A_738 = arith.constant 320 : index
          %parallel_loop3A_739 = tpu.vector_load %arg13[%parallel_loop3A_737, %parallel_loop3A_738] {strides = array<i32>} : memref<8x512xi32, #tpu.memory_space<vmem>>, vector<16xi32>,
          %parallel_loop3A_740 = vector.bitcast %parallel_loop3A_739 : vector<16xi32> to vector<32xbf16>
          %parallel_loop3A_741 = tpu.unpack_subelements %parallel_loop3A_740, 0 {pack_format = #tpu.pack_format<interleaved>} : vector<32xbf16> -> vector<16xf32>
          %parallel_loop3A_742 = tpu.unpack_subelements %parallel_loop3A_740, 1 {pack_format = #tpu.pack_format<interleaved>} : vector<32xbf16> -> vector<16xf32>
          %parallel_loop3A_743 = arith.index_cast %parallel_loop3A_736 : i32 to index
          %parallel_loop3A_744 = arith.constant 0 : index
          %parallel_loop3A_745 = tpu.vector_load %arg10[%parallel_loop3A_743, %parallel_loop3A_744] {strides = array<i32>} : memref<64x128xf32, #tpu.memory_space<vmem>>, vector<16xf32>,
          %parallel_loop3A_746 = arith.index_cast %parallel_loop3A_736 : i32 to index
          %parallel_loop3A_747 = arith.constant 16 : index
          %parallel_loop3A_748 = tpu.vector_load %arg10[%parallel_loop3A_746, %parallel_loop3A_747] {strides = array<i32>} : memref<64x128xf32, #tpu.memory_space<vmem>>, vector<16xf32>,
          %parallel_loop3A_749 = arith.addf %parallel_loop3A_745, %parallel_loop3A_741 : vector<16xf32>
          %parallel_loop3A_750 = arith.constant 0.000000e+00 : f32
          %parallel_loop3A_751 = vector.broadcast %parallel_loop3A_750 : f32 to vector<16xf32>
          %parallel_loop3A_752 = arith.maximumf %parallel_loop3A_749, %parallel_loop3A_751 : vector<16xf32>
          %parallel_loop3A_753 = arith.index_cast %parallel_loop3A_736 : i32 to index
          %parallel_loop3A_754 = arith.constant 0 : index
          %parallel_loop3A_755 = tpu.vector_load %arg10[%parallel_loop3A_753, %parallel_loop3A_754] {strides = array<i32>} : memref<64x128xf32, #tpu.memory_space<vmem>>, vector<16xf32>,
          tpu.vector_store %arg10[%parallel_loop3A_753, %parallel_loop3A_754], %parallel_loop3A_752 {strides = array<i32>} : memref<64x128xf32, #tpu.memory_space<vmem>>, vector<16xf32>,
          %parallel_loop3A_756 = arith.addf %parallel_loop3A_748, %parallel_loop3A_742 : vector<16xf32>
          %parallel_loop3A_757 = arith.constant 0.000000e+00 : f32
          %parallel_loop3A_758 = vector.broadcast %parallel_loop3A_757 : f32 to vector<16xf32>
          %parallel_loop3A_759 = arith.maximumf %parallel_loop3A_756, %parallel_loop3A_758 : vector<16xf32>
          %parallel_loop3A_760 = arith.index_cast %parallel_loop3A_736 : i32 to index
          %parallel_loop3A_761 = arith.constant 16 : index
          %parallel_loop3A_762 = tpu.vector_load %arg10[%parallel_loop3A_760, %parallel_loop3A_761] {strides = array<i32>} : memref<64x128xf32, #tpu.memory_space<vmem>>, vector<16xf32>,
          tpu.vector_store %arg10[%parallel_loop3A_760, %parallel_loop3A_761], %parallel_loop3A_759 {strides = array<i32>} : memref<64x128xf32, #tpu.memory_space<vmem>>, vector<16xf32>,
          %parallel_loop3A_763 = arith.index_cast %parallel_loop3A_192 : i32 to index
          %parallel_loop3A_764 = arith.constant 336 : index
          %parallel_loop3A_765 = tpu.vector_load %arg13[%parallel_loop3A_763, %parallel_loop3A_764] {strides = array<i32>} : memref<8x512xi32, #tpu.memory_space<vmem>>, vector<16xi32>,
          %parallel_loop3A_766 = vector.bitcast %parallel_loop3A_765 : vector<16xi32> to vector<32xbf16>
          %parallel_loop3A_767 = tpu.unpack_subelements %parallel_loop3A_766, 0 {pack_format = #tpu.pack_format<interleaved>} : vector<32xbf16> -> vector<16xf32>
          %parallel_loop3A_768 = tpu.unpack_subelements %parallel_loop3A_766, 1 {pack_format = #tpu.pack_format<interleaved>} : vector<32xbf16> -> vector<16xf32>
          %parallel_loop3A_769 = arith.index_cast %parallel_loop3A_736 : i32 to index
          %parallel_loop3A_770 = arith.constant 32 : index
          %parallel_loop3A_771 = tpu.vector_load %arg10[%parallel_loop3A_769, %parallel_loop3A_770] {strides = array<i32>} : memref<64x128xf32, #tpu.memory_space<vmem>>, vector<16xf32>,
          %parallel_loop3A_772 = arith.index_cast %parallel_loop3A_736 : i32 to index
          %parallel_loop3A_773 = arith.constant 48 : index
          %parallel_loop3A_774 = tpu.vector_load %arg10[%parallel_loop3A_772, %parallel_loop3A_773] {strides = array<i32>} : memref<64x128xf32, #tpu.memory_space<vmem>>, vector<16xf32>,
          %parallel_loop3A_775 = arith.addf %parallel_loop3A_771, %parallel_loop3A_767 : vector<16xf32>
          %parallel_loop3A_776 = arith.constant 0.000000e+00 : f32
          %parallel_loop3A_777 = vector.broadcast %parallel_loop3A_776 : f32 to vector<16xf32>
          %parallel_loop3A_778 = arith.maximumf %parallel_loop3A_775, %parallel_loop3A_777 : vector<16xf32>
          %parallel_loop3A_779 = arith.index_cast %parallel_loop3A_736 : i32 to index
          %parallel_loop3A_780 = arith.constant 32 : index
          %parallel_loop3A_781 = tpu.vector_load %arg10[%parallel_loop3A_779, %parallel_loop3A_780] {strides = array<i32>} : memref<64x128xf32, #tpu.memory_space<vmem>>, vector<16xf32>,
          tpu.vector_store %arg10[%parallel_loop3A_779, %parallel_loop3A_780], %parallel_loop3A_778 {strides = array<i32>} : memref<64x128xf32, #tpu.memory_space<vmem>>, vector<16xf32>,
          %parallel_loop3A_782 = arith.addf %parallel_loop3A_774, %parallel_loop3A_768 : vector<16xf32>
          %parallel_loop3A_783 = arith.constant 0.000000e+00 : f32
          %parallel_loop3A_784 = vector.broadcast %parallel_loop3A_783 : f32 to vector<16xf32>
          %parallel_loop3A_785 = arith.maximumf %parallel_loop3A_782, %parallel_loop3A_784 : vector<16xf32>
          %parallel_loop3A_786 = arith.index_cast %parallel_loop3A_736 : i32 to index
          %parallel_loop3A_787 = arith.constant 48 : index
          %parallel_loop3A_788 = tpu.vector_load %arg10[%parallel_loop3A_786, %parallel_loop3A_787] {strides = array<i32>} : memref<64x128xf32, #tpu.memory_space<vmem>>, vector<16xf32>,
          tpu.vector_store %arg10[%parallel_loop3A_786, %parallel_loop3A_787], %parallel_loop3A_785 {strides = array<i32>} : memref<64x128xf32, #tpu.memory_space<vmem>>, vector<16xf32>,
          %parallel_loop3A_789 = arith.index_cast %parallel_loop3A_192 : i32 to index
          %parallel_loop3A_790 = arith.constant 352 : index
          %parallel_loop3A_791 = tpu.vector_load %arg13[%parallel_loop3A_789, %parallel_loop3A_790] {strides = array<i32>} : memref<8x512xi32, #tpu.memory_space<vmem>>, vector<16xi32>,
          %parallel_loop3A_792 = vector.bitcast %parallel_loop3A_791 : vector<16xi32> to vector<32xbf16>
          %parallel_loop3A_793 = tpu.unpack_subelements %parallel_loop3A_792, 0 {pack_format = #tpu.pack_format<interleaved>} : vector<32xbf16> -> vector<16xf32>
          %parallel_loop3A_794 = tpu.unpack_subelements %parallel_loop3A_792, 1 {pack_format = #tpu.pack_format<interleaved>} : vector<32xbf16> -> vector<16xf32>
          %parallel_loop3A_795 = arith.index_cast %parallel_loop3A_736 : i32 to index
          %parallel_loop3A_796 = arith.constant 64 : index
          %parallel_loop3A_797 = tpu.vector_load %arg10[%parallel_loop3A_795, %parallel_loop3A_796] {strides = array<i32>} : memref<64x128xf32, #tpu.memory_space<vmem>>, vector<16xf32>,
          %parallel_loop3A_798 = arith.index_cast %parallel_loop3A_736 : i32 to index
          %parallel_loop3A_799 = arith.constant 80 : index
          %parallel_loop3A_800 = tpu.vector_load %arg10[%parallel_loop3A_798, %parallel_loop3A_799] {strides = array<i32>} : memref<64x128xf32, #tpu.memory_space<vmem>>, vector<16xf32>,
          %parallel_loop3A_801 = arith.addf %parallel_loop3A_797, %parallel_loop3A_793 : vector<16xf32>
          %parallel_loop3A_802 = arith.constant 0.000000e+00 : f32
          %parallel_loop3A_803 = vector.broadcast %parallel_loop3A_802 : f32 to vector<16xf32>
          %parallel_loop3A_804 = arith.maximumf %parallel_loop3A_801, %parallel_loop3A_803 : vector<16xf32>
          %parallel_loop3A_805 = arith.index_cast %parallel_loop3A_736 : i32 to index
          %parallel_loop3A_806 = arith.constant 64 : index
          %parallel_loop3A_807 = tpu.vector_load %arg10[%parallel_loop3A_805, %parallel_loop3A_806] {strides = array<i32>} : memref<64x128xf32, #tpu.memory_space<vmem>>, vector<16xf32>,
          tpu.vector_store %arg10[%parallel_loop3A_805, %parallel_loop3A_806], %parallel_loop3A_804 {strides = array<i32>} : memref<64x128xf32, #tpu.memory_space<vmem>>, vector<16xf32>,
          %parallel_loop3A_808 = arith.addf %parallel_loop3A_800, %parallel_loop3A_794 : vector<16xf32>
          %parallel_loop3A_809 = arith.constant 0.000000e+00 : f32
          %parallel_loop3A_810 = vector.broadcast %parallel_loop3A_809 : f32 to vector<16xf32>
          %parallel_loop3A_811 = arith.maximumf %parallel_loop3A_808, %parallel_loop3A_810 : vector<16xf32>
          %parallel_loop3A_812 = arith.index_cast %parallel_loop3A_736 : i32 to index
          %parallel_loop3A_813 = arith.constant 80 : index
          %parallel_loop3A_814 = tpu.vector_load %arg10[%parallel_loop3A_812, %parallel_loop3A_813] {strides = array<i32>} : memref<64x128xf32, #tpu.memory_space<vmem>>, vector<16xf32>,
          tpu.vector_store %arg10[%parallel_loop3A_812, %parallel_loop3A_813], %parallel_loop3A_811 {strides = array<i32>} : memref<64x128xf32, #tpu.memory_space<vmem>>, vector<16xf32>,
          %parallel_loop3A_815 = arith.index_cast %parallel_loop3A_192 : i32 to index
          %parallel_loop3A_816 = arith.constant 368 : index
          %parallel_loop3A_817 = tpu.vector_load %arg13[%parallel_loop3A_815, %parallel_loop3A_816] {strides = array<i32>} : memref<8x512xi32, #tpu.memory_space<vmem>>, vector<16xi32>,
          %parallel_loop3A_818 = vector.bitcast %parallel_loop3A_817 : vector<16xi32> to vector<32xbf16>
          %parallel_loop3A_819 = tpu.unpack_subelements %parallel_loop3A_818, 0 {pack_format = #tpu.pack_format<interleaved>} : vector<32xbf16> -> vector<16xf32>
          %parallel_loop3A_820 = tpu.unpack_subelements %parallel_loop3A_818, 1 {pack_format = #tpu.pack_format<interleaved>} : vector<32xbf16> -> vector<16xf32>
          %parallel_loop3A_821 = arith.index_cast %parallel_loop3A_736 : i32 to index
          %parallel_loop3A_822 = arith.constant 96 : index
          %parallel_loop3A_823 = tpu.vector_load %arg10[%parallel_loop3A_821, %parallel_loop3A_822] {strides = array<i32>} : memref<64x128xf32, #tpu.memory_space<vmem>>, vector<16xf32>,
          %parallel_loop3A_824 = arith.index_cast %parallel_loop3A_736 : i32 to index
          %parallel_loop3A_825 = arith.constant 112 : index
          %parallel_loop3A_826 = tpu.vector_load %arg10[%parallel_loop3A_824, %parallel_loop3A_825] {strides = array<i32>} : memref<64x128xf32, #tpu.memory_space<vmem>>, vector<16xf32>,
          %parallel_loop3A_827 = arith.addf %parallel_loop3A_823, %parallel_loop3A_819 : vector<16xf32>
          %parallel_loop3A_828 = arith.constant 0.000000e+00 : f32
          %parallel_loop3A_829 = vector.broadcast %parallel_loop3A_828 : f32 to vector<16xf32>
          %parallel_loop3A_830 = arith.maximumf %parallel_loop3A_827, %parallel_loop3A_829 : vector<16xf32>
          %parallel_loop3A_831 = arith.index_cast %parallel_loop3A_736 : i32 to index
          %parallel_loop3A_832 = arith.constant 96 : index
          %parallel_loop3A_833 = tpu.vector_load %arg10[%parallel_loop3A_831, %parallel_loop3A_832] {strides = array<i32>} : memref<64x128xf32, #tpu.memory_space<vmem>>, vector<16xf32>,
          tpu.vector_store %arg10[%parallel_loop3A_831, %parallel_loop3A_832], %parallel_loop3A_830 {strides = array<i32>} : memref<64x128xf32, #tpu.memory_space<vmem>>, vector<16xf32>,
          %parallel_loop3A_834 = arith.addf %parallel_loop3A_826, %parallel_loop3A_820 : vector<16xf32>
          %parallel_loop3A_835 = arith.constant 0.000000e+00 : f32
          %parallel_loop3A_836 = vector.broadcast %parallel_loop3A_835 : f32 to vector<16xf32>
          %parallel_loop3A_837 = arith.maximumf %parallel_loop3A_834, %parallel_loop3A_836 : vector<16xf32>
          %parallel_loop3A_838 = arith.index_cast %parallel_loop3A_736 : i32 to index
          %parallel_loop3A_839 = arith.constant 112 : index
          %parallel_loop3A_840 = tpu.vector_load %arg10[%parallel_loop3A_838, %parallel_loop3A_839] {strides = array<i32>} : memref<64x128xf32, #tpu.memory_space<vmem>>, vector<16xf32>,
          tpu.vector_store %arg10[%parallel_loop3A_838, %parallel_loop3A_839], %parallel_loop3A_837 {strides = array<i32>} : memref<64x128xf32, #tpu.memory_space<vmem>>, vector<16xf32>,
          %parallel_loop3A_841 = arith.constant 8 : i32
          %parallel_loop3A_842 = arith.muli %parallel_loop3A_192, %parallel_loop3A_841 : i32
          %parallel_loop3A_843 = arith.constant 6 : i32
          %parallel_loop3A_844 = arith.addi %parallel_loop3A_842, %parallel_loop3A_843 : i32
          %parallel_loop3A_845 = arith.index_cast %parallel_loop3A_192 : i32 to index
          %parallel_loop3A_846 = arith.constant 384 : index
          %parallel_loop3A_847 = tpu.vector_load %arg13[%parallel_loop3A_845, %parallel_loop3A_846] {strides = array<i32>} : memref<8x512xi32, #tpu.memory_space<vmem>>, vector<16xi32>,
          %parallel_loop3A_848 = vector.bitcast %parallel_loop3A_847 : vector<16xi32> to vector<32xbf16>
          %parallel_loop3A_849 = tpu.unpack_subelements %parallel_loop3A_848, 0 {pack_format = #tpu.pack_format<interleaved>} : vector<32xbf16> -> vector<16xf32>
          %parallel_loop3A_850 = tpu.unpack_subelements %parallel_loop3A_848, 1 {pack_format = #tpu.pack_format<interleaved>} : vector<32xbf16> -> vector<16xf32>
          %parallel_loop3A_851 = arith.index_cast %parallel_loop3A_844 : i32 to index
          %parallel_loop3A_852 = arith.constant 0 : index
          %parallel_loop3A_853 = tpu.vector_load %arg10[%parallel_loop3A_851, %parallel_loop3A_852] {strides = array<i32>} : memref<64x128xf32, #tpu.memory_space<vmem>>, vector<16xf32>,
          %parallel_loop3A_854 = arith.index_cast %parallel_loop3A_844 : i32 to index
          %parallel_loop3A_855 = arith.constant 16 : index
          %parallel_loop3A_856 = tpu.vector_load %arg10[%parallel_loop3A_854, %parallel_loop3A_855] {strides = array<i32>} : memref<64x128xf32, #tpu.memory_space<vmem>>, vector<16xf32>,
          %parallel_loop3A_857 = arith.addf %parallel_loop3A_853, %parallel_loop3A_849 : vector<16xf32>
          %parallel_loop3A_858 = arith.constant 0.000000e+00 : f32
          %parallel_loop3A_859 = vector.broadcast %parallel_loop3A_858 : f32 to vector<16xf32>
          %parallel_loop3A_860 = arith.maximumf %parallel_loop3A_857, %parallel_loop3A_859 : vector<16xf32>
          %parallel_loop3A_861 = arith.index_cast %parallel_loop3A_844 : i32 to index
          %parallel_loop3A_862 = arith.constant 0 : index
          %parallel_loop3A_863 = tpu.vector_load %arg10[%parallel_loop3A_861, %parallel_loop3A_862] {strides = array<i32>} : memref<64x128xf32, #tpu.memory_space<vmem>>, vector<16xf32>,
          tpu.vector_store %arg10[%parallel_loop3A_861, %parallel_loop3A_862], %parallel_loop3A_860 {strides = array<i32>} : memref<64x128xf32, #tpu.memory_space<vmem>>, vector<16xf32>,
          %parallel_loop3A_864 = arith.addf %parallel_loop3A_856, %parallel_loop3A_850 : vector<16xf32>
          %parallel_loop3A_865 = arith.constant 0.000000e+00 : f32
          %parallel_loop3A_866 = vector.broadcast %parallel_loop3A_865 : f32 to vector<16xf32>
          %parallel_loop3A_867 = arith.maximumf %parallel_loop3A_864, %parallel_loop3A_866 : vector<16xf32>
          %parallel_loop3A_868 = arith.index_cast %parallel_loop3A_844 : i32 to index
          %parallel_loop3A_869 = arith.constant 16 : index
          %parallel_loop3A_870 = tpu.vector_load %arg10[%parallel_loop3A_868, %parallel_loop3A_869] {strides = array<i32>} : memref<64x128xf32, #tpu.memory_space<vmem>>, vector<16xf32>,
          tpu.vector_store %arg10[%parallel_loop3A_868, %parallel_loop3A_869], %parallel_loop3A_867 {strides = array<i32>} : memref<64x128xf32, #tpu.memory_space<vmem>>, vector<16xf32>,
          %parallel_loop3A_871 = arith.index_cast %parallel_loop3A_192 : i32 to index
          %parallel_loop3A_872 = arith.constant 400 : index
          %parallel_loop3A_873 = tpu.vector_load %arg13[%parallel_loop3A_871, %parallel_loop3A_872] {strides = array<i32>} : memref<8x512xi32, #tpu.memory_space<vmem>>, vector<16xi32>,
          %parallel_loop3A_874 = vector.bitcast %parallel_loop3A_873 : vector<16xi32> to vector<32xbf16>
          %parallel_loop3A_875 = tpu.unpack_subelements %parallel_loop3A_874, 0 {pack_format = #tpu.pack_format<interleaved>} : vector<32xbf16> -> vector<16xf32>
          %parallel_loop3A_876 = tpu.unpack_subelements %parallel_loop3A_874, 1 {pack_format = #tpu.pack_format<interleaved>} : vector<32xbf16> -> vector<16xf32>
          %parallel_loop3A_877 = arith.index_cast %parallel_loop3A_844 : i32 to index
          %parallel_loop3A_878 = arith.constant 32 : index
          %parallel_loop3A_879 = tpu.vector_load %arg10[%parallel_loop3A_877, %parallel_loop3A_878] {strides = array<i32>} : memref<64x128xf32, #tpu.memory_space<vmem>>, vector<16xf32>,
          %parallel_loop3A_880 = arith.index_cast %parallel_loop3A_844 : i32 to index
          %parallel_loop3A_881 = arith.constant 48 : index
          %parallel_loop3A_882 = tpu.vector_load %arg10[%parallel_loop3A_880, %parallel_loop3A_881] {strides = array<i32>} : memref<64x128xf32, #tpu.memory_space<vmem>>, vector<16xf32>,
          %parallel_loop3A_883 = arith.addf %parallel_loop3A_879, %parallel_loop3A_875 : vector<16xf32>
          %parallel_loop3A_884 = arith.constant 0.000000e+00 : f32
          %parallel_loop3A_885 = vector.broadcast %parallel_loop3A_884 : f32 to vector<16xf32>
          %parallel_loop3A_886 = arith.maximumf %parallel_loop3A_883, %parallel_loop3A_885 : vector<16xf32>
          %parallel_loop3A_887 = arith.index_cast %parallel_loop3A_844 : i32 to index
          %parallel_loop3A_888 = arith.constant 32 : index
          %parallel_loop3A_889 = tpu.vector_load %arg10[%parallel_loop3A_887, %parallel_loop3A_888] {strides = array<i32>} : memref<64x128xf32, #tpu.memory_space<vmem>>, vector<16xf32>,
          tpu.vector_store %arg10[%parallel_loop3A_887, %parallel_loop3A_888], %parallel_loop3A_886 {strides = array<i32>} : memref<64x128xf32, #tpu.memory_space<vmem>>, vector<16xf32>,
          %parallel_loop3A_890 = arith.addf %parallel_loop3A_882, %parallel_loop3A_876 : vector<16xf32>
          %parallel_loop3A_891 = arith.constant 0.000000e+00 : f32
          %parallel_loop3A_892 = vector.broadcast %parallel_loop3A_891 : f32 to vector<16xf32>
          %parallel_loop3A_893 = arith.maximumf %parallel_loop3A_890, %parallel_loop3A_892 : vector<16xf32>
          %parallel_loop3A_894 = arith.index_cast %parallel_loop3A_844 : i32 to index
          %parallel_loop3A_895 = arith.constant 48 : index
          %parallel_loop3A_896 = tpu.vector_load %arg10[%parallel_loop3A_894, %parallel_loop3A_895] {strides = array<i32>} : memref<64x128xf32, #tpu.memory_space<vmem>>, vector<16xf32>,
          tpu.vector_store %arg10[%parallel_loop3A_894, %parallel_loop3A_895], %parallel_loop3A_893 {strides = array<i32>} : memref<64x128xf32, #tpu.memory_space<vmem>>, vector<16xf32>,
          %parallel_loop3A_897 = arith.index_cast %parallel_loop3A_192 : i32 to index
          %parallel_loop3A_898 = arith.constant 416 : index
          %parallel_loop3A_899 = tpu.vector_load %arg13[%parallel_loop3A_897, %parallel_loop3A_898] {strides = array<i32>} : memref<8x512xi32, #tpu.memory_space<vmem>>, vector<16xi32>,
          %parallel_loop3A_900 = vector.bitcast %parallel_loop3A_899 : vector<16xi32> to vector<32xbf16>
          %parallel_loop3A_901 = tpu.unpack_subelements %parallel_loop3A_900, 0 {pack_format = #tpu.pack_format<interleaved>} : vector<32xbf16> -> vector<16xf32>
          %parallel_loop3A_902 = tpu.unpack_subelements %parallel_loop3A_900, 1 {pack_format = #tpu.pack_format<interleaved>} : vector<32xbf16> -> vector<16xf32>
          %parallel_loop3A_903 = arith.index_cast %parallel_loop3A_844 : i32 to index
          %parallel_loop3A_904 = arith.constant 64 : index
          %parallel_loop3A_905 = tpu.vector_load %arg10[%parallel_loop3A_903, %parallel_loop3A_904] {strides = array<i32>} : memref<64x128xf32, #tpu.memory_space<vmem>>, vector<16xf32>,
          %parallel_loop3A_906 = arith.index_cast %parallel_loop3A_844 : i32 to index
          %parallel_loop3A_907 = arith.constant 80 : index
          %parallel_loop3A_908 = tpu.vector_load %arg10[%parallel_loop3A_906, %parallel_loop3A_907] {strides = array<i32>} : memref<64x128xf32, #tpu.memory_space<vmem>>, vector<16xf32>,
          %parallel_loop3A_909 = arith.addf %parallel_loop3A_905, %parallel_loop3A_901 : vector<16xf32>
          %parallel_loop3A_910 = arith.constant 0.000000e+00 : f32
          %parallel_loop3A_911 = vector.broadcast %parallel_loop3A_910 : f32 to vector<16xf32>
          %parallel_loop3A_912 = arith.maximumf %parallel_loop3A_909, %parallel_loop3A_911 : vector<16xf32>
          %parallel_loop3A_913 = arith.index_cast %parallel_loop3A_844 : i32 to index
          %parallel_loop3A_914 = arith.constant 64 : index
          %parallel_loop3A_915 = tpu.vector_load %arg10[%parallel_loop3A_913, %parallel_loop3A_914] {strides = array<i32>} : memref<64x128xf32, #tpu.memory_space<vmem>>, vector<16xf32>,
          tpu.vector_store %arg10[%parallel_loop3A_913, %parallel_loop3A_914], %parallel_loop3A_912 {strides = array<i32>} : memref<64x128xf32, #tpu.memory_space<vmem>>, vector<16xf32>,
          %parallel_loop3A_916 = arith.addf %parallel_loop3A_908, %parallel_loop3A_902 : vector<16xf32>
          %parallel_loop3A_917 = arith.constant 0.000000e+00 : f32
          %parallel_loop3A_918 = vector.broadcast %parallel_loop3A_917 : f32 to vector<16xf32>
          %parallel_loop3A_919 = arith.maximumf %parallel_loop3A_916, %parallel_loop3A_918 : vector<16xf32>
          %parallel_loop3A_920 = arith.index_cast %parallel_loop3A_844 : i32 to index
          %parallel_loop3A_921 = arith.constant 80 : index
          %parallel_loop3A_922 = tpu.vector_load %arg10[%parallel_loop3A_920, %parallel_loop3A_921] {strides = array<i32>} : memref<64x128xf32, #tpu.memory_space<vmem>>, vector<16xf32>,
          tpu.vector_store %arg10[%parallel_loop3A_920, %parallel_loop3A_921], %parallel_loop3A_919 {strides = array<i32>} : memref<64x128xf32, #tpu.memory_space<vmem>>, vector<16xf32>,
          %parallel_loop3A_923 = arith.index_cast %parallel_loop3A_192 : i32 to index
          %parallel_loop3A_924 = arith.constant 432 : index
          %parallel_loop3A_925 = tpu.vector_load %arg13[%parallel_loop3A_923, %parallel_loop3A_924] {strides = array<i32>} : memref<8x512xi32, #tpu.memory_space<vmem>>, vector<16xi32>,
          %parallel_loop3A_926 = vector.bitcast %parallel_loop3A_925 : vector<16xi32> to vector<32xbf16>
          %parallel_loop3A_927 = tpu.unpack_subelements %parallel_loop3A_926, 0 {pack_format = #tpu.pack_format<interleaved>} : vector<32xbf16> -> vector<16xf32>
          %parallel_loop3A_928 = tpu.unpack_subelements %parallel_loop3A_926, 1 {pack_format = #tpu.pack_format<interleaved>} : vector<32xbf16> -> vector<16xf32>
          %parallel_loop3A_929 = arith.index_cast %parallel_loop3A_844 : i32 to index
          %parallel_loop3A_930 = arith.constant 96 : index
          %parallel_loop3A_931 = tpu.vector_load %arg10[%parallel_loop3A_929, %parallel_loop3A_930] {strides = array<i32>} : memref<64x128xf32, #tpu.memory_space<vmem>>, vector<16xf32>,
          %parallel_loop3A_932 = arith.index_cast %parallel_loop3A_844 : i32 to index
          %parallel_loop3A_933 = arith.constant 112 : index
          %parallel_loop3A_934 = tpu.vector_load %arg10[%parallel_loop3A_932, %parallel_loop3A_933] {strides = array<i32>} : memref<64x128xf32, #tpu.memory_space<vmem>>, vector<16xf32>,
          %parallel_loop3A_935 = arith.addf %parallel_loop3A_931, %parallel_loop3A_927 : vector<16xf32>
          %parallel_loop3A_936 = arith.constant 0.000000e+00 : f32
          %parallel_loop3A_937 = vector.broadcast %parallel_loop3A_936 : f32 to vector<16xf32>
          %parallel_loop3A_938 = arith.maximumf %parallel_loop3A_935, %parallel_loop3A_937 : vector<16xf32>
          %parallel_loop3A_939 = arith.index_cast %parallel_loop3A_844 : i32 to index
          %parallel_loop3A_940 = arith.constant 96 : index
          %parallel_loop3A_941 = tpu.vector_load %arg10[%parallel_loop3A_939, %parallel_loop3A_940] {strides = array<i32>} : memref<64x128xf32, #tpu.memory_space<vmem>>, vector<16xf32>,
          tpu.vector_store %arg10[%parallel_loop3A_939, %parallel_loop3A_940], %parallel_loop3A_938 {strides = array<i32>} : memref<64x128xf32, #tpu.memory_space<vmem>>, vector<16xf32>,
          %parallel_loop3A_942 = arith.addf %parallel_loop3A_934, %parallel_loop3A_928 : vector<16xf32>
          %parallel_loop3A_943 = arith.constant 0.000000e+00 : f32
          %parallel_loop3A_944 = vector.broadcast %parallel_loop3A_943 : f32 to vector<16xf32>
          %parallel_loop3A_945 = arith.maximumf %parallel_loop3A_942, %parallel_loop3A_944 : vector<16xf32>
          %parallel_loop3A_946 = arith.index_cast %parallel_loop3A_844 : i32 to index
          %parallel_loop3A_947 = arith.constant 112 : index
          %parallel_loop3A_948 = tpu.vector_load %arg10[%parallel_loop3A_946, %parallel_loop3A_947] {strides = array<i32>} : memref<64x128xf32, #tpu.memory_space<vmem>>, vector<16xf32>,
          tpu.vector_store %arg10[%parallel_loop3A_946, %parallel_loop3A_947], %parallel_loop3A_945 {strides = array<i32>} : memref<64x128xf32, #tpu.memory_space<vmem>>, vector<16xf32>,
          %parallel_loop3A_949 = arith.constant 8 : i32
          %parallel_loop3A_950 = arith.muli %parallel_loop3A_192, %parallel_loop3A_949 : i32
          %parallel_loop3A_951 = arith.constant 7 : i32
          %parallel_loop3A_952 = arith.addi %parallel_loop3A_950, %parallel_loop3A_951 : i32
          %parallel_loop3A_953 = arith.index_cast %parallel_loop3A_192 : i32 to index
          %parallel_loop3A_954 = arith.constant 448 : index
          %parallel_loop3A_955 = tpu.vector_load %arg13[%parallel_loop3A_953, %parallel_loop3A_954] {strides = array<i32>} : memref<8x512xi32, #tpu.memory_space<vmem>>, vector<16xi32>,
          %parallel_loop3A_956 = vector.bitcast %parallel_loop3A_955 : vector<16xi32> to vector<32xbf16>
          %parallel_loop3A_957 = tpu.unpack_subelements %parallel_loop3A_956, 0 {pack_format = #tpu.pack_format<interleaved>} : vector<32xbf16> -> vector<16xf32>
          %parallel_loop3A_958 = tpu.unpack_subelements %parallel_loop3A_956, 1 {pack_format = #tpu.pack_format<interleaved>} : vector<32xbf16> -> vector<16xf32>
          %parallel_loop3A_959 = arith.index_cast %parallel_loop3A_952 : i32 to index
          %parallel_loop3A_960 = arith.constant 0 : index
          %parallel_loop3A_961 = tpu.vector_load %arg10[%parallel_loop3A_959, %parallel_loop3A_960] {strides = array<i32>} : memref<64x128xf32, #tpu.memory_space<vmem>>, vector<16xf32>,
          %parallel_loop3A_962 = arith.index_cast %parallel_loop3A_952 : i32 to index
          %parallel_loop3A_963 = arith.constant 16 : index
          %parallel_loop3A_964 = tpu.vector_load %arg10[%parallel_loop3A_962, %parallel_loop3A_963] {strides = array<i32>} : memref<64x128xf32, #tpu.memory_space<vmem>>, vector<16xf32>,
          %parallel_loop3A_965 = arith.addf %parallel_loop3A_961, %parallel_loop3A_957 : vector<16xf32>
          %parallel_loop3A_966 = arith.constant 0.000000e+00 : f32
          %parallel_loop3A_967 = vector.broadcast %parallel_loop3A_966 : f32 to vector<16xf32>
          %parallel_loop3A_968 = arith.maximumf %parallel_loop3A_965, %parallel_loop3A_967 : vector<16xf32>
          %parallel_loop3A_969 = arith.index_cast %parallel_loop3A_952 : i32 to index
          %parallel_loop3A_970 = arith.constant 0 : index
          %parallel_loop3A_971 = tpu.vector_load %arg10[%parallel_loop3A_969, %parallel_loop3A_970] {strides = array<i32>} : memref<64x128xf32, #tpu.memory_space<vmem>>, vector<16xf32>,
          tpu.vector_store %arg10[%parallel_loop3A_969, %parallel_loop3A_970], %parallel_loop3A_968 {strides = array<i32>} : memref<64x128xf32, #tpu.memory_space<vmem>>, vector<16xf32>,
          %parallel_loop3A_972 = arith.addf %parallel_loop3A_964, %parallel_loop3A_958 : vector<16xf32>
          %parallel_loop3A_973 = arith.constant 0.000000e+00 : f32
          %parallel_loop3A_974 = vector.broadcast %parallel_loop3A_973 : f32 to vector<16xf32>
          %parallel_loop3A_975 = arith.maximumf %parallel_loop3A_972, %parallel_loop3A_974 : vector<16xf32>
          %parallel_loop3A_976 = arith.index_cast %parallel_loop3A_952 : i32 to index
          %parallel_loop3A_977 = arith.constant 16 : index
          %parallel_loop3A_978 = tpu.vector_load %arg10[%parallel_loop3A_976, %parallel_loop3A_977] {strides = array<i32>} : memref<64x128xf32, #tpu.memory_space<vmem>>, vector<16xf32>,
          tpu.vector_store %arg10[%parallel_loop3A_976, %parallel_loop3A_977], %parallel_loop3A_975 {strides = array<i32>} : memref<64x128xf32, #tpu.memory_space<vmem>>, vector<16xf32>,
          %parallel_loop3A_979 = arith.index_cast %parallel_loop3A_192 : i32 to index
          %parallel_loop3A_980 = arith.constant 464 : index
          %parallel_loop3A_981 = tpu.vector_load %arg13[%parallel_loop3A_979, %parallel_loop3A_980] {strides = array<i32>} : memref<8x512xi32, #tpu.memory_space<vmem>>, vector<16xi32>,
          %parallel_loop3A_982 = vector.bitcast %parallel_loop3A_981 : vector<16xi32> to vector<32xbf16>
          %parallel_loop3A_983 = tpu.unpack_subelements %parallel_loop3A_982, 0 {pack_format = #tpu.pack_format<interleaved>} : vector<32xbf16> -> vector<16xf32>
          %parallel_loop3A_984 = tpu.unpack_subelements %parallel_loop3A_982, 1 {pack_format = #tpu.pack_format<interleaved>} : vector<32xbf16> -> vector<16xf32>
          %parallel_loop3A_985 = arith.index_cast %parallel_loop3A_952 : i32 to index
          %parallel_loop3A_986 = arith.constant 32 : index
          %parallel_loop3A_987 = tpu.vector_load %arg10[%parallel_loop3A_985, %parallel_loop3A_986] {strides = array<i32>} : memref<64x128xf32, #tpu.memory_space<vmem>>, vector<16xf32>,
          %parallel_loop3A_988 = arith.index_cast %parallel_loop3A_952 : i32 to index
          %parallel_loop3A_989 = arith.constant 48 : index
          %parallel_loop3A_990 = tpu.vector_load %arg10[%parallel_loop3A_988, %parallel_loop3A_989] {strides = array<i32>} : memref<64x128xf32, #tpu.memory_space<vmem>>, vector<16xf32>,
          %parallel_loop3A_991 = arith.addf %parallel_loop3A_987, %parallel_loop3A_983 : vector<16xf32>
          %parallel_loop3A_992 = arith.constant 0.000000e+00 : f32
          %parallel_loop3A_993 = vector.broadcast %parallel_loop3A_992 : f32 to vector<16xf32>
          %parallel_loop3A_994 = arith.maximumf %parallel_loop3A_991, %parallel_loop3A_993 : vector<16xf32>
          %parallel_loop3A_995 = arith.index_cast %parallel_loop3A_952 : i32 to index
          %parallel_loop3A_996 = arith.constant 32 : index
          %parallel_loop3A_997 = tpu.vector_load %arg10[%parallel_loop3A_995, %parallel_loop3A_996] {strides = array<i32>} : memref<64x128xf32, #tpu.memory_space<vmem>>, vector<16xf32>,
          tpu.vector_store %arg10[%parallel_loop3A_995, %parallel_loop3A_996], %parallel_loop3A_994 {strides = array<i32>} : memref<64x128xf32, #tpu.memory_space<vmem>>, vector<16xf32>,
          %parallel_loop3A_998 = arith.addf %parallel_loop3A_990, %parallel_loop3A_984 : vector<16xf32>
          %parallel_loop3A_999 = arith.constant 0.000000e+00 : f32
          %parallel_loop3A_1000 = vector.broadcast %parallel_loop3A_999 : f32 to vector<16xf32>
          %parallel_loop3A_1001 = arith.maximumf %parallel_loop3A_998, %parallel_loop3A_1000 : vector<16xf32>
          %parallel_loop3A_1002 = arith.index_cast %parallel_loop3A_952 : i32 to index
          %parallel_loop3A_1003 = arith.constant 48 : index
          %parallel_loop3A_1004 = tpu.vector_load %arg10[%parallel_loop3A_1002, %parallel_loop3A_1003] {strides = array<i32>} : memref<64x128xf32, #tpu.memory_space<vmem>>, vector<16xf32>,
          tpu.vector_store %arg10[%parallel_loop3A_1002, %parallel_loop3A_1003], %parallel_loop3A_1001 {strides = array<i32>} : memref<64x128xf32, #tpu.memory_space<vmem>>, vector<16xf32>,
          %parallel_loop3A_1005 = arith.index_cast %parallel_loop3A_192 : i32 to index
          %parallel_loop3A_1006 = arith.constant 480 : index
          %parallel_loop3A_1007 = tpu.vector_load %arg13[%parallel_loop3A_1005, %parallel_loop3A_1006] {strides = array<i32>} : memref<8x512xi32, #tpu.memory_space<vmem>>, vector<16xi32>,
          %parallel_loop3A_1008 = vector.bitcast %parallel_loop3A_1007 : vector<16xi32> to vector<32xbf16>
          %parallel_loop3A_1009 = tpu.unpack_subelements %parallel_loop3A_1008, 0 {pack_format = #tpu.pack_format<interleaved>} : vector<32xbf16> -> vector<16xf32>
          %parallel_loop3A_1010 = tpu.unpack_subelements %parallel_loop3A_1008, 1 {pack_format = #tpu.pack_format<interleaved>} : vector<32xbf16> -> vector<16xf32>
          %parallel_loop3A_1011 = arith.index_cast %parallel_loop3A_952 : i32 to index
          %parallel_loop3A_1012 = arith.constant 64 : index
          %parallel_loop3A_1013 = tpu.vector_load %arg10[%parallel_loop3A_1011, %parallel_loop3A_1012] {strides = array<i32>} : memref<64x128xf32, #tpu.memory_space<vmem>>, vector<16xf32>,
          %parallel_loop3A_1014 = arith.index_cast %parallel_loop3A_952 : i32 to index
          %parallel_loop3A_1015 = arith.constant 80 : index
          %parallel_loop3A_1016 = tpu.vector_load %arg10[%parallel_loop3A_1014, %parallel_loop3A_1015] {strides = array<i32>} : memref<64x128xf32, #tpu.memory_space<vmem>>, vector<16xf32>,
          %parallel_loop3A_1017 = arith.addf %parallel_loop3A_1013, %parallel_loop3A_1009 : vector<16xf32>
          %parallel_loop3A_1018 = arith.constant 0.000000e+00 : f32
          %parallel_loop3A_1019 = vector.broadcast %parallel_loop3A_1018 : f32 to vector<16xf32>
          %parallel_loop3A_1020 = arith.maximumf %parallel_loop3A_1017, %parallel_loop3A_1019 : vector<16xf32>
          %parallel_loop3A_1021 = arith.index_cast %parallel_loop3A_952 : i32 to index
          %parallel_loop3A_1022 = arith.constant 64 : index
          %parallel_loop3A_1023 = tpu.vector_load %arg10[%parallel_loop3A_1021, %parallel_loop3A_1022] {strides = array<i32>} : memref<64x128xf32, #tpu.memory_space<vmem>>, vector<16xf32>,
          tpu.vector_store %arg10[%parallel_loop3A_1021, %parallel_loop3A_1022], %parallel_loop3A_1020 {strides = array<i32>} : memref<64x128xf32, #tpu.memory_space<vmem>>, vector<16xf32>,
          %parallel_loop3A_1024 = arith.addf %parallel_loop3A_1016, %parallel_loop3A_1010 : vector<16xf32>
          %parallel_loop3A_1025 = arith.constant 0.000000e+00 : f32
          %parallel_loop3A_1026 = vector.broadcast %parallel_loop3A_1025 : f32 to vector<16xf32>
          %parallel_loop3A_1027 = arith.maximumf %parallel_loop3A_1024, %parallel_loop3A_1026 : vector<16xf32>
          %parallel_loop3A_1028 = arith.index_cast %parallel_loop3A_952 : i32 to index
          %parallel_loop3A_1029 = arith.constant 80 : index
          %parallel_loop3A_1030 = tpu.vector_load %arg10[%parallel_loop3A_1028, %parallel_loop3A_1029] {strides = array<i32>} : memref<64x128xf32, #tpu.memory_space<vmem>>, vector<16xf32>,
          tpu.vector_store %arg10[%parallel_loop3A_1028, %parallel_loop3A_1029], %parallel_loop3A_1027 {strides = array<i32>} : memref<64x128xf32, #tpu.memory_space<vmem>>, vector<16xf32>,
          %parallel_loop3A_1031 = arith.index_cast %parallel_loop3A_192 : i32 to index
          %parallel_loop3A_1032 = arith.constant 496 : index
          %parallel_loop3A_1033 = tpu.vector_load %arg13[%parallel_loop3A_1031, %parallel_loop3A_1032] {strides = array<i32>} : memref<8x512xi32, #tpu.memory_space<vmem>>, vector<16xi32>,
          %parallel_loop3A_1034 = vector.bitcast %parallel_loop3A_1033 : vector<16xi32> to vector<32xbf16>
          %parallel_loop3A_1035 = tpu.unpack_subelements %parallel_loop3A_1034, 0 {pack_format = #tpu.pack_format<interleaved>} : vector<32xbf16> -> vector<16xf32>
          %parallel_loop3A_1036 = tpu.unpack_subelements %parallel_loop3A_1034, 1 {pack_format = #tpu.pack_format<interleaved>} : vector<32xbf16> -> vector<16xf32>
          %parallel_loop3A_1037 = arith.index_cast %parallel_loop3A_952 : i32 to index
          %parallel_loop3A_1038 = arith.constant 96 : index
          %parallel_loop3A_1039 = tpu.vector_load %arg10[%parallel_loop3A_1037, %parallel_loop3A_1038] {strides = array<i32>} : memref<64x128xf32, #tpu.memory_space<vmem>>, vector<16xf32>,
          %parallel_loop3A_1040 = arith.index_cast %parallel_loop3A_952 : i32 to index
          %parallel_loop3A_1041 = arith.constant 112 : index
          %parallel_loop3A_1042 = tpu.vector_load %arg10[%parallel_loop3A_1040, %parallel_loop3A_1041] {strides = array<i32>} : memref<64x128xf32, #tpu.memory_space<vmem>>, vector<16xf32>,
          %parallel_loop3A_1043 = arith.addf %parallel_loop3A_1039, %parallel_loop3A_1035 : vector<16xf32>
          %parallel_loop3A_1044 = arith.constant 0.000000e+00 : f32
          %parallel_loop3A_1045 = vector.broadcast %parallel_loop3A_1044 : f32 to vector<16xf32>
          %parallel_loop3A_1046 = arith.maximumf %parallel_loop3A_1043, %parallel_loop3A_1045 : vector<16xf32>
          %parallel_loop3A_1047 = arith.index_cast %parallel_loop3A_952 : i32 to index
          %parallel_loop3A_1048 = arith.constant 96 : index
          %parallel_loop3A_1049 = tpu.vector_load %arg10[%parallel_loop3A_1047, %parallel_loop3A_1048] {strides = array<i32>} : memref<64x128xf32, #tpu.memory_space<vmem>>, vector<16xf32>,
          tpu.vector_store %arg10[%parallel_loop3A_1047, %parallel_loop3A_1048], %parallel_loop3A_1046 {strides = array<i32>} : memref<64x128xf32, #tpu.memory_space<vmem>>, vector<16xf32>,
          %parallel_loop3A_1050 = arith.addf %parallel_loop3A_1042, %parallel_loop3A_1036 : vector<16xf32>
          %parallel_loop3A_1051 = arith.constant 0.000000e+00 : f32
          %parallel_loop3A_1052 = vector.broadcast %parallel_loop3A_1051 : f32 to vector<16xf32>
          %parallel_loop3A_1053 = arith.maximumf %parallel_loop3A_1050, %parallel_loop3A_1052 : vector<16xf32>
          %parallel_loop3A_1054 = arith.index_cast %parallel_loop3A_952 : i32 to index
          %parallel_loop3A_1055 = arith.constant 112 : index
          %parallel_loop3A_1056 = tpu.vector_load %arg10[%parallel_loop3A_1054, %parallel_loop3A_1055] {strides = array<i32>} : memref<64x128xf32, #tpu.memory_space<vmem>>, vector<16xf32>,
          tpu.vector_store %arg10[%parallel_loop3A_1054, %parallel_loop3A_1055], %parallel_loop3A_1053 {strides = array<i32>} : memref<64x128xf32, #tpu.memory_space<vmem>>, vector<16xf32>,
        } {sc.loop_unroll_factor = 2 : i64, sc.parallel_access}
        %get3A = arith.constant 0 : index
        %get3A_164 = tpu.vector_load %arg19[%get3A] {strides = array<i32>} : memref<64xi32, #tpu.memory_space<vmem>>, vector<16xi32>,
        %broadcast_in_dim3A_165 = arith.constant true
        %broadcast_in_dim3A_166 = vector.broadcast %broadcast_in_dim3A_165 : i1 to vector<16xi1>
        %unique3A, %unique3A_167 = tpu.scan_count mask(%broadcast_in_dim3A_166 : vector<16xi1>) value(%get3A_164 : vector<16xi32>) : vector<16xi1>, vector<16xi32>
        %convert_element_type3A_168 = arith.sitofp %unique3A_167 : vector<16xi32> to vector<16xf32>
        tpu.vector_store_idx %arg21[%get3A_164], %convert_element_type3A_168 masked %unique3A {add = true} : memref<10240xf32, #tpu.memory_space<vmem>>[vector<16xi32>], vector<16xf32>, vector<16xi1>
        %get3A_169 = arith.constant 16 : index
        %get3A_170 = tpu.vector_load %arg19[%get3A_169] {strides = array<i32>} : memref<64xi32, #tpu.memory_space<vmem>>, vector<16xi32>,
        %broadcast_in_dim3A_171 = arith.constant true
        %broadcast_in_dim3A_172 = vector.broadcast %broadcast_in_dim3A_171 : i1 to vector<16xi1>
        %unique3A_173, %unique3A_174 = tpu.scan_count mask(%broadcast_in_dim3A_172 : vector<16xi1>) value(%get3A_170 : vector<16xi32>) : vector<16xi1>, vector<16xi32>
        %convert_element_type3A_175 = arith.sitofp %unique3A_174 : vector<16xi32> to vector<16xf32>
        tpu.vector_store_idx %arg21[%get3A_170], %convert_element_type3A_175 masked %unique3A_173 {add = true} : memref<10240xf32, #tpu.memory_space<vmem>>[vector<16xi32>], vector<16xf32>, vector<16xi1>
        %get3A_176 = arith.constant 32 : index
        %get3A_177 = tpu.vector_load %arg19[%get3A_176] {strides = array<i32>} : memref<64xi32, #tpu.memory_space<vmem>>, vector<16xi32>,
        %broadcast_in_dim3A_178 = arith.constant true
        %broadcast_in_dim3A_179 = vector.broadcast %broadcast_in_dim3A_178 : i1 to vector<16xi1>
        %unique3A_180, %unique3A_181 = tpu.scan_count mask(%broadcast_in_dim3A_179 : vector<16xi1>) value(%get3A_177 : vector<16xi32>) : vector<16xi1>, vector<16xi32>
        %convert_element_type3A_182 = arith.sitofp %unique3A_181 : vector<16xi32> to vector<16xf32>
        tpu.vector_store_idx %arg21[%get3A_177], %convert_element_type3A_182 masked %unique3A_180 {add = true} : memref<10240xf32, #tpu.memory_space<vmem>>[vector<16xi32>], vector<16xf32>, vector<16xi1>
        %get3A_183 = arith.constant 48 : index
        %get3A_184 = tpu.vector_load %arg19[%get3A_183] {strides = array<i32>} : memref<64xi32, #tpu.memory_space<vmem>>, vector<16xi32>,
        %broadcast_in_dim3A_185 = arith.constant true
        %broadcast_in_dim3A_186 = vector.broadcast %broadcast_in_dim3A_185 : i1 to vector<16xi1>
        %unique3A_187, %unique3A_188 = tpu.scan_count mask(%broadcast_in_dim3A_186 : vector<16xi1>) value(%get3A_184 : vector<16xi32>) : vector<16xi1>, vector<16xi32>
        %convert_element_type3A_189 = arith.sitofp %unique3A_188 : vector<16xi32> to vector<16xf32>
        tpu.vector_store_idx %arg21[%get3A_184], %convert_element_type3A_189 masked %unique3A_187 {add = true} : memref<10240xf32, #tpu.memory_space<vmem>>[vector<16xi32>], vector<16xf32>, vector<16xi1>
        %dma_start3A = arith.constant 0 : i32
        %dma_start3A_190 = arith.constant 0 : i32
        %dma_start3A_191 = tpu.memref_slice %arg8[%dma_start3A, %dma_start3A_190] : memref<10240x128xf32, #tpu.memory_space<vmem_shared>> -> memref<10240x128xf32, #tpu.memory_space<vmem_shared>>
        tpu.enqueue_indirect_dma source(%arg10 : memref<64x128xf32, #tpu.memory_space<vmem>>) target(%dma_start3A_191 : memref<10240x128xf32, #tpu.memory_space<vmem_shared>>) offsets(%arg19 : memref<64xi32, #tpu.memory_space<vmem>>) semaphore(%arg29 : memref<!tpu.dma_semaphore, #tpu.memory_space<semaphore_mem>>) {add = true}
      } else {
      }
      %mul3A_94 = arith.constant 3 : i32
      %mul3A_95 = arith.muli %add3A_65, %mul3A_94 : i32
      %add3A_96 = arith.constant 1 : i32
      %add3A_97 = arith.addi %mul3A_95, %add3A_96 : i32
      %ge3A_98 = arith.constant 3 : i32
      %ge3A_99 = arith.cmpi sge, %add3A_97, %ge3A_98 : i32
      %add3A_100 = arith.constant 2 : i32
      %add3A_101 = arith.addi %select_n3A, %add3A_100 : i32
      %le3A_102 = arith.cmpi sle, %add3A_97, %add3A_101 : i32
      %and3A_103 = arith.andi %ge3A_99, %le3A_102 : i1
      %convert_element_type3A_104 = arith.extui %and3A_103 : i1 to i32
      %cond3A_105 = arith.constant 0 : i32
      %cond3A_106 = arith.cmpi ne, %convert_element_type3A_104, %cond3A_105 : i32
      scf.if %cond3A_106 {
        %dma_wait3A = arith.constant 0 : i32
        %dma_wait3A_160 = arith.constant 0 : i32
        %dma_wait3A_161 = tpu.memref_slice %arg8[%dma_wait3A, %dma_wait3A_160] : memref<10240x128xf32, #tpu.memory_space<vmem_shared>> -> memref<10240x128xf32, #tpu.memory_space<vmem_shared>>
        tpu.wait_indirect_dma semaphore(%arg29 : memref<!tpu.dma_semaphore, #tpu.memory_space<semaphore_mem>>) src(%arg10 : memref<64x128xf32, #tpu.memory_space<vmem>>) dst(%dma_wait3A_161 : memref<10240x128xf32, #tpu.memory_space<vmem_shared>>)
      } else {
      }
      %lt3A_107 = arith.cmpi slt, %add3A_97, %select_n3A : i32
      %convert_element_type3A_108 = arith.extui %lt3A_107 : i1 to i32
      %cond3A_109 = arith.constant 0 : i32
      %cond3A_110 = arith.cmpi ne, %convert_element_type3A_108, %cond3A_109 : i32
      scf.if %cond3A_110 {
        %mul3A_160 = arith.constant 32 : i32
        %mul3A_161 = arith.muli %add3A_97, %mul3A_160 : i32
        %add3A_162 = arith.addi %add3A, %mul3A_161 : i32
        %mul3A_163 = arith.constant 64 : i32
        %mul3A_164 = arith.muli %add3A_162, %mul3A_163 : i32
        %dma_start3A = tpu.memref_slice %arg4[%mul3A_164] : memref<320000xi32, #tpu.memory_space<hbm>> -> memref<64xi32, #tpu.memory_space<hbm>>
        %dma_start3A_165 = tpu.memref_slice %arg4[%mul3A_164] : memref<320000xi32, #tpu.memory_space<hbm>> -> memref<64xi32, #tpu.memory_space<hbm>>
        tpu.enqueue_dma source(%dma_start3A_165 : memref<64xi32, #tpu.memory_space<hbm>>) target(%arg16 : memref<64xi32, #tpu.memory_space<vmem>>) target_semaphore(%arg23 : memref<!tpu.dma_semaphore, #tpu.memory_space<semaphore_mem>>)
        %dma_start3A_166 = tpu.memref_slice %arg5[%mul3A_164] : memref<320000xi32, #tpu.memory_space<hbm>> -> memref<64xi32, #tpu.memory_space<hbm>>
        %dma_start3A_167 = tpu.memref_slice %arg5[%mul3A_164] : memref<320000xi32, #tpu.memory_space<hbm>> -> memref<64xi32, #tpu.memory_space<hbm>>
        tpu.enqueue_dma source(%dma_start3A_167 : memref<64xi32, #tpu.memory_space<hbm>>) target(%arg19 : memref<64xi32, #tpu.memory_space<vmem>>) target_semaphore(%arg23 : memref<!tpu.dma_semaphore, #tpu.memory_space<semaphore_mem>>)
        %mul3A_168 = arith.constant 8 : i32
        %mul3A_169 = arith.muli %add3A_162, %mul3A_168 : i32
        %dma_start3A_170 = arith.constant 0 : i32
        %dma_start3A_171 = tpu.memref_slice %arg3[%mul3A_169, %dma_start3A_170] : memref<40000x512xi32, #tpu.memory_space<hbm>> -> memref<8x512xi32, #tpu.memory_space<hbm>>
        %dma_start3A_172 = arith.constant 0 : i32
        %dma_start3A_173 = tpu.memref_slice %arg3[%mul3A_169, %dma_start3A_172] : memref<40000x512xi32, #tpu.memory_space<hbm>> -> memref<8x512xi32, #tpu.memory_space<hbm>>
        tpu.enqueue_dma source(%dma_start3A_173 : memref<8x512xi32, #tpu.memory_space<hbm>>) target(%arg13 : memref<8x512xi32, #tpu.memory_space<vmem>>) target_semaphore(%arg23 : memref<!tpu.dma_semaphore, #tpu.memory_space<semaphore_mem>>)
      } else {
      }
      %ge3A_111 = arith.constant 1 : i32
      %ge3A_112 = arith.cmpi sge, %add3A_97, %ge3A_111 : i32
      %le3A_113 = arith.cmpi sle, %add3A_97, %select_n3A : i32
      %and3A_114 = arith.andi %ge3A_112, %le3A_113 : i1
      %convert_element_type3A_115 = arith.extui %and3A_114 : i1 to i32
      %cond3A_116 = arith.constant 0 : i32
      %cond3A_117 = arith.cmpi ne, %convert_element_type3A_115, %cond3A_116 : i32
      scf.if %cond3A_117 {
        %sub3A = arith.constant 1 : i32
        %sub3A_160 = arith.subi %add3A_97, %sub3A : i32
        %mul3A_161 = arith.constant 32 : i32
        %mul3A_162 = arith.muli %sub3A_160, %mul3A_161 : i32
        %add3A_163 = arith.addi %add3A, %mul3A_162 : i32
        %mul3A_164 = arith.constant 64 : i32
        %mul3A_165 = arith.muli %add3A_163, %mul3A_164 : i32
        %dma_wait3A = tpu.memref_slice %arg4[%mul3A_165] : memref<320000xi32, #tpu.memory_space<hbm>> -> memref<64xi32, #tpu.memory_space<hbm>>
        %dma_wait3A_166 = tpu.memref_slice %arg4[%mul3A_165] : memref<320000xi32, #tpu.memory_space<hbm>> -> memref<64xi32, #tpu.memory_space<hbm>>
        tpu.wait_dma2 semaphore(%arg22 : memref<!tpu.dma_semaphore, #tpu.memory_space<semaphore_mem>>) src(%dma_wait3A_166 : memref<64xi32, #tpu.memory_space<hbm>>) dst(%arg15 : memref<64xi32, #tpu.memory_space<vmem>>)
        %dma_wait3A_167 = tpu.memref_slice %arg5[%mul3A_165] : memref<320000xi32, #tpu.memory_space<hbm>> -> memref<64xi32, #tpu.memory_space<hbm>>
        %dma_wait3A_168 = tpu.memref_slice %arg5[%mul3A_165] : memref<320000xi32, #tpu.memory_space<hbm>> -> memref<64xi32, #tpu.memory_space<hbm>>
        tpu.wait_dma2 semaphore(%arg22 : memref<!tpu.dma_semaphore, #tpu.memory_space<semaphore_mem>>) src(%dma_wait3A_168 : memref<64xi32, #tpu.memory_space<hbm>>) dst(%arg18 : memref<64xi32, #tpu.memory_space<vmem>>)
        %mul3A_169 = arith.constant 8 : i32
        %mul3A_170 = arith.muli %add3A_163, %mul3A_169 : i32
        %dma_wait3A_171 = arith.constant 0 : i32
        %dma_wait3A_172 = tpu.memref_slice %arg3[%mul3A_170, %dma_wait3A_171] : memref<40000x512xi32, #tpu.memory_space<hbm>> -> memref<8x512xi32, #tpu.memory_space<hbm>>
        %dma_wait3A_173 = arith.constant 0 : i32
        %dma_wait3A_174 = tpu.memref_slice %arg3[%mul3A_170, %dma_wait3A_173] : memref<40000x512xi32, #tpu.memory_space<hbm>> -> memref<8x512xi32, #tpu.memory_space<hbm>>
        tpu.wait_dma2 semaphore(%arg22 : memref<!tpu.dma_semaphore, #tpu.memory_space<semaphore_mem>>) src(%dma_wait3A_174 : memref<8x512xi32, #tpu.memory_space<hbm>>) dst(%arg12 : memref<8x512xi32, #tpu.memory_space<vmem>>)
        %dma_start3A = arith.constant 0 : i32
        %dma_start3A_175 = arith.constant 0 : i32
        %dma_start3A_176 = tpu.memref_slice %arg2[%dma_start3A, %dma_start3A_175] : memref<10000x128xf32, #tpu.memory_space<hbm>> -> memref<10000x128xf32, #tpu.memory_space<hbm>>
        tpu.enqueue_indirect_dma source(%dma_start3A_176 : memref<10000x128xf32, #tpu.memory_space<hbm>>) target(%arg9 : memref<64x128xf32, #tpu.memory_space<vmem>>) offsets(%arg15 : memref<64xi32, #tpu.memory_space<vmem>>) semaphore(%arg25 : memref<!tpu.dma_semaphore, #tpu.memory_space<semaphore_mem>>)
      } else {
      }
      %ge3A_118 = arith.constant 2 : i32
      %ge3A_119 = arith.cmpi sge, %add3A_97, %ge3A_118 : i32
      %add3A_120 = arith.constant 1 : i32
      %add3A_121 = arith.addi %select_n3A, %add3A_120 : i32
      %le3A_122 = arith.cmpi sle, %add3A_97, %add3A_121 : i32
      %and3A_123 = arith.andi %ge3A_119, %le3A_122 : i1
      %convert_element_type3A_124 = arith.extui %and3A_123 : i1 to i32
      %cond3A_125 = arith.constant 0 : i32
      %cond3A_126 = arith.cmpi ne, %convert_element_type3A_124, %cond3A_125 : i32
      scf.if %cond3A_126 {
        %dma_wait3A = arith.constant 0 : i32
        %dma_wait3A_160 = arith.constant 0 : i32
        %dma_wait3A_161 = tpu.memref_slice %arg2[%dma_wait3A, %dma_wait3A_160] : memref<10000x128xf32, #tpu.memory_space<hbm>> -> memref<10000x128xf32, #tpu.memory_space<hbm>>
        tpu.wait_indirect_dma semaphore(%arg27 : memref<!tpu.dma_semaphore, #tpu.memory_space<semaphore_mem>>) src(%dma_wait3A_161 : memref<10000x128xf32, #tpu.memory_space<hbm>>) dst(%arg11 : memref<64x128xf32, #tpu.memory_space<vmem>>)
        %parallel_loop3A = arith.constant 0 : i32
        %parallel_loop3A_162 = arith.constant 8 : i32
        %parallel_loop3A_163 = arith.constant 1 : i32
        scf.for %parallel_loop3A_192 = %parallel_loop3A to %parallel_loop3A_162 step %parallel_loop3A_163  : i32 {
          %parallel_loop3A_193 = arith.constant 8 : i32
          %parallel_loop3A_194 = arith.muli %parallel_loop3A_192, %parallel_loop3A_193 : i32
          %parallel_loop3A_195 = arith.constant 0 : i32
          %parallel_loop3A_196 = arith.addi %parallel_loop3A_194, %parallel_loop3A_195 : i32
          %parallel_loop3A_197 = arith.index_cast %parallel_loop3A_192 : i32 to index
          %parallel_loop3A_198 = arith.constant 0 : index
          %parallel_loop3A_199 = tpu.vector_load %arg14[%parallel_loop3A_197, %parallel_loop3A_198] {strides = array<i32>} : memref<8x512xi32, #tpu.memory_space<vmem>>, vector<16xi32>,
          %parallel_loop3A_200 = vector.bitcast %parallel_loop3A_199 : vector<16xi32> to vector<32xbf16>
          %parallel_loop3A_201 = tpu.unpack_subelements %parallel_loop3A_200, 0 {pack_format = #tpu.pack_format<interleaved>} : vector<32xbf16> -> vector<16xf32>
          %parallel_loop3A_202 = tpu.unpack_subelements %parallel_loop3A_200, 1 {pack_format = #tpu.pack_format<interleaved>} : vector<32xbf16> -> vector<16xf32>
          %parallel_loop3A_203 = arith.index_cast %parallel_loop3A_196 : i32 to index
          %parallel_loop3A_204 = arith.constant 0 : index
          %parallel_loop3A_205 = tpu.vector_load %arg11[%parallel_loop3A_203, %parallel_loop3A_204] {strides = array<i32>} : memref<64x128xf32, #tpu.memory_space<vmem>>, vector<16xf32>,
          %parallel_loop3A_206 = arith.index_cast %parallel_loop3A_196 : i32 to index
          %parallel_loop3A_207 = arith.constant 16 : index
          %parallel_loop3A_208 = tpu.vector_load %arg11[%parallel_loop3A_206, %parallel_loop3A_207] {strides = array<i32>} : memref<64x128xf32, #tpu.memory_space<vmem>>, vector<16xf32>,
          %parallel_loop3A_209 = arith.addf %parallel_loop3A_205, %parallel_loop3A_201 : vector<16xf32>
          %parallel_loop3A_210 = arith.constant 0.000000e+00 : f32
          %parallel_loop3A_211 = vector.broadcast %parallel_loop3A_210 : f32 to vector<16xf32>
          %parallel_loop3A_212 = arith.maximumf %parallel_loop3A_209, %parallel_loop3A_211 : vector<16xf32>
          %parallel_loop3A_213 = arith.index_cast %parallel_loop3A_196 : i32 to index
          %parallel_loop3A_214 = arith.constant 0 : index
          %parallel_loop3A_215 = tpu.vector_load %arg11[%parallel_loop3A_213, %parallel_loop3A_214] {strides = array<i32>} : memref<64x128xf32, #tpu.memory_space<vmem>>, vector<16xf32>,
          tpu.vector_store %arg11[%parallel_loop3A_213, %parallel_loop3A_214], %parallel_loop3A_212 {strides = array<i32>} : memref<64x128xf32, #tpu.memory_space<vmem>>, vector<16xf32>,
          %parallel_loop3A_216 = arith.addf %parallel_loop3A_208, %parallel_loop3A_202 : vector<16xf32>
          %parallel_loop3A_217 = arith.constant 0.000000e+00 : f32
          %parallel_loop3A_218 = vector.broadcast %parallel_loop3A_217 : f32 to vector<16xf32>
          %parallel_loop3A_219 = arith.maximumf %parallel_loop3A_216, %parallel_loop3A_218 : vector<16xf32>
          %parallel_loop3A_220 = arith.index_cast %parallel_loop3A_196 : i32 to index
          %parallel_loop3A_221 = arith.constant 16 : index
          %parallel_loop3A_222 = tpu.vector_load %arg11[%parallel_loop3A_220, %parallel_loop3A_221] {strides = array<i32>} : memref<64x128xf32, #tpu.memory_space<vmem>>, vector<16xf32>,
          tpu.vector_store %arg11[%parallel_loop3A_220, %parallel_loop3A_221], %parallel_loop3A_219 {strides = array<i32>} : memref<64x128xf32, #tpu.memory_space<vmem>>, vector<16xf32>,
          %parallel_loop3A_223 = arith.index_cast %parallel_loop3A_192 : i32 to index
          %parallel_loop3A_224 = arith.constant 16 : index
          %parallel_loop3A_225 = tpu.vector_load %arg14[%parallel_loop3A_223, %parallel_loop3A_224] {strides = array<i32>} : memref<8x512xi32, #tpu.memory_space<vmem>>, vector<16xi32>,
          %parallel_loop3A_226 = vector.bitcast %parallel_loop3A_225 : vector<16xi32> to vector<32xbf16>
          %parallel_loop3A_227 = tpu.unpack_subelements %parallel_loop3A_226, 0 {pack_format = #tpu.pack_format<interleaved>} : vector<32xbf16> -> vector<16xf32>
          %parallel_loop3A_228 = tpu.unpack_subelements %parallel_loop3A_226, 1 {pack_format = #tpu.pack_format<interleaved>} : vector<32xbf16> -> vector<16xf32>
          %parallel_loop3A_229 = arith.index_cast %parallel_loop3A_196 : i32 to index
          %parallel_loop3A_230 = arith.constant 32 : index
          %parallel_loop3A_231 = tpu.vector_load %arg11[%parallel_loop3A_229, %parallel_loop3A_230] {strides = array<i32>} : memref<64x128xf32, #tpu.memory_space<vmem>>, vector<16xf32>,
          %parallel_loop3A_232 = arith.index_cast %parallel_loop3A_196 : i32 to index
          %parallel_loop3A_233 = arith.constant 48 : index
          %parallel_loop3A_234 = tpu.vector_load %arg11[%parallel_loop3A_232, %parallel_loop3A_233] {strides = array<i32>} : memref<64x128xf32, #tpu.memory_space<vmem>>, vector<16xf32>,
          %parallel_loop3A_235 = arith.addf %parallel_loop3A_231, %parallel_loop3A_227 : vector<16xf32>
          %parallel_loop3A_236 = arith.constant 0.000000e+00 : f32
          %parallel_loop3A_237 = vector.broadcast %parallel_loop3A_236 : f32 to vector<16xf32>
          %parallel_loop3A_238 = arith.maximumf %parallel_loop3A_235, %parallel_loop3A_237 : vector<16xf32>
          %parallel_loop3A_239 = arith.index_cast %parallel_loop3A_196 : i32 to index
          %parallel_loop3A_240 = arith.constant 32 : index
          %parallel_loop3A_241 = tpu.vector_load %arg11[%parallel_loop3A_239, %parallel_loop3A_240] {strides = array<i32>} : memref<64x128xf32, #tpu.memory_space<vmem>>, vector<16xf32>,
          tpu.vector_store %arg11[%parallel_loop3A_239, %parallel_loop3A_240], %parallel_loop3A_238 {strides = array<i32>} : memref<64x128xf32, #tpu.memory_space<vmem>>, vector<16xf32>,
          %parallel_loop3A_242 = arith.addf %parallel_loop3A_234, %parallel_loop3A_228 : vector<16xf32>
          %parallel_loop3A_243 = arith.constant 0.000000e+00 : f32
          %parallel_loop3A_244 = vector.broadcast %parallel_loop3A_243 : f32 to vector<16xf32>
          %parallel_loop3A_245 = arith.maximumf %parallel_loop3A_242, %parallel_loop3A_244 : vector<16xf32>
          %parallel_loop3A_246 = arith.index_cast %parallel_loop3A_196 : i32 to index
          %parallel_loop3A_247 = arith.constant 48 : index
          %parallel_loop3A_248 = tpu.vector_load %arg11[%parallel_loop3A_246, %parallel_loop3A_247] {strides = array<i32>} : memref<64x128xf32, #tpu.memory_space<vmem>>, vector<16xf32>,
          tpu.vector_store %arg11[%parallel_loop3A_246, %parallel_loop3A_247], %parallel_loop3A_245 {strides = array<i32>} : memref<64x128xf32, #tpu.memory_space<vmem>>, vector<16xf32>,
          %parallel_loop3A_249 = arith.index_cast %parallel_loop3A_192 : i32 to index
          %parallel_loop3A_250 = arith.constant 32 : index
          %parallel_loop3A_251 = tpu.vector_load %arg14[%parallel_loop3A_249, %parallel_loop3A_250] {strides = array<i32>} : memref<8x512xi32, #tpu.memory_space<vmem>>, vector<16xi32>,
          %parallel_loop3A_252 = vector.bitcast %parallel_loop3A_251 : vector<16xi32> to vector<32xbf16>
          %parallel_loop3A_253 = tpu.unpack_subelements %parallel_loop3A_252, 0 {pack_format = #tpu.pack_format<interleaved>} : vector<32xbf16> -> vector<16xf32>
          %parallel_loop3A_254 = tpu.unpack_subelements %parallel_loop3A_252, 1 {pack_format = #tpu.pack_format<interleaved>} : vector<32xbf16> -> vector<16xf32>
          %parallel_loop3A_255 = arith.index_cast %parallel_loop3A_196 : i32 to index
          %parallel_loop3A_256 = arith.constant 64 : index
          %parallel_loop3A_257 = tpu.vector_load %arg11[%parallel_loop3A_255, %parallel_loop3A_256] {strides = array<i32>} : memref<64x128xf32, #tpu.memory_space<vmem>>, vector<16xf32>,
          %parallel_loop3A_258 = arith.index_cast %parallel_loop3A_196 : i32 to index
          %parallel_loop3A_259 = arith.constant 80 : index
          %parallel_loop3A_260 = tpu.vector_load %arg11[%parallel_loop3A_258, %parallel_loop3A_259] {strides = array<i32>} : memref<64x128xf32, #tpu.memory_space<vmem>>, vector<16xf32>,
          %parallel_loop3A_261 = arith.addf %parallel_loop3A_257, %parallel_loop3A_253 : vector<16xf32>
          %parallel_loop3A_262 = arith.constant 0.000000e+00 : f32
          %parallel_loop3A_263 = vector.broadcast %parallel_loop3A_262 : f32 to vector<16xf32>
          %parallel_loop3A_264 = arith.maximumf %parallel_loop3A_261, %parallel_loop3A_263 : vector<16xf32>
          %parallel_loop3A_265 = arith.index_cast %parallel_loop3A_196 : i32 to index
          %parallel_loop3A_266 = arith.constant 64 : index
          %parallel_loop3A_267 = tpu.vector_load %arg11[%parallel_loop3A_265, %parallel_loop3A_266] {strides = array<i32>} : memref<64x128xf32, #tpu.memory_space<vmem>>, vector<16xf32>,
          tpu.vector_store %arg11[%parallel_loop3A_265, %parallel_loop3A_266], %parallel_loop3A_264 {strides = array<i32>} : memref<64x128xf32, #tpu.memory_space<vmem>>, vector<16xf32>,
          %parallel_loop3A_268 = arith.addf %parallel_loop3A_260, %parallel_loop3A_254 : vector<16xf32>
          %parallel_loop3A_269 = arith.constant 0.000000e+00 : f32
          %parallel_loop3A_270 = vector.broadcast %parallel_loop3A_269 : f32 to vector<16xf32>
          %parallel_loop3A_271 = arith.maximumf %parallel_loop3A_268, %parallel_loop3A_270 : vector<16xf32>
          %parallel_loop3A_272 = arith.index_cast %parallel_loop3A_196 : i32 to index
          %parallel_loop3A_273 = arith.constant 80 : index
          %parallel_loop3A_274 = tpu.vector_load %arg11[%parallel_loop3A_272, %parallel_loop3A_273] {strides = array<i32>} : memref<64x128xf32, #tpu.memory_space<vmem>>, vector<16xf32>,
          tpu.vector_store %arg11[%parallel_loop3A_272, %parallel_loop3A_273], %parallel_loop3A_271 {strides = array<i32>} : memref<64x128xf32, #tpu.memory_space<vmem>>, vector<16xf32>,
          %parallel_loop3A_275 = arith.index_cast %parallel_loop3A_192 : i32 to index
          %parallel_loop3A_276 = arith.constant 48 : index
          %parallel_loop3A_277 = tpu.vector_load %arg14[%parallel_loop3A_275, %parallel_loop3A_276] {strides = array<i32>} : memref<8x512xi32, #tpu.memory_space<vmem>>, vector<16xi32>,
          %parallel_loop3A_278 = vector.bitcast %parallel_loop3A_277 : vector<16xi32> to vector<32xbf16>
          %parallel_loop3A_279 = tpu.unpack_subelements %parallel_loop3A_278, 0 {pack_format = #tpu.pack_format<interleaved>} : vector<32xbf16> -> vector<16xf32>
          %parallel_loop3A_280 = tpu.unpack_subelements %parallel_loop3A_278, 1 {pack_format = #tpu.pack_format<interleaved>} : vector<32xbf16> -> vector<16xf32>
          %parallel_loop3A_281 = arith.index_cast %parallel_loop3A_196 : i32 to index
          %parallel_loop3A_282 = arith.constant 96 : index
          %parallel_loop3A_283 = tpu.vector_load %arg11[%parallel_loop3A_281, %parallel_loop3A_282] {strides = array<i32>} : memref<64x128xf32, #tpu.memory_space<vmem>>, vector<16xf32>,
          %parallel_loop3A_284 = arith.index_cast %parallel_loop3A_196 : i32 to index
          %parallel_loop3A_285 = arith.constant 112 : index
          %parallel_loop3A_286 = tpu.vector_load %arg11[%parallel_loop3A_284, %parallel_loop3A_285] {strides = array<i32>} : memref<64x128xf32, #tpu.memory_space<vmem>>, vector<16xf32>,
          %parallel_loop3A_287 = arith.addf %parallel_loop3A_283, %parallel_loop3A_279 : vector<16xf32>
          %parallel_loop3A_288 = arith.constant 0.000000e+00 : f32
          %parallel_loop3A_289 = vector.broadcast %parallel_loop3A_288 : f32 to vector<16xf32>
          %parallel_loop3A_290 = arith.maximumf %parallel_loop3A_287, %parallel_loop3A_289 : vector<16xf32>
          %parallel_loop3A_291 = arith.index_cast %parallel_loop3A_196 : i32 to index
          %parallel_loop3A_292 = arith.constant 96 : index
          %parallel_loop3A_293 = tpu.vector_load %arg11[%parallel_loop3A_291, %parallel_loop3A_292] {strides = array<i32>} : memref<64x128xf32, #tpu.memory_space<vmem>>, vector<16xf32>,
          tpu.vector_store %arg11[%parallel_loop3A_291, %parallel_loop3A_292], %parallel_loop3A_290 {strides = array<i32>} : memref<64x128xf32, #tpu.memory_space<vmem>>, vector<16xf32>,
          %parallel_loop3A_294 = arith.addf %parallel_loop3A_286, %parallel_loop3A_280 : vector<16xf32>
          %parallel_loop3A_295 = arith.constant 0.000000e+00 : f32
          %parallel_loop3A_296 = vector.broadcast %parallel_loop3A_295 : f32 to vector<16xf32>
          %parallel_loop3A_297 = arith.maximumf %parallel_loop3A_294, %parallel_loop3A_296 : vector<16xf32>
          %parallel_loop3A_298 = arith.index_cast %parallel_loop3A_196 : i32 to index
          %parallel_loop3A_299 = arith.constant 112 : index
          %parallel_loop3A_300 = tpu.vector_load %arg11[%parallel_loop3A_298, %parallel_loop3A_299] {strides = array<i32>} : memref<64x128xf32, #tpu.memory_space<vmem>>, vector<16xf32>,
          tpu.vector_store %arg11[%parallel_loop3A_298, %parallel_loop3A_299], %parallel_loop3A_297 {strides = array<i32>} : memref<64x128xf32, #tpu.memory_space<vmem>>, vector<16xf32>,
          %parallel_loop3A_301 = arith.constant 8 : i32
          %parallel_loop3A_302 = arith.muli %parallel_loop3A_192, %parallel_loop3A_301 : i32
          %parallel_loop3A_303 = arith.constant 1 : i32
          %parallel_loop3A_304 = arith.addi %parallel_loop3A_302, %parallel_loop3A_303 : i32
          %parallel_loop3A_305 = arith.index_cast %parallel_loop3A_192 : i32 to index
          %parallel_loop3A_306 = arith.constant 64 : index
          %parallel_loop3A_307 = tpu.vector_load %arg14[%parallel_loop3A_305, %parallel_loop3A_306] {strides = array<i32>} : memref<8x512xi32, #tpu.memory_space<vmem>>, vector<16xi32>,
          %parallel_loop3A_308 = vector.bitcast %parallel_loop3A_307 : vector<16xi32> to vector<32xbf16>
          %parallel_loop3A_309 = tpu.unpack_subelements %parallel_loop3A_308, 0 {pack_format = #tpu.pack_format<interleaved>} : vector<32xbf16> -> vector<16xf32>
          %parallel_loop3A_310 = tpu.unpack_subelements %parallel_loop3A_308, 1 {pack_format = #tpu.pack_format<interleaved>} : vector<32xbf16> -> vector<16xf32>
          %parallel_loop3A_311 = arith.index_cast %parallel_loop3A_304 : i32 to index
          %parallel_loop3A_312 = arith.constant 0 : index
          %parallel_loop3A_313 = tpu.vector_load %arg11[%parallel_loop3A_311, %parallel_loop3A_312] {strides = array<i32>} : memref<64x128xf32, #tpu.memory_space<vmem>>, vector<16xf32>,
          %parallel_loop3A_314 = arith.index_cast %parallel_loop3A_304 : i32 to index
          %parallel_loop3A_315 = arith.constant 16 : index
          %parallel_loop3A_316 = tpu.vector_load %arg11[%parallel_loop3A_314, %parallel_loop3A_315] {strides = array<i32>} : memref<64x128xf32, #tpu.memory_space<vmem>>, vector<16xf32>,
          %parallel_loop3A_317 = arith.addf %parallel_loop3A_313, %parallel_loop3A_309 : vector<16xf32>
          %parallel_loop3A_318 = arith.constant 0.000000e+00 : f32
          %parallel_loop3A_319 = vector.broadcast %parallel_loop3A_318 : f32 to vector<16xf32>
          %parallel_loop3A_320 = arith.maximumf %parallel_loop3A_317, %parallel_loop3A_319 : vector<16xf32>
          %parallel_loop3A_321 = arith.index_cast %parallel_loop3A_304 : i32 to index
          %parallel_loop3A_322 = arith.constant 0 : index
          %parallel_loop3A_323 = tpu.vector_load %arg11[%parallel_loop3A_321, %parallel_loop3A_322] {strides = array<i32>} : memref<64x128xf32, #tpu.memory_space<vmem>>, vector<16xf32>,
          tpu.vector_store %arg11[%parallel_loop3A_321, %parallel_loop3A_322], %parallel_loop3A_320 {strides = array<i32>} : memref<64x128xf32, #tpu.memory_space<vmem>>, vector<16xf32>,
          %parallel_loop3A_324 = arith.addf %parallel_loop3A_316, %parallel_loop3A_310 : vector<16xf32>
          %parallel_loop3A_325 = arith.constant 0.000000e+00 : f32
          %parallel_loop3A_326 = vector.broadcast %parallel_loop3A_325 : f32 to vector<16xf32>
          %parallel_loop3A_327 = arith.maximumf %parallel_loop3A_324, %parallel_loop3A_326 : vector<16xf32>
          %parallel_loop3A_328 = arith.index_cast %parallel_loop3A_304 : i32 to index
          %parallel_loop3A_329 = arith.constant 16 : index
          %parallel_loop3A_330 = tpu.vector_load %arg11[%parallel_loop3A_328, %parallel_loop3A_329] {strides = array<i32>} : memref<64x128xf32, #tpu.memory_space<vmem>>, vector<16xf32>,
          tpu.vector_store %arg11[%parallel_loop3A_328, %parallel_loop3A_329], %parallel_loop3A_327 {strides = array<i32>} : memref<64x128xf32, #tpu.memory_space<vmem>>, vector<16xf32>,
          %parallel_loop3A_331 = arith.index_cast %parallel_loop3A_192 : i32 to index
          %parallel_loop3A_332 = arith.constant 80 : index
          %parallel_loop3A_333 = tpu.vector_load %arg14[%parallel_loop3A_331, %parallel_loop3A_332] {strides = array<i32>} : memref<8x512xi32, #tpu.memory_space<vmem>>, vector<16xi32>,
          %parallel_loop3A_334 = vector.bitcast %parallel_loop3A_333 : vector<16xi32> to vector<32xbf16>
          %parallel_loop3A_335 = tpu.unpack_subelements %parallel_loop3A_334, 0 {pack_format = #tpu.pack_format<interleaved>} : vector<32xbf16> -> vector<16xf32>
          %parallel_loop3A_336 = tpu.unpack_subelements %parallel_loop3A_334, 1 {pack_format = #tpu.pack_format<interleaved>} : vector<32xbf16> -> vector<16xf32>
          %parallel_loop3A_337 = arith.index_cast %parallel_loop3A_304 : i32 to index
          %parallel_loop3A_338 = arith.constant 32 : index
          %parallel_loop3A_339 = tpu.vector_load %arg11[%parallel_loop3A_337, %parallel_loop3A_338] {strides = array<i32>} : memref<64x128xf32, #tpu.memory_space<vmem>>, vector<16xf32>,
          %parallel_loop3A_340 = arith.index_cast %parallel_loop3A_304 : i32 to index
          %parallel_loop3A_341 = arith.constant 48 : index
          %parallel_loop3A_342 = tpu.vector_load %arg11[%parallel_loop3A_340, %parallel_loop3A_341] {strides = array<i32>} : memref<64x128xf32, #tpu.memory_space<vmem>>, vector<16xf32>,
          %parallel_loop3A_343 = arith.addf %parallel_loop3A_339, %parallel_loop3A_335 : vector<16xf32>
          %parallel_loop3A_344 = arith.constant 0.000000e+00 : f32
          %parallel_loop3A_345 = vector.broadcast %parallel_loop3A_344 : f32 to vector<16xf32>
          %parallel_loop3A_346 = arith.maximumf %parallel_loop3A_343, %parallel_loop3A_345 : vector<16xf32>
          %parallel_loop3A_347 = arith.index_cast %parallel_loop3A_304 : i32 to index
          %parallel_loop3A_348 = arith.constant 32 : index
          %parallel_loop3A_349 = tpu.vector_load %arg11[%parallel_loop3A_347, %parallel_loop3A_348] {strides = array<i32>} : memref<64x128xf32, #tpu.memory_space<vmem>>, vector<16xf32>,
          tpu.vector_store %arg11[%parallel_loop3A_347, %parallel_loop3A_348], %parallel_loop3A_346 {strides = array<i32>} : memref<64x128xf32, #tpu.memory_space<vmem>>, vector<16xf32>,
          %parallel_loop3A_350 = arith.addf %parallel_loop3A_342, %parallel_loop3A_336 : vector<16xf32>
          %parallel_loop3A_351 = arith.constant 0.000000e+00 : f32
          %parallel_loop3A_352 = vector.broadcast %parallel_loop3A_351 : f32 to vector<16xf32>
          %parallel_loop3A_353 = arith.maximumf %parallel_loop3A_350, %parallel_loop3A_352 : vector<16xf32>
          %parallel_loop3A_354 = arith.index_cast %parallel_loop3A_304 : i32 to index
          %parallel_loop3A_355 = arith.constant 48 : index
          %parallel_loop3A_356 = tpu.vector_load %arg11[%parallel_loop3A_354, %parallel_loop3A_355] {strides = array<i32>} : memref<64x128xf32, #tpu.memory_space<vmem>>, vector<16xf32>,
          tpu.vector_store %arg11[%parallel_loop3A_354, %parallel_loop3A_355], %parallel_loop3A_353 {strides = array<i32>} : memref<64x128xf32, #tpu.memory_space<vmem>>, vector<16xf32>,
          %parallel_loop3A_357 = arith.index_cast %parallel_loop3A_192 : i32 to index
          %parallel_loop3A_358 = arith.constant 96 : index
          %parallel_loop3A_359 = tpu.vector_load %arg14[%parallel_loop3A_357, %parallel_loop3A_358] {strides = array<i32>} : memref<8x512xi32, #tpu.memory_space<vmem>>, vector<16xi32>,
          %parallel_loop3A_360 = vector.bitcast %parallel_loop3A_359 : vector<16xi32> to vector<32xbf16>
          %parallel_loop3A_361 = tpu.unpack_subelements %parallel_loop3A_360, 0 {pack_format = #tpu.pack_format<interleaved>} : vector<32xbf16> -> vector<16xf32>
          %parallel_loop3A_362 = tpu.unpack_subelements %parallel_loop3A_360, 1 {pack_format = #tpu.pack_format<interleaved>} : vector<32xbf16> -> vector<16xf32>
          %parallel_loop3A_363 = arith.index_cast %parallel_loop3A_304 : i32 to index
          %parallel_loop3A_364 = arith.constant 64 : index
          %parallel_loop3A_365 = tpu.vector_load %arg11[%parallel_loop3A_363, %parallel_loop3A_364] {strides = array<i32>} : memref<64x128xf32, #tpu.memory_space<vmem>>, vector<16xf32>,
          %parallel_loop3A_366 = arith.index_cast %parallel_loop3A_304 : i32 to index
          %parallel_loop3A_367 = arith.constant 80 : index
          %parallel_loop3A_368 = tpu.vector_load %arg11[%parallel_loop3A_366, %parallel_loop3A_367] {strides = array<i32>} : memref<64x128xf32, #tpu.memory_space<vmem>>, vector<16xf32>,
          %parallel_loop3A_369 = arith.addf %parallel_loop3A_365, %parallel_loop3A_361 : vector<16xf32>
          %parallel_loop3A_370 = arith.constant 0.000000e+00 : f32
          %parallel_loop3A_371 = vector.broadcast %parallel_loop3A_370 : f32 to vector<16xf32>
          %parallel_loop3A_372 = arith.maximumf %parallel_loop3A_369, %parallel_loop3A_371 : vector<16xf32>
          %parallel_loop3A_373 = arith.index_cast %parallel_loop3A_304 : i32 to index
          %parallel_loop3A_374 = arith.constant 64 : index
          %parallel_loop3A_375 = tpu.vector_load %arg11[%parallel_loop3A_373, %parallel_loop3A_374] {strides = array<i32>} : memref<64x128xf32, #tpu.memory_space<vmem>>, vector<16xf32>,
          tpu.vector_store %arg11[%parallel_loop3A_373, %parallel_loop3A_374], %parallel_loop3A_372 {strides = array<i32>} : memref<64x128xf32, #tpu.memory_space<vmem>>, vector<16xf32>,
          %parallel_loop3A_376 = arith.addf %parallel_loop3A_368, %parallel_loop3A_362 : vector<16xf32>
          %parallel_loop3A_377 = arith.constant 0.000000e+00 : f32
          %parallel_loop3A_378 = vector.broadcast %parallel_loop3A_377 : f32 to vector<16xf32>
          %parallel_loop3A_379 = arith.maximumf %parallel_loop3A_376, %parallel_loop3A_378 : vector<16xf32>
          %parallel_loop3A_380 = arith.index_cast %parallel_loop3A_304 : i32 to index
          %parallel_loop3A_381 = arith.constant 80 : index
          %parallel_loop3A_382 = tpu.vector_load %arg11[%parallel_loop3A_380, %parallel_loop3A_381] {strides = array<i32>} : memref<64x128xf32, #tpu.memory_space<vmem>>, vector<16xf32>,
          tpu.vector_store %arg11[%parallel_loop3A_380, %parallel_loop3A_381], %parallel_loop3A_379 {strides = array<i32>} : memref<64x128xf32, #tpu.memory_space<vmem>>, vector<16xf32>,
          %parallel_loop3A_383 = arith.index_cast %parallel_loop3A_192 : i32 to index
          %parallel_loop3A_384 = arith.constant 112 : index
          %parallel_loop3A_385 = tpu.vector_load %arg14[%parallel_loop3A_383, %parallel_loop3A_384] {strides = array<i32>} : memref<8x512xi32, #tpu.memory_space<vmem>>, vector<16xi32>,
          %parallel_loop3A_386 = vector.bitcast %parallel_loop3A_385 : vector<16xi32> to vector<32xbf16>
          %parallel_loop3A_387 = tpu.unpack_subelements %parallel_loop3A_386, 0 {pack_format = #tpu.pack_format<interleaved>} : vector<32xbf16> -> vector<16xf32>
          %parallel_loop3A_388 = tpu.unpack_subelements %parallel_loop3A_386, 1 {pack_format = #tpu.pack_format<interleaved>} : vector<32xbf16> -> vector<16xf32>
          %parallel_loop3A_389 = arith.index_cast %parallel_loop3A_304 : i32 to index
          %parallel_loop3A_390 = arith.constant 96 : index
          %parallel_loop3A_391 = tpu.vector_load %arg11[%parallel_loop3A_389, %parallel_loop3A_390] {strides = array<i32>} : memref<64x128xf32, #tpu.memory_space<vmem>>, vector<16xf32>,
          %parallel_loop3A_392 = arith.index_cast %parallel_loop3A_304 : i32 to index
          %parallel_loop3A_393 = arith.constant 112 : index
          %parallel_loop3A_394 = tpu.vector_load %arg11[%parallel_loop3A_392, %parallel_loop3A_393] {strides = array<i32>} : memref<64x128xf32, #tpu.memory_space<vmem>>, vector<16xf32>,
          %parallel_loop3A_395 = arith.addf %parallel_loop3A_391, %parallel_loop3A_387 : vector<16xf32>
          %parallel_loop3A_396 = arith.constant 0.000000e+00 : f32
          %parallel_loop3A_397 = vector.broadcast %parallel_loop3A_396 : f32 to vector<16xf32>
          %parallel_loop3A_398 = arith.maximumf %parallel_loop3A_395, %parallel_loop3A_397 : vector<16xf32>
          %parallel_loop3A_399 = arith.index_cast %parallel_loop3A_304 : i32 to index
          %parallel_loop3A_400 = arith.constant 96 : index
          %parallel_loop3A_401 = tpu.vector_load %arg11[%parallel_loop3A_399, %parallel_loop3A_400] {strides = array<i32>} : memref<64x128xf32, #tpu.memory_space<vmem>>, vector<16xf32>,
          tpu.vector_store %arg11[%parallel_loop3A_399, %parallel_loop3A_400], %parallel_loop3A_398 {strides = array<i32>} : memref<64x128xf32, #tpu.memory_space<vmem>>, vector<16xf32>,
          %parallel_loop3A_402 = arith.addf %parallel_loop3A_394, %parallel_loop3A_388 : vector<16xf32>
          %parallel_loop3A_403 = arith.constant 0.000000e+00 : f32
          %parallel_loop3A_404 = vector.broadcast %parallel_loop3A_403 : f32 to vector<16xf32>
          %parallel_loop3A_405 = arith.maximumf %parallel_loop3A_402, %parallel_loop3A_404 : vector<16xf32>
          %parallel_loop3A_406 = arith.index_cast %parallel_loop3A_304 : i32 to index
          %parallel_loop3A_407 = arith.constant 112 : index
          %parallel_loop3A_408 = tpu.vector_load %arg11[%parallel_loop3A_406, %parallel_loop3A_407] {strides = array<i32>} : memref<64x128xf32, #tpu.memory_space<vmem>>, vector<16xf32>,
          tpu.vector_store %arg11[%parallel_loop3A_406, %parallel_loop3A_407], %parallel_loop3A_405 {strides = array<i32>} : memref<64x128xf32, #tpu.memory_space<vmem>>, vector<16xf32>,
          %parallel_loop3A_409 = arith.constant 8 : i32
          %parallel_loop3A_410 = arith.muli %parallel_loop3A_192, %parallel_loop3A_409 : i32
          %parallel_loop3A_411 = arith.constant 2 : i32
          %parallel_loop3A_412 = arith.addi %parallel_loop3A_410, %parallel_loop3A_411 : i32
          %parallel_loop3A_413 = arith.index_cast %parallel_loop3A_192 : i32 to index
          %parallel_loop3A_414 = arith.constant 128 : index
          %parallel_loop3A_415 = tpu.vector_load %arg14[%parallel_loop3A_413, %parallel_loop3A_414] {strides = array<i32>} : memref<8x512xi32, #tpu.memory_space<vmem>>, vector<16xi32>,
          %parallel_loop3A_416 = vector.bitcast %parallel_loop3A_415 : vector<16xi32> to vector<32xbf16>
          %parallel_loop3A_417 = tpu.unpack_subelements %parallel_loop3A_416, 0 {pack_format = #tpu.pack_format<interleaved>} : vector<32xbf16> -> vector<16xf32>
          %parallel_loop3A_418 = tpu.unpack_subelements %parallel_loop3A_416, 1 {pack_format = #tpu.pack_format<interleaved>} : vector<32xbf16> -> vector<16xf32>
          %parallel_loop3A_419 = arith.index_cast %parallel_loop3A_412 : i32 to index
          %parallel_loop3A_420 = arith.constant 0 : index
          %parallel_loop3A_421 = tpu.vector_load %arg11[%parallel_loop3A_419, %parallel_loop3A_420] {strides = array<i32>} : memref<64x128xf32, #tpu.memory_space<vmem>>, vector<16xf32>,
          %parallel_loop3A_422 = arith.index_cast %parallel_loop3A_412 : i32 to index
          %parallel_loop3A_423 = arith.constant 16 : index
          %parallel_loop3A_424 = tpu.vector_load %arg11[%parallel_loop3A_422, %parallel_loop3A_423] {strides = array<i32>} : memref<64x128xf32, #tpu.memory_space<vmem>>, vector<16xf32>,
          %parallel_loop3A_425 = arith.addf %parallel_loop3A_421, %parallel_loop3A_417 : vector<16xf32>
          %parallel_loop3A_426 = arith.constant 0.000000e+00 : f32
          %parallel_loop3A_427 = vector.broadcast %parallel_loop3A_426 : f32 to vector<16xf32>
          %parallel_loop3A_428 = arith.maximumf %parallel_loop3A_425, %parallel_loop3A_427 : vector<16xf32>
          %parallel_loop3A_429 = arith.index_cast %parallel_loop3A_412 : i32 to index
          %parallel_loop3A_430 = arith.constant 0 : index
          %parallel_loop3A_431 = tpu.vector_load %arg11[%parallel_loop3A_429, %parallel_loop3A_430] {strides = array<i32>} : memref<64x128xf32, #tpu.memory_space<vmem>>, vector<16xf32>,
          tpu.vector_store %arg11[%parallel_loop3A_429, %parallel_loop3A_430], %parallel_loop3A_428 {strides = array<i32>} : memref<64x128xf32, #tpu.memory_space<vmem>>, vector<16xf32>,
          %parallel_loop3A_432 = arith.addf %parallel_loop3A_424, %parallel_loop3A_418 : vector<16xf32>
          %parallel_loop3A_433 = arith.constant 0.000000e+00 : f32
          %parallel_loop3A_434 = vector.broadcast %parallel_loop3A_433 : f32 to vector<16xf32>
          %parallel_loop3A_435 = arith.maximumf %parallel_loop3A_432, %parallel_loop3A_434 : vector<16xf32>
          %parallel_loop3A_436 = arith.index_cast %parallel_loop3A_412 : i32 to index
          %parallel_loop3A_437 = arith.constant 16 : index
          %parallel_loop3A_438 = tpu.vector_load %arg11[%parallel_loop3A_436, %parallel_loop3A_437] {strides = array<i32>} : memref<64x128xf32, #tpu.memory_space<vmem>>, vector<16xf32>,
          tpu.vector_store %arg11[%parallel_loop3A_436, %parallel_loop3A_437], %parallel_loop3A_435 {strides = array<i32>} : memref<64x128xf32, #tpu.memory_space<vmem>>, vector<16xf32>,
          %parallel_loop3A_439 = arith.index_cast %parallel_loop3A_192 : i32 to index
          %parallel_loop3A_440 = arith.constant 144 : index
          %parallel_loop3A_441 = tpu.vector_load %arg14[%parallel_loop3A_439, %parallel_loop3A_440] {strides = array<i32>} : memref<8x512xi32, #tpu.memory_space<vmem>>, vector<16xi32>,
          %parallel_loop3A_442 = vector.bitcast %parallel_loop3A_441 : vector<16xi32> to vector<32xbf16>
          %parallel_loop3A_443 = tpu.unpack_subelements %parallel_loop3A_442, 0 {pack_format = #tpu.pack_format<interleaved>} : vector<32xbf16> -> vector<16xf32>
          %parallel_loop3A_444 = tpu.unpack_subelements %parallel_loop3A_442, 1 {pack_format = #tpu.pack_format<interleaved>} : vector<32xbf16> -> vector<16xf32>
          %parallel_loop3A_445 = arith.index_cast %parallel_loop3A_412 : i32 to index
          %parallel_loop3A_446 = arith.constant 32 : index
          %parallel_loop3A_447 = tpu.vector_load %arg11[%parallel_loop3A_445, %parallel_loop3A_446] {strides = array<i32>} : memref<64x128xf32, #tpu.memory_space<vmem>>, vector<16xf32>,
          %parallel_loop3A_448 = arith.index_cast %parallel_loop3A_412 : i32 to index
          %parallel_loop3A_449 = arith.constant 48 : index
          %parallel_loop3A_450 = tpu.vector_load %arg11[%parallel_loop3A_448, %parallel_loop3A_449] {strides = array<i32>} : memref<64x128xf32, #tpu.memory_space<vmem>>, vector<16xf32>,
          %parallel_loop3A_451 = arith.addf %parallel_loop3A_447, %parallel_loop3A_443 : vector<16xf32>
          %parallel_loop3A_452 = arith.constant 0.000000e+00 : f32
          %parallel_loop3A_453 = vector.broadcast %parallel_loop3A_452 : f32 to vector<16xf32>
          %parallel_loop3A_454 = arith.maximumf %parallel_loop3A_451, %parallel_loop3A_453 : vector<16xf32>
          %parallel_loop3A_455 = arith.index_cast %parallel_loop3A_412 : i32 to index
          %parallel_loop3A_456 = arith.constant 32 : index
          %parallel_loop3A_457 = tpu.vector_load %arg11[%parallel_loop3A_455, %parallel_loop3A_456] {strides = array<i32>} : memref<64x128xf32, #tpu.memory_space<vmem>>, vector<16xf32>,
          tpu.vector_store %arg11[%parallel_loop3A_455, %parallel_loop3A_456], %parallel_loop3A_454 {strides = array<i32>} : memref<64x128xf32, #tpu.memory_space<vmem>>, vector<16xf32>,
          %parallel_loop3A_458 = arith.addf %parallel_loop3A_450, %parallel_loop3A_444 : vector<16xf32>
          %parallel_loop3A_459 = arith.constant 0.000000e+00 : f32
          %parallel_loop3A_460 = vector.broadcast %parallel_loop3A_459 : f32 to vector<16xf32>
          %parallel_loop3A_461 = arith.maximumf %parallel_loop3A_458, %parallel_loop3A_460 : vector<16xf32>
          %parallel_loop3A_462 = arith.index_cast %parallel_loop3A_412 : i32 to index
          %parallel_loop3A_463 = arith.constant 48 : index
          %parallel_loop3A_464 = tpu.vector_load %arg11[%parallel_loop3A_462, %parallel_loop3A_463] {strides = array<i32>} : memref<64x128xf32, #tpu.memory_space<vmem>>, vector<16xf32>,
          tpu.vector_store %arg11[%parallel_loop3A_462, %parallel_loop3A_463], %parallel_loop3A_461 {strides = array<i32>} : memref<64x128xf32, #tpu.memory_space<vmem>>, vector<16xf32>,
          %parallel_loop3A_465 = arith.index_cast %parallel_loop3A_192 : i32 to index
          %parallel_loop3A_466 = arith.constant 160 : index
          %parallel_loop3A_467 = tpu.vector_load %arg14[%parallel_loop3A_465, %parallel_loop3A_466] {strides = array<i32>} : memref<8x512xi32, #tpu.memory_space<vmem>>, vector<16xi32>,
          %parallel_loop3A_468 = vector.bitcast %parallel_loop3A_467 : vector<16xi32> to vector<32xbf16>
          %parallel_loop3A_469 = tpu.unpack_subelements %parallel_loop3A_468, 0 {pack_format = #tpu.pack_format<interleaved>} : vector<32xbf16> -> vector<16xf32>
          %parallel_loop3A_470 = tpu.unpack_subelements %parallel_loop3A_468, 1 {pack_format = #tpu.pack_format<interleaved>} : vector<32xbf16> -> vector<16xf32>
          %parallel_loop3A_471 = arith.index_cast %parallel_loop3A_412 : i32 to index
          %parallel_loop3A_472 = arith.constant 64 : index
          %parallel_loop3A_473 = tpu.vector_load %arg11[%parallel_loop3A_471, %parallel_loop3A_472] {strides = array<i32>} : memref<64x128xf32, #tpu.memory_space<vmem>>, vector<16xf32>,
          %parallel_loop3A_474 = arith.index_cast %parallel_loop3A_412 : i32 to index
          %parallel_loop3A_475 = arith.constant 80 : index
          %parallel_loop3A_476 = tpu.vector_load %arg11[%parallel_loop3A_474, %parallel_loop3A_475] {strides = array<i32>} : memref<64x128xf32, #tpu.memory_space<vmem>>, vector<16xf32>,
          %parallel_loop3A_477 = arith.addf %parallel_loop3A_473, %parallel_loop3A_469 : vector<16xf32>
          %parallel_loop3A_478 = arith.constant 0.000000e+00 : f32
          %parallel_loop3A_479 = vector.broadcast %parallel_loop3A_478 : f32 to vector<16xf32>
          %parallel_loop3A_480 = arith.maximumf %parallel_loop3A_477, %parallel_loop3A_479 : vector<16xf32>
          %parallel_loop3A_481 = arith.index_cast %parallel_loop3A_412 : i32 to index
          %parallel_loop3A_482 = arith.constant 64 : index
          %parallel_loop3A_483 = tpu.vector_load %arg11[%parallel_loop3A_481, %parallel_loop3A_482] {strides = array<i32>} : memref<64x128xf32, #tpu.memory_space<vmem>>, vector<16xf32>,
          tpu.vector_store %arg11[%parallel_loop3A_481, %parallel_loop3A_482], %parallel_loop3A_480 {strides = array<i32>} : memref<64x128xf32, #tpu.memory_space<vmem>>, vector<16xf32>,
          %parallel_loop3A_484 = arith.addf %parallel_loop3A_476, %parallel_loop3A_470 : vector<16xf32>
          %parallel_loop3A_485 = arith.constant 0.000000e+00 : f32
          %parallel_loop3A_486 = vector.broadcast %parallel_loop3A_485 : f32 to vector<16xf32>
          %parallel_loop3A_487 = arith.maximumf %parallel_loop3A_484, %parallel_loop3A_486 : vector<16xf32>
          %parallel_loop3A_488 = arith.index_cast %parallel_loop3A_412 : i32 to index
          %parallel_loop3A_489 = arith.constant 80 : index
          %parallel_loop3A_490 = tpu.vector_load %arg11[%parallel_loop3A_488, %parallel_loop3A_489] {strides = array<i32>} : memref<64x128xf32, #tpu.memory_space<vmem>>, vector<16xf32>,
          tpu.vector_store %arg11[%parallel_loop3A_488, %parallel_loop3A_489], %parallel_loop3A_487 {strides = array<i32>} : memref<64x128xf32, #tpu.memory_space<vmem>>, vector<16xf32>,
          %parallel_loop3A_491 = arith.index_cast %parallel_loop3A_192 : i32 to index
          %parallel_loop3A_492 = arith.constant 176 : index
          %parallel_loop3A_493 = tpu.vector_load %arg14[%parallel_loop3A_491, %parallel_loop3A_492] {strides = array<i32>} : memref<8x512xi32, #tpu.memory_space<vmem>>, vector<16xi32>,
          %parallel_loop3A_494 = vector.bitcast %parallel_loop3A_493 : vector<16xi32> to vector<32xbf16>
          %parallel_loop3A_495 = tpu.unpack_subelements %parallel_loop3A_494, 0 {pack_format = #tpu.pack_format<interleaved>} : vector<32xbf16> -> vector<16xf32>
          %parallel_loop3A_496 = tpu.unpack_subelements %parallel_loop3A_494, 1 {pack_format = #tpu.pack_format<interleaved>} : vector<32xbf16> -> vector<16xf32>
          %parallel_loop3A_497 = arith.index_cast %parallel_loop3A_412 : i32 to index
          %parallel_loop3A_498 = arith.constant 96 : index
          %parallel_loop3A_499 = tpu.vector_load %arg11[%parallel_loop3A_497, %parallel_loop3A_498] {strides = array<i32>} : memref<64x128xf32, #tpu.memory_space<vmem>>, vector<16xf32>,
          %parallel_loop3A_500 = arith.index_cast %parallel_loop3A_412 : i32 to index
          %parallel_loop3A_501 = arith.constant 112 : index
          %parallel_loop3A_502 = tpu.vector_load %arg11[%parallel_loop3A_500, %parallel_loop3A_501] {strides = array<i32>} : memref<64x128xf32, #tpu.memory_space<vmem>>, vector<16xf32>,
          %parallel_loop3A_503 = arith.addf %parallel_loop3A_499, %parallel_loop3A_495 : vector<16xf32>
          %parallel_loop3A_504 = arith.constant 0.000000e+00 : f32
          %parallel_loop3A_505 = vector.broadcast %parallel_loop3A_504 : f32 to vector<16xf32>
          %parallel_loop3A_506 = arith.maximumf %parallel_loop3A_503, %parallel_loop3A_505 : vector<16xf32>
          %parallel_loop3A_507 = arith.index_cast %parallel_loop3A_412 : i32 to index
          %parallel_loop3A_508 = arith.constant 96 : index
          %parallel_loop3A_509 = tpu.vector_load %arg11[%parallel_loop3A_507, %parallel_loop3A_508] {strides = array<i32>} : memref<64x128xf32, #tpu.memory_space<vmem>>, vector<16xf32>,
          tpu.vector_store %arg11[%parallel_loop3A_507, %parallel_loop3A_508], %parallel_loop3A_506 {strides = array<i32>} : memref<64x128xf32, #tpu.memory_space<vmem>>, vector<16xf32>,
          %parallel_loop3A_510 = arith.addf %parallel_loop3A_502, %parallel_loop3A_496 : vector<16xf32>
          %parallel_loop3A_511 = arith.constant 0.000000e+00 : f32
          %parallel_loop3A_512 = vector.broadcast %parallel_loop3A_511 : f32 to vector<16xf32>
          %parallel_loop3A_513 = arith.maximumf %parallel_loop3A_510, %parallel_loop3A_512 : vector<16xf32>
          %parallel_loop3A_514 = arith.index_cast %parallel_loop3A_412 : i32 to index
          %parallel_loop3A_515 = arith.constant 112 : index
          %parallel_loop3A_516 = tpu.vector_load %arg11[%parallel_loop3A_514, %parallel_loop3A_515] {strides = array<i32>} : memref<64x128xf32, #tpu.memory_space<vmem>>, vector<16xf32>,
          tpu.vector_store %arg11[%parallel_loop3A_514, %parallel_loop3A_515], %parallel_loop3A_513 {strides = array<i32>} : memref<64x128xf32, #tpu.memory_space<vmem>>, vector<16xf32>,
          %parallel_loop3A_517 = arith.constant 8 : i32
          %parallel_loop3A_518 = arith.muli %parallel_loop3A_192, %parallel_loop3A_517 : i32
          %parallel_loop3A_519 = arith.constant 3 : i32
          %parallel_loop3A_520 = arith.addi %parallel_loop3A_518, %parallel_loop3A_519 : i32
          %parallel_loop3A_521 = arith.index_cast %parallel_loop3A_192 : i32 to index
          %parallel_loop3A_522 = arith.constant 192 : index
          %parallel_loop3A_523 = tpu.vector_load %arg14[%parallel_loop3A_521, %parallel_loop3A_522] {strides = array<i32>} : memref<8x512xi32, #tpu.memory_space<vmem>>, vector<16xi32>,
          %parallel_loop3A_524 = vector.bitcast %parallel_loop3A_523 : vector<16xi32> to vector<32xbf16>
          %parallel_loop3A_525 = tpu.unpack_subelements %parallel_loop3A_524, 0 {pack_format = #tpu.pack_format<interleaved>} : vector<32xbf16> -> vector<16xf32>
          %parallel_loop3A_526 = tpu.unpack_subelements %parallel_loop3A_524, 1 {pack_format = #tpu.pack_format<interleaved>} : vector<32xbf16> -> vector<16xf32>
          %parallel_loop3A_527 = arith.index_cast %parallel_loop3A_520 : i32 to index
          %parallel_loop3A_528 = arith.constant 0 : index
          %parallel_loop3A_529 = tpu.vector_load %arg11[%parallel_loop3A_527, %parallel_loop3A_528] {strides = array<i32>} : memref<64x128xf32, #tpu.memory_space<vmem>>, vector<16xf32>,
          %parallel_loop3A_530 = arith.index_cast %parallel_loop3A_520 : i32 to index
          %parallel_loop3A_531 = arith.constant 16 : index
          %parallel_loop3A_532 = tpu.vector_load %arg11[%parallel_loop3A_530, %parallel_loop3A_531] {strides = array<i32>} : memref<64x128xf32, #tpu.memory_space<vmem>>, vector<16xf32>,
          %parallel_loop3A_533 = arith.addf %parallel_loop3A_529, %parallel_loop3A_525 : vector<16xf32>
          %parallel_loop3A_534 = arith.constant 0.000000e+00 : f32
          %parallel_loop3A_535 = vector.broadcast %parallel_loop3A_534 : f32 to vector<16xf32>
          %parallel_loop3A_536 = arith.maximumf %parallel_loop3A_533, %parallel_loop3A_535 : vector<16xf32>
          %parallel_loop3A_537 = arith.index_cast %parallel_loop3A_520 : i32 to index
          %parallel_loop3A_538 = arith.constant 0 : index
          %parallel_loop3A_539 = tpu.vector_load %arg11[%parallel_loop3A_537, %parallel_loop3A_538] {strides = array<i32>} : memref<64x128xf32, #tpu.memory_space<vmem>>, vector<16xf32>,
          tpu.vector_store %arg11[%parallel_loop3A_537, %parallel_loop3A_538], %parallel_loop3A_536 {strides = array<i32>} : memref<64x128xf32, #tpu.memory_space<vmem>>, vector<16xf32>,
          %parallel_loop3A_540 = arith.addf %parallel_loop3A_532, %parallel_loop3A_526 : vector<16xf32>
          %parallel_loop3A_541 = arith.constant 0.000000e+00 : f32
          %parallel_loop3A_542 = vector.broadcast %parallel_loop3A_541 : f32 to vector<16xf32>
          %parallel_loop3A_543 = arith.maximumf %parallel_loop3A_540, %parallel_loop3A_542 : vector<16xf32>
          %parallel_loop3A_544 = arith.index_cast %parallel_loop3A_520 : i32 to index
          %parallel_loop3A_545 = arith.constant 16 : index
          %parallel_loop3A_546 = tpu.vector_load %arg11[%parallel_loop3A_544, %parallel_loop3A_545] {strides = array<i32>} : memref<64x128xf32, #tpu.memory_space<vmem>>, vector<16xf32>,
          tpu.vector_store %arg11[%parallel_loop3A_544, %parallel_loop3A_545], %parallel_loop3A_543 {strides = array<i32>} : memref<64x128xf32, #tpu.memory_space<vmem>>, vector<16xf32>,
          %parallel_loop3A_547 = arith.index_cast %parallel_loop3A_192 : i32 to index
          %parallel_loop3A_548 = arith.constant 208 : index
          %parallel_loop3A_549 = tpu.vector_load %arg14[%parallel_loop3A_547, %parallel_loop3A_548] {strides = array<i32>} : memref<8x512xi32, #tpu.memory_space<vmem>>, vector<16xi32>,
          %parallel_loop3A_550 = vector.bitcast %parallel_loop3A_549 : vector<16xi32> to vector<32xbf16>
          %parallel_loop3A_551 = tpu.unpack_subelements %parallel_loop3A_550, 0 {pack_format = #tpu.pack_format<interleaved>} : vector<32xbf16> -> vector<16xf32>
          %parallel_loop3A_552 = tpu.unpack_subelements %parallel_loop3A_550, 1 {pack_format = #tpu.pack_format<interleaved>} : vector<32xbf16> -> vector<16xf32>
          %parallel_loop3A_553 = arith.index_cast %parallel_loop3A_520 : i32 to index
          %parallel_loop3A_554 = arith.constant 32 : index
          %parallel_loop3A_555 = tpu.vector_load %arg11[%parallel_loop3A_553, %parallel_loop3A_554] {strides = array<i32>} : memref<64x128xf32, #tpu.memory_space<vmem>>, vector<16xf32>,
          %parallel_loop3A_556 = arith.index_cast %parallel_loop3A_520 : i32 to index
          %parallel_loop3A_557 = arith.constant 48 : index
          %parallel_loop3A_558 = tpu.vector_load %arg11[%parallel_loop3A_556, %parallel_loop3A_557] {strides = array<i32>} : memref<64x128xf32, #tpu.memory_space<vmem>>, vector<16xf32>,
          %parallel_loop3A_559 = arith.addf %parallel_loop3A_555, %parallel_loop3A_551 : vector<16xf32>
          %parallel_loop3A_560 = arith.constant 0.000000e+00 : f32
          %parallel_loop3A_561 = vector.broadcast %parallel_loop3A_560 : f32 to vector<16xf32>
          %parallel_loop3A_562 = arith.maximumf %parallel_loop3A_559, %parallel_loop3A_561 : vector<16xf32>
          %parallel_loop3A_563 = arith.index_cast %parallel_loop3A_520 : i32 to index
          %parallel_loop3A_564 = arith.constant 32 : index
          %parallel_loop3A_565 = tpu.vector_load %arg11[%parallel_loop3A_563, %parallel_loop3A_564] {strides = array<i32>} : memref<64x128xf32, #tpu.memory_space<vmem>>, vector<16xf32>,
          tpu.vector_store %arg11[%parallel_loop3A_563, %parallel_loop3A_564], %parallel_loop3A_562 {strides = array<i32>} : memref<64x128xf32, #tpu.memory_space<vmem>>, vector<16xf32>,
          %parallel_loop3A_566 = arith.addf %parallel_loop3A_558, %parallel_loop3A_552 : vector<16xf32>
          %parallel_loop3A_567 = arith.constant 0.000000e+00 : f32
          %parallel_loop3A_568 = vector.broadcast %parallel_loop3A_567 : f32 to vector<16xf32>
          %parallel_loop3A_569 = arith.maximumf %parallel_loop3A_566, %parallel_loop3A_568 : vector<16xf32>
          %parallel_loop3A_570 = arith.index_cast %parallel_loop3A_520 : i32 to index
          %parallel_loop3A_571 = arith.constant 48 : index
          %parallel_loop3A_572 = tpu.vector_load %arg11[%parallel_loop3A_570, %parallel_loop3A_571] {strides = array<i32>} : memref<64x128xf32, #tpu.memory_space<vmem>>, vector<16xf32>,
          tpu.vector_store %arg11[%parallel_loop3A_570, %parallel_loop3A_571], %parallel_loop3A_569 {strides = array<i32>} : memref<64x128xf32, #tpu.memory_space<vmem>>, vector<16xf32>,
          %parallel_loop3A_573 = arith.index_cast %parallel_loop3A_192 : i32 to index
          %parallel_loop3A_574 = arith.constant 224 : index
          %parallel_loop3A_575 = tpu.vector_load %arg14[%parallel_loop3A_573, %parallel_loop3A_574] {strides = array<i32>} : memref<8x512xi32, #tpu.memory_space<vmem>>, vector<16xi32>,
          %parallel_loop3A_576 = vector.bitcast %parallel_loop3A_575 : vector<16xi32> to vector<32xbf16>
          %parallel_loop3A_577 = tpu.unpack_subelements %parallel_loop3A_576, 0 {pack_format = #tpu.pack_format<interleaved>} : vector<32xbf16> -> vector<16xf32>
          %parallel_loop3A_578 = tpu.unpack_subelements %parallel_loop3A_576, 1 {pack_format = #tpu.pack_format<interleaved>} : vector<32xbf16> -> vector<16xf32>
          %parallel_loop3A_579 = arith.index_cast %parallel_loop3A_520 : i32 to index
          %parallel_loop3A_580 = arith.constant 64 : index
          %parallel_loop3A_581 = tpu.vector_load %arg11[%parallel_loop3A_579, %parallel_loop3A_580] {strides = array<i32>} : memref<64x128xf32, #tpu.memory_space<vmem>>, vector<16xf32>,
          %parallel_loop3A_582 = arith.index_cast %parallel_loop3A_520 : i32 to index
          %parallel_loop3A_583 = arith.constant 80 : index
          %parallel_loop3A_584 = tpu.vector_load %arg11[%parallel_loop3A_582, %parallel_loop3A_583] {strides = array<i32>} : memref<64x128xf32, #tpu.memory_space<vmem>>, vector<16xf32>,
          %parallel_loop3A_585 = arith.addf %parallel_loop3A_581, %parallel_loop3A_577 : vector<16xf32>
          %parallel_loop3A_586 = arith.constant 0.000000e+00 : f32
          %parallel_loop3A_587 = vector.broadcast %parallel_loop3A_586 : f32 to vector<16xf32>
          %parallel_loop3A_588 = arith.maximumf %parallel_loop3A_585, %parallel_loop3A_587 : vector<16xf32>
          %parallel_loop3A_589 = arith.index_cast %parallel_loop3A_520 : i32 to index
          %parallel_loop3A_590 = arith.constant 64 : index
          %parallel_loop3A_591 = tpu.vector_load %arg11[%parallel_loop3A_589, %parallel_loop3A_590] {strides = array<i32>} : memref<64x128xf32, #tpu.memory_space<vmem>>, vector<16xf32>,
          tpu.vector_store %arg11[%parallel_loop3A_589, %parallel_loop3A_590], %parallel_loop3A_588 {strides = array<i32>} : memref<64x128xf32, #tpu.memory_space<vmem>>, vector<16xf32>,
          %parallel_loop3A_592 = arith.addf %parallel_loop3A_584, %parallel_loop3A_578 : vector<16xf32>
          %parallel_loop3A_593 = arith.constant 0.000000e+00 : f32
          %parallel_loop3A_594 = vector.broadcast %parallel_loop3A_593 : f32 to vector<16xf32>
          %parallel_loop3A_595 = arith.maximumf %parallel_loop3A_592, %parallel_loop3A_594 : vector<16xf32>
          %parallel_loop3A_596 = arith.index_cast %parallel_loop3A_520 : i32 to index
          %parallel_loop3A_597 = arith.constant 80 : index
          %parallel_loop3A_598 = tpu.vector_load %arg11[%parallel_loop3A_596, %parallel_loop3A_597] {strides = array<i32>} : memref<64x128xf32, #tpu.memory_space<vmem>>, vector<16xf32>,
          tpu.vector_store %arg11[%parallel_loop3A_596, %parallel_loop3A_597], %parallel_loop3A_595 {strides = array<i32>} : memref<64x128xf32, #tpu.memory_space<vmem>>, vector<16xf32>,
          %parallel_loop3A_599 = arith.index_cast %parallel_loop3A_192 : i32 to index
          %parallel_loop3A_600 = arith.constant 240 : index
          %parallel_loop3A_601 = tpu.vector_load %arg14[%parallel_loop3A_599, %parallel_loop3A_600] {strides = array<i32>} : memref<8x512xi32, #tpu.memory_space<vmem>>, vector<16xi32>,
          %parallel_loop3A_602 = vector.bitcast %parallel_loop3A_601 : vector<16xi32> to vector<32xbf16>
          %parallel_loop3A_603 = tpu.unpack_subelements %parallel_loop3A_602, 0 {pack_format = #tpu.pack_format<interleaved>} : vector<32xbf16> -> vector<16xf32>
          %parallel_loop3A_604 = tpu.unpack_subelements %parallel_loop3A_602, 1 {pack_format = #tpu.pack_format<interleaved>} : vector<32xbf16> -> vector<16xf32>
          %parallel_loop3A_605 = arith.index_cast %parallel_loop3A_520 : i32 to index
          %parallel_loop3A_606 = arith.constant 96 : index
          %parallel_loop3A_607 = tpu.vector_load %arg11[%parallel_loop3A_605, %parallel_loop3A_606] {strides = array<i32>} : memref<64x128xf32, #tpu.memory_space<vmem>>, vector<16xf32>,
          %parallel_loop3A_608 = arith.index_cast %parallel_loop3A_520 : i32 to index
          %parallel_loop3A_609 = arith.constant 112 : index
          %parallel_loop3A_610 = tpu.vector_load %arg11[%parallel_loop3A_608, %parallel_loop3A_609] {strides = array<i32>} : memref<64x128xf32, #tpu.memory_space<vmem>>, vector<16xf32>,
          %parallel_loop3A_611 = arith.addf %parallel_loop3A_607, %parallel_loop3A_603 : vector<16xf32>
          %parallel_loop3A_612 = arith.constant 0.000000e+00 : f32
          %parallel_loop3A_613 = vector.broadcast %parallel_loop3A_612 : f32 to vector<16xf32>
          %parallel_loop3A_614 = arith.maximumf %parallel_loop3A_611, %parallel_loop3A_613 : vector<16xf32>
          %parallel_loop3A_615 = arith.index_cast %parallel_loop3A_520 : i32 to index
          %parallel_loop3A_616 = arith.constant 96 : index
          %parallel_loop3A_617 = tpu.vector_load %arg11[%parallel_loop3A_615, %parallel_loop3A_616] {strides = array<i32>} : memref<64x128xf32, #tpu.memory_space<vmem>>, vector<16xf32>,
          tpu.vector_store %arg11[%parallel_loop3A_615, %parallel_loop3A_616], %parallel_loop3A_614 {strides = array<i32>} : memref<64x128xf32, #tpu.memory_space<vmem>>, vector<16xf32>,
          %parallel_loop3A_618 = arith.addf %parallel_loop3A_610, %parallel_loop3A_604 : vector<16xf32>
          %parallel_loop3A_619 = arith.constant 0.000000e+00 : f32
          %parallel_loop3A_620 = vector.broadcast %parallel_loop3A_619 : f32 to vector<16xf32>
          %parallel_loop3A_621 = arith.maximumf %parallel_loop3A_618, %parallel_loop3A_620 : vector<16xf32>
          %parallel_loop3A_622 = arith.index_cast %parallel_loop3A_520 : i32 to index
          %parallel_loop3A_623 = arith.constant 112 : index
          %parallel_loop3A_624 = tpu.vector_load %arg11[%parallel_loop3A_622, %parallel_loop3A_623] {strides = array<i32>} : memref<64x128xf32, #tpu.memory_space<vmem>>, vector<16xf32>,
          tpu.vector_store %arg11[%parallel_loop3A_622, %parallel_loop3A_623], %parallel_loop3A_621 {strides = array<i32>} : memref<64x128xf32, #tpu.memory_space<vmem>>, vector<16xf32>,
          %parallel_loop3A_625 = arith.constant 8 : i32
          %parallel_loop3A_626 = arith.muli %parallel_loop3A_192, %parallel_loop3A_625 : i32
          %parallel_loop3A_627 = arith.constant 4 : i32
          %parallel_loop3A_628 = arith.addi %parallel_loop3A_626, %parallel_loop3A_627 : i32
          %parallel_loop3A_629 = arith.index_cast %parallel_loop3A_192 : i32 to index
          %parallel_loop3A_630 = arith.constant 256 : index
          %parallel_loop3A_631 = tpu.vector_load %arg14[%parallel_loop3A_629, %parallel_loop3A_630] {strides = array<i32>} : memref<8x512xi32, #tpu.memory_space<vmem>>, vector<16xi32>,
          %parallel_loop3A_632 = vector.bitcast %parallel_loop3A_631 : vector<16xi32> to vector<32xbf16>
          %parallel_loop3A_633 = tpu.unpack_subelements %parallel_loop3A_632, 0 {pack_format = #tpu.pack_format<interleaved>} : vector<32xbf16> -> vector<16xf32>
          %parallel_loop3A_634 = tpu.unpack_subelements %parallel_loop3A_632, 1 {pack_format = #tpu.pack_format<interleaved>} : vector<32xbf16> -> vector<16xf32>
          %parallel_loop3A_635 = arith.index_cast %parallel_loop3A_628 : i32 to index
          %parallel_loop3A_636 = arith.constant 0 : index
          %parallel_loop3A_637 = tpu.vector_load %arg11[%parallel_loop3A_635, %parallel_loop3A_636] {strides = array<i32>} : memref<64x128xf32, #tpu.memory_space<vmem>>, vector<16xf32>,
          %parallel_loop3A_638 = arith.index_cast %parallel_loop3A_628 : i32 to index
          %parallel_loop3A_639 = arith.constant 16 : index
          %parallel_loop3A_640 = tpu.vector_load %arg11[%parallel_loop3A_638, %parallel_loop3A_639] {strides = array<i32>} : memref<64x128xf32, #tpu.memory_space<vmem>>, vector<16xf32>,
          %parallel_loop3A_641 = arith.addf %parallel_loop3A_637, %parallel_loop3A_633 : vector<16xf32>
          %parallel_loop3A_642 = arith.constant 0.000000e+00 : f32
          %parallel_loop3A_643 = vector.broadcast %parallel_loop3A_642 : f32 to vector<16xf32>
          %parallel_loop3A_644 = arith.maximumf %parallel_loop3A_641, %parallel_loop3A_643 : vector<16xf32>
          %parallel_loop3A_645 = arith.index_cast %parallel_loop3A_628 : i32 to index
          %parallel_loop3A_646 = arith.constant 0 : index
          %parallel_loop3A_647 = tpu.vector_load %arg11[%parallel_loop3A_645, %parallel_loop3A_646] {strides = array<i32>} : memref<64x128xf32, #tpu.memory_space<vmem>>, vector<16xf32>,
          tpu.vector_store %arg11[%parallel_loop3A_645, %parallel_loop3A_646], %parallel_loop3A_644 {strides = array<i32>} : memref<64x128xf32, #tpu.memory_space<vmem>>, vector<16xf32>,
          %parallel_loop3A_648 = arith.addf %parallel_loop3A_640, %parallel_loop3A_634 : vector<16xf32>
          %parallel_loop3A_649 = arith.constant 0.000000e+00 : f32
          %parallel_loop3A_650 = vector.broadcast %parallel_loop3A_649 : f32 to vector<16xf32>
          %parallel_loop3A_651 = arith.maximumf %parallel_loop3A_648, %parallel_loop3A_650 : vector<16xf32>
          %parallel_loop3A_652 = arith.index_cast %parallel_loop3A_628 : i32 to index
          %parallel_loop3A_653 = arith.constant 16 : index
          %parallel_loop3A_654 = tpu.vector_load %arg11[%parallel_loop3A_652, %parallel_loop3A_653] {strides = array<i32>} : memref<64x128xf32, #tpu.memory_space<vmem>>, vector<16xf32>,
          tpu.vector_store %arg11[%parallel_loop3A_652, %parallel_loop3A_653], %parallel_loop3A_651 {strides = array<i32>} : memref<64x128xf32, #tpu.memory_space<vmem>>, vector<16xf32>,
          %parallel_loop3A_655 = arith.index_cast %parallel_loop3A_192 : i32 to index
          %parallel_loop3A_656 = arith.constant 272 : index
          %parallel_loop3A_657 = tpu.vector_load %arg14[%parallel_loop3A_655, %parallel_loop3A_656] {strides = array<i32>} : memref<8x512xi32, #tpu.memory_space<vmem>>, vector<16xi32>,
          %parallel_loop3A_658 = vector.bitcast %parallel_loop3A_657 : vector<16xi32> to vector<32xbf16>
          %parallel_loop3A_659 = tpu.unpack_subelements %parallel_loop3A_658, 0 {pack_format = #tpu.pack_format<interleaved>} : vector<32xbf16> -> vector<16xf32>
          %parallel_loop3A_660 = tpu.unpack_subelements %parallel_loop3A_658, 1 {pack_format = #tpu.pack_format<interleaved>} : vector<32xbf16> -> vector<16xf32>
          %parallel_loop3A_661 = arith.index_cast %parallel_loop3A_628 : i32 to index
          %parallel_loop3A_662 = arith.constant 32 : index
          %parallel_loop3A_663 = tpu.vector_load %arg11[%parallel_loop3A_661, %parallel_loop3A_662] {strides = array<i32>} : memref<64x128xf32, #tpu.memory_space<vmem>>, vector<16xf32>,
          %parallel_loop3A_664 = arith.index_cast %parallel_loop3A_628 : i32 to index
          %parallel_loop3A_665 = arith.constant 48 : index
          %parallel_loop3A_666 = tpu.vector_load %arg11[%parallel_loop3A_664, %parallel_loop3A_665] {strides = array<i32>} : memref<64x128xf32, #tpu.memory_space<vmem>>, vector<16xf32>,
          %parallel_loop3A_667 = arith.addf %parallel_loop3A_663, %parallel_loop3A_659 : vector<16xf32>
          %parallel_loop3A_668 = arith.constant 0.000000e+00 : f32
          %parallel_loop3A_669 = vector.broadcast %parallel_loop3A_668 : f32 to vector<16xf32>
          %parallel_loop3A_670 = arith.maximumf %parallel_loop3A_667, %parallel_loop3A_669 : vector<16xf32>
          %parallel_loop3A_671 = arith.index_cast %parallel_loop3A_628 : i32 to index
          %parallel_loop3A_672 = arith.constant 32 : index
          %parallel_loop3A_673 = tpu.vector_load %arg11[%parallel_loop3A_671, %parallel_loop3A_672] {strides = array<i32>} : memref<64x128xf32, #tpu.memory_space<vmem>>, vector<16xf32>,
          tpu.vector_store %arg11[%parallel_loop3A_671, %parallel_loop3A_672], %parallel_loop3A_670 {strides = array<i32>} : memref<64x128xf32, #tpu.memory_space<vmem>>, vector<16xf32>,
          %parallel_loop3A_674 = arith.addf %parallel_loop3A_666, %parallel_loop3A_660 : vector<16xf32>
          %parallel_loop3A_675 = arith.constant 0.000000e+00 : f32
          %parallel_loop3A_676 = vector.broadcast %parallel_loop3A_675 : f32 to vector<16xf32>
          %parallel_loop3A_677 = arith.maximumf %parallel_loop3A_674, %parallel_loop3A_676 : vector<16xf32>
          %parallel_loop3A_678 = arith.index_cast %parallel_loop3A_628 : i32 to index
          %parallel_loop3A_679 = arith.constant 48 : index
          %parallel_loop3A_680 = tpu.vector_load %arg11[%parallel_loop3A_678, %parallel_loop3A_679] {strides = array<i32>} : memref<64x128xf32, #tpu.memory_space<vmem>>, vector<16xf32>,
          tpu.vector_store %arg11[%parallel_loop3A_678, %parallel_loop3A_679], %parallel_loop3A_677 {strides = array<i32>} : memref<64x128xf32, #tpu.memory_space<vmem>>, vector<16xf32>,
          %parallel_loop3A_681 = arith.index_cast %parallel_loop3A_192 : i32 to index
          %parallel_loop3A_682 = arith.constant 288 : index
          %parallel_loop3A_683 = tpu.vector_load %arg14[%parallel_loop3A_681, %parallel_loop3A_682] {strides = array<i32>} : memref<8x512xi32, #tpu.memory_space<vmem>>, vector<16xi32>,
          %parallel_loop3A_684 = vector.bitcast %parallel_loop3A_683 : vector<16xi32> to vector<32xbf16>
          %parallel_loop3A_685 = tpu.unpack_subelements %parallel_loop3A_684, 0 {pack_format = #tpu.pack_format<interleaved>} : vector<32xbf16> -> vector<16xf32>
          %parallel_loop3A_686 = tpu.unpack_subelements %parallel_loop3A_684, 1 {pack_format = #tpu.pack_format<interleaved>} : vector<32xbf16> -> vector<16xf32>
          %parallel_loop3A_687 = arith.index_cast %parallel_loop3A_628 : i32 to index
          %parallel_loop3A_688 = arith.constant 64 : index
          %parallel_loop3A_689 = tpu.vector_load %arg11[%parallel_loop3A_687, %parallel_loop3A_688] {strides = array<i32>} : memref<64x128xf32, #tpu.memory_space<vmem>>, vector<16xf32>,
          %parallel_loop3A_690 = arith.index_cast %parallel_loop3A_628 : i32 to index
          %parallel_loop3A_691 = arith.constant 80 : index
          %parallel_loop3A_692 = tpu.vector_load %arg11[%parallel_loop3A_690, %parallel_loop3A_691] {strides = array<i32>} : memref<64x128xf32, #tpu.memory_space<vmem>>, vector<16xf32>,
          %parallel_loop3A_693 = arith.addf %parallel_loop3A_689, %parallel_loop3A_685 : vector<16xf32>
          %parallel_loop3A_694 = arith.constant 0.000000e+00 : f32
          %parallel_loop3A_695 = vector.broadcast %parallel_loop3A_694 : f32 to vector<16xf32>
          %parallel_loop3A_696 = arith.maximumf %parallel_loop3A_693, %parallel_loop3A_695 : vector<16xf32>
          %parallel_loop3A_697 = arith.index_cast %parallel_loop3A_628 : i32 to index
          %parallel_loop3A_698 = arith.constant 64 : index
          %parallel_loop3A_699 = tpu.vector_load %arg11[%parallel_loop3A_697, %parallel_loop3A_698] {strides = array<i32>} : memref<64x128xf32, #tpu.memory_space<vmem>>, vector<16xf32>,
          tpu.vector_store %arg11[%parallel_loop3A_697, %parallel_loop3A_698], %parallel_loop3A_696 {strides = array<i32>} : memref<64x128xf32, #tpu.memory_space<vmem>>, vector<16xf32>,
          %parallel_loop3A_700 = arith.addf %parallel_loop3A_692, %parallel_loop3A_686 : vector<16xf32>
          %parallel_loop3A_701 = arith.constant 0.000000e+00 : f32
          %parallel_loop3A_702 = vector.broadcast %parallel_loop3A_701 : f32 to vector<16xf32>
          %parallel_loop3A_703 = arith.maximumf %parallel_loop3A_700, %parallel_loop3A_702 : vector<16xf32>
          %parallel_loop3A_704 = arith.index_cast %parallel_loop3A_628 : i32 to index
          %parallel_loop3A_705 = arith.constant 80 : index
          %parallel_loop3A_706 = tpu.vector_load %arg11[%parallel_loop3A_704, %parallel_loop3A_705] {strides = array<i32>} : memref<64x128xf32, #tpu.memory_space<vmem>>, vector<16xf32>,
          tpu.vector_store %arg11[%parallel_loop3A_704, %parallel_loop3A_705], %parallel_loop3A_703 {strides = array<i32>} : memref<64x128xf32, #tpu.memory_space<vmem>>, vector<16xf32>,
          %parallel_loop3A_707 = arith.index_cast %parallel_loop3A_192 : i32 to index
          %parallel_loop3A_708 = arith.constant 304 : index
          %parallel_loop3A_709 = tpu.vector_load %arg14[%parallel_loop3A_707, %parallel_loop3A_708] {strides = array<i32>} : memref<8x512xi32, #tpu.memory_space<vmem>>, vector<16xi32>,
          %parallel_loop3A_710 = vector.bitcast %parallel_loop3A_709 : vector<16xi32> to vector<32xbf16>
          %parallel_loop3A_711 = tpu.unpack_subelements %parallel_loop3A_710, 0 {pack_format = #tpu.pack_format<interleaved>} : vector<32xbf16> -> vector<16xf32>
          %parallel_loop3A_712 = tpu.unpack_subelements %parallel_loop3A_710, 1 {pack_format = #tpu.pack_format<interleaved>} : vector<32xbf16> -> vector<16xf32>
          %parallel_loop3A_713 = arith.index_cast %parallel_loop3A_628 : i32 to index
          %parallel_loop3A_714 = arith.constant 96 : index
          %parallel_loop3A_715 = tpu.vector_load %arg11[%parallel_loop3A_713, %parallel_loop3A_714] {strides = array<i32>} : memref<64x128xf32, #tpu.memory_space<vmem>>, vector<16xf32>,
          %parallel_loop3A_716 = arith.index_cast %parallel_loop3A_628 : i32 to index
          %parallel_loop3A_717 = arith.constant 112 : index
          %parallel_loop3A_718 = tpu.vector_load %arg11[%parallel_loop3A_716, %parallel_loop3A_717] {strides = array<i32>} : memref<64x128xf32, #tpu.memory_space<vmem>>, vector<16xf32>,
          %parallel_loop3A_719 = arith.addf %parallel_loop3A_715, %parallel_loop3A_711 : vector<16xf32>
          %parallel_loop3A_720 = arith.constant 0.000000e+00 : f32
          %parallel_loop3A_721 = vector.broadcast %parallel_loop3A_720 : f32 to vector<16xf32>
          %parallel_loop3A_722 = arith.maximumf %parallel_loop3A_719, %parallel_loop3A_721 : vector<16xf32>
          %parallel_loop3A_723 = arith.index_cast %parallel_loop3A_628 : i32 to index
          %parallel_loop3A_724 = arith.constant 96 : index
          %parallel_loop3A_725 = tpu.vector_load %arg11[%parallel_loop3A_723, %parallel_loop3A_724] {strides = array<i32>} : memref<64x128xf32, #tpu.memory_space<vmem>>, vector<16xf32>,
          tpu.vector_store %arg11[%parallel_loop3A_723, %parallel_loop3A_724], %parallel_loop3A_722 {strides = array<i32>} : memref<64x128xf32, #tpu.memory_space<vmem>>, vector<16xf32>,
          %parallel_loop3A_726 = arith.addf %parallel_loop3A_718, %parallel_loop3A_712 : vector<16xf32>
          %parallel_loop3A_727 = arith.constant 0.000000e+00 : f32
          %parallel_loop3A_728 = vector.broadcast %parallel_loop3A_727 : f32 to vector<16xf32>
          %parallel_loop3A_729 = arith.maximumf %parallel_loop3A_726, %parallel_loop3A_728 : vector<16xf32>
          %parallel_loop3A_730 = arith.index_cast %parallel_loop3A_628 : i32 to index
          %parallel_loop3A_731 = arith.constant 112 : index
          %parallel_loop3A_732 = tpu.vector_load %arg11[%parallel_loop3A_730, %parallel_loop3A_731] {strides = array<i32>} : memref<64x128xf32, #tpu.memory_space<vmem>>, vector<16xf32>,
          tpu.vector_store %arg11[%parallel_loop3A_730, %parallel_loop3A_731], %parallel_loop3A_729 {strides = array<i32>} : memref<64x128xf32, #tpu.memory_space<vmem>>, vector<16xf32>,
          %parallel_loop3A_733 = arith.constant 8 : i32
          %parallel_loop3A_734 = arith.muli %parallel_loop3A_192, %parallel_loop3A_733 : i32
          %parallel_loop3A_735 = arith.constant 5 : i32
          %parallel_loop3A_736 = arith.addi %parallel_loop3A_734, %parallel_loop3A_735 : i32
          %parallel_loop3A_737 = arith.index_cast %parallel_loop3A_192 : i32 to index
          %parallel_loop3A_738 = arith.constant 320 : index
          %parallel_loop3A_739 = tpu.vector_load %arg14[%parallel_loop3A_737, %parallel_loop3A_738] {strides = array<i32>} : memref<8x512xi32, #tpu.memory_space<vmem>>, vector<16xi32>,
          %parallel_loop3A_740 = vector.bitcast %parallel_loop3A_739 : vector<16xi32> to vector<32xbf16>
          %parallel_loop3A_741 = tpu.unpack_subelements %parallel_loop3A_740, 0 {pack_format = #tpu.pack_format<interleaved>} : vector<32xbf16> -> vector<16xf32>
          %parallel_loop3A_742 = tpu.unpack_subelements %parallel_loop3A_740, 1 {pack_format = #tpu.pack_format<interleaved>} : vector<32xbf16> -> vector<16xf32>
          %parallel_loop3A_743 = arith.index_cast %parallel_loop3A_736 : i32 to index
          %parallel_loop3A_744 = arith.constant 0 : index
          %parallel_loop3A_745 = tpu.vector_load %arg11[%parallel_loop3A_743, %parallel_loop3A_744] {strides = array<i32>} : memref<64x128xf32, #tpu.memory_space<vmem>>, vector<16xf32>,
          %parallel_loop3A_746 = arith.index_cast %parallel_loop3A_736 : i32 to index
          %parallel_loop3A_747 = arith.constant 16 : index
          %parallel_loop3A_748 = tpu.vector_load %arg11[%parallel_loop3A_746, %parallel_loop3A_747] {strides = array<i32>} : memref<64x128xf32, #tpu.memory_space<vmem>>, vector<16xf32>,
          %parallel_loop3A_749 = arith.addf %parallel_loop3A_745, %parallel_loop3A_741 : vector<16xf32>
          %parallel_loop3A_750 = arith.constant 0.000000e+00 : f32
          %parallel_loop3A_751 = vector.broadcast %parallel_loop3A_750 : f32 to vector<16xf32>
          %parallel_loop3A_752 = arith.maximumf %parallel_loop3A_749, %parallel_loop3A_751 : vector<16xf32>
          %parallel_loop3A_753 = arith.index_cast %parallel_loop3A_736 : i32 to index
          %parallel_loop3A_754 = arith.constant 0 : index
          %parallel_loop3A_755 = tpu.vector_load %arg11[%parallel_loop3A_753, %parallel_loop3A_754] {strides = array<i32>} : memref<64x128xf32, #tpu.memory_space<vmem>>, vector<16xf32>,
          tpu.vector_store %arg11[%parallel_loop3A_753, %parallel_loop3A_754], %parallel_loop3A_752 {strides = array<i32>} : memref<64x128xf32, #tpu.memory_space<vmem>>, vector<16xf32>,
          %parallel_loop3A_756 = arith.addf %parallel_loop3A_748, %parallel_loop3A_742 : vector<16xf32>
          %parallel_loop3A_757 = arith.constant 0.000000e+00 : f32
          %parallel_loop3A_758 = vector.broadcast %parallel_loop3A_757 : f32 to vector<16xf32>
          %parallel_loop3A_759 = arith.maximumf %parallel_loop3A_756, %parallel_loop3A_758 : vector<16xf32>
          %parallel_loop3A_760 = arith.index_cast %parallel_loop3A_736 : i32 to index
          %parallel_loop3A_761 = arith.constant 16 : index
          %parallel_loop3A_762 = tpu.vector_load %arg11[%parallel_loop3A_760, %parallel_loop3A_761] {strides = array<i32>} : memref<64x128xf32, #tpu.memory_space<vmem>>, vector<16xf32>,
          tpu.vector_store %arg11[%parallel_loop3A_760, %parallel_loop3A_761], %parallel_loop3A_759 {strides = array<i32>} : memref<64x128xf32, #tpu.memory_space<vmem>>, vector<16xf32>,
          %parallel_loop3A_763 = arith.index_cast %parallel_loop3A_192 : i32 to index
          %parallel_loop3A_764 = arith.constant 336 : index
          %parallel_loop3A_765 = tpu.vector_load %arg14[%parallel_loop3A_763, %parallel_loop3A_764] {strides = array<i32>} : memref<8x512xi32, #tpu.memory_space<vmem>>, vector<16xi32>,
          %parallel_loop3A_766 = vector.bitcast %parallel_loop3A_765 : vector<16xi32> to vector<32xbf16>
          %parallel_loop3A_767 = tpu.unpack_subelements %parallel_loop3A_766, 0 {pack_format = #tpu.pack_format<interleaved>} : vector<32xbf16> -> vector<16xf32>
          %parallel_loop3A_768 = tpu.unpack_subelements %parallel_loop3A_766, 1 {pack_format = #tpu.pack_format<interleaved>} : vector<32xbf16> -> vector<16xf32>
          %parallel_loop3A_769 = arith.index_cast %parallel_loop3A_736 : i32 to index
          %parallel_loop3A_770 = arith.constant 32 : index
          %parallel_loop3A_771 = tpu.vector_load %arg11[%parallel_loop3A_769, %parallel_loop3A_770] {strides = array<i32>} : memref<64x128xf32, #tpu.memory_space<vmem>>, vector<16xf32>,
          %parallel_loop3A_772 = arith.index_cast %parallel_loop3A_736 : i32 to index
          %parallel_loop3A_773 = arith.constant 48 : index
          %parallel_loop3A_774 = tpu.vector_load %arg11[%parallel_loop3A_772, %parallel_loop3A_773] {strides = array<i32>} : memref<64x128xf32, #tpu.memory_space<vmem>>, vector<16xf32>,
          %parallel_loop3A_775 = arith.addf %parallel_loop3A_771, %parallel_loop3A_767 : vector<16xf32>
          %parallel_loop3A_776 = arith.constant 0.000000e+00 : f32
          %parallel_loop3A_777 = vector.broadcast %parallel_loop3A_776 : f32 to vector<16xf32>
          %parallel_loop3A_778 = arith.maximumf %parallel_loop3A_775, %parallel_loop3A_777 : vector<16xf32>
          %parallel_loop3A_779 = arith.index_cast %parallel_loop3A_736 : i32 to index
          %parallel_loop3A_780 = arith.constant 32 : index
          %parallel_loop3A_781 = tpu.vector_load %arg11[%parallel_loop3A_779, %parallel_loop3A_780] {strides = array<i32>} : memref<64x128xf32, #tpu.memory_space<vmem>>, vector<16xf32>,
          tpu.vector_store %arg11[%parallel_loop3A_779, %parallel_loop3A_780], %parallel_loop3A_778 {strides = array<i32>} : memref<64x128xf32, #tpu.memory_space<vmem>>, vector<16xf32>,
          %parallel_loop3A_782 = arith.addf %parallel_loop3A_774, %parallel_loop3A_768 : vector<16xf32>
          %parallel_loop3A_783 = arith.constant 0.000000e+00 : f32
          %parallel_loop3A_784 = vector.broadcast %parallel_loop3A_783 : f32 to vector<16xf32>
          %parallel_loop3A_785 = arith.maximumf %parallel_loop3A_782, %parallel_loop3A_784 : vector<16xf32>
          %parallel_loop3A_786 = arith.index_cast %parallel_loop3A_736 : i32 to index
          %parallel_loop3A_787 = arith.constant 48 : index
          %parallel_loop3A_788 = tpu.vector_load %arg11[%parallel_loop3A_786, %parallel_loop3A_787] {strides = array<i32>} : memref<64x128xf32, #tpu.memory_space<vmem>>, vector<16xf32>,
          tpu.vector_store %arg11[%parallel_loop3A_786, %parallel_loop3A_787], %parallel_loop3A_785 {strides = array<i32>} : memref<64x128xf32, #tpu.memory_space<vmem>>, vector<16xf32>,
          %parallel_loop3A_789 = arith.index_cast %parallel_loop3A_192 : i32 to index
          %parallel_loop3A_790 = arith.constant 352 : index
          %parallel_loop3A_791 = tpu.vector_load %arg14[%parallel_loop3A_789, %parallel_loop3A_790] {strides = array<i32>} : memref<8x512xi32, #tpu.memory_space<vmem>>, vector<16xi32>,
          %parallel_loop3A_792 = vector.bitcast %parallel_loop3A_791 : vector<16xi32> to vector<32xbf16>
          %parallel_loop3A_793 = tpu.unpack_subelements %parallel_loop3A_792, 0 {pack_format = #tpu.pack_format<interleaved>} : vector<32xbf16> -> vector<16xf32>
          %parallel_loop3A_794 = tpu.unpack_subelements %parallel_loop3A_792, 1 {pack_format = #tpu.pack_format<interleaved>} : vector<32xbf16> -> vector<16xf32>
          %parallel_loop3A_795 = arith.index_cast %parallel_loop3A_736 : i32 to index
          %parallel_loop3A_796 = arith.constant 64 : index
          %parallel_loop3A_797 = tpu.vector_load %arg11[%parallel_loop3A_795, %parallel_loop3A_796] {strides = array<i32>} : memref<64x128xf32, #tpu.memory_space<vmem>>, vector<16xf32>,
          %parallel_loop3A_798 = arith.index_cast %parallel_loop3A_736 : i32 to index
          %parallel_loop3A_799 = arith.constant 80 : index
          %parallel_loop3A_800 = tpu.vector_load %arg11[%parallel_loop3A_798, %parallel_loop3A_799] {strides = array<i32>} : memref<64x128xf32, #tpu.memory_space<vmem>>, vector<16xf32>,
          %parallel_loop3A_801 = arith.addf %parallel_loop3A_797, %parallel_loop3A_793 : vector<16xf32>
          %parallel_loop3A_802 = arith.constant 0.000000e+00 : f32
          %parallel_loop3A_803 = vector.broadcast %parallel_loop3A_802 : f32 to vector<16xf32>
          %parallel_loop3A_804 = arith.maximumf %parallel_loop3A_801, %parallel_loop3A_803 : vector<16xf32>
          %parallel_loop3A_805 = arith.index_cast %parallel_loop3A_736 : i32 to index
          %parallel_loop3A_806 = arith.constant 64 : index
          %parallel_loop3A_807 = tpu.vector_load %arg11[%parallel_loop3A_805, %parallel_loop3A_806] {strides = array<i32>} : memref<64x128xf32, #tpu.memory_space<vmem>>, vector<16xf32>,
          tpu.vector_store %arg11[%parallel_loop3A_805, %parallel_loop3A_806], %parallel_loop3A_804 {strides = array<i32>} : memref<64x128xf32, #tpu.memory_space<vmem>>, vector<16xf32>,
          %parallel_loop3A_808 = arith.addf %parallel_loop3A_800, %parallel_loop3A_794 : vector<16xf32>
          %parallel_loop3A_809 = arith.constant 0.000000e+00 : f32
          %parallel_loop3A_810 = vector.broadcast %parallel_loop3A_809 : f32 to vector<16xf32>
          %parallel_loop3A_811 = arith.maximumf %parallel_loop3A_808, %parallel_loop3A_810 : vector<16xf32>
          %parallel_loop3A_812 = arith.index_cast %parallel_loop3A_736 : i32 to index
          %parallel_loop3A_813 = arith.constant 80 : index
          %parallel_loop3A_814 = tpu.vector_load %arg11[%parallel_loop3A_812, %parallel_loop3A_813] {strides = array<i32>} : memref<64x128xf32, #tpu.memory_space<vmem>>, vector<16xf32>,
          tpu.vector_store %arg11[%parallel_loop3A_812, %parallel_loop3A_813], %parallel_loop3A_811 {strides = array<i32>} : memref<64x128xf32, #tpu.memory_space<vmem>>, vector<16xf32>,
          %parallel_loop3A_815 = arith.index_cast %parallel_loop3A_192 : i32 to index
          %parallel_loop3A_816 = arith.constant 368 : index
          %parallel_loop3A_817 = tpu.vector_load %arg14[%parallel_loop3A_815, %parallel_loop3A_816] {strides = array<i32>} : memref<8x512xi32, #tpu.memory_space<vmem>>, vector<16xi32>,
          %parallel_loop3A_818 = vector.bitcast %parallel_loop3A_817 : vector<16xi32> to vector<32xbf16>
          %parallel_loop3A_819 = tpu.unpack_subelements %parallel_loop3A_818, 0 {pack_format = #tpu.pack_format<interleaved>} : vector<32xbf16> -> vector<16xf32>
          %parallel_loop3A_820 = tpu.unpack_subelements %parallel_loop3A_818, 1 {pack_format = #tpu.pack_format<interleaved>} : vector<32xbf16> -> vector<16xf32>
          %parallel_loop3A_821 = arith.index_cast %parallel_loop3A_736 : i32 to index
          %parallel_loop3A_822 = arith.constant 96 : index
          %parallel_loop3A_823 = tpu.vector_load %arg11[%parallel_loop3A_821, %parallel_loop3A_822] {strides = array<i32>} : memref<64x128xf32, #tpu.memory_space<vmem>>, vector<16xf32>,
          %parallel_loop3A_824 = arith.index_cast %parallel_loop3A_736 : i32 to index
          %parallel_loop3A_825 = arith.constant 112 : index
          %parallel_loop3A_826 = tpu.vector_load %arg11[%parallel_loop3A_824, %parallel_loop3A_825] {strides = array<i32>} : memref<64x128xf32, #tpu.memory_space<vmem>>, vector<16xf32>,
          %parallel_loop3A_827 = arith.addf %parallel_loop3A_823, %parallel_loop3A_819 : vector<16xf32>
          %parallel_loop3A_828 = arith.constant 0.000000e+00 : f32
          %parallel_loop3A_829 = vector.broadcast %parallel_loop3A_828 : f32 to vector<16xf32>
          %parallel_loop3A_830 = arith.maximumf %parallel_loop3A_827, %parallel_loop3A_829 : vector<16xf32>
          %parallel_loop3A_831 = arith.index_cast %parallel_loop3A_736 : i32 to index
          %parallel_loop3A_832 = arith.constant 96 : index
          %parallel_loop3A_833 = tpu.vector_load %arg11[%parallel_loop3A_831, %parallel_loop3A_832] {strides = array<i32>} : memref<64x128xf32, #tpu.memory_space<vmem>>, vector<16xf32>,
          tpu.vector_store %arg11[%parallel_loop3A_831, %parallel_loop3A_832], %parallel_loop3A_830 {strides = array<i32>} : memref<64x128xf32, #tpu.memory_space<vmem>>, vector<16xf32>,
          %parallel_loop3A_834 = arith.addf %parallel_loop3A_826, %parallel_loop3A_820 : vector<16xf32>
          %parallel_loop3A_835 = arith.constant 0.000000e+00 : f32
          %parallel_loop3A_836 = vector.broadcast %parallel_loop3A_835 : f32 to vector<16xf32>
          %parallel_loop3A_837 = arith.maximumf %parallel_loop3A_834, %parallel_loop3A_836 : vector<16xf32>
          %parallel_loop3A_838 = arith.index_cast %parallel_loop3A_736 : i32 to index
          %parallel_loop3A_839 = arith.constant 112 : index
          %parallel_loop3A_840 = tpu.vector_load %arg11[%parallel_loop3A_838, %parallel_loop3A_839] {strides = array<i32>} : memref<64x128xf32, #tpu.memory_space<vmem>>, vector<16xf32>,
          tpu.vector_store %arg11[%parallel_loop3A_838, %parallel_loop3A_839], %parallel_loop3A_837 {strides = array<i32>} : memref<64x128xf32, #tpu.memory_space<vmem>>, vector<16xf32>,
          %parallel_loop3A_841 = arith.constant 8 : i32
          %parallel_loop3A_842 = arith.muli %parallel_loop3A_192, %parallel_loop3A_841 : i32
          %parallel_loop3A_843 = arith.constant 6 : i32
          %parallel_loop3A_844 = arith.addi %parallel_loop3A_842, %parallel_loop3A_843 : i32
          %parallel_loop3A_845 = arith.index_cast %parallel_loop3A_192 : i32 to index
          %parallel_loop3A_846 = arith.constant 384 : index
          %parallel_loop3A_847 = tpu.vector_load %arg14[%parallel_loop3A_845, %parallel_loop3A_846] {strides = array<i32>} : memref<8x512xi32, #tpu.memory_space<vmem>>, vector<16xi32>,
          %parallel_loop3A_848 = vector.bitcast %parallel_loop3A_847 : vector<16xi32> to vector<32xbf16>
          %parallel_loop3A_849 = tpu.unpack_subelements %parallel_loop3A_848, 0 {pack_format = #tpu.pack_format<interleaved>} : vector<32xbf16> -> vector<16xf32>
          %parallel_loop3A_850 = tpu.unpack_subelements %parallel_loop3A_848, 1 {pack_format = #tpu.pack_format<interleaved>} : vector<32xbf16> -> vector<16xf32>
          %parallel_loop3A_851 = arith.index_cast %parallel_loop3A_844 : i32 to index
          %parallel_loop3A_852 = arith.constant 0 : index
          %parallel_loop3A_853 = tpu.vector_load %arg11[%parallel_loop3A_851, %parallel_loop3A_852] {strides = array<i32>} : memref<64x128xf32, #tpu.memory_space<vmem>>, vector<16xf32>,
          %parallel_loop3A_854 = arith.index_cast %parallel_loop3A_844 : i32 to index
          %parallel_loop3A_855 = arith.constant 16 : index
          %parallel_loop3A_856 = tpu.vector_load %arg11[%parallel_loop3A_854, %parallel_loop3A_855] {strides = array<i32>} : memref<64x128xf32, #tpu.memory_space<vmem>>, vector<16xf32>,
          %parallel_loop3A_857 = arith.addf %parallel_loop3A_853, %parallel_loop3A_849 : vector<16xf32>
          %parallel_loop3A_858 = arith.constant 0.000000e+00 : f32
          %parallel_loop3A_859 = vector.broadcast %parallel_loop3A_858 : f32 to vector<16xf32>
          %parallel_loop3A_860 = arith.maximumf %parallel_loop3A_857, %parallel_loop3A_859 : vector<16xf32>
          %parallel_loop3A_861 = arith.index_cast %parallel_loop3A_844 : i32 to index
          %parallel_loop3A_862 = arith.constant 0 : index
          %parallel_loop3A_863 = tpu.vector_load %arg11[%parallel_loop3A_861, %parallel_loop3A_862] {strides = array<i32>} : memref<64x128xf32, #tpu.memory_space<vmem>>, vector<16xf32>,
          tpu.vector_store %arg11[%parallel_loop3A_861, %parallel_loop3A_862], %parallel_loop3A_860 {strides = array<i32>} : memref<64x128xf32, #tpu.memory_space<vmem>>, vector<16xf32>,
          %parallel_loop3A_864 = arith.addf %parallel_loop3A_856, %parallel_loop3A_850 : vector<16xf32>
          %parallel_loop3A_865 = arith.constant 0.000000e+00 : f32
          %parallel_loop3A_866 = vector.broadcast %parallel_loop3A_865 : f32 to vector<16xf32>
          %parallel_loop3A_867 = arith.maximumf %parallel_loop3A_864, %parallel_loop3A_866 : vector<16xf32>
          %parallel_loop3A_868 = arith.index_cast %parallel_loop3A_844 : i32 to index
          %parallel_loop3A_869 = arith.constant 16 : index
          %parallel_loop3A_870 = tpu.vector_load %arg11[%parallel_loop3A_868, %parallel_loop3A_869] {strides = array<i32>} : memref<64x128xf32, #tpu.memory_space<vmem>>, vector<16xf32>,
          tpu.vector_store %arg11[%parallel_loop3A_868, %parallel_loop3A_869], %parallel_loop3A_867 {strides = array<i32>} : memref<64x128xf32, #tpu.memory_space<vmem>>, vector<16xf32>,
          %parallel_loop3A_871 = arith.index_cast %parallel_loop3A_192 : i32 to index
          %parallel_loop3A_872 = arith.constant 400 : index
          %parallel_loop3A_873 = tpu.vector_load %arg14[%parallel_loop3A_871, %parallel_loop3A_872] {strides = array<i32>} : memref<8x512xi32, #tpu.memory_space<vmem>>, vector<16xi32>,
          %parallel_loop3A_874 = vector.bitcast %parallel_loop3A_873 : vector<16xi32> to vector<32xbf16>
          %parallel_loop3A_875 = tpu.unpack_subelements %parallel_loop3A_874, 0 {pack_format = #tpu.pack_format<interleaved>} : vector<32xbf16> -> vector<16xf32>
          %parallel_loop3A_876 = tpu.unpack_subelements %parallel_loop3A_874, 1 {pack_format = #tpu.pack_format<interleaved>} : vector<32xbf16> -> vector<16xf32>
          %parallel_loop3A_877 = arith.index_cast %parallel_loop3A_844 : i32 to index
          %parallel_loop3A_878 = arith.constant 32 : index
          %parallel_loop3A_879 = tpu.vector_load %arg11[%parallel_loop3A_877, %parallel_loop3A_878] {strides = array<i32>} : memref<64x128xf32, #tpu.memory_space<vmem>>, vector<16xf32>,
          %parallel_loop3A_880 = arith.index_cast %parallel_loop3A_844 : i32 to index
          %parallel_loop3A_881 = arith.constant 48 : index
          %parallel_loop3A_882 = tpu.vector_load %arg11[%parallel_loop3A_880, %parallel_loop3A_881] {strides = array<i32>} : memref<64x128xf32, #tpu.memory_space<vmem>>, vector<16xf32>,
          %parallel_loop3A_883 = arith.addf %parallel_loop3A_879, %parallel_loop3A_875 : vector<16xf32>
          %parallel_loop3A_884 = arith.constant 0.000000e+00 : f32
          %parallel_loop3A_885 = vector.broadcast %parallel_loop3A_884 : f32 to vector<16xf32>
          %parallel_loop3A_886 = arith.maximumf %parallel_loop3A_883, %parallel_loop3A_885 : vector<16xf32>
          %parallel_loop3A_887 = arith.index_cast %parallel_loop3A_844 : i32 to index
          %parallel_loop3A_888 = arith.constant 32 : index
          %parallel_loop3A_889 = tpu.vector_load %arg11[%parallel_loop3A_887, %parallel_loop3A_888] {strides = array<i32>} : memref<64x128xf32, #tpu.memory_space<vmem>>, vector<16xf32>,
          tpu.vector_store %arg11[%parallel_loop3A_887, %parallel_loop3A_888], %parallel_loop3A_886 {strides = array<i32>} : memref<64x128xf32, #tpu.memory_space<vmem>>, vector<16xf32>,
          %parallel_loop3A_890 = arith.addf %parallel_loop3A_882, %parallel_loop3A_876 : vector<16xf32>
          %parallel_loop3A_891 = arith.constant 0.000000e+00 : f32
          %parallel_loop3A_892 = vector.broadcast %parallel_loop3A_891 : f32 to vector<16xf32>
          %parallel_loop3A_893 = arith.maximumf %parallel_loop3A_890, %parallel_loop3A_892 : vector<16xf32>
          %parallel_loop3A_894 = arith.index_cast %parallel_loop3A_844 : i32 to index
          %parallel_loop3A_895 = arith.constant 48 : index
          %parallel_loop3A_896 = tpu.vector_load %arg11[%parallel_loop3A_894, %parallel_loop3A_895] {strides = array<i32>} : memref<64x128xf32, #tpu.memory_space<vmem>>, vector<16xf32>,
          tpu.vector_store %arg11[%parallel_loop3A_894, %parallel_loop3A_895], %parallel_loop3A_893 {strides = array<i32>} : memref<64x128xf32, #tpu.memory_space<vmem>>, vector<16xf32>,
          %parallel_loop3A_897 = arith.index_cast %parallel_loop3A_192 : i32 to index
          %parallel_loop3A_898 = arith.constant 416 : index
          %parallel_loop3A_899 = tpu.vector_load %arg14[%parallel_loop3A_897, %parallel_loop3A_898] {strides = array<i32>} : memref<8x512xi32, #tpu.memory_space<vmem>>, vector<16xi32>,
          %parallel_loop3A_900 = vector.bitcast %parallel_loop3A_899 : vector<16xi32> to vector<32xbf16>
          %parallel_loop3A_901 = tpu.unpack_subelements %parallel_loop3A_900, 0 {pack_format = #tpu.pack_format<interleaved>} : vector<32xbf16> -> vector<16xf32>
          %parallel_loop3A_902 = tpu.unpack_subelements %parallel_loop3A_900, 1 {pack_format = #tpu.pack_format<interleaved>} : vector<32xbf16> -> vector<16xf32>
          %parallel_loop3A_903 = arith.index_cast %parallel_loop3A_844 : i32 to index
          %parallel_loop3A_904 = arith.constant 64 : index
          %parallel_loop3A_905 = tpu.vector_load %arg11[%parallel_loop3A_903, %parallel_loop3A_904] {strides = array<i32>} : memref<64x128xf32, #tpu.memory_space<vmem>>, vector<16xf32>,
          %parallel_loop3A_906 = arith.index_cast %parallel_loop3A_844 : i32 to index
          %parallel_loop3A_907 = arith.constant 80 : index
          %parallel_loop3A_908 = tpu.vector_load %arg11[%parallel_loop3A_906, %parallel_loop3A_907] {strides = array<i32>} : memref<64x128xf32, #tpu.memory_space<vmem>>, vector<16xf32>,
          %parallel_loop3A_909 = arith.addf %parallel_loop3A_905, %parallel_loop3A_901 : vector<16xf32>
          %parallel_loop3A_910 = arith.constant 0.000000e+00 : f32
          %parallel_loop3A_911 = vector.broadcast %parallel_loop3A_910 : f32 to vector<16xf32>
          %parallel_loop3A_912 = arith.maximumf %parallel_loop3A_909, %parallel_loop3A_911 : vector<16xf32>
          %parallel_loop3A_913 = arith.index_cast %parallel_loop3A_844 : i32 to index
          %parallel_loop3A_914 = arith.constant 64 : index
          %parallel_loop3A_915 = tpu.vector_load %arg11[%parallel_loop3A_913, %parallel_loop3A_914] {strides = array<i32>} : memref<64x128xf32, #tpu.memory_space<vmem>>, vector<16xf32>,
          tpu.vector_store %arg11[%parallel_loop3A_913, %parallel_loop3A_914], %parallel_loop3A_912 {strides = array<i32>} : memref<64x128xf32, #tpu.memory_space<vmem>>, vector<16xf32>,
          %parallel_loop3A_916 = arith.addf %parallel_loop3A_908, %parallel_loop3A_902 : vector<16xf32>
          %parallel_loop3A_917 = arith.constant 0.000000e+00 : f32
          %parallel_loop3A_918 = vector.broadcast %parallel_loop3A_917 : f32 to vector<16xf32>
          %parallel_loop3A_919 = arith.maximumf %parallel_loop3A_916, %parallel_loop3A_918 : vector<16xf32>
          %parallel_loop3A_920 = arith.index_cast %parallel_loop3A_844 : i32 to index
          %parallel_loop3A_921 = arith.constant 80 : index
          %parallel_loop3A_922 = tpu.vector_load %arg11[%parallel_loop3A_920, %parallel_loop3A_921] {strides = array<i32>} : memref<64x128xf32, #tpu.memory_space<vmem>>, vector<16xf32>,
          tpu.vector_store %arg11[%parallel_loop3A_920, %parallel_loop3A_921], %parallel_loop3A_919 {strides = array<i32>} : memref<64x128xf32, #tpu.memory_space<vmem>>, vector<16xf32>,
          %parallel_loop3A_923 = arith.index_cast %parallel_loop3A_192 : i32 to index
          %parallel_loop3A_924 = arith.constant 432 : index
          %parallel_loop3A_925 = tpu.vector_load %arg14[%parallel_loop3A_923, %parallel_loop3A_924] {strides = array<i32>} : memref<8x512xi32, #tpu.memory_space<vmem>>, vector<16xi32>,
          %parallel_loop3A_926 = vector.bitcast %parallel_loop3A_925 : vector<16xi32> to vector<32xbf16>
          %parallel_loop3A_927 = tpu.unpack_subelements %parallel_loop3A_926, 0 {pack_format = #tpu.pack_format<interleaved>} : vector<32xbf16> -> vector<16xf32>
          %parallel_loop3A_928 = tpu.unpack_subelements %parallel_loop3A_926, 1 {pack_format = #tpu.pack_format<interleaved>} : vector<32xbf16> -> vector<16xf32>
          %parallel_loop3A_929 = arith.index_cast %parallel_loop3A_844 : i32 to index
          %parallel_loop3A_930 = arith.constant 96 : index
          %parallel_loop3A_931 = tpu.vector_load %arg11[%parallel_loop3A_929, %parallel_loop3A_930] {strides = array<i32>} : memref<64x128xf32, #tpu.memory_space<vmem>>, vector<16xf32>,
          %parallel_loop3A_932 = arith.index_cast %parallel_loop3A_844 : i32 to index
          %parallel_loop3A_933 = arith.constant 112 : index
          %parallel_loop3A_934 = tpu.vector_load %arg11[%parallel_loop3A_932, %parallel_loop3A_933] {strides = array<i32>} : memref<64x128xf32, #tpu.memory_space<vmem>>, vector<16xf32>,
          %parallel_loop3A_935 = arith.addf %parallel_loop3A_931, %parallel_loop3A_927 : vector<16xf32>
          %parallel_loop3A_936 = arith.constant 0.000000e+00 : f32
          %parallel_loop3A_937 = vector.broadcast %parallel_loop3A_936 : f32 to vector<16xf32>
          %parallel_loop3A_938 = arith.maximumf %parallel_loop3A_935, %parallel_loop3A_937 : vector<16xf32>
          %parallel_loop3A_939 = arith.index_cast %parallel_loop3A_844 : i32 to index
          %parallel_loop3A_940 = arith.constant 96 : index
          %parallel_loop3A_941 = tpu.vector_load %arg11[%parallel_loop3A_939, %parallel_loop3A_940] {strides = array<i32>} : memref<64x128xf32, #tpu.memory_space<vmem>>, vector<16xf32>,
          tpu.vector_store %arg11[%parallel_loop3A_939, %parallel_loop3A_940], %parallel_loop3A_938 {strides = array<i32>} : memref<64x128xf32, #tpu.memory_space<vmem>>, vector<16xf32>,
          %parallel_loop3A_942 = arith.addf %parallel_loop3A_934, %parallel_loop3A_928 : vector<16xf32>
          %parallel_loop3A_943 = arith.constant 0.000000e+00 : f32
          %parallel_loop3A_944 = vector.broadcast %parallel_loop3A_943 : f32 to vector<16xf32>
          %parallel_loop3A_945 = arith.maximumf %parallel_loop3A_942, %parallel_loop3A_944 : vector<16xf32>
          %parallel_loop3A_946 = arith.index_cast %parallel_loop3A_844 : i32 to index
          %parallel_loop3A_947 = arith.constant 112 : index
          %parallel_loop3A_948 = tpu.vector_load %arg11[%parallel_loop3A_946, %parallel_loop3A_947] {strides = array<i32>} : memref<64x128xf32, #tpu.memory_space<vmem>>, vector<16xf32>,
          tpu.vector_store %arg11[%parallel_loop3A_946, %parallel_loop3A_947], %parallel_loop3A_945 {strides = array<i32>} : memref<64x128xf32, #tpu.memory_space<vmem>>, vector<16xf32>,
          %parallel_loop3A_949 = arith.constant 8 : i32
          %parallel_loop3A_950 = arith.muli %parallel_loop3A_192, %parallel_loop3A_949 : i32
          %parallel_loop3A_951 = arith.constant 7 : i32
          %parallel_loop3A_952 = arith.addi %parallel_loop3A_950, %parallel_loop3A_951 : i32
          %parallel_loop3A_953 = arith.index_cast %parallel_loop3A_192 : i32 to index
          %parallel_loop3A_954 = arith.constant 448 : index
          %parallel_loop3A_955 = tpu.vector_load %arg14[%parallel_loop3A_953, %parallel_loop3A_954] {strides = array<i32>} : memref<8x512xi32, #tpu.memory_space<vmem>>, vector<16xi32>,
          %parallel_loop3A_956 = vector.bitcast %parallel_loop3A_955 : vector<16xi32> to vector<32xbf16>
          %parallel_loop3A_957 = tpu.unpack_subelements %parallel_loop3A_956, 0 {pack_format = #tpu.pack_format<interleaved>} : vector<32xbf16> -> vector<16xf32>
          %parallel_loop3A_958 = tpu.unpack_subelements %parallel_loop3A_956, 1 {pack_format = #tpu.pack_format<interleaved>} : vector<32xbf16> -> vector<16xf32>
          %parallel_loop3A_959 = arith.index_cast %parallel_loop3A_952 : i32 to index
          %parallel_loop3A_960 = arith.constant 0 : index
          %parallel_loop3A_961 = tpu.vector_load %arg11[%parallel_loop3A_959, %parallel_loop3A_960] {strides = array<i32>} : memref<64x128xf32, #tpu.memory_space<vmem>>, vector<16xf32>,
          %parallel_loop3A_962 = arith.index_cast %parallel_loop3A_952 : i32 to index
          %parallel_loop3A_963 = arith.constant 16 : index
          %parallel_loop3A_964 = tpu.vector_load %arg11[%parallel_loop3A_962, %parallel_loop3A_963] {strides = array<i32>} : memref<64x128xf32, #tpu.memory_space<vmem>>, vector<16xf32>,
          %parallel_loop3A_965 = arith.addf %parallel_loop3A_961, %parallel_loop3A_957 : vector<16xf32>
          %parallel_loop3A_966 = arith.constant 0.000000e+00 : f32
          %parallel_loop3A_967 = vector.broadcast %parallel_loop3A_966 : f32 to vector<16xf32>
          %parallel_loop3A_968 = arith.maximumf %parallel_loop3A_965, %parallel_loop3A_967 : vector<16xf32>
          %parallel_loop3A_969 = arith.index_cast %parallel_loop3A_952 : i32 to index
          %parallel_loop3A_970 = arith.constant 0 : index
          %parallel_loop3A_971 = tpu.vector_load %arg11[%parallel_loop3A_969, %parallel_loop3A_970] {strides = array<i32>} : memref<64x128xf32, #tpu.memory_space<vmem>>, vector<16xf32>,
          tpu.vector_store %arg11[%parallel_loop3A_969, %parallel_loop3A_970], %parallel_loop3A_968 {strides = array<i32>} : memref<64x128xf32, #tpu.memory_space<vmem>>, vector<16xf32>,
          %parallel_loop3A_972 = arith.addf %parallel_loop3A_964, %parallel_loop3A_958 : vector<16xf32>
          %parallel_loop3A_973 = arith.constant 0.000000e+00 : f32
          %parallel_loop3A_974 = vector.broadcast %parallel_loop3A_973 : f32 to vector<16xf32>
          %parallel_loop3A_975 = arith.maximumf %parallel_loop3A_972, %parallel_loop3A_974 : vector<16xf32>
          %parallel_loop3A_976 = arith.index_cast %parallel_loop3A_952 : i32 to index
          %parallel_loop3A_977 = arith.constant 16 : index
          %parallel_loop3A_978 = tpu.vector_load %arg11[%parallel_loop3A_976, %parallel_loop3A_977] {strides = array<i32>} : memref<64x128xf32, #tpu.memory_space<vmem>>, vector<16xf32>,
          tpu.vector_store %arg11[%parallel_loop3A_976, %parallel_loop3A_977], %parallel_loop3A_975 {strides = array<i32>} : memref<64x128xf32, #tpu.memory_space<vmem>>, vector<16xf32>,
          %parallel_loop3A_979 = arith.index_cast %parallel_loop3A_192 : i32 to index
          %parallel_loop3A_980 = arith.constant 464 : index
          %parallel_loop3A_981 = tpu.vector_load %arg14[%parallel_loop3A_979, %parallel_loop3A_980] {strides = array<i32>} : memref<8x512xi32, #tpu.memory_space<vmem>>, vector<16xi32>,
          %parallel_loop3A_982 = vector.bitcast %parallel_loop3A_981 : vector<16xi32> to vector<32xbf16>
          %parallel_loop3A_983 = tpu.unpack_subelements %parallel_loop3A_982, 0 {pack_format = #tpu.pack_format<interleaved>} : vector<32xbf16> -> vector<16xf32>
          %parallel_loop3A_984 = tpu.unpack_subelements %parallel_loop3A_982, 1 {pack_format = #tpu.pack_format<interleaved>} : vector<32xbf16> -> vector<16xf32>
          %parallel_loop3A_985 = arith.index_cast %parallel_loop3A_952 : i32 to index
          %parallel_loop3A_986 = arith.constant 32 : index
          %parallel_loop3A_987 = tpu.vector_load %arg11[%parallel_loop3A_985, %parallel_loop3A_986] {strides = array<i32>} : memref<64x128xf32, #tpu.memory_space<vmem>>, vector<16xf32>,
          %parallel_loop3A_988 = arith.index_cast %parallel_loop3A_952 : i32 to index
          %parallel_loop3A_989 = arith.constant 48 : index
          %parallel_loop3A_990 = tpu.vector_load %arg11[%parallel_loop3A_988, %parallel_loop3A_989] {strides = array<i32>} : memref<64x128xf32, #tpu.memory_space<vmem>>, vector<16xf32>,
          %parallel_loop3A_991 = arith.addf %parallel_loop3A_987, %parallel_loop3A_983 : vector<16xf32>
          %parallel_loop3A_992 = arith.constant 0.000000e+00 : f32
          %parallel_loop3A_993 = vector.broadcast %parallel_loop3A_992 : f32 to vector<16xf32>
          %parallel_loop3A_994 = arith.maximumf %parallel_loop3A_991, %parallel_loop3A_993 : vector<16xf32>
          %parallel_loop3A_995 = arith.index_cast %parallel_loop3A_952 : i32 to index
          %parallel_loop3A_996 = arith.constant 32 : index
          %parallel_loop3A_997 = tpu.vector_load %arg11[%parallel_loop3A_995, %parallel_loop3A_996] {strides = array<i32>} : memref<64x128xf32, #tpu.memory_space<vmem>>, vector<16xf32>,
          tpu.vector_store %arg11[%parallel_loop3A_995, %parallel_loop3A_996], %parallel_loop3A_994 {strides = array<i32>} : memref<64x128xf32, #tpu.memory_space<vmem>>, vector<16xf32>,
          %parallel_loop3A_998 = arith.addf %parallel_loop3A_990, %parallel_loop3A_984 : vector<16xf32>
          %parallel_loop3A_999 = arith.constant 0.000000e+00 : f32
          %parallel_loop3A_1000 = vector.broadcast %parallel_loop3A_999 : f32 to vector<16xf32>
          %parallel_loop3A_1001 = arith.maximumf %parallel_loop3A_998, %parallel_loop3A_1000 : vector<16xf32>
          %parallel_loop3A_1002 = arith.index_cast %parallel_loop3A_952 : i32 to index
          %parallel_loop3A_1003 = arith.constant 48 : index
          %parallel_loop3A_1004 = tpu.vector_load %arg11[%parallel_loop3A_1002, %parallel_loop3A_1003] {strides = array<i32>} : memref<64x128xf32, #tpu.memory_space<vmem>>, vector<16xf32>,
          tpu.vector_store %arg11[%parallel_loop3A_1002, %parallel_loop3A_1003], %parallel_loop3A_1001 {strides = array<i32>} : memref<64x128xf32, #tpu.memory_space<vmem>>, vector<16xf32>,
          %parallel_loop3A_1005 = arith.index_cast %parallel_loop3A_192 : i32 to index
          %parallel_loop3A_1006 = arith.constant 480 : index
          %parallel_loop3A_1007 = tpu.vector_load %arg14[%parallel_loop3A_1005, %parallel_loop3A_1006] {strides = array<i32>} : memref<8x512xi32, #tpu.memory_space<vmem>>, vector<16xi32>,
          %parallel_loop3A_1008 = vector.bitcast %parallel_loop3A_1007 : vector<16xi32> to vector<32xbf16>
          %parallel_loop3A_1009 = tpu.unpack_subelements %parallel_loop3A_1008, 0 {pack_format = #tpu.pack_format<interleaved>} : vector<32xbf16> -> vector<16xf32>
          %parallel_loop3A_1010 = tpu.unpack_subelements %parallel_loop3A_1008, 1 {pack_format = #tpu.pack_format<interleaved>} : vector<32xbf16> -> vector<16xf32>
          %parallel_loop3A_1011 = arith.index_cast %parallel_loop3A_952 : i32 to index
          %parallel_loop3A_1012 = arith.constant 64 : index
          %parallel_loop3A_1013 = tpu.vector_load %arg11[%parallel_loop3A_1011, %parallel_loop3A_1012] {strides = array<i32>} : memref<64x128xf32, #tpu.memory_space<vmem>>, vector<16xf32>,
          %parallel_loop3A_1014 = arith.index_cast %parallel_loop3A_952 : i32 to index
          %parallel_loop3A_1015 = arith.constant 80 : index
          %parallel_loop3A_1016 = tpu.vector_load %arg11[%parallel_loop3A_1014, %parallel_loop3A_1015] {strides = array<i32>} : memref<64x128xf32, #tpu.memory_space<vmem>>, vector<16xf32>,
          %parallel_loop3A_1017 = arith.addf %parallel_loop3A_1013, %parallel_loop3A_1009 : vector<16xf32>
          %parallel_loop3A_1018 = arith.constant 0.000000e+00 : f32
          %parallel_loop3A_1019 = vector.broadcast %parallel_loop3A_1018 : f32 to vector<16xf32>
          %parallel_loop3A_1020 = arith.maximumf %parallel_loop3A_1017, %parallel_loop3A_1019 : vector<16xf32>
          %parallel_loop3A_1021 = arith.index_cast %parallel_loop3A_952 : i32 to index
          %parallel_loop3A_1022 = arith.constant 64 : index
          %parallel_loop3A_1023 = tpu.vector_load %arg11[%parallel_loop3A_1021, %parallel_loop3A_1022] {strides = array<i32>} : memref<64x128xf32, #tpu.memory_space<vmem>>, vector<16xf32>,
          tpu.vector_store %arg11[%parallel_loop3A_1021, %parallel_loop3A_1022], %parallel_loop3A_1020 {strides = array<i32>} : memref<64x128xf32, #tpu.memory_space<vmem>>, vector<16xf32>,
          %parallel_loop3A_1024 = arith.addf %parallel_loop3A_1016, %parallel_loop3A_1010 : vector<16xf32>
          %parallel_loop3A_1025 = arith.constant 0.000000e+00 : f32
          %parallel_loop3A_1026 = vector.broadcast %parallel_loop3A_1025 : f32 to vector<16xf32>
          %parallel_loop3A_1027 = arith.maximumf %parallel_loop3A_1024, %parallel_loop3A_1026 : vector<16xf32>
          %parallel_loop3A_1028 = arith.index_cast %parallel_loop3A_952 : i32 to index
          %parallel_loop3A_1029 = arith.constant 80 : index
          %parallel_loop3A_1030 = tpu.vector_load %arg11[%parallel_loop3A_1028, %parallel_loop3A_1029] {strides = array<i32>} : memref<64x128xf32, #tpu.memory_space<vmem>>, vector<16xf32>,
          tpu.vector_store %arg11[%parallel_loop3A_1028, %parallel_loop3A_1029], %parallel_loop3A_1027 {strides = array<i32>} : memref<64x128xf32, #tpu.memory_space<vmem>>, vector<16xf32>,
          %parallel_loop3A_1031 = arith.index_cast %parallel_loop3A_192 : i32 to index
          %parallel_loop3A_1032 = arith.constant 496 : index
          %parallel_loop3A_1033 = tpu.vector_load %arg14[%parallel_loop3A_1031, %parallel_loop3A_1032] {strides = array<i32>} : memref<8x512xi32, #tpu.memory_space<vmem>>, vector<16xi32>,
          %parallel_loop3A_1034 = vector.bitcast %parallel_loop3A_1033 : vector<16xi32> to vector<32xbf16>
          %parallel_loop3A_1035 = tpu.unpack_subelements %parallel_loop3A_1034, 0 {pack_format = #tpu.pack_format<interleaved>} : vector<32xbf16> -> vector<16xf32>
          %parallel_loop3A_1036 = tpu.unpack_subelements %parallel_loop3A_1034, 1 {pack_format = #tpu.pack_format<interleaved>} : vector<32xbf16> -> vector<16xf32>
          %parallel_loop3A_1037 = arith.index_cast %parallel_loop3A_952 : i32 to index
          %parallel_loop3A_1038 = arith.constant 96 : index
          %parallel_loop3A_1039 = tpu.vector_load %arg11[%parallel_loop3A_1037, %parallel_loop3A_1038] {strides = array<i32>} : memref<64x128xf32, #tpu.memory_space<vmem>>, vector<16xf32>,
          %parallel_loop3A_1040 = arith.index_cast %parallel_loop3A_952 : i32 to index
          %parallel_loop3A_1041 = arith.constant 112 : index
          %parallel_loop3A_1042 = tpu.vector_load %arg11[%parallel_loop3A_1040, %parallel_loop3A_1041] {strides = array<i32>} : memref<64x128xf32, #tpu.memory_space<vmem>>, vector<16xf32>,
          %parallel_loop3A_1043 = arith.addf %parallel_loop3A_1039, %parallel_loop3A_1035 : vector<16xf32>
          %parallel_loop3A_1044 = arith.constant 0.000000e+00 : f32
          %parallel_loop3A_1045 = vector.broadcast %parallel_loop3A_1044 : f32 to vector<16xf32>
          %parallel_loop3A_1046 = arith.maximumf %parallel_loop3A_1043, %parallel_loop3A_1045 : vector<16xf32>
          %parallel_loop3A_1047 = arith.index_cast %parallel_loop3A_952 : i32 to index
          %parallel_loop3A_1048 = arith.constant 96 : index
          %parallel_loop3A_1049 = tpu.vector_load %arg11[%parallel_loop3A_1047, %parallel_loop3A_1048] {strides = array<i32>} : memref<64x128xf32, #tpu.memory_space<vmem>>, vector<16xf32>,
          tpu.vector_store %arg11[%parallel_loop3A_1047, %parallel_loop3A_1048], %parallel_loop3A_1046 {strides = array<i32>} : memref<64x128xf32, #tpu.memory_space<vmem>>, vector<16xf32>,
          %parallel_loop3A_1050 = arith.addf %parallel_loop3A_1042, %parallel_loop3A_1036 : vector<16xf32>
          %parallel_loop3A_1051 = arith.constant 0.000000e+00 : f32
          %parallel_loop3A_1052 = vector.broadcast %parallel_loop3A_1051 : f32 to vector<16xf32>
          %parallel_loop3A_1053 = arith.maximumf %parallel_loop3A_1050, %parallel_loop3A_1052 : vector<16xf32>
          %parallel_loop3A_1054 = arith.index_cast %parallel_loop3A_952 : i32 to index
          %parallel_loop3A_1055 = arith.constant 112 : index
          %parallel_loop3A_1056 = tpu.vector_load %arg11[%parallel_loop3A_1054, %parallel_loop3A_1055] {strides = array<i32>} : memref<64x128xf32, #tpu.memory_space<vmem>>, vector<16xf32>,
          tpu.vector_store %arg11[%parallel_loop3A_1054, %parallel_loop3A_1055], %parallel_loop3A_1053 {strides = array<i32>} : memref<64x128xf32, #tpu.memory_space<vmem>>, vector<16xf32>,
        } {sc.loop_unroll_factor = 2 : i64, sc.parallel_access}
        %get3A = arith.constant 0 : index
        %get3A_164 = tpu.vector_load %arg20[%get3A] {strides = array<i32>} : memref<64xi32, #tpu.memory_space<vmem>>, vector<16xi32>,
        %broadcast_in_dim3A_165 = arith.constant true
        %broadcast_in_dim3A_166 = vector.broadcast %broadcast_in_dim3A_165 : i1 to vector<16xi1>
        %unique3A, %unique3A_167 = tpu.scan_count mask(%broadcast_in_dim3A_166 : vector<16xi1>) value(%get3A_164 : vector<16xi32>) : vector<16xi1>, vector<16xi32>
        %convert_element_type3A_168 = arith.sitofp %unique3A_167 : vector<16xi32> to vector<16xf32>
        tpu.vector_store_idx %arg21[%get3A_164], %convert_element_type3A_168 masked %unique3A {add = true} : memref<10240xf32, #tpu.memory_space<vmem>>[vector<16xi32>], vector<16xf32>, vector<16xi1>
        %get3A_169 = arith.constant 16 : index
        %get3A_170 = tpu.vector_load %arg20[%get3A_169] {strides = array<i32>} : memref<64xi32, #tpu.memory_space<vmem>>, vector<16xi32>,
        %broadcast_in_dim3A_171 = arith.constant true
        %broadcast_in_dim3A_172 = vector.broadcast %broadcast_in_dim3A_171 : i1 to vector<16xi1>
        %unique3A_173, %unique3A_174 = tpu.scan_count mask(%broadcast_in_dim3A_172 : vector<16xi1>) value(%get3A_170 : vector<16xi32>) : vector<16xi1>, vector<16xi32>
        %convert_element_type3A_175 = arith.sitofp %unique3A_174 : vector<16xi32> to vector<16xf32>
        tpu.vector_store_idx %arg21[%get3A_170], %convert_element_type3A_175 masked %unique3A_173 {add = true} : memref<10240xf32, #tpu.memory_space<vmem>>[vector<16xi32>], vector<16xf32>, vector<16xi1>
        %get3A_176 = arith.constant 32 : index
        %get3A_177 = tpu.vector_load %arg20[%get3A_176] {strides = array<i32>} : memref<64xi32, #tpu.memory_space<vmem>>, vector<16xi32>,
        %broadcast_in_dim3A_178 = arith.constant true
        %broadcast_in_dim3A_179 = vector.broadcast %broadcast_in_dim3A_178 : i1 to vector<16xi1>
        %unique3A_180, %unique3A_181 = tpu.scan_count mask(%broadcast_in_dim3A_179 : vector<16xi1>) value(%get3A_177 : vector<16xi32>) : vector<16xi1>, vector<16xi32>
        %convert_element_type3A_182 = arith.sitofp %unique3A_181 : vector<16xi32> to vector<16xf32>
        tpu.vector_store_idx %arg21[%get3A_177], %convert_element_type3A_182 masked %unique3A_180 {add = true} : memref<10240xf32, #tpu.memory_space<vmem>>[vector<16xi32>], vector<16xf32>, vector<16xi1>
        %get3A_183 = arith.constant 48 : index
        %get3A_184 = tpu.vector_load %arg20[%get3A_183] {strides = array<i32>} : memref<64xi32, #tpu.memory_space<vmem>>, vector<16xi32>,
        %broadcast_in_dim3A_185 = arith.constant true
        %broadcast_in_dim3A_186 = vector.broadcast %broadcast_in_dim3A_185 : i1 to vector<16xi1>
        %unique3A_187, %unique3A_188 = tpu.scan_count mask(%broadcast_in_dim3A_186 : vector<16xi1>) value(%get3A_184 : vector<16xi32>) : vector<16xi1>, vector<16xi32>
        %convert_element_type3A_189 = arith.sitofp %unique3A_188 : vector<16xi32> to vector<16xf32>
        tpu.vector_store_idx %arg21[%get3A_184], %convert_element_type3A_189 masked %unique3A_187 {add = true} : memref<10240xf32, #tpu.memory_space<vmem>>[vector<16xi32>], vector<16xf32>, vector<16xi1>
        %dma_start3A = arith.constant 0 : i32
        %dma_start3A_190 = arith.constant 0 : i32
        %dma_start3A_191 = tpu.memref_slice %arg8[%dma_start3A, %dma_start3A_190] : memref<10240x128xf32, #tpu.memory_space<vmem_shared>> -> memref<10240x128xf32, #tpu.memory_space<vmem_shared>>
        tpu.enqueue_indirect_dma source(%arg11 : memref<64x128xf32, #tpu.memory_space<vmem>>) target(%dma_start3A_191 : memref<10240x128xf32, #tpu.memory_space<vmem_shared>>) offsets(%arg20 : memref<64xi32, #tpu.memory_space<vmem>>) semaphore(%arg30 : memref<!tpu.dma_semaphore, #tpu.memory_space<semaphore_mem>>) {add = true}
      } else {
      }
      %mul3A_127 = arith.constant 3 : i32
      %mul3A_128 = arith.muli %add3A_65, %mul3A_127 : i32
      %add3A_129 = arith.constant 2 : i32
      %add3A_130 = arith.addi %mul3A_128, %add3A_129 : i32
      %ge3A_131 = arith.constant 3 : i32
      %ge3A_132 = arith.cmpi sge, %add3A_130, %ge3A_131 : i32
      %add3A_133 = arith.constant 2 : i32
      %add3A_134 = arith.addi %select_n3A, %add3A_133 : i32
      %le3A_135 = arith.cmpi sle, %add3A_130, %add3A_134 : i32
      %and3A_136 = arith.andi %ge3A_132, %le3A_135 : i1
      %convert_element_type3A_137 = arith.extui %and3A_136 : i1 to i32
      %cond3A_138 = arith.constant 0 : i32
      %cond3A_139 = arith.cmpi ne, %convert_element_type3A_137, %cond3A_138 : i32
      scf.if %cond3A_139 {
        %dma_wait3A = arith.constant 0 : i32
        %dma_wait3A_160 = arith.constant 0 : i32
        %dma_wait3A_161 = tpu.memref_slice %arg8[%dma_wait3A, %dma_wait3A_160] : memref<10240x128xf32, #tpu.memory_space<vmem_shared>> -> memref<10240x128xf32, #tpu.memory_space<vmem_shared>>
        tpu.wait_indirect_dma semaphore(%arg30 : memref<!tpu.dma_semaphore, #tpu.memory_space<semaphore_mem>>) src(%arg11 : memref<64x128xf32, #tpu.memory_space<vmem>>) dst(%dma_wait3A_161 : memref<10240x128xf32, #tpu.memory_space<vmem_shared>>)
      } else {
      }
      %lt3A_140 = arith.cmpi slt, %add3A_130, %select_n3A : i32
      %convert_element_type3A_141 = arith.extui %lt3A_140 : i1 to i32
      %cond3A_142 = arith.constant 0 : i32
      %cond3A_143 = arith.cmpi ne, %convert_element_type3A_141, %cond3A_142 : i32
      scf.if %cond3A_143 {
        %mul3A_160 = arith.constant 32 : i32
        %mul3A_161 = arith.muli %add3A_130, %mul3A_160 : i32
        %add3A_162 = arith.addi %add3A, %mul3A_161 : i32
        %mul3A_163 = arith.constant 64 : i32
        %mul3A_164 = arith.muli %add3A_162, %mul3A_163 : i32
        %dma_start3A = tpu.memref_slice %arg4[%mul3A_164] : memref<320000xi32, #tpu.memory_space<hbm>> -> memref<64xi32, #tpu.memory_space<hbm>>
        %dma_start3A_165 = tpu.memref_slice %arg4[%mul3A_164] : memref<320000xi32, #tpu.memory_space<hbm>> -> memref<64xi32, #tpu.memory_space<hbm>>
        tpu.enqueue_dma source(%dma_start3A_165 : memref<64xi32, #tpu.memory_space<hbm>>) target(%arg17 : memref<64xi32, #tpu.memory_space<vmem>>) target_semaphore(%arg24 : memref<!tpu.dma_semaphore, #tpu.memory_space<semaphore_mem>>)
        %dma_start3A_166 = tpu.memref_slice %arg5[%mul3A_164] : memref<320000xi32, #tpu.memory_space<hbm>> -> memref<64xi32, #tpu.memory_space<hbm>>
        %dma_start3A_167 = tpu.memref_slice %arg5[%mul3A_164] : memref<320000xi32, #tpu.memory_space<hbm>> -> memref<64xi32, #tpu.memory_space<hbm>>
        tpu.enqueue_dma source(%dma_start3A_167 : memref<64xi32, #tpu.memory_space<hbm>>) target(%arg20 : memref<64xi32, #tpu.memory_space<vmem>>) target_semaphore(%arg24 : memref<!tpu.dma_semaphore, #tpu.memory_space<semaphore_mem>>)
        %mul3A_168 = arith.constant 8 : i32
        %mul3A_169 = arith.muli %add3A_162, %mul3A_168 : i32
        %dma_start3A_170 = arith.constant 0 : i32
        %dma_start3A_171 = tpu.memref_slice %arg3[%mul3A_169, %dma_start3A_170] : memref<40000x512xi32, #tpu.memory_space<hbm>> -> memref<8x512xi32, #tpu.memory_space<hbm>>
        %dma_start3A_172 = arith.constant 0 : i32
        %dma_start3A_173 = tpu.memref_slice %arg3[%mul3A_169, %dma_start3A_172] : memref<40000x512xi32, #tpu.memory_space<hbm>> -> memref<8x512xi32, #tpu.memory_space<hbm>>
        tpu.enqueue_dma source(%dma_start3A_173 : memref<8x512xi32, #tpu.memory_space<hbm>>) target(%arg14 : memref<8x512xi32, #tpu.memory_space<vmem>>) target_semaphore(%arg24 : memref<!tpu.dma_semaphore, #tpu.memory_space<semaphore_mem>>)
      } else {
      }
      %ge3A_144 = arith.constant 1 : i32
      %ge3A_145 = arith.cmpi sge, %add3A_130, %ge3A_144 : i32
      %le3A_146 = arith.cmpi sle, %add3A_130, %select_n3A : i32
      %and3A_147 = arith.andi %ge3A_145, %le3A_146 : i1
      %convert_element_type3A_148 = arith.extui %and3A_147 : i1 to i32
      %cond3A_149 = arith.constant 0 : i32
      %cond3A_150 = arith.cmpi ne, %convert_element_type3A_148, %cond3A_149 : i32
      scf.if %cond3A_150 {
        %sub3A = arith.constant 1 : i32
        %sub3A_160 = arith.subi %add3A_130, %sub3A : i32
        %mul3A_161 = arith.constant 32 : i32
        %mul3A_162 = arith.muli %sub3A_160, %mul3A_161 : i32
        %add3A_163 = arith.addi %add3A, %mul3A_162 : i32
        %mul3A_164 = arith.constant 64 : i32
        %mul3A_165 = arith.muli %add3A_163, %mul3A_164 : i32
        %dma_wait3A = tpu.memref_slice %arg4[%mul3A_165] : memref<320000xi32, #tpu.memory_space<hbm>> -> memref<64xi32, #tpu.memory_space<hbm>>
        %dma_wait3A_166 = tpu.memref_slice %arg4[%mul3A_165] : memref<320000xi32, #tpu.memory_space<hbm>> -> memref<64xi32, #tpu.memory_space<hbm>>
        tpu.wait_dma2 semaphore(%arg23 : memref<!tpu.dma_semaphore, #tpu.memory_space<semaphore_mem>>) src(%dma_wait3A_166 : memref<64xi32, #tpu.memory_space<hbm>>) dst(%arg16 : memref<64xi32, #tpu.memory_space<vmem>>)
        %dma_wait3A_167 = tpu.memref_slice %arg5[%mul3A_165] : memref<320000xi32, #tpu.memory_space<hbm>> -> memref<64xi32, #tpu.memory_space<hbm>>
        %dma_wait3A_168 = tpu.memref_slice %arg5[%mul3A_165] : memref<320000xi32, #tpu.memory_space<hbm>> -> memref<64xi32, #tpu.memory_space<hbm>>
        tpu.wait_dma2 semaphore(%arg23 : memref<!tpu.dma_semaphore, #tpu.memory_space<semaphore_mem>>) src(%dma_wait3A_168 : memref<64xi32, #tpu.memory_space<hbm>>) dst(%arg19 : memref<64xi32, #tpu.memory_space<vmem>>)
        %mul3A_169 = arith.constant 8 : i32
        %mul3A_170 = arith.muli %add3A_163, %mul3A_169 : i32
        %dma_wait3A_171 = arith.constant 0 : i32
        %dma_wait3A_172 = tpu.memref_slice %arg3[%mul3A_170, %dma_wait3A_171] : memref<40000x512xi32, #tpu.memory_space<hbm>> -> memref<8x512xi32, #tpu.memory_space<hbm>>
        %dma_wait3A_173 = arith.constant 0 : i32
        %dma_wait3A_174 = tpu.memref_slice %arg3[%mul3A_170, %dma_wait3A_173] : memref<40000x512xi32, #tpu.memory_space<hbm>> -> memref<8x512xi32, #tpu.memory_space<hbm>>
        tpu.wait_dma2 semaphore(%arg23 : memref<!tpu.dma_semaphore, #tpu.memory_space<semaphore_mem>>) src(%dma_wait3A_174 : memref<8x512xi32, #tpu.memory_space<hbm>>) dst(%arg13 : memref<8x512xi32, #tpu.memory_space<vmem>>)
        %dma_start3A = arith.constant 0 : i32
        %dma_start3A_175 = arith.constant 0 : i32
        %dma_start3A_176 = tpu.memref_slice %arg2[%dma_start3A, %dma_start3A_175] : memref<10000x128xf32, #tpu.memory_space<hbm>> -> memref<10000x128xf32, #tpu.memory_space<hbm>>
        tpu.enqueue_indirect_dma source(%dma_start3A_176 : memref<10000x128xf32, #tpu.memory_space<hbm>>) target(%arg10 : memref<64x128xf32, #tpu.memory_space<vmem>>) offsets(%arg16 : memref<64xi32, #tpu.memory_space<vmem>>) semaphore(%arg26 : memref<!tpu.dma_semaphore, #tpu.memory_space<semaphore_mem>>)
      } else {
      }
      %ge3A_151 = arith.constant 2 : i32
      %ge3A_152 = arith.cmpi sge, %add3A_130, %ge3A_151 : i32
      %add3A_153 = arith.constant 1 : i32
      %add3A_154 = arith.addi %select_n3A, %add3A_153 : i32
      %le3A_155 = arith.cmpi sle, %add3A_130, %add3A_154 : i32
      %and3A_156 = arith.andi %ge3A_152, %le3A_155 : i1
      %convert_element_type3A_157 = arith.extui %and3A_156 : i1 to i32
      %cond3A_158 = arith.constant 0 : i32
      %cond3A_159 = arith.cmpi ne, %convert_element_type3A_157, %cond3A_158 : i32
      scf.if %cond3A_159 {
        %dma_wait3A = arith.constant 0 : i32
        %dma_wait3A_160 = arith.constant 0 : i32
        %dma_wait3A_161 = tpu.memref_slice %arg2[%dma_wait3A, %dma_wait3A_160] : memref<10000x128xf32, #tpu.memory_space<hbm>> -> memref<10000x128xf32, #tpu.memory_space<hbm>>
        tpu.wait_indirect_dma semaphore(%arg25 : memref<!tpu.dma_semaphore, #tpu.memory_space<semaphore_mem>>) src(%dma_wait3A_161 : memref<10000x128xf32, #tpu.memory_space<hbm>>) dst(%arg9 : memref<64x128xf32, #tpu.memory_space<vmem>>)
        %parallel_loop3A = arith.constant 0 : i32
        %parallel_loop3A_162 = arith.constant 8 : i32
        %parallel_loop3A_163 = arith.constant 1 : i32
        scf.for %parallel_loop3A_192 = %parallel_loop3A to %parallel_loop3A_162 step %parallel_loop3A_163  : i32 {
          %parallel_loop3A_193 = arith.constant 8 : i32
          %parallel_loop3A_194 = arith.muli %parallel_loop3A_192, %parallel_loop3A_193 : i32
          %parallel_loop3A_195 = arith.constant 0 : i32
          %parallel_loop3A_196 = arith.addi %parallel_loop3A_194, %parallel_loop3A_195 : i32
          %parallel_loop3A_197 = arith.index_cast %parallel_loop3A_192 : i32 to index
          %parallel_loop3A_198 = arith.constant 0 : index
          %parallel_loop3A_199 = tpu.vector_load %arg12[%parallel_loop3A_197, %parallel_loop3A_198] {strides = array<i32>} : memref<8x512xi32, #tpu.memory_space<vmem>>, vector<16xi32>,
          %parallel_loop3A_200 = vector.bitcast %parallel_loop3A_199 : vector<16xi32> to vector<32xbf16>
          %parallel_loop3A_201 = tpu.unpack_subelements %parallel_loop3A_200, 0 {pack_format = #tpu.pack_format<interleaved>} : vector<32xbf16> -> vector<16xf32>
          %parallel_loop3A_202 = tpu.unpack_subelements %parallel_loop3A_200, 1 {pack_format = #tpu.pack_format<interleaved>} : vector<32xbf16> -> vector<16xf32>
          %parallel_loop3A_203 = arith.index_cast %parallel_loop3A_196 : i32 to index
          %parallel_loop3A_204 = arith.constant 0 : index
          %parallel_loop3A_205 = tpu.vector_load %arg9[%parallel_loop3A_203, %parallel_loop3A_204] {strides = array<i32>} : memref<64x128xf32, #tpu.memory_space<vmem>>, vector<16xf32>,
          %parallel_loop3A_206 = arith.index_cast %parallel_loop3A_196 : i32 to index
          %parallel_loop3A_207 = arith.constant 16 : index
          %parallel_loop3A_208 = tpu.vector_load %arg9[%parallel_loop3A_206, %parallel_loop3A_207] {strides = array<i32>} : memref<64x128xf32, #tpu.memory_space<vmem>>, vector<16xf32>,
          %parallel_loop3A_209 = arith.addf %parallel_loop3A_205, %parallel_loop3A_201 : vector<16xf32>
          %parallel_loop3A_210 = arith.constant 0.000000e+00 : f32
          %parallel_loop3A_211 = vector.broadcast %parallel_loop3A_210 : f32 to vector<16xf32>
          %parallel_loop3A_212 = arith.maximumf %parallel_loop3A_209, %parallel_loop3A_211 : vector<16xf32>
          %parallel_loop3A_213 = arith.index_cast %parallel_loop3A_196 : i32 to index
          %parallel_loop3A_214 = arith.constant 0 : index
          %parallel_loop3A_215 = tpu.vector_load %arg9[%parallel_loop3A_213, %parallel_loop3A_214] {strides = array<i32>} : memref<64x128xf32, #tpu.memory_space<vmem>>, vector<16xf32>,
          tpu.vector_store %arg9[%parallel_loop3A_213, %parallel_loop3A_214], %parallel_loop3A_212 {strides = array<i32>} : memref<64x128xf32, #tpu.memory_space<vmem>>, vector<16xf32>,
          %parallel_loop3A_216 = arith.addf %parallel_loop3A_208, %parallel_loop3A_202 : vector<16xf32>
          %parallel_loop3A_217 = arith.constant 0.000000e+00 : f32
          %parallel_loop3A_218 = vector.broadcast %parallel_loop3A_217 : f32 to vector<16xf32>
          %parallel_loop3A_219 = arith.maximumf %parallel_loop3A_216, %parallel_loop3A_218 : vector<16xf32>
          %parallel_loop3A_220 = arith.index_cast %parallel_loop3A_196 : i32 to index
          %parallel_loop3A_221 = arith.constant 16 : index
          %parallel_loop3A_222 = tpu.vector_load %arg9[%parallel_loop3A_220, %parallel_loop3A_221] {strides = array<i32>} : memref<64x128xf32, #tpu.memory_space<vmem>>, vector<16xf32>,
          tpu.vector_store %arg9[%parallel_loop3A_220, %parallel_loop3A_221], %parallel_loop3A_219 {strides = array<i32>} : memref<64x128xf32, #tpu.memory_space<vmem>>, vector<16xf32>,
          %parallel_loop3A_223 = arith.index_cast %parallel_loop3A_192 : i32 to index
          %parallel_loop3A_224 = arith.constant 16 : index
          %parallel_loop3A_225 = tpu.vector_load %arg12[%parallel_loop3A_223, %parallel_loop3A_224] {strides = array<i32>} : memref<8x512xi32, #tpu.memory_space<vmem>>, vector<16xi32>,
          %parallel_loop3A_226 = vector.bitcast %parallel_loop3A_225 : vector<16xi32> to vector<32xbf16>
          %parallel_loop3A_227 = tpu.unpack_subelements %parallel_loop3A_226, 0 {pack_format = #tpu.pack_format<interleaved>} : vector<32xbf16> -> vector<16xf32>
          %parallel_loop3A_228 = tpu.unpack_subelements %parallel_loop3A_226, 1 {pack_format = #tpu.pack_format<interleaved>} : vector<32xbf16> -> vector<16xf32>
          %parallel_loop3A_229 = arith.index_cast %parallel_loop3A_196 : i32 to index
          %parallel_loop3A_230 = arith.constant 32 : index
          %parallel_loop3A_231 = tpu.vector_load %arg9[%parallel_loop3A_229, %parallel_loop3A_230] {strides = array<i32>} : memref<64x128xf32, #tpu.memory_space<vmem>>, vector<16xf32>,
          %parallel_loop3A_232 = arith.index_cast %parallel_loop3A_196 : i32 to index
          %parallel_loop3A_233 = arith.constant 48 : index
          %parallel_loop3A_234 = tpu.vector_load %arg9[%parallel_loop3A_232, %parallel_loop3A_233] {strides = array<i32>} : memref<64x128xf32, #tpu.memory_space<vmem>>, vector<16xf32>,
          %parallel_loop3A_235 = arith.addf %parallel_loop3A_231, %parallel_loop3A_227 : vector<16xf32>
          %parallel_loop3A_236 = arith.constant 0.000000e+00 : f32
          %parallel_loop3A_237 = vector.broadcast %parallel_loop3A_236 : f32 to vector<16xf32>
          %parallel_loop3A_238 = arith.maximumf %parallel_loop3A_235, %parallel_loop3A_237 : vector<16xf32>
          %parallel_loop3A_239 = arith.index_cast %parallel_loop3A_196 : i32 to index
          %parallel_loop3A_240 = arith.constant 32 : index
          %parallel_loop3A_241 = tpu.vector_load %arg9[%parallel_loop3A_239, %parallel_loop3A_240] {strides = array<i32>} : memref<64x128xf32, #tpu.memory_space<vmem>>, vector<16xf32>,
          tpu.vector_store %arg9[%parallel_loop3A_239, %parallel_loop3A_240], %parallel_loop3A_238 {strides = array<i32>} : memref<64x128xf32, #tpu.memory_space<vmem>>, vector<16xf32>,
          %parallel_loop3A_242 = arith.addf %parallel_loop3A_234, %parallel_loop3A_228 : vector<16xf32>
          %parallel_loop3A_243 = arith.constant 0.000000e+00 : f32
          %parallel_loop3A_244 = vector.broadcast %parallel_loop3A_243 : f32 to vector<16xf32>
          %parallel_loop3A_245 = arith.maximumf %parallel_loop3A_242, %parallel_loop3A_244 : vector<16xf32>
          %parallel_loop3A_246 = arith.index_cast %parallel_loop3A_196 : i32 to index
          %parallel_loop3A_247 = arith.constant 48 : index
          %parallel_loop3A_248 = tpu.vector_load %arg9[%parallel_loop3A_246, %parallel_loop3A_247] {strides = array<i32>} : memref<64x128xf32, #tpu.memory_space<vmem>>, vector<16xf32>,
          tpu.vector_store %arg9[%parallel_loop3A_246, %parallel_loop3A_247], %parallel_loop3A_245 {strides = array<i32>} : memref<64x128xf32, #tpu.memory_space<vmem>>, vector<16xf32>,
          %parallel_loop3A_249 = arith.index_cast %parallel_loop3A_192 : i32 to index
          %parallel_loop3A_250 = arith.constant 32 : index
          %parallel_loop3A_251 = tpu.vector_load %arg12[%parallel_loop3A_249, %parallel_loop3A_250] {strides = array<i32>} : memref<8x512xi32, #tpu.memory_space<vmem>>, vector<16xi32>,
          %parallel_loop3A_252 = vector.bitcast %parallel_loop3A_251 : vector<16xi32> to vector<32xbf16>
          %parallel_loop3A_253 = tpu.unpack_subelements %parallel_loop3A_252, 0 {pack_format = #tpu.pack_format<interleaved>} : vector<32xbf16> -> vector<16xf32>
          %parallel_loop3A_254 = tpu.unpack_subelements %parallel_loop3A_252, 1 {pack_format = #tpu.pack_format<interleaved>} : vector<32xbf16> -> vector<16xf32>
          %parallel_loop3A_255 = arith.index_cast %parallel_loop3A_196 : i32 to index
          %parallel_loop3A_256 = arith.constant 64 : index
          %parallel_loop3A_257 = tpu.vector_load %arg9[%parallel_loop3A_255, %parallel_loop3A_256] {strides = array<i32>} : memref<64x128xf32, #tpu.memory_space<vmem>>, vector<16xf32>,
          %parallel_loop3A_258 = arith.index_cast %parallel_loop3A_196 : i32 to index
          %parallel_loop3A_259 = arith.constant 80 : index
          %parallel_loop3A_260 = tpu.vector_load %arg9[%parallel_loop3A_258, %parallel_loop3A_259] {strides = array<i32>} : memref<64x128xf32, #tpu.memory_space<vmem>>, vector<16xf32>,
          %parallel_loop3A_261 = arith.addf %parallel_loop3A_257, %parallel_loop3A_253 : vector<16xf32>
          %parallel_loop3A_262 = arith.constant 0.000000e+00 : f32
          %parallel_loop3A_263 = vector.broadcast %parallel_loop3A_262 : f32 to vector<16xf32>
          %parallel_loop3A_264 = arith.maximumf %parallel_loop3A_261, %parallel_loop3A_263 : vector<16xf32>
          %parallel_loop3A_265 = arith.index_cast %parallel_loop3A_196 : i32 to index
          %parallel_loop3A_266 = arith.constant 64 : index
          %parallel_loop3A_267 = tpu.vector_load %arg9[%parallel_loop3A_265, %parallel_loop3A_266] {strides = array<i32>} : memref<64x128xf32, #tpu.memory_space<vmem>>, vector<16xf32>,
          tpu.vector_store %arg9[%parallel_loop3A_265, %parallel_loop3A_266], %parallel_loop3A_264 {strides = array<i32>} : memref<64x128xf32, #tpu.memory_space<vmem>>, vector<16xf32>,
          %parallel_loop3A_268 = arith.addf %parallel_loop3A_260, %parallel_loop3A_254 : vector<16xf32>
          %parallel_loop3A_269 = arith.constant 0.000000e+00 : f32
          %parallel_loop3A_270 = vector.broadcast %parallel_loop3A_269 : f32 to vector<16xf32>
          %parallel_loop3A_271 = arith.maximumf %parallel_loop3A_268, %parallel_loop3A_270 : vector<16xf32>
          %parallel_loop3A_272 = arith.index_cast %parallel_loop3A_196 : i32 to index
          %parallel_loop3A_273 = arith.constant 80 : index
          %parallel_loop3A_274 = tpu.vector_load %arg9[%parallel_loop3A_272, %parallel_loop3A_273] {strides = array<i32>} : memref<64x128xf32, #tpu.memory_space<vmem>>, vector<16xf32>,
          tpu.vector_store %arg9[%parallel_loop3A_272, %parallel_loop3A_273], %parallel_loop3A_271 {strides = array<i32>} : memref<64x128xf32, #tpu.memory_space<vmem>>, vector<16xf32>,
          %parallel_loop3A_275 = arith.index_cast %parallel_loop3A_192 : i32 to index
          %parallel_loop3A_276 = arith.constant 48 : index
          %parallel_loop3A_277 = tpu.vector_load %arg12[%parallel_loop3A_275, %parallel_loop3A_276] {strides = array<i32>} : memref<8x512xi32, #tpu.memory_space<vmem>>, vector<16xi32>,
          %parallel_loop3A_278 = vector.bitcast %parallel_loop3A_277 : vector<16xi32> to vector<32xbf16>
          %parallel_loop3A_279 = tpu.unpack_subelements %parallel_loop3A_278, 0 {pack_format = #tpu.pack_format<interleaved>} : vector<32xbf16> -> vector<16xf32>
          %parallel_loop3A_280 = tpu.unpack_subelements %parallel_loop3A_278, 1 {pack_format = #tpu.pack_format<interleaved>} : vector<32xbf16> -> vector<16xf32>
          %parallel_loop3A_281 = arith.index_cast %parallel_loop3A_196 : i32 to index
          %parallel_loop3A_282 = arith.constant 96 : index
          %parallel_loop3A_283 = tpu.vector_load %arg9[%parallel_loop3A_281, %parallel_loop3A_282] {strides = array<i32>} : memref<64x128xf32, #tpu.memory_space<vmem>>, vector<16xf32>,
          %parallel_loop3A_284 = arith.index_cast %parallel_loop3A_196 : i32 to index
          %parallel_loop3A_285 = arith.constant 112 : index
          %parallel_loop3A_286 = tpu.vector_load %arg9[%parallel_loop3A_284, %parallel_loop3A_285] {strides = array<i32>} : memref<64x128xf32, #tpu.memory_space<vmem>>, vector<16xf32>,
          %parallel_loop3A_287 = arith.addf %parallel_loop3A_283, %parallel_loop3A_279 : vector<16xf32>
          %parallel_loop3A_288 = arith.constant 0.000000e+00 : f32
          %parallel_loop3A_289 = vector.broadcast %parallel_loop3A_288 : f32 to vector<16xf32>
          %parallel_loop3A_290 = arith.maximumf %parallel_loop3A_287, %parallel_loop3A_289 : vector<16xf32>
          %parallel_loop3A_291 = arith.index_cast %parallel_loop3A_196 : i32 to index
          %parallel_loop3A_292 = arith.constant 96 : index
          %parallel_loop3A_293 = tpu.vector_load %arg9[%parallel_loop3A_291, %parallel_loop3A_292] {strides = array<i32>} : memref<64x128xf32, #tpu.memory_space<vmem>>, vector<16xf32>,
          tpu.vector_store %arg9[%parallel_loop3A_291, %parallel_loop3A_292], %parallel_loop3A_290 {strides = array<i32>} : memref<64x128xf32, #tpu.memory_space<vmem>>, vector<16xf32>,
          %parallel_loop3A_294 = arith.addf %parallel_loop3A_286, %parallel_loop3A_280 : vector<16xf32>
          %parallel_loop3A_295 = arith.constant 0.000000e+00 : f32
          %parallel_loop3A_296 = vector.broadcast %parallel_loop3A_295 : f32 to vector<16xf32>
          %parallel_loop3A_297 = arith.maximumf %parallel_loop3A_294, %parallel_loop3A_296 : vector<16xf32>
          %parallel_loop3A_298 = arith.index_cast %parallel_loop3A_196 : i32 to index
          %parallel_loop3A_299 = arith.constant 112 : index
          %parallel_loop3A_300 = tpu.vector_load %arg9[%parallel_loop3A_298, %parallel_loop3A_299] {strides = array<i32>} : memref<64x128xf32, #tpu.memory_space<vmem>>, vector<16xf32>,
          tpu.vector_store %arg9[%parallel_loop3A_298, %parallel_loop3A_299], %parallel_loop3A_297 {strides = array<i32>} : memref<64x128xf32, #tpu.memory_space<vmem>>, vector<16xf32>,
          %parallel_loop3A_301 = arith.constant 8 : i32
          %parallel_loop3A_302 = arith.muli %parallel_loop3A_192, %parallel_loop3A_301 : i32
          %parallel_loop3A_303 = arith.constant 1 : i32
          %parallel_loop3A_304 = arith.addi %parallel_loop3A_302, %parallel_loop3A_303 : i32
          %parallel_loop3A_305 = arith.index_cast %parallel_loop3A_192 : i32 to index
          %parallel_loop3A_306 = arith.constant 64 : index
          %parallel_loop3A_307 = tpu.vector_load %arg12[%parallel_loop3A_305, %parallel_loop3A_306] {strides = array<i32>} : memref<8x512xi32, #tpu.memory_space<vmem>>, vector<16xi32>,
          %parallel_loop3A_308 = vector.bitcast %parallel_loop3A_307 : vector<16xi32> to vector<32xbf16>
          %parallel_loop3A_309 = tpu.unpack_subelements %parallel_loop3A_308, 0 {pack_format = #tpu.pack_format<interleaved>} : vector<32xbf16> -> vector<16xf32>
          %parallel_loop3A_310 = tpu.unpack_subelements %parallel_loop3A_308, 1 {pack_format = #tpu.pack_format<interleaved>} : vector<32xbf16> -> vector<16xf32>
          %parallel_loop3A_311 = arith.index_cast %parallel_loop3A_304 : i32 to index
          %parallel_loop3A_312 = arith.constant 0 : index
          %parallel_loop3A_313 = tpu.vector_load %arg9[%parallel_loop3A_311, %parallel_loop3A_312] {strides = array<i32>} : memref<64x128xf32, #tpu.memory_space<vmem>>, vector<16xf32>,
          %parallel_loop3A_314 = arith.index_cast %parallel_loop3A_304 : i32 to index
          %parallel_loop3A_315 = arith.constant 16 : index
          %parallel_loop3A_316 = tpu.vector_load %arg9[%parallel_loop3A_314, %parallel_loop3A_315] {strides = array<i32>} : memref<64x128xf32, #tpu.memory_space<vmem>>, vector<16xf32>,
          %parallel_loop3A_317 = arith.addf %parallel_loop3A_313, %parallel_loop3A_309 : vector<16xf32>
          %parallel_loop3A_318 = arith.constant 0.000000e+00 : f32
          %parallel_loop3A_319 = vector.broadcast %parallel_loop3A_318 : f32 to vector<16xf32>
          %parallel_loop3A_320 = arith.maximumf %parallel_loop3A_317, %parallel_loop3A_319 : vector<16xf32>
          %parallel_loop3A_321 = arith.index_cast %parallel_loop3A_304 : i32 to index
          %parallel_loop3A_322 = arith.constant 0 : index
          %parallel_loop3A_323 = tpu.vector_load %arg9[%parallel_loop3A_321, %parallel_loop3A_322] {strides = array<i32>} : memref<64x128xf32, #tpu.memory_space<vmem>>, vector<16xf32>,
          tpu.vector_store %arg9[%parallel_loop3A_321, %parallel_loop3A_322], %parallel_loop3A_320 {strides = array<i32>} : memref<64x128xf32, #tpu.memory_space<vmem>>, vector<16xf32>,
          %parallel_loop3A_324 = arith.addf %parallel_loop3A_316, %parallel_loop3A_310 : vector<16xf32>
          %parallel_loop3A_325 = arith.constant 0.000000e+00 : f32
          %parallel_loop3A_326 = vector.broadcast %parallel_loop3A_325 : f32 to vector<16xf32>
          %parallel_loop3A_327 = arith.maximumf %parallel_loop3A_324, %parallel_loop3A_326 : vector<16xf32>
          %parallel_loop3A_328 = arith.index_cast %parallel_loop3A_304 : i32 to index
          %parallel_loop3A_329 = arith.constant 16 : index
          %parallel_loop3A_330 = tpu.vector_load %arg9[%parallel_loop3A_328, %parallel_loop3A_329] {strides = array<i32>} : memref<64x128xf32, #tpu.memory_space<vmem>>, vector<16xf32>,
          tpu.vector_store %arg9[%parallel_loop3A_328, %parallel_loop3A_329], %parallel_loop3A_327 {strides = array<i32>} : memref<64x128xf32, #tpu.memory_space<vmem>>, vector<16xf32>,
          %parallel_loop3A_331 = arith.index_cast %parallel_loop3A_192 : i32 to index
          %parallel_loop3A_332 = arith.constant 80 : index
          %parallel_loop3A_333 = tpu.vector_load %arg12[%parallel_loop3A_331, %parallel_loop3A_332] {strides = array<i32>} : memref<8x512xi32, #tpu.memory_space<vmem>>, vector<16xi32>,
          %parallel_loop3A_334 = vector.bitcast %parallel_loop3A_333 : vector<16xi32> to vector<32xbf16>
          %parallel_loop3A_335 = tpu.unpack_subelements %parallel_loop3A_334, 0 {pack_format = #tpu.pack_format<interleaved>} : vector<32xbf16> -> vector<16xf32>
          %parallel_loop3A_336 = tpu.unpack_subelements %parallel_loop3A_334, 1 {pack_format = #tpu.pack_format<interleaved>} : vector<32xbf16> -> vector<16xf32>
          %parallel_loop3A_337 = arith.index_cast %parallel_loop3A_304 : i32 to index
          %parallel_loop3A_338 = arith.constant 32 : index
          %parallel_loop3A_339 = tpu.vector_load %arg9[%parallel_loop3A_337, %parallel_loop3A_338] {strides = array<i32>} : memref<64x128xf32, #tpu.memory_space<vmem>>, vector<16xf32>,
          %parallel_loop3A_340 = arith.index_cast %parallel_loop3A_304 : i32 to index
          %parallel_loop3A_341 = arith.constant 48 : index
          %parallel_loop3A_342 = tpu.vector_load %arg9[%parallel_loop3A_340, %parallel_loop3A_341] {strides = array<i32>} : memref<64x128xf32, #tpu.memory_space<vmem>>, vector<16xf32>,
          %parallel_loop3A_343 = arith.addf %parallel_loop3A_339, %parallel_loop3A_335 : vector<16xf32>
          %parallel_loop3A_344 = arith.constant 0.000000e+00 : f32
          %parallel_loop3A_345 = vector.broadcast %parallel_loop3A_344 : f32 to vector<16xf32>
          %parallel_loop3A_346 = arith.maximumf %parallel_loop3A_343, %parallel_loop3A_345 : vector<16xf32>
          %parallel_loop3A_347 = arith.index_cast %parallel_loop3A_304 : i32 to index
          %parallel_loop3A_348 = arith.constant 32 : index
          %parallel_loop3A_349 = tpu.vector_load %arg9[%parallel_loop3A_347, %parallel_loop3A_348] {strides = array<i32>} : memref<64x128xf32, #tpu.memory_space<vmem>>, vector<16xf32>,
          tpu.vector_store %arg9[%parallel_loop3A_347, %parallel_loop3A_348], %parallel_loop3A_346 {strides = array<i32>} : memref<64x128xf32, #tpu.memory_space<vmem>>, vector<16xf32>,
          %parallel_loop3A_350 = arith.addf %parallel_loop3A_342, %parallel_loop3A_336 : vector<16xf32>
          %parallel_loop3A_351 = arith.constant 0.000000e+00 : f32
          %parallel_loop3A_352 = vector.broadcast %parallel_loop3A_351 : f32 to vector<16xf32>
          %parallel_loop3A_353 = arith.maximumf %parallel_loop3A_350, %parallel_loop3A_352 : vector<16xf32>
          %parallel_loop3A_354 = arith.index_cast %parallel_loop3A_304 : i32 to index
          %parallel_loop3A_355 = arith.constant 48 : index
          %parallel_loop3A_356 = tpu.vector_load %arg9[%parallel_loop3A_354, %parallel_loop3A_355] {strides = array<i32>} : memref<64x128xf32, #tpu.memory_space<vmem>>, vector<16xf32>,
          tpu.vector_store %arg9[%parallel_loop3A_354, %parallel_loop3A_355], %parallel_loop3A_353 {strides = array<i32>} : memref<64x128xf32, #tpu.memory_space<vmem>>, vector<16xf32>,
          %parallel_loop3A_357 = arith.index_cast %parallel_loop3A_192 : i32 to index
          %parallel_loop3A_358 = arith.constant 96 : index
          %parallel_loop3A_359 = tpu.vector_load %arg12[%parallel_loop3A_357, %parallel_loop3A_358] {strides = array<i32>} : memref<8x512xi32, #tpu.memory_space<vmem>>, vector<16xi32>,
          %parallel_loop3A_360 = vector.bitcast %parallel_loop3A_359 : vector<16xi32> to vector<32xbf16>
          %parallel_loop3A_361 = tpu.unpack_subelements %parallel_loop3A_360, 0 {pack_format = #tpu.pack_format<interleaved>} : vector<32xbf16> -> vector<16xf32>
          %parallel_loop3A_362 = tpu.unpack_subelements %parallel_loop3A_360, 1 {pack_format = #tpu.pack_format<interleaved>} : vector<32xbf16> -> vector<16xf32>
          %parallel_loop3A_363 = arith.index_cast %parallel_loop3A_304 : i32 to index
          %parallel_loop3A_364 = arith.constant 64 : index
          %parallel_loop3A_365 = tpu.vector_load %arg9[%parallel_loop3A_363, %parallel_loop3A_364] {strides = array<i32>} : memref<64x128xf32, #tpu.memory_space<vmem>>, vector<16xf32>,
          %parallel_loop3A_366 = arith.index_cast %parallel_loop3A_304 : i32 to index
          %parallel_loop3A_367 = arith.constant 80 : index
          %parallel_loop3A_368 = tpu.vector_load %arg9[%parallel_loop3A_366, %parallel_loop3A_367] {strides = array<i32>} : memref<64x128xf32, #tpu.memory_space<vmem>>, vector<16xf32>,
          %parallel_loop3A_369 = arith.addf %parallel_loop3A_365, %parallel_loop3A_361 : vector<16xf32>
          %parallel_loop3A_370 = arith.constant 0.000000e+00 : f32
          %parallel_loop3A_371 = vector.broadcast %parallel_loop3A_370 : f32 to vector<16xf32>
          %parallel_loop3A_372 = arith.maximumf %parallel_loop3A_369, %parallel_loop3A_371 : vector<16xf32>
          %parallel_loop3A_373 = arith.index_cast %parallel_loop3A_304 : i32 to index
          %parallel_loop3A_374 = arith.constant 64 : index
          %parallel_loop3A_375 = tpu.vector_load %arg9[%parallel_loop3A_373, %parallel_loop3A_374] {strides = array<i32>} : memref<64x128xf32, #tpu.memory_space<vmem>>, vector<16xf32>,
          tpu.vector_store %arg9[%parallel_loop3A_373, %parallel_loop3A_374], %parallel_loop3A_372 {strides = array<i32>} : memref<64x128xf32, #tpu.memory_space<vmem>>, vector<16xf32>,
          %parallel_loop3A_376 = arith.addf %parallel_loop3A_368, %parallel_loop3A_362 : vector<16xf32>
          %parallel_loop3A_377 = arith.constant 0.000000e+00 : f32
          %parallel_loop3A_378 = vector.broadcast %parallel_loop3A_377 : f32 to vector<16xf32>
          %parallel_loop3A_379 = arith.maximumf %parallel_loop3A_376, %parallel_loop3A_378 : vector<16xf32>
          %parallel_loop3A_380 = arith.index_cast %parallel_loop3A_304 : i32 to index
          %parallel_loop3A_381 = arith.constant 80 : index
          %parallel_loop3A_382 = tpu.vector_load %arg9[%parallel_loop3A_380, %parallel_loop3A_381] {strides = array<i32>} : memref<64x128xf32, #tpu.memory_space<vmem>>, vector<16xf32>,
          tpu.vector_store %arg9[%parallel_loop3A_380, %parallel_loop3A_381], %parallel_loop3A_379 {strides = array<i32>} : memref<64x128xf32, #tpu.memory_space<vmem>>, vector<16xf32>,
          %parallel_loop3A_383 = arith.index_cast %parallel_loop3A_192 : i32 to index
          %parallel_loop3A_384 = arith.constant 112 : index
          %parallel_loop3A_385 = tpu.vector_load %arg12[%parallel_loop3A_383, %parallel_loop3A_384] {strides = array<i32>} : memref<8x512xi32, #tpu.memory_space<vmem>>, vector<16xi32>,
          %parallel_loop3A_386 = vector.bitcast %parallel_loop3A_385 : vector<16xi32> to vector<32xbf16>
          %parallel_loop3A_387 = tpu.unpack_subelements %parallel_loop3A_386, 0 {pack_format = #tpu.pack_format<interleaved>} : vector<32xbf16> -> vector<16xf32>
          %parallel_loop3A_388 = tpu.unpack_subelements %parallel_loop3A_386, 1 {pack_format = #tpu.pack_format<interleaved>} : vector<32xbf16> -> vector<16xf32>
          %parallel_loop3A_389 = arith.index_cast %parallel_loop3A_304 : i32 to index
          %parallel_loop3A_390 = arith.constant 96 : index
          %parallel_loop3A_391 = tpu.vector_load %arg9[%parallel_loop3A_389, %parallel_loop3A_390] {strides = array<i32>} : memref<64x128xf32, #tpu.memory_space<vmem>>, vector<16xf32>,
          %parallel_loop3A_392 = arith.index_cast %parallel_loop3A_304 : i32 to index
          %parallel_loop3A_393 = arith.constant 112 : index
          %parallel_loop3A_394 = tpu.vector_load %arg9[%parallel_loop3A_392, %parallel_loop3A_393] {strides = array<i32>} : memref<64x128xf32, #tpu.memory_space<vmem>>, vector<16xf32>,
          %parallel_loop3A_395 = arith.addf %parallel_loop3A_391, %parallel_loop3A_387 : vector<16xf32>
          %parallel_loop3A_396 = arith.constant 0.000000e+00 : f32
          %parallel_loop3A_397 = vector.broadcast %parallel_loop3A_396 : f32 to vector<16xf32>
          %parallel_loop3A_398 = arith.maximumf %parallel_loop3A_395, %parallel_loop3A_397 : vector<16xf32>
          %parallel_loop3A_399 = arith.index_cast %parallel_loop3A_304 : i32 to index
          %parallel_loop3A_400 = arith.constant 96 : index
          %parallel_loop3A_401 = tpu.vector_load %arg9[%parallel_loop3A_399, %parallel_loop3A_400] {strides = array<i32>} : memref<64x128xf32, #tpu.memory_space<vmem>>, vector<16xf32>,
          tpu.vector_store %arg9[%parallel_loop3A_399, %parallel_loop3A_400], %parallel_loop3A_398 {strides = array<i32>} : memref<64x128xf32, #tpu.memory_space<vmem>>, vector<16xf32>,
          %parallel_loop3A_402 = arith.addf %parallel_loop3A_394, %parallel_loop3A_388 : vector<16xf32>
          %parallel_loop3A_403 = arith.constant 0.000000e+00 : f32
          %parallel_loop3A_404 = vector.broadcast %parallel_loop3A_403 : f32 to vector<16xf32>
          %parallel_loop3A_405 = arith.maximumf %parallel_loop3A_402, %parallel_loop3A_404 : vector<16xf32>
          %parallel_loop3A_406 = arith.index_cast %parallel_loop3A_304 : i32 to index
          %parallel_loop3A_407 = arith.constant 112 : index
          %parallel_loop3A_408 = tpu.vector_load %arg9[%parallel_loop3A_406, %parallel_loop3A_407] {strides = array<i32>} : memref<64x128xf32, #tpu.memory_space<vmem>>, vector<16xf32>,
          tpu.vector_store %arg9[%parallel_loop3A_406, %parallel_loop3A_407], %parallel_loop3A_405 {strides = array<i32>} : memref<64x128xf32, #tpu.memory_space<vmem>>, vector<16xf32>,
          %parallel_loop3A_409 = arith.constant 8 : i32
          %parallel_loop3A_410 = arith.muli %parallel_loop3A_192, %parallel_loop3A_409 : i32
          %parallel_loop3A_411 = arith.constant 2 : i32
          %parallel_loop3A_412 = arith.addi %parallel_loop3A_410, %parallel_loop3A_411 : i32
          %parallel_loop3A_413 = arith.index_cast %parallel_loop3A_192 : i32 to index
          %parallel_loop3A_414 = arith.constant 128 : index
          %parallel_loop3A_415 = tpu.vector_load %arg12[%parallel_loop3A_413, %parallel_loop3A_414] {strides = array<i32>} : memref<8x512xi32, #tpu.memory_space<vmem>>, vector<16xi32>,
          %parallel_loop3A_416 = vector.bitcast %parallel_loop3A_415 : vector<16xi32> to vector<32xbf16>
          %parallel_loop3A_417 = tpu.unpack_subelements %parallel_loop3A_416, 0 {pack_format = #tpu.pack_format<interleaved>} : vector<32xbf16> -> vector<16xf32>
          %parallel_loop3A_418 = tpu.unpack_subelements %parallel_loop3A_416, 1 {pack_format = #tpu.pack_format<interleaved>} : vector<32xbf16> -> vector<16xf32>
          %parallel_loop3A_419 = arith.index_cast %parallel_loop3A_412 : i32 to index
          %parallel_loop3A_420 = arith.constant 0 : index
          %parallel_loop3A_421 = tpu.vector_load %arg9[%parallel_loop3A_419, %parallel_loop3A_420] {strides = array<i32>} : memref<64x128xf32, #tpu.memory_space<vmem>>, vector<16xf32>,
          %parallel_loop3A_422 = arith.index_cast %parallel_loop3A_412 : i32 to index
          %parallel_loop3A_423 = arith.constant 16 : index
          %parallel_loop3A_424 = tpu.vector_load %arg9[%parallel_loop3A_422, %parallel_loop3A_423] {strides = array<i32>} : memref<64x128xf32, #tpu.memory_space<vmem>>, vector<16xf32>,
          %parallel_loop3A_425 = arith.addf %parallel_loop3A_421, %parallel_loop3A_417 : vector<16xf32>
          %parallel_loop3A_426 = arith.constant 0.000000e+00 : f32
          %parallel_loop3A_427 = vector.broadcast %parallel_loop3A_426 : f32 to vector<16xf32>
          %parallel_loop3A_428 = arith.maximumf %parallel_loop3A_425, %parallel_loop3A_427 : vector<16xf32>
          %parallel_loop3A_429 = arith.index_cast %parallel_loop3A_412 : i32 to index
          %parallel_loop3A_430 = arith.constant 0 : index
          %parallel_loop3A_431 = tpu.vector_load %arg9[%parallel_loop3A_429, %parallel_loop3A_430] {strides = array<i32>} : memref<64x128xf32, #tpu.memory_space<vmem>>, vector<16xf32>,
          tpu.vector_store %arg9[%parallel_loop3A_429, %parallel_loop3A_430], %parallel_loop3A_428 {strides = array<i32>} : memref<64x128xf32, #tpu.memory_space<vmem>>, vector<16xf32>,
          %parallel_loop3A_432 = arith.addf %parallel_loop3A_424, %parallel_loop3A_418 : vector<16xf32>
          %parallel_loop3A_433 = arith.constant 0.000000e+00 : f32
          %parallel_loop3A_434 = vector.broadcast %parallel_loop3A_433 : f32 to vector<16xf32>
          %parallel_loop3A_435 = arith.maximumf %parallel_loop3A_432, %parallel_loop3A_434 : vector<16xf32>
          %parallel_loop3A_436 = arith.index_cast %parallel_loop3A_412 : i32 to index
          %parallel_loop3A_437 = arith.constant 16 : index
          %parallel_loop3A_438 = tpu.vector_load %arg9[%parallel_loop3A_436, %parallel_loop3A_437] {strides = array<i32>} : memref<64x128xf32, #tpu.memory_space<vmem>>, vector<16xf32>,
          tpu.vector_store %arg9[%parallel_loop3A_436, %parallel_loop3A_437], %parallel_loop3A_435 {strides = array<i32>} : memref<64x128xf32, #tpu.memory_space<vmem>>, vector<16xf32>,
          %parallel_loop3A_439 = arith.index_cast %parallel_loop3A_192 : i32 to index
          %parallel_loop3A_440 = arith.constant 144 : index
          %parallel_loop3A_441 = tpu.vector_load %arg12[%parallel_loop3A_439, %parallel_loop3A_440] {strides = array<i32>} : memref<8x512xi32, #tpu.memory_space<vmem>>, vector<16xi32>,
          %parallel_loop3A_442 = vector.bitcast %parallel_loop3A_441 : vector<16xi32> to vector<32xbf16>
          %parallel_loop3A_443 = tpu.unpack_subelements %parallel_loop3A_442, 0 {pack_format = #tpu.pack_format<interleaved>} : vector<32xbf16> -> vector<16xf32>
          %parallel_loop3A_444 = tpu.unpack_subelements %parallel_loop3A_442, 1 {pack_format = #tpu.pack_format<interleaved>} : vector<32xbf16> -> vector<16xf32>
          %parallel_loop3A_445 = arith.index_cast %parallel_loop3A_412 : i32 to index
          %parallel_loop3A_446 = arith.constant 32 : index
          %parallel_loop3A_447 = tpu.vector_load %arg9[%parallel_loop3A_445, %parallel_loop3A_446] {strides = array<i32>} : memref<64x128xf32, #tpu.memory_space<vmem>>, vector<16xf32>,
          %parallel_loop3A_448 = arith.index_cast %parallel_loop3A_412 : i32 to index
          %parallel_loop3A_449 = arith.constant 48 : index
          %parallel_loop3A_450 = tpu.vector_load %arg9[%parallel_loop3A_448, %parallel_loop3A_449] {strides = array<i32>} : memref<64x128xf32, #tpu.memory_space<vmem>>, vector<16xf32>,
          %parallel_loop3A_451 = arith.addf %parallel_loop3A_447, %parallel_loop3A_443 : vector<16xf32>
          %parallel_loop3A_452 = arith.constant 0.000000e+00 : f32
          %parallel_loop3A_453 = vector.broadcast %parallel_loop3A_452 : f32 to vector<16xf32>
          %parallel_loop3A_454 = arith.maximumf %parallel_loop3A_451, %parallel_loop3A_453 : vector<16xf32>
          %parallel_loop3A_455 = arith.index_cast %parallel_loop3A_412 : i32 to index
          %parallel_loop3A_456 = arith.constant 32 : index
          %parallel_loop3A_457 = tpu.vector_load %arg9[%parallel_loop3A_455, %parallel_loop3A_456] {strides = array<i32>} : memref<64x128xf32, #tpu.memory_space<vmem>>, vector<16xf32>,
          tpu.vector_store %arg9[%parallel_loop3A_455, %parallel_loop3A_456], %parallel_loop3A_454 {strides = array<i32>} : memref<64x128xf32, #tpu.memory_space<vmem>>, vector<16xf32>,
          %parallel_loop3A_458 = arith.addf %parallel_loop3A_450, %parallel_loop3A_444 : vector<16xf32>
          %parallel_loop3A_459 = arith.constant 0.000000e+00 : f32
          %parallel_loop3A_460 = vector.broadcast %parallel_loop3A_459 : f32 to vector<16xf32>
          %parallel_loop3A_461 = arith.maximumf %parallel_loop3A_458, %parallel_loop3A_460 : vector<16xf32>
          %parallel_loop3A_462 = arith.index_cast %parallel_loop3A_412 : i32 to index
          %parallel_loop3A_463 = arith.constant 48 : index
          %parallel_loop3A_464 = tpu.vector_load %arg9[%parallel_loop3A_462, %parallel_loop3A_463] {strides = array<i32>} : memref<64x128xf32, #tpu.memory_space<vmem>>, vector<16xf32>,
          tpu.vector_store %arg9[%parallel_loop3A_462, %parallel_loop3A_463], %parallel_loop3A_461 {strides = array<i32>} : memref<64x128xf32, #tpu.memory_space<vmem>>, vector<16xf32>,
          %parallel_loop3A_465 = arith.index_cast %parallel_loop3A_192 : i32 to index
          %parallel_loop3A_466 = arith.constant 160 : index
          %parallel_loop3A_467 = tpu.vector_load %arg12[%parallel_loop3A_465, %parallel_loop3A_466] {strides = array<i32>} : memref<8x512xi32, #tpu.memory_space<vmem>>, vector<16xi32>,
          %parallel_loop3A_468 = vector.bitcast %parallel_loop3A_467 : vector<16xi32> to vector<32xbf16>
          %parallel_loop3A_469 = tpu.unpack_subelements %parallel_loop3A_468, 0 {pack_format = #tpu.pack_format<interleaved>} : vector<32xbf16> -> vector<16xf32>
          %parallel_loop3A_470 = tpu.unpack_subelements %parallel_loop3A_468, 1 {pack_format = #tpu.pack_format<interleaved>} : vector<32xbf16> -> vector<16xf32>
          %parallel_loop3A_471 = arith.index_cast %parallel_loop3A_412 : i32 to index
          %parallel_loop3A_472 = arith.constant 64 : index
          %parallel_loop3A_473 = tpu.vector_load %arg9[%parallel_loop3A_471, %parallel_loop3A_472] {strides = array<i32>} : memref<64x128xf32, #tpu.memory_space<vmem>>, vector<16xf32>,
          %parallel_loop3A_474 = arith.index_cast %parallel_loop3A_412 : i32 to index
          %parallel_loop3A_475 = arith.constant 80 : index
          %parallel_loop3A_476 = tpu.vector_load %arg9[%parallel_loop3A_474, %parallel_loop3A_475] {strides = array<i32>} : memref<64x128xf32, #tpu.memory_space<vmem>>, vector<16xf32>,
          %parallel_loop3A_477 = arith.addf %parallel_loop3A_473, %parallel_loop3A_469 : vector<16xf32>
          %parallel_loop3A_478 = arith.constant 0.000000e+00 : f32
          %parallel_loop3A_479 = vector.broadcast %parallel_loop3A_478 : f32 to vector<16xf32>
          %parallel_loop3A_480 = arith.maximumf %parallel_loop3A_477, %parallel_loop3A_479 : vector<16xf32>
          %parallel_loop3A_481 = arith.index_cast %parallel_loop3A_412 : i32 to index
          %parallel_loop3A_482 = arith.constant 64 : index
          %parallel_loop3A_483 = tpu.vector_load %arg9[%parallel_loop3A_481, %parallel_loop3A_482] {strides = array<i32>} : memref<64x128xf32, #tpu.memory_space<vmem>>, vector<16xf32>,
          tpu.vector_store %arg9[%parallel_loop3A_481, %parallel_loop3A_482], %parallel_loop3A_480 {strides = array<i32>} : memref<64x128xf32, #tpu.memory_space<vmem>>, vector<16xf32>,
          %parallel_loop3A_484 = arith.addf %parallel_loop3A_476, %parallel_loop3A_470 : vector<16xf32>
          %parallel_loop3A_485 = arith.constant 0.000000e+00 : f32
          %parallel_loop3A_486 = vector.broadcast %parallel_loop3A_485 : f32 to vector<16xf32>
          %parallel_loop3A_487 = arith.maximumf %parallel_loop3A_484, %parallel_loop3A_486 : vector<16xf32>
          %parallel_loop3A_488 = arith.index_cast %parallel_loop3A_412 : i32 to index
          %parallel_loop3A_489 = arith.constant 80 : index
          %parallel_loop3A_490 = tpu.vector_load %arg9[%parallel_loop3A_488, %parallel_loop3A_489] {strides = array<i32>} : memref<64x128xf32, #tpu.memory_space<vmem>>, vector<16xf32>,
          tpu.vector_store %arg9[%parallel_loop3A_488, %parallel_loop3A_489], %parallel_loop3A_487 {strides = array<i32>} : memref<64x128xf32, #tpu.memory_space<vmem>>, vector<16xf32>,
          %parallel_loop3A_491 = arith.index_cast %parallel_loop3A_192 : i32 to index
          %parallel_loop3A_492 = arith.constant 176 : index
          %parallel_loop3A_493 = tpu.vector_load %arg12[%parallel_loop3A_491, %parallel_loop3A_492] {strides = array<i32>} : memref<8x512xi32, #tpu.memory_space<vmem>>, vector<16xi32>,
          %parallel_loop3A_494 = vector.bitcast %parallel_loop3A_493 : vector<16xi32> to vector<32xbf16>
          %parallel_loop3A_495 = tpu.unpack_subelements %parallel_loop3A_494, 0 {pack_format = #tpu.pack_format<interleaved>} : vector<32xbf16> -> vector<16xf32>
          %parallel_loop3A_496 = tpu.unpack_subelements %parallel_loop3A_494, 1 {pack_format = #tpu.pack_format<interleaved>} : vector<32xbf16> -> vector<16xf32>
          %parallel_loop3A_497 = arith.index_cast %parallel_loop3A_412 : i32 to index
          %parallel_loop3A_498 = arith.constant 96 : index
          %parallel_loop3A_499 = tpu.vector_load %arg9[%parallel_loop3A_497, %parallel_loop3A_498] {strides = array<i32>} : memref<64x128xf32, #tpu.memory_space<vmem>>, vector<16xf32>,
          %parallel_loop3A_500 = arith.index_cast %parallel_loop3A_412 : i32 to index
          %parallel_loop3A_501 = arith.constant 112 : index
          %parallel_loop3A_502 = tpu.vector_load %arg9[%parallel_loop3A_500, %parallel_loop3A_501] {strides = array<i32>} : memref<64x128xf32, #tpu.memory_space<vmem>>, vector<16xf32>,
          %parallel_loop3A_503 = arith.addf %parallel_loop3A_499, %parallel_loop3A_495 : vector<16xf32>
          %parallel_loop3A_504 = arith.constant 0.000000e+00 : f32
          %parallel_loop3A_505 = vector.broadcast %parallel_loop3A_504 : f32 to vector<16xf32>
          %parallel_loop3A_506 = arith.maximumf %parallel_loop3A_503, %parallel_loop3A_505 : vector<16xf32>
          %parallel_loop3A_507 = arith.index_cast %parallel_loop3A_412 : i32 to index
          %parallel_loop3A_508 = arith.constant 96 : index
          %parallel_loop3A_509 = tpu.vector_load %arg9[%parallel_loop3A_507, %parallel_loop3A_508] {strides = array<i32>} : memref<64x128xf32, #tpu.memory_space<vmem>>, vector<16xf32>,
          tpu.vector_store %arg9[%parallel_loop3A_507, %parallel_loop3A_508], %parallel_loop3A_506 {strides = array<i32>} : memref<64x128xf32, #tpu.memory_space<vmem>>, vector<16xf32>,
          %parallel_loop3A_510 = arith.addf %parallel_loop3A_502, %parallel_loop3A_496 : vector<16xf32>
          %parallel_loop3A_511 = arith.constant 0.000000e+00 : f32
          %parallel_loop3A_512 = vector.broadcast %parallel_loop3A_511 : f32 to vector<16xf32>
          %parallel_loop3A_513 = arith.maximumf %parallel_loop3A_510, %parallel_loop3A_512 : vector<16xf32>
          %parallel_loop3A_514 = arith.index_cast %parallel_loop3A_412 : i32 to index
          %parallel_loop3A_515 = arith.constant 112 : index
          %parallel_loop3A_516 = tpu.vector_load %arg9[%parallel_loop3A_514, %parallel_loop3A_515] {strides = array<i32>} : memref<64x128xf32, #tpu.memory_space<vmem>>, vector<16xf32>,
          tpu.vector_store %arg9[%parallel_loop3A_514, %parallel_loop3A_515], %parallel_loop3A_513 {strides = array<i32>} : memref<64x128xf32, #tpu.memory_space<vmem>>, vector<16xf32>,
          %parallel_loop3A_517 = arith.constant 8 : i32
          %parallel_loop3A_518 = arith.muli %parallel_loop3A_192, %parallel_loop3A_517 : i32
          %parallel_loop3A_519 = arith.constant 3 : i32
          %parallel_loop3A_520 = arith.addi %parallel_loop3A_518, %parallel_loop3A_519 : i32
          %parallel_loop3A_521 = arith.index_cast %parallel_loop3A_192 : i32 to index
          %parallel_loop3A_522 = arith.constant 192 : index
          %parallel_loop3A_523 = tpu.vector_load %arg12[%parallel_loop3A_521, %parallel_loop3A_522] {strides = array<i32>} : memref<8x512xi32, #tpu.memory_space<vmem>>, vector<16xi32>,
          %parallel_loop3A_524 = vector.bitcast %parallel_loop3A_523 : vector<16xi32> to vector<32xbf16>
          %parallel_loop3A_525 = tpu.unpack_subelements %parallel_loop3A_524, 0 {pack_format = #tpu.pack_format<interleaved>} : vector<32xbf16> -> vector<16xf32>
          %parallel_loop3A_526 = tpu.unpack_subelements %parallel_loop3A_524, 1 {pack_format = #tpu.pack_format<interleaved>} : vector<32xbf16> -> vector<16xf32>
          %parallel_loop3A_527 = arith.index_cast %parallel_loop3A_520 : i32 to index
          %parallel_loop3A_528 = arith.constant 0 : index
          %parallel_loop3A_529 = tpu.vector_load %arg9[%parallel_loop3A_527, %parallel_loop3A_528] {strides = array<i32>} : memref<64x128xf32, #tpu.memory_space<vmem>>, vector<16xf32>,
          %parallel_loop3A_530 = arith.index_cast %parallel_loop3A_520 : i32 to index
          %parallel_loop3A_531 = arith.constant 16 : index
          %parallel_loop3A_532 = tpu.vector_load %arg9[%parallel_loop3A_530, %parallel_loop3A_531] {strides = array<i32>} : memref<64x128xf32, #tpu.memory_space<vmem>>, vector<16xf32>,
          %parallel_loop3A_533 = arith.addf %parallel_loop3A_529, %parallel_loop3A_525 : vector<16xf32>
          %parallel_loop3A_534 = arith.constant 0.000000e+00 : f32
          %parallel_loop3A_535 = vector.broadcast %parallel_loop3A_534 : f32 to vector<16xf32>
          %parallel_loop3A_536 = arith.maximumf %parallel_loop3A_533, %parallel_loop3A_535 : vector<16xf32>
          %parallel_loop3A_537 = arith.index_cast %parallel_loop3A_520 : i32 to index
          %parallel_loop3A_538 = arith.constant 0 : index
          %parallel_loop3A_539 = tpu.vector_load %arg9[%parallel_loop3A_537, %parallel_loop3A_538] {strides = array<i32>} : memref<64x128xf32, #tpu.memory_space<vmem>>, vector<16xf32>,
          tpu.vector_store %arg9[%parallel_loop3A_537, %parallel_loop3A_538], %parallel_loop3A_536 {strides = array<i32>} : memref<64x128xf32, #tpu.memory_space<vmem>>, vector<16xf32>,
          %parallel_loop3A_540 = arith.addf %parallel_loop3A_532, %parallel_loop3A_526 : vector<16xf32>
          %parallel_loop3A_541 = arith.constant 0.000000e+00 : f32
          %parallel_loop3A_542 = vector.broadcast %parallel_loop3A_541 : f32 to vector<16xf32>
          %parallel_loop3A_543 = arith.maximumf %parallel_loop3A_540, %parallel_loop3A_542 : vector<16xf32>
          %parallel_loop3A_544 = arith.index_cast %parallel_loop3A_520 : i32 to index
          %parallel_loop3A_545 = arith.constant 16 : index
          %parallel_loop3A_546 = tpu.vector_load %arg9[%parallel_loop3A_544, %parallel_loop3A_545] {strides = array<i32>} : memref<64x128xf32, #tpu.memory_space<vmem>>, vector<16xf32>,
          tpu.vector_store %arg9[%parallel_loop3A_544, %parallel_loop3A_545], %parallel_loop3A_543 {strides = array<i32>} : memref<64x128xf32, #tpu.memory_space<vmem>>, vector<16xf32>,
          %parallel_loop3A_547 = arith.index_cast %parallel_loop3A_192 : i32 to index
          %parallel_loop3A_548 = arith.constant 208 : index
          %parallel_loop3A_549 = tpu.vector_load %arg12[%parallel_loop3A_547, %parallel_loop3A_548] {strides = array<i32>} : memref<8x512xi32, #tpu.memory_space<vmem>>, vector<16xi32>,
          %parallel_loop3A_550 = vector.bitcast %parallel_loop3A_549 : vector<16xi32> to vector<32xbf16>
          %parallel_loop3A_551 = tpu.unpack_subelements %parallel_loop3A_550, 0 {pack_format = #tpu.pack_format<interleaved>} : vector<32xbf16> -> vector<16xf32>
          %parallel_loop3A_552 = tpu.unpack_subelements %parallel_loop3A_550, 1 {pack_format = #tpu.pack_format<interleaved>} : vector<32xbf16> -> vector<16xf32>
          %parallel_loop3A_553 = arith.index_cast %parallel_loop3A_520 : i32 to index
          %parallel_loop3A_554 = arith.constant 32 : index
          %parallel_loop3A_555 = tpu.vector_load %arg9[%parallel_loop3A_553, %parallel_loop3A_554] {strides = array<i32>} : memref<64x128xf32, #tpu.memory_space<vmem>>, vector<16xf32>,
          %parallel_loop3A_556 = arith.index_cast %parallel_loop3A_520 : i32 to index
          %parallel_loop3A_557 = arith.constant 48 : index
          %parallel_loop3A_558 = tpu.vector_load %arg9[%parallel_loop3A_556, %parallel_loop3A_557] {strides = array<i32>} : memref<64x128xf32, #tpu.memory_space<vmem>>, vector<16xf32>,
          %parallel_loop3A_559 = arith.addf %parallel_loop3A_555, %parallel_loop3A_551 : vector<16xf32>
          %parallel_loop3A_560 = arith.constant 0.000000e+00 : f32
          %parallel_loop3A_561 = vector.broadcast %parallel_loop3A_560 : f32 to vector<16xf32>
          %parallel_loop3A_562 = arith.maximumf %parallel_loop3A_559, %parallel_loop3A_561 : vector<16xf32>
          %parallel_loop3A_563 = arith.index_cast %parallel_loop3A_520 : i32 to index
          %parallel_loop3A_564 = arith.constant 32 : index
          %parallel_loop3A_565 = tpu.vector_load %arg9[%parallel_loop3A_563, %parallel_loop3A_564] {strides = array<i32>} : memref<64x128xf32, #tpu.memory_space<vmem>>, vector<16xf32>,
          tpu.vector_store %arg9[%parallel_loop3A_563, %parallel_loop3A_564], %parallel_loop3A_562 {strides = array<i32>} : memref<64x128xf32, #tpu.memory_space<vmem>>, vector<16xf32>,
          %parallel_loop3A_566 = arith.addf %parallel_loop3A_558, %parallel_loop3A_552 : vector<16xf32>
          %parallel_loop3A_567 = arith.constant 0.000000e+00 : f32
          %parallel_loop3A_568 = vector.broadcast %parallel_loop3A_567 : f32 to vector<16xf32>
          %parallel_loop3A_569 = arith.maximumf %parallel_loop3A_566, %parallel_loop3A_568 : vector<16xf32>
          %parallel_loop3A_570 = arith.index_cast %parallel_loop3A_520 : i32 to index
          %parallel_loop3A_571 = arith.constant 48 : index
          %parallel_loop3A_572 = tpu.vector_load %arg9[%parallel_loop3A_570, %parallel_loop3A_571] {strides = array<i32>} : memref<64x128xf32, #tpu.memory_space<vmem>>, vector<16xf32>,
          tpu.vector_store %arg9[%parallel_loop3A_570, %parallel_loop3A_571], %parallel_loop3A_569 {strides = array<i32>} : memref<64x128xf32, #tpu.memory_space<vmem>>, vector<16xf32>,
          %parallel_loop3A_573 = arith.index_cast %parallel_loop3A_192 : i32 to index
          %parallel_loop3A_574 = arith.constant 224 : index
          %parallel_loop3A_575 = tpu.vector_load %arg12[%parallel_loop3A_573, %parallel_loop3A_574] {strides = array<i32>} : memref<8x512xi32, #tpu.memory_space<vmem>>, vector<16xi32>,
          %parallel_loop3A_576 = vector.bitcast %parallel_loop3A_575 : vector<16xi32> to vector<32xbf16>
          %parallel_loop3A_577 = tpu.unpack_subelements %parallel_loop3A_576, 0 {pack_format = #tpu.pack_format<interleaved>} : vector<32xbf16> -> vector<16xf32>
          %parallel_loop3A_578 = tpu.unpack_subelements %parallel_loop3A_576, 1 {pack_format = #tpu.pack_format<interleaved>} : vector<32xbf16> -> vector<16xf32>
          %parallel_loop3A_579 = arith.index_cast %parallel_loop3A_520 : i32 to index
          %parallel_loop3A_580 = arith.constant 64 : index
          %parallel_loop3A_581 = tpu.vector_load %arg9[%parallel_loop3A_579, %parallel_loop3A_580] {strides = array<i32>} : memref<64x128xf32, #tpu.memory_space<vmem>>, vector<16xf32>,
          %parallel_loop3A_582 = arith.index_cast %parallel_loop3A_520 : i32 to index
          %parallel_loop3A_583 = arith.constant 80 : index
          %parallel_loop3A_584 = tpu.vector_load %arg9[%parallel_loop3A_582, %parallel_loop3A_583] {strides = array<i32>} : memref<64x128xf32, #tpu.memory_space<vmem>>, vector<16xf32>,
          %parallel_loop3A_585 = arith.addf %parallel_loop3A_581, %parallel_loop3A_577 : vector<16xf32>
          %parallel_loop3A_586 = arith.constant 0.000000e+00 : f32
          %parallel_loop3A_587 = vector.broadcast %parallel_loop3A_586 : f32 to vector<16xf32>
          %parallel_loop3A_588 = arith.maximumf %parallel_loop3A_585, %parallel_loop3A_587 : vector<16xf32>
          %parallel_loop3A_589 = arith.index_cast %parallel_loop3A_520 : i32 to index
          %parallel_loop3A_590 = arith.constant 64 : index
          %parallel_loop3A_591 = tpu.vector_load %arg9[%parallel_loop3A_589, %parallel_loop3A_590] {strides = array<i32>} : memref<64x128xf32, #tpu.memory_space<vmem>>, vector<16xf32>,
          tpu.vector_store %arg9[%parallel_loop3A_589, %parallel_loop3A_590], %parallel_loop3A_588 {strides = array<i32>} : memref<64x128xf32, #tpu.memory_space<vmem>>, vector<16xf32>,
          %parallel_loop3A_592 = arith.addf %parallel_loop3A_584, %parallel_loop3A_578 : vector<16xf32>
          %parallel_loop3A_593 = arith.constant 0.000000e+00 : f32
          %parallel_loop3A_594 = vector.broadcast %parallel_loop3A_593 : f32 to vector<16xf32>
          %parallel_loop3A_595 = arith.maximumf %parallel_loop3A_592, %parallel_loop3A_594 : vector<16xf32>
          %parallel_loop3A_596 = arith.index_cast %parallel_loop3A_520 : i32 to index
          %parallel_loop3A_597 = arith.constant 80 : index
          %parallel_loop3A_598 = tpu.vector_load %arg9[%parallel_loop3A_596, %parallel_loop3A_597] {strides = array<i32>} : memref<64x128xf32, #tpu.memory_space<vmem>>, vector<16xf32>,
          tpu.vector_store %arg9[%parallel_loop3A_596, %parallel_loop3A_597], %parallel_loop3A_595 {strides = array<i32>} : memref<64x128xf32, #tpu.memory_space<vmem>>, vector<16xf32>,
          %parallel_loop3A_599 = arith.index_cast %parallel_loop3A_192 : i32 to index
          %parallel_loop3A_600 = arith.constant 240 : index
          %parallel_loop3A_601 = tpu.vector_load %arg12[%parallel_loop3A_599, %parallel_loop3A_600] {strides = array<i32>} : memref<8x512xi32, #tpu.memory_space<vmem>>, vector<16xi32>,
          %parallel_loop3A_602 = vector.bitcast %parallel_loop3A_601 : vector<16xi32> to vector<32xbf16>
          %parallel_loop3A_603 = tpu.unpack_subelements %parallel_loop3A_602, 0 {pack_format = #tpu.pack_format<interleaved>} : vector<32xbf16> -> vector<16xf32>
          %parallel_loop3A_604 = tpu.unpack_subelements %parallel_loop3A_602, 1 {pack_format = #tpu.pack_format<interleaved>} : vector<32xbf16> -> vector<16xf32>
          %parallel_loop3A_605 = arith.index_cast %parallel_loop3A_520 : i32 to index
          %parallel_loop3A_606 = arith.constant 96 : index
          %parallel_loop3A_607 = tpu.vector_load %arg9[%parallel_loop3A_605, %parallel_loop3A_606] {strides = array<i32>} : memref<64x128xf32, #tpu.memory_space<vmem>>, vector<16xf32>,
          %parallel_loop3A_608 = arith.index_cast %parallel_loop3A_520 : i32 to index
          %parallel_loop3A_609 = arith.constant 112 : index
          %parallel_loop3A_610 = tpu.vector_load %arg9[%parallel_loop3A_608, %parallel_loop3A_609] {strides = array<i32>} : memref<64x128xf32, #tpu.memory_space<vmem>>, vector<16xf32>,
          %parallel_loop3A_611 = arith.addf %parallel_loop3A_607, %parallel_loop3A_603 : vector<16xf32>
          %parallel_loop3A_612 = arith.constant 0.000000e+00 : f32
          %parallel_loop3A_613 = vector.broadcast %parallel_loop3A_612 : f32 to vector<16xf32>
          %parallel_loop3A_614 = arith.maximumf %parallel_loop3A_611, %parallel_loop3A_613 : vector<16xf32>
          %parallel_loop3A_615 = arith.index_cast %parallel_loop3A_520 : i32 to index
          %parallel_loop3A_616 = arith.constant 96 : index
          %parallel_loop3A_617 = tpu.vector_load %arg9[%parallel_loop3A_615, %parallel_loop3A_616] {strides = array<i32>} : memref<64x128xf32, #tpu.memory_space<vmem>>, vector<16xf32>,
          tpu.vector_store %arg9[%parallel_loop3A_615, %parallel_loop3A_616], %parallel_loop3A_614 {strides = array<i32>} : memref<64x128xf32, #tpu.memory_space<vmem>>, vector<16xf32>,
          %parallel_loop3A_618 = arith.addf %parallel_loop3A_610, %parallel_loop3A_604 : vector<16xf32>
          %parallel_loop3A_619 = arith.constant 0.000000e+00 : f32
          %parallel_loop3A_620 = vector.broadcast %parallel_loop3A_619 : f32 to vector<16xf32>
          %parallel_loop3A_621 = arith.maximumf %parallel_loop3A_618, %parallel_loop3A_620 : vector<16xf32>
          %parallel_loop3A_622 = arith.index_cast %parallel_loop3A_520 : i32 to index
          %parallel_loop3A_623 = arith.constant 112 : index
          %parallel_loop3A_624 = tpu.vector_load %arg9[%parallel_loop3A_622, %parallel_loop3A_623] {strides = array<i32>} : memref<64x128xf32, #tpu.memory_space<vmem>>, vector<16xf32>,
          tpu.vector_store %arg9[%parallel_loop3A_622, %parallel_loop3A_623], %parallel_loop3A_621 {strides = array<i32>} : memref<64x128xf32, #tpu.memory_space<vmem>>, vector<16xf32>,
          %parallel_loop3A_625 = arith.constant 8 : i32
          %parallel_loop3A_626 = arith.muli %parallel_loop3A_192, %parallel_loop3A_625 : i32
          %parallel_loop3A_627 = arith.constant 4 : i32
          %parallel_loop3A_628 = arith.addi %parallel_loop3A_626, %parallel_loop3A_627 : i32
          %parallel_loop3A_629 = arith.index_cast %parallel_loop3A_192 : i32 to index
          %parallel_loop3A_630 = arith.constant 256 : index
          %parallel_loop3A_631 = tpu.vector_load %arg12[%parallel_loop3A_629, %parallel_loop3A_630] {strides = array<i32>} : memref<8x512xi32, #tpu.memory_space<vmem>>, vector<16xi32>,
          %parallel_loop3A_632 = vector.bitcast %parallel_loop3A_631 : vector<16xi32> to vector<32xbf16>
          %parallel_loop3A_633 = tpu.unpack_subelements %parallel_loop3A_632, 0 {pack_format = #tpu.pack_format<interleaved>} : vector<32xbf16> -> vector<16xf32>
          %parallel_loop3A_634 = tpu.unpack_subelements %parallel_loop3A_632, 1 {pack_format = #tpu.pack_format<interleaved>} : vector<32xbf16> -> vector<16xf32>
          %parallel_loop3A_635 = arith.index_cast %parallel_loop3A_628 : i32 to index
          %parallel_loop3A_636 = arith.constant 0 : index
          %parallel_loop3A_637 = tpu.vector_load %arg9[%parallel_loop3A_635, %parallel_loop3A_636] {strides = array<i32>} : memref<64x128xf32, #tpu.memory_space<vmem>>, vector<16xf32>,
          %parallel_loop3A_638 = arith.index_cast %parallel_loop3A_628 : i32 to index
          %parallel_loop3A_639 = arith.constant 16 : index
          %parallel_loop3A_640 = tpu.vector_load %arg9[%parallel_loop3A_638, %parallel_loop3A_639] {strides = array<i32>} : memref<64x128xf32, #tpu.memory_space<vmem>>, vector<16xf32>,
          %parallel_loop3A_641 = arith.addf %parallel_loop3A_637, %parallel_loop3A_633 : vector<16xf32>
          %parallel_loop3A_642 = arith.constant 0.000000e+00 : f32
          %parallel_loop3A_643 = vector.broadcast %parallel_loop3A_642 : f32 to vector<16xf32>
          %parallel_loop3A_644 = arith.maximumf %parallel_loop3A_641, %parallel_loop3A_643 : vector<16xf32>
          %parallel_loop3A_645 = arith.index_cast %parallel_loop3A_628 : i32 to index
          %parallel_loop3A_646 = arith.constant 0 : index
          %parallel_loop3A_647 = tpu.vector_load %arg9[%parallel_loop3A_645, %parallel_loop3A_646] {strides = array<i32>} : memref<64x128xf32, #tpu.memory_space<vmem>>, vector<16xf32>,
          tpu.vector_store %arg9[%parallel_loop3A_645, %parallel_loop3A_646], %parallel_loop3A_644 {strides = array<i32>} : memref<64x128xf32, #tpu.memory_space<vmem>>, vector<16xf32>,
          %parallel_loop3A_648 = arith.addf %parallel_loop3A_640, %parallel_loop3A_634 : vector<16xf32>
          %parallel_loop3A_649 = arith.constant 0.000000e+00 : f32
          %parallel_loop3A_650 = vector.broadcast %parallel_loop3A_649 : f32 to vector<16xf32>
          %parallel_loop3A_651 = arith.maximumf %parallel_loop3A_648, %parallel_loop3A_650 : vector<16xf32>
          %parallel_loop3A_652 = arith.index_cast %parallel_loop3A_628 : i32 to index
          %parallel_loop3A_653 = arith.constant 16 : index
          %parallel_loop3A_654 = tpu.vector_load %arg9[%parallel_loop3A_652, %parallel_loop3A_653] {strides = array<i32>} : memref<64x128xf32, #tpu.memory_space<vmem>>, vector<16xf32>,
          tpu.vector_store %arg9[%parallel_loop3A_652, %parallel_loop3A_653], %parallel_loop3A_651 {strides = array<i32>} : memref<64x128xf32, #tpu.memory_space<vmem>>, vector<16xf32>,
          %parallel_loop3A_655 = arith.index_cast %parallel_loop3A_192 : i32 to index
          %parallel_loop3A_656 = arith.constant 272 : index
          %parallel_loop3A_657 = tpu.vector_load %arg12[%parallel_loop3A_655, %parallel_loop3A_656] {strides = array<i32>} : memref<8x512xi32, #tpu.memory_space<vmem>>, vector<16xi32>,
          %parallel_loop3A_658 = vector.bitcast %parallel_loop3A_657 : vector<16xi32> to vector<32xbf16>
          %parallel_loop3A_659 = tpu.unpack_subelements %parallel_loop3A_658, 0 {pack_format = #tpu.pack_format<interleaved>} : vector<32xbf16> -> vector<16xf32>
          %parallel_loop3A_660 = tpu.unpack_subelements %parallel_loop3A_658, 1 {pack_format = #tpu.pack_format<interleaved>} : vector<32xbf16> -> vector<16xf32>
          %parallel_loop3A_661 = arith.index_cast %parallel_loop3A_628 : i32 to index
          %parallel_loop3A_662 = arith.constant 32 : index
          %parallel_loop3A_663 = tpu.vector_load %arg9[%parallel_loop3A_661, %parallel_loop3A_662] {strides = array<i32>} : memref<64x128xf32, #tpu.memory_space<vmem>>, vector<16xf32>,
          %parallel_loop3A_664 = arith.index_cast %parallel_loop3A_628 : i32 to index
          %parallel_loop3A_665 = arith.constant 48 : index
          %parallel_loop3A_666 = tpu.vector_load %arg9[%parallel_loop3A_664, %parallel_loop3A_665] {strides = array<i32>} : memref<64x128xf32, #tpu.memory_space<vmem>>, vector<16xf32>,
          %parallel_loop3A_667 = arith.addf %parallel_loop3A_663, %parallel_loop3A_659 : vector<16xf32>
          %parallel_loop3A_668 = arith.constant 0.000000e+00 : f32
          %parallel_loop3A_669 = vector.broadcast %parallel_loop3A_668 : f32 to vector<16xf32>
          %parallel_loop3A_670 = arith.maximumf %parallel_loop3A_667, %parallel_loop3A_669 : vector<16xf32>
          %parallel_loop3A_671 = arith.index_cast %parallel_loop3A_628 : i32 to index
          %parallel_loop3A_672 = arith.constant 32 : index
          %parallel_loop3A_673 = tpu.vector_load %arg9[%parallel_loop3A_671, %parallel_loop3A_672] {strides = array<i32>} : memref<64x128xf32, #tpu.memory_space<vmem>>, vector<16xf32>,
          tpu.vector_store %arg9[%parallel_loop3A_671, %parallel_loop3A_672], %parallel_loop3A_670 {strides = array<i32>} : memref<64x128xf32, #tpu.memory_space<vmem>>, vector<16xf32>,
          %parallel_loop3A_674 = arith.addf %parallel_loop3A_666, %parallel_loop3A_660 : vector<16xf32>
          %parallel_loop3A_675 = arith.constant 0.000000e+00 : f32
          %parallel_loop3A_676 = vector.broadcast %parallel_loop3A_675 : f32 to vector<16xf32>
          %parallel_loop3A_677 = arith.maximumf %parallel_loop3A_674, %parallel_loop3A_676 : vector<16xf32>
          %parallel_loop3A_678 = arith.index_cast %parallel_loop3A_628 : i32 to index
          %parallel_loop3A_679 = arith.constant 48 : index
          %parallel_loop3A_680 = tpu.vector_load %arg9[%parallel_loop3A_678, %parallel_loop3A_679] {strides = array<i32>} : memref<64x128xf32, #tpu.memory_space<vmem>>, vector<16xf32>,
          tpu.vector_store %arg9[%parallel_loop3A_678, %parallel_loop3A_679], %parallel_loop3A_677 {strides = array<i32>} : memref<64x128xf32, #tpu.memory_space<vmem>>, vector<16xf32>,
          %parallel_loop3A_681 = arith.index_cast %parallel_loop3A_192 : i32 to index
          %parallel_loop3A_682 = arith.constant 288 : index
          %parallel_loop3A_683 = tpu.vector_load %arg12[%parallel_loop3A_681, %parallel_loop3A_682] {strides = array<i32>} : memref<8x512xi32, #tpu.memory_space<vmem>>, vector<16xi32>,
          %parallel_loop3A_684 = vector.bitcast %parallel_loop3A_683 : vector<16xi32> to vector<32xbf16>
          %parallel_loop3A_685 = tpu.unpack_subelements %parallel_loop3A_684, 0 {pack_format = #tpu.pack_format<interleaved>} : vector<32xbf16> -> vector<16xf32>
          %parallel_loop3A_686 = tpu.unpack_subelements %parallel_loop3A_684, 1 {pack_format = #tpu.pack_format<interleaved>} : vector<32xbf16> -> vector<16xf32>
          %parallel_loop3A_687 = arith.index_cast %parallel_loop3A_628 : i32 to index
          %parallel_loop3A_688 = arith.constant 64 : index
          %parallel_loop3A_689 = tpu.vector_load %arg9[%parallel_loop3A_687, %parallel_loop3A_688] {strides = array<i32>} : memref<64x128xf32, #tpu.memory_space<vmem>>, vector<16xf32>,
          %parallel_loop3A_690 = arith.index_cast %parallel_loop3A_628 : i32 to index
          %parallel_loop3A_691 = arith.constant 80 : index
          %parallel_loop3A_692 = tpu.vector_load %arg9[%parallel_loop3A_690, %parallel_loop3A_691] {strides = array<i32>} : memref<64x128xf32, #tpu.memory_space<vmem>>, vector<16xf32>,
          %parallel_loop3A_693 = arith.addf %parallel_loop3A_689, %parallel_loop3A_685 : vector<16xf32>
          %parallel_loop3A_694 = arith.constant 0.000000e+00 : f32
          %parallel_loop3A_695 = vector.broadcast %parallel_loop3A_694 : f32 to vector<16xf32>
          %parallel_loop3A_696 = arith.maximumf %parallel_loop3A_693, %parallel_loop3A_695 : vector<16xf32>
          %parallel_loop3A_697 = arith.index_cast %parallel_loop3A_628 : i32 to index
          %parallel_loop3A_698 = arith.constant 64 : index
          %parallel_loop3A_699 = tpu.vector_load %arg9[%parallel_loop3A_697, %parallel_loop3A_698] {strides = array<i32>} : memref<64x128xf32, #tpu.memory_space<vmem>>, vector<16xf32>,
          tpu.vector_store %arg9[%parallel_loop3A_697, %parallel_loop3A_698], %parallel_loop3A_696 {strides = array<i32>} : memref<64x128xf32, #tpu.memory_space<vmem>>, vector<16xf32>,
          %parallel_loop3A_700 = arith.addf %parallel_loop3A_692, %parallel_loop3A_686 : vector<16xf32>
          %parallel_loop3A_701 = arith.constant 0.000000e+00 : f32
          %parallel_loop3A_702 = vector.broadcast %parallel_loop3A_701 : f32 to vector<16xf32>
          %parallel_loop3A_703 = arith.maximumf %parallel_loop3A_700, %parallel_loop3A_702 : vector<16xf32>
          %parallel_loop3A_704 = arith.index_cast %parallel_loop3A_628 : i32 to index
          %parallel_loop3A_705 = arith.constant 80 : index
          %parallel_loop3A_706 = tpu.vector_load %arg9[%parallel_loop3A_704, %parallel_loop3A_705] {strides = array<i32>} : memref<64x128xf32, #tpu.memory_space<vmem>>, vector<16xf32>,
          tpu.vector_store %arg9[%parallel_loop3A_704, %parallel_loop3A_705], %parallel_loop3A_703 {strides = array<i32>} : memref<64x128xf32, #tpu.memory_space<vmem>>, vector<16xf32>,
          %parallel_loop3A_707 = arith.index_cast %parallel_loop3A_192 : i32 to index
          %parallel_loop3A_708 = arith.constant 304 : index
          %parallel_loop3A_709 = tpu.vector_load %arg12[%parallel_loop3A_707, %parallel_loop3A_708] {strides = array<i32>} : memref<8x512xi32, #tpu.memory_space<vmem>>, vector<16xi32>,
          %parallel_loop3A_710 = vector.bitcast %parallel_loop3A_709 : vector<16xi32> to vector<32xbf16>
          %parallel_loop3A_711 = tpu.unpack_subelements %parallel_loop3A_710, 0 {pack_format = #tpu.pack_format<interleaved>} : vector<32xbf16> -> vector<16xf32>
          %parallel_loop3A_712 = tpu.unpack_subelements %parallel_loop3A_710, 1 {pack_format = #tpu.pack_format<interleaved>} : vector<32xbf16> -> vector<16xf32>
          %parallel_loop3A_713 = arith.index_cast %parallel_loop3A_628 : i32 to index
          %parallel_loop3A_714 = arith.constant 96 : index
          %parallel_loop3A_715 = tpu.vector_load %arg9[%parallel_loop3A_713, %parallel_loop3A_714] {strides = array<i32>} : memref<64x128xf32, #tpu.memory_space<vmem>>, vector<16xf32>,
          %parallel_loop3A_716 = arith.index_cast %parallel_loop3A_628 : i32 to index
          %parallel_loop3A_717 = arith.constant 112 : index
          %parallel_loop3A_718 = tpu.vector_load %arg9[%parallel_loop3A_716, %parallel_loop3A_717] {strides = array<i32>} : memref<64x128xf32, #tpu.memory_space<vmem>>, vector<16xf32>,
          %parallel_loop3A_719 = arith.addf %parallel_loop3A_715, %parallel_loop3A_711 : vector<16xf32>
          %parallel_loop3A_720 = arith.constant 0.000000e+00 : f32
          %parallel_loop3A_721 = vector.broadcast %parallel_loop3A_720 : f32 to vector<16xf32>
          %parallel_loop3A_722 = arith.maximumf %parallel_loop3A_719, %parallel_loop3A_721 : vector<16xf32>
          %parallel_loop3A_723 = arith.index_cast %parallel_loop3A_628 : i32 to index
          %parallel_loop3A_724 = arith.constant 96 : index
          %parallel_loop3A_725 = tpu.vector_load %arg9[%parallel_loop3A_723, %parallel_loop3A_724] {strides = array<i32>} : memref<64x128xf32, #tpu.memory_space<vmem>>, vector<16xf32>,
          tpu.vector_store %arg9[%parallel_loop3A_723, %parallel_loop3A_724], %parallel_loop3A_722 {strides = array<i32>} : memref<64x128xf32, #tpu.memory_space<vmem>>, vector<16xf32>,
          %parallel_loop3A_726 = arith.addf %parallel_loop3A_718, %parallel_loop3A_712 : vector<16xf32>
          %parallel_loop3A_727 = arith.constant 0.000000e+00 : f32
          %parallel_loop3A_728 = vector.broadcast %parallel_loop3A_727 : f32 to vector<16xf32>
          %parallel_loop3A_729 = arith.maximumf %parallel_loop3A_726, %parallel_loop3A_728 : vector<16xf32>
          %parallel_loop3A_730 = arith.index_cast %parallel_loop3A_628 : i32 to index
          %parallel_loop3A_731 = arith.constant 112 : index
          %parallel_loop3A_732 = tpu.vector_load %arg9[%parallel_loop3A_730, %parallel_loop3A_731] {strides = array<i32>} : memref<64x128xf32, #tpu.memory_space<vmem>>, vector<16xf32>,
          tpu.vector_store %arg9[%parallel_loop3A_730, %parallel_loop3A_731], %parallel_loop3A_729 {strides = array<i32>} : memref<64x128xf32, #tpu.memory_space<vmem>>, vector<16xf32>,
          %parallel_loop3A_733 = arith.constant 8 : i32
          %parallel_loop3A_734 = arith.muli %parallel_loop3A_192, %parallel_loop3A_733 : i32
          %parallel_loop3A_735 = arith.constant 5 : i32
          %parallel_loop3A_736 = arith.addi %parallel_loop3A_734, %parallel_loop3A_735 : i32
          %parallel_loop3A_737 = arith.index_cast %parallel_loop3A_192 : i32 to index
          %parallel_loop3A_738 = arith.constant 320 : index
          %parallel_loop3A_739 = tpu.vector_load %arg12[%parallel_loop3A_737, %parallel_loop3A_738] {strides = array<i32>} : memref<8x512xi32, #tpu.memory_space<vmem>>, vector<16xi32>,
          %parallel_loop3A_740 = vector.bitcast %parallel_loop3A_739 : vector<16xi32> to vector<32xbf16>
          %parallel_loop3A_741 = tpu.unpack_subelements %parallel_loop3A_740, 0 {pack_format = #tpu.pack_format<interleaved>} : vector<32xbf16> -> vector<16xf32>
          %parallel_loop3A_742 = tpu.unpack_subelements %parallel_loop3A_740, 1 {pack_format = #tpu.pack_format<interleaved>} : vector<32xbf16> -> vector<16xf32>
          %parallel_loop3A_743 = arith.index_cast %parallel_loop3A_736 : i32 to index
          %parallel_loop3A_744 = arith.constant 0 : index
          %parallel_loop3A_745 = tpu.vector_load %arg9[%parallel_loop3A_743, %parallel_loop3A_744] {strides = array<i32>} : memref<64x128xf32, #tpu.memory_space<vmem>>, vector<16xf32>,
          %parallel_loop3A_746 = arith.index_cast %parallel_loop3A_736 : i32 to index
          %parallel_loop3A_747 = arith.constant 16 : index
          %parallel_loop3A_748 = tpu.vector_load %arg9[%parallel_loop3A_746, %parallel_loop3A_747] {strides = array<i32>} : memref<64x128xf32, #tpu.memory_space<vmem>>, vector<16xf32>,
          %parallel_loop3A_749 = arith.addf %parallel_loop3A_745, %parallel_loop3A_741 : vector<16xf32>
          %parallel_loop3A_750 = arith.constant 0.000000e+00 : f32
          %parallel_loop3A_751 = vector.broadcast %parallel_loop3A_750 : f32 to vector<16xf32>
          %parallel_loop3A_752 = arith.maximumf %parallel_loop3A_749, %parallel_loop3A_751 : vector<16xf32>
          %parallel_loop3A_753 = arith.index_cast %parallel_loop3A_736 : i32 to index
          %parallel_loop3A_754 = arith.constant 0 : index
          %parallel_loop3A_755 = tpu.vector_load %arg9[%parallel_loop3A_753, %parallel_loop3A_754] {strides = array<i32>} : memref<64x128xf32, #tpu.memory_space<vmem>>, vector<16xf32>,
          tpu.vector_store %arg9[%parallel_loop3A_753, %parallel_loop3A_754], %parallel_loop3A_752 {strides = array<i32>} : memref<64x128xf32, #tpu.memory_space<vmem>>, vector<16xf32>,
          %parallel_loop3A_756 = arith.addf %parallel_loop3A_748, %parallel_loop3A_742 : vector<16xf32>
          %parallel_loop3A_757 = arith.constant 0.000000e+00 : f32
          %parallel_loop3A_758 = vector.broadcast %parallel_loop3A_757 : f32 to vector<16xf32>
          %parallel_loop3A_759 = arith.maximumf %parallel_loop3A_756, %parallel_loop3A_758 : vector<16xf32>
          %parallel_loop3A_760 = arith.index_cast %parallel_loop3A_736 : i32 to index
          %parallel_loop3A_761 = arith.constant 16 : index
          %parallel_loop3A_762 = tpu.vector_load %arg9[%parallel_loop3A_760, %parallel_loop3A_761] {strides = array<i32>} : memref<64x128xf32, #tpu.memory_space<vmem>>, vector<16xf32>,
          tpu.vector_store %arg9[%parallel_loop3A_760, %parallel_loop3A_761], %parallel_loop3A_759 {strides = array<i32>} : memref<64x128xf32, #tpu.memory_space<vmem>>, vector<16xf32>,
          %parallel_loop3A_763 = arith.index_cast %parallel_loop3A_192 : i32 to index
          %parallel_loop3A_764 = arith.constant 336 : index
          %parallel_loop3A_765 = tpu.vector_load %arg12[%parallel_loop3A_763, %parallel_loop3A_764] {strides = array<i32>} : memref<8x512xi32, #tpu.memory_space<vmem>>, vector<16xi32>,
          %parallel_loop3A_766 = vector.bitcast %parallel_loop3A_765 : vector<16xi32> to vector<32xbf16>
          %parallel_loop3A_767 = tpu.unpack_subelements %parallel_loop3A_766, 0 {pack_format = #tpu.pack_format<interleaved>} : vector<32xbf16> -> vector<16xf32>
          %parallel_loop3A_768 = tpu.unpack_subelements %parallel_loop3A_766, 1 {pack_format = #tpu.pack_format<interleaved>} : vector<32xbf16> -> vector<16xf32>
          %parallel_loop3A_769 = arith.index_cast %parallel_loop3A_736 : i32 to index
          %parallel_loop3A_770 = arith.constant 32 : index
          %parallel_loop3A_771 = tpu.vector_load %arg9[%parallel_loop3A_769, %parallel_loop3A_770] {strides = array<i32>} : memref<64x128xf32, #tpu.memory_space<vmem>>, vector<16xf32>,
          %parallel_loop3A_772 = arith.index_cast %parallel_loop3A_736 : i32 to index
          %parallel_loop3A_773 = arith.constant 48 : index
          %parallel_loop3A_774 = tpu.vector_load %arg9[%parallel_loop3A_772, %parallel_loop3A_773] {strides = array<i32>} : memref<64x128xf32, #tpu.memory_space<vmem>>, vector<16xf32>,
          %parallel_loop3A_775 = arith.addf %parallel_loop3A_771, %parallel_loop3A_767 : vector<16xf32>
          %parallel_loop3A_776 = arith.constant 0.000000e+00 : f32
          %parallel_loop3A_777 = vector.broadcast %parallel_loop3A_776 : f32 to vector<16xf32>
          %parallel_loop3A_778 = arith.maximumf %parallel_loop3A_775, %parallel_loop3A_777 : vector<16xf32>
          %parallel_loop3A_779 = arith.index_cast %parallel_loop3A_736 : i32 to index
          %parallel_loop3A_780 = arith.constant 32 : index
          %parallel_loop3A_781 = tpu.vector_load %arg9[%parallel_loop3A_779, %parallel_loop3A_780] {strides = array<i32>} : memref<64x128xf32, #tpu.memory_space<vmem>>, vector<16xf32>,
          tpu.vector_store %arg9[%parallel_loop3A_779, %parallel_loop3A_780], %parallel_loop3A_778 {strides = array<i32>} : memref<64x128xf32, #tpu.memory_space<vmem>>, vector<16xf32>,
          %parallel_loop3A_782 = arith.addf %parallel_loop3A_774, %parallel_loop3A_768 : vector<16xf32>
          %parallel_loop3A_783 = arith.constant 0.000000e+00 : f32
          %parallel_loop3A_784 = vector.broadcast %parallel_loop3A_783 : f32 to vector<16xf32>
          %parallel_loop3A_785 = arith.maximumf %parallel_loop3A_782, %parallel_loop3A_784 : vector<16xf32>
          %parallel_loop3A_786 = arith.index_cast %parallel_loop3A_736 : i32 to index
          %parallel_loop3A_787 = arith.constant 48 : index
          %parallel_loop3A_788 = tpu.vector_load %arg9[%parallel_loop3A_786, %parallel_loop3A_787] {strides = array<i32>} : memref<64x128xf32, #tpu.memory_space<vmem>>, vector<16xf32>,
          tpu.vector_store %arg9[%parallel_loop3A_786, %parallel_loop3A_787], %parallel_loop3A_785 {strides = array<i32>} : memref<64x128xf32, #tpu.memory_space<vmem>>, vector<16xf32>,
          %parallel_loop3A_789 = arith.index_cast %parallel_loop3A_192 : i32 to index
          %parallel_loop3A_790 = arith.constant 352 : index
          %parallel_loop3A_791 = tpu.vector_load %arg12[%parallel_loop3A_789, %parallel_loop3A_790] {strides = array<i32>} : memref<8x512xi32, #tpu.memory_space<vmem>>, vector<16xi32>,
          %parallel_loop3A_792 = vector.bitcast %parallel_loop3A_791 : vector<16xi32> to vector<32xbf16>
          %parallel_loop3A_793 = tpu.unpack_subelements %parallel_loop3A_792, 0 {pack_format = #tpu.pack_format<interleaved>} : vector<32xbf16> -> vector<16xf32>
          %parallel_loop3A_794 = tpu.unpack_subelements %parallel_loop3A_792, 1 {pack_format = #tpu.pack_format<interleaved>} : vector<32xbf16> -> vector<16xf32>
          %parallel_loop3A_795 = arith.index_cast %parallel_loop3A_736 : i32 to index
          %parallel_loop3A_796 = arith.constant 64 : index
          %parallel_loop3A_797 = tpu.vector_load %arg9[%parallel_loop3A_795, %parallel_loop3A_796] {strides = array<i32>} : memref<64x128xf32, #tpu.memory_space<vmem>>, vector<16xf32>,
          %parallel_loop3A_798 = arith.index_cast %parallel_loop3A_736 : i32 to index
          %parallel_loop3A_799 = arith.constant 80 : index
          %parallel_loop3A_800 = tpu.vector_load %arg9[%parallel_loop3A_798, %parallel_loop3A_799] {strides = array<i32>} : memref<64x128xf32, #tpu.memory_space<vmem>>, vector<16xf32>,
          %parallel_loop3A_801 = arith.addf %parallel_loop3A_797, %parallel_loop3A_793 : vector<16xf32>
          %parallel_loop3A_802 = arith.constant 0.000000e+00 : f32
          %parallel_loop3A_803 = vector.broadcast %parallel_loop3A_802 : f32 to vector<16xf32>
          %parallel_loop3A_804 = arith.maximumf %parallel_loop3A_801, %parallel_loop3A_803 : vector<16xf32>
          %parallel_loop3A_805 = arith.index_cast %parallel_loop3A_736 : i32 to index
          %parallel_loop3A_806 = arith.constant 64 : index
          %parallel_loop3A_807 = tpu.vector_load %arg9[%parallel_loop3A_805, %parallel_loop3A_806] {strides = array<i32>} : memref<64x128xf32, #tpu.memory_space<vmem>>, vector<16xf32>,
          tpu.vector_store %arg9[%parallel_loop3A_805, %parallel_loop3A_806], %parallel_loop3A_804 {strides = array<i32>} : memref<64x128xf32, #tpu.memory_space<vmem>>, vector<16xf32>,
          %parallel_loop3A_808 = arith.addf %parallel_loop3A_800, %parallel_loop3A_794 : vector<16xf32>
          %parallel_loop3A_809 = arith.constant 0.000000e+00 : f32
          %parallel_loop3A_810 = vector.broadcast %parallel_loop3A_809 : f32 to vector<16xf32>
          %parallel_loop3A_811 = arith.maximumf %parallel_loop3A_808, %parallel_loop3A_810 : vector<16xf32>
          %parallel_loop3A_812 = arith.index_cast %parallel_loop3A_736 : i32 to index
          %parallel_loop3A_813 = arith.constant 80 : index
          %parallel_loop3A_814 = tpu.vector_load %arg9[%parallel_loop3A_812, %parallel_loop3A_813] {strides = array<i32>} : memref<64x128xf32, #tpu.memory_space<vmem>>, vector<16xf32>,
          tpu.vector_store %arg9[%parallel_loop3A_812, %parallel_loop3A_813], %parallel_loop3A_811 {strides = array<i32>} : memref<64x128xf32, #tpu.memory_space<vmem>>, vector<16xf32>,
          %parallel_loop3A_815 = arith.index_cast %parallel_loop3A_192 : i32 to index
          %parallel_loop3A_816 = arith.constant 368 : index
          %parallel_loop3A_817 = tpu.vector_load %arg12[%parallel_loop3A_815, %parallel_loop3A_816] {strides = array<i32>} : memref<8x512xi32, #tpu.memory_space<vmem>>, vector<16xi32>,
          %parallel_loop3A_818 = vector.bitcast %parallel_loop3A_817 : vector<16xi32> to vector<32xbf16>
          %parallel_loop3A_819 = tpu.unpack_subelements %parallel_loop3A_818, 0 {pack_format = #tpu.pack_format<interleaved>} : vector<32xbf16> -> vector<16xf32>
          %parallel_loop3A_820 = tpu.unpack_subelements %parallel_loop3A_818, 1 {pack_format = #tpu.pack_format<interleaved>} : vector<32xbf16> -> vector<16xf32>
          %parallel_loop3A_821 = arith.index_cast %parallel_loop3A_736 : i32 to index
          %parallel_loop3A_822 = arith.constant 96 : index
          %parallel_loop3A_823 = tpu.vector_load %arg9[%parallel_loop3A_821, %parallel_loop3A_822] {strides = array<i32>} : memref<64x128xf32, #tpu.memory_space<vmem>>, vector<16xf32>,
          %parallel_loop3A_824 = arith.index_cast %parallel_loop3A_736 : i32 to index
          %parallel_loop3A_825 = arith.constant 112 : index
          %parallel_loop3A_826 = tpu.vector_load %arg9[%parallel_loop3A_824, %parallel_loop3A_825] {strides = array<i32>} : memref<64x128xf32, #tpu.memory_space<vmem>>, vector<16xf32>,
          %parallel_loop3A_827 = arith.addf %parallel_loop3A_823, %parallel_loop3A_819 : vector<16xf32>
          %parallel_loop3A_828 = arith.constant 0.000000e+00 : f32
          %parallel_loop3A_829 = vector.broadcast %parallel_loop3A_828 : f32 to vector<16xf32>
          %parallel_loop3A_830 = arith.maximumf %parallel_loop3A_827, %parallel_loop3A_829 : vector<16xf32>
          %parallel_loop3A_831 = arith.index_cast %parallel_loop3A_736 : i32 to index
          %parallel_loop3A_832 = arith.constant 96 : index
          %parallel_loop3A_833 = tpu.vector_load %arg9[%parallel_loop3A_831, %parallel_loop3A_832] {strides = array<i32>} : memref<64x128xf32, #tpu.memory_space<vmem>>, vector<16xf32>,
          tpu.vector_store %arg9[%parallel_loop3A_831, %parallel_loop3A_832], %parallel_loop3A_830 {strides = array<i32>} : memref<64x128xf32, #tpu.memory_space<vmem>>, vector<16xf32>,
          %parallel_loop3A_834 = arith.addf %parallel_loop3A_826, %parallel_loop3A_820 : vector<16xf32>
          %parallel_loop3A_835 = arith.constant 0.000000e+00 : f32
          %parallel_loop3A_836 = vector.broadcast %parallel_loop3A_835 : f32 to vector<16xf32>
          %parallel_loop3A_837 = arith.maximumf %parallel_loop3A_834, %parallel_loop3A_836 : vector<16xf32>
          %parallel_loop3A_838 = arith.index_cast %parallel_loop3A_736 : i32 to index
          %parallel_loop3A_839 = arith.constant 112 : index
          %parallel_loop3A_840 = tpu.vector_load %arg9[%parallel_loop3A_838, %parallel_loop3A_839] {strides = array<i32>} : memref<64x128xf32, #tpu.memory_space<vmem>>, vector<16xf32>,
          tpu.vector_store %arg9[%parallel_loop3A_838, %parallel_loop3A_839], %parallel_loop3A_837 {strides = array<i32>} : memref<64x128xf32, #tpu.memory_space<vmem>>, vector<16xf32>,
          %parallel_loop3A_841 = arith.constant 8 : i32
          %parallel_loop3A_842 = arith.muli %parallel_loop3A_192, %parallel_loop3A_841 : i32
          %parallel_loop3A_843 = arith.constant 6 : i32
          %parallel_loop3A_844 = arith.addi %parallel_loop3A_842, %parallel_loop3A_843 : i32
          %parallel_loop3A_845 = arith.index_cast %parallel_loop3A_192 : i32 to index
          %parallel_loop3A_846 = arith.constant 384 : index
          %parallel_loop3A_847 = tpu.vector_load %arg12[%parallel_loop3A_845, %parallel_loop3A_846] {strides = array<i32>} : memref<8x512xi32, #tpu.memory_space<vmem>>, vector<16xi32>,
          %parallel_loop3A_848 = vector.bitcast %parallel_loop3A_847 : vector<16xi32> to vector<32xbf16>
          %parallel_loop3A_849 = tpu.unpack_subelements %parallel_loop3A_848, 0 {pack_format = #tpu.pack_format<interleaved>} : vector<32xbf16> -> vector<16xf32>
          %parallel_loop3A_850 = tpu.unpack_subelements %parallel_loop3A_848, 1 {pack_format = #tpu.pack_format<interleaved>} : vector<32xbf16> -> vector<16xf32>
          %parallel_loop3A_851 = arith.index_cast %parallel_loop3A_844 : i32 to index
          %parallel_loop3A_852 = arith.constant 0 : index
          %parallel_loop3A_853 = tpu.vector_load %arg9[%parallel_loop3A_851, %parallel_loop3A_852] {strides = array<i32>} : memref<64x128xf32, #tpu.memory_space<vmem>>, vector<16xf32>,
          %parallel_loop3A_854 = arith.index_cast %parallel_loop3A_844 : i32 to index
          %parallel_loop3A_855 = arith.constant 16 : index
          %parallel_loop3A_856 = tpu.vector_load %arg9[%parallel_loop3A_854, %parallel_loop3A_855] {strides = array<i32>} : memref<64x128xf32, #tpu.memory_space<vmem>>, vector<16xf32>,
          %parallel_loop3A_857 = arith.addf %parallel_loop3A_853, %parallel_loop3A_849 : vector<16xf32>
          %parallel_loop3A_858 = arith.constant 0.000000e+00 : f32
          %parallel_loop3A_859 = vector.broadcast %parallel_loop3A_858 : f32 to vector<16xf32>
          %parallel_loop3A_860 = arith.maximumf %parallel_loop3A_857, %parallel_loop3A_859 : vector<16xf32>
          %parallel_loop3A_861 = arith.index_cast %parallel_loop3A_844 : i32 to index
          %parallel_loop3A_862 = arith.constant 0 : index
          %parallel_loop3A_863 = tpu.vector_load %arg9[%parallel_loop3A_861, %parallel_loop3A_862] {strides = array<i32>} : memref<64x128xf32, #tpu.memory_space<vmem>>, vector<16xf32>,
          tpu.vector_store %arg9[%parallel_loop3A_861, %parallel_loop3A_862], %parallel_loop3A_860 {strides = array<i32>} : memref<64x128xf32, #tpu.memory_space<vmem>>, vector<16xf32>,
          %parallel_loop3A_864 = arith.addf %parallel_loop3A_856, %parallel_loop3A_850 : vector<16xf32>
          %parallel_loop3A_865 = arith.constant 0.000000e+00 : f32
          %parallel_loop3A_866 = vector.broadcast %parallel_loop3A_865 : f32 to vector<16xf32>
          %parallel_loop3A_867 = arith.maximumf %parallel_loop3A_864, %parallel_loop3A_866 : vector<16xf32>
          %parallel_loop3A_868 = arith.index_cast %parallel_loop3A_844 : i32 to index
          %parallel_loop3A_869 = arith.constant 16 : index
          %parallel_loop3A_870 = tpu.vector_load %arg9[%parallel_loop3A_868, %parallel_loop3A_869] {strides = array<i32>} : memref<64x128xf32, #tpu.memory_space<vmem>>, vector<16xf32>,
          tpu.vector_store %arg9[%parallel_loop3A_868, %parallel_loop3A_869], %parallel_loop3A_867 {strides = array<i32>} : memref<64x128xf32, #tpu.memory_space<vmem>>, vector<16xf32>,
          %parallel_loop3A_871 = arith.index_cast %parallel_loop3A_192 : i32 to index
          %parallel_loop3A_872 = arith.constant 400 : index
          %parallel_loop3A_873 = tpu.vector_load %arg12[%parallel_loop3A_871, %parallel_loop3A_872] {strides = array<i32>} : memref<8x512xi32, #tpu.memory_space<vmem>>, vector<16xi32>,
          %parallel_loop3A_874 = vector.bitcast %parallel_loop3A_873 : vector<16xi32> to vector<32xbf16>
          %parallel_loop3A_875 = tpu.unpack_subelements %parallel_loop3A_874, 0 {pack_format = #tpu.pack_format<interleaved>} : vector<32xbf16> -> vector<16xf32>
          %parallel_loop3A_876 = tpu.unpack_subelements %parallel_loop3A_874, 1 {pack_format = #tpu.pack_format<interleaved>} : vector<32xbf16> -> vector<16xf32>
          %parallel_loop3A_877 = arith.index_cast %parallel_loop3A_844 : i32 to index
          %parallel_loop3A_878 = arith.constant 32 : index
          %parallel_loop3A_879 = tpu.vector_load %arg9[%parallel_loop3A_877, %parallel_loop3A_878] {strides = array<i32>} : memref<64x128xf32, #tpu.memory_space<vmem>>, vector<16xf32>,
          %parallel_loop3A_880 = arith.index_cast %parallel_loop3A_844 : i32 to index
          %parallel_loop3A_881 = arith.constant 48 : index
          %parallel_loop3A_882 = tpu.vector_load %arg9[%parallel_loop3A_880, %parallel_loop3A_881] {strides = array<i32>} : memref<64x128xf32, #tpu.memory_space<vmem>>, vector<16xf32>,
          %parallel_loop3A_883 = arith.addf %parallel_loop3A_879, %parallel_loop3A_875 : vector<16xf32>
          %parallel_loop3A_884 = arith.constant 0.000000e+00 : f32
          %parallel_loop3A_885 = vector.broadcast %parallel_loop3A_884 : f32 to vector<16xf32>
          %parallel_loop3A_886 = arith.maximumf %parallel_loop3A_883, %parallel_loop3A_885 : vector<16xf32>
          %parallel_loop3A_887 = arith.index_cast %parallel_loop3A_844 : i32 to index
          %parallel_loop3A_888 = arith.constant 32 : index
          %parallel_loop3A_889 = tpu.vector_load %arg9[%parallel_loop3A_887, %parallel_loop3A_888] {strides = array<i32>} : memref<64x128xf32, #tpu.memory_space<vmem>>, vector<16xf32>,
          tpu.vector_store %arg9[%parallel_loop3A_887, %parallel_loop3A_888], %parallel_loop3A_886 {strides = array<i32>} : memref<64x128xf32, #tpu.memory_space<vmem>>, vector<16xf32>,
          %parallel_loop3A_890 = arith.addf %parallel_loop3A_882, %parallel_loop3A_876 : vector<16xf32>
          %parallel_loop3A_891 = arith.constant 0.000000e+00 : f32
          %parallel_loop3A_892 = vector.broadcast %parallel_loop3A_891 : f32 to vector<16xf32>
          %parallel_loop3A_893 = arith.maximumf %parallel_loop3A_890, %parallel_loop3A_892 : vector<16xf32>
          %parallel_loop3A_894 = arith.index_cast %parallel_loop3A_844 : i32 to index
          %parallel_loop3A_895 = arith.constant 48 : index
          %parallel_loop3A_896 = tpu.vector_load %arg9[%parallel_loop3A_894, %parallel_loop3A_895] {strides = array<i32>} : memref<64x128xf32, #tpu.memory_space<vmem>>, vector<16xf32>,
          tpu.vector_store %arg9[%parallel_loop3A_894, %parallel_loop3A_895], %parallel_loop3A_893 {strides = array<i32>} : memref<64x128xf32, #tpu.memory_space<vmem>>, vector<16xf32>,
          %parallel_loop3A_897 = arith.index_cast %parallel_loop3A_192 : i32 to index
          %parallel_loop3A_898 = arith.constant 416 : index
          %parallel_loop3A_899 = tpu.vector_load %arg12[%parallel_loop3A_897, %parallel_loop3A_898] {strides = array<i32>} : memref<8x512xi32, #tpu.memory_space<vmem>>, vector<16xi32>,
          %parallel_loop3A_900 = vector.bitcast %parallel_loop3A_899 : vector<16xi32> to vector<32xbf16>
          %parallel_loop3A_901 = tpu.unpack_subelements %parallel_loop3A_900, 0 {pack_format = #tpu.pack_format<interleaved>} : vector<32xbf16> -> vector<16xf32>
          %parallel_loop3A_902 = tpu.unpack_subelements %parallel_loop3A_900, 1 {pack_format = #tpu.pack_format<interleaved>} : vector<32xbf16> -> vector<16xf32>
          %parallel_loop3A_903 = arith.index_cast %parallel_loop3A_844 : i32 to index
          %parallel_loop3A_904 = arith.constant 64 : index
          %parallel_loop3A_905 = tpu.vector_load %arg9[%parallel_loop3A_903, %parallel_loop3A_904] {strides = array<i32>} : memref<64x128xf32, #tpu.memory_space<vmem>>, vector<16xf32>,
          %parallel_loop3A_906 = arith.index_cast %parallel_loop3A_844 : i32 to index
          %parallel_loop3A_907 = arith.constant 80 : index
          %parallel_loop3A_908 = tpu.vector_load %arg9[%parallel_loop3A_906, %parallel_loop3A_907] {strides = array<i32>} : memref<64x128xf32, #tpu.memory_space<vmem>>, vector<16xf32>,
          %parallel_loop3A_909 = arith.addf %parallel_loop3A_905, %parallel_loop3A_901 : vector<16xf32>
          %parallel_loop3A_910 = arith.constant 0.000000e+00 : f32
          %parallel_loop3A_911 = vector.broadcast %parallel_loop3A_910 : f32 to vector<16xf32>
          %parallel_loop3A_912 = arith.maximumf %parallel_loop3A_909, %parallel_loop3A_911 : vector<16xf32>
          %parallel_loop3A_913 = arith.index_cast %parallel_loop3A_844 : i32 to index
          %parallel_loop3A_914 = arith.constant 64 : index
          %parallel_loop3A_915 = tpu.vector_load %arg9[%parallel_loop3A_913, %parallel_loop3A_914] {strides = array<i32>} : memref<64x128xf32, #tpu.memory_space<vmem>>, vector<16xf32>,
          tpu.vector_store %arg9[%parallel_loop3A_913, %parallel_loop3A_914], %parallel_loop3A_912 {strides = array<i32>} : memref<64x128xf32, #tpu.memory_space<vmem>>, vector<16xf32>,
          %parallel_loop3A_916 = arith.addf %parallel_loop3A_908, %parallel_loop3A_902 : vector<16xf32>
          %parallel_loop3A_917 = arith.constant 0.000000e+00 : f32
          %parallel_loop3A_918 = vector.broadcast %parallel_loop3A_917 : f32 to vector<16xf32>
          %parallel_loop3A_919 = arith.maximumf %parallel_loop3A_916, %parallel_loop3A_918 : vector<16xf32>
          %parallel_loop3A_920 = arith.index_cast %parallel_loop3A_844 : i32 to index
          %parallel_loop3A_921 = arith.constant 80 : index
          %parallel_loop3A_922 = tpu.vector_load %arg9[%parallel_loop3A_920, %parallel_loop3A_921] {strides = array<i32>} : memref<64x128xf32, #tpu.memory_space<vmem>>, vector<16xf32>,
          tpu.vector_store %arg9[%parallel_loop3A_920, %parallel_loop3A_921], %parallel_loop3A_919 {strides = array<i32>} : memref<64x128xf32, #tpu.memory_space<vmem>>, vector<16xf32>,
          %parallel_loop3A_923 = arith.index_cast %parallel_loop3A_192 : i32 to index
          %parallel_loop3A_924 = arith.constant 432 : index
          %parallel_loop3A_925 = tpu.vector_load %arg12[%parallel_loop3A_923, %parallel_loop3A_924] {strides = array<i32>} : memref<8x512xi32, #tpu.memory_space<vmem>>, vector<16xi32>,
          %parallel_loop3A_926 = vector.bitcast %parallel_loop3A_925 : vector<16xi32> to vector<32xbf16>
          %parallel_loop3A_927 = tpu.unpack_subelements %parallel_loop3A_926, 0 {pack_format = #tpu.pack_format<interleaved>} : vector<32xbf16> -> vector<16xf32>
          %parallel_loop3A_928 = tpu.unpack_subelements %parallel_loop3A_926, 1 {pack_format = #tpu.pack_format<interleaved>} : vector<32xbf16> -> vector<16xf32>
          %parallel_loop3A_929 = arith.index_cast %parallel_loop3A_844 : i32 to index
          %parallel_loop3A_930 = arith.constant 96 : index
          %parallel_loop3A_931 = tpu.vector_load %arg9[%parallel_loop3A_929, %parallel_loop3A_930] {strides = array<i32>} : memref<64x128xf32, #tpu.memory_space<vmem>>, vector<16xf32>,
          %parallel_loop3A_932 = arith.index_cast %parallel_loop3A_844 : i32 to index
          %parallel_loop3A_933 = arith.constant 112 : index
          %parallel_loop3A_934 = tpu.vector_load %arg9[%parallel_loop3A_932, %parallel_loop3A_933] {strides = array<i32>} : memref<64x128xf32, #tpu.memory_space<vmem>>, vector<16xf32>,
          %parallel_loop3A_935 = arith.addf %parallel_loop3A_931, %parallel_loop3A_927 : vector<16xf32>
          %parallel_loop3A_936 = arith.constant 0.000000e+00 : f32
          %parallel_loop3A_937 = vector.broadcast %parallel_loop3A_936 : f32 to vector<16xf32>
          %parallel_loop3A_938 = arith.maximumf %parallel_loop3A_935, %parallel_loop3A_937 : vector<16xf32>
          %parallel_loop3A_939 = arith.index_cast %parallel_loop3A_844 : i32 to index
          %parallel_loop3A_940 = arith.constant 96 : index
          %parallel_loop3A_941 = tpu.vector_load %arg9[%parallel_loop3A_939, %parallel_loop3A_940] {strides = array<i32>} : memref<64x128xf32, #tpu.memory_space<vmem>>, vector<16xf32>,
          tpu.vector_store %arg9[%parallel_loop3A_939, %parallel_loop3A_940], %parallel_loop3A_938 {strides = array<i32>} : memref<64x128xf32, #tpu.memory_space<vmem>>, vector<16xf32>,
          %parallel_loop3A_942 = arith.addf %parallel_loop3A_934, %parallel_loop3A_928 : vector<16xf32>
          %parallel_loop3A_943 = arith.constant 0.000000e+00 : f32
          %parallel_loop3A_944 = vector.broadcast %parallel_loop3A_943 : f32 to vector<16xf32>
          %parallel_loop3A_945 = arith.maximumf %parallel_loop3A_942, %parallel_loop3A_944 : vector<16xf32>
          %parallel_loop3A_946 = arith.index_cast %parallel_loop3A_844 : i32 to index
          %parallel_loop3A_947 = arith.constant 112 : index
          %parallel_loop3A_948 = tpu.vector_load %arg9[%parallel_loop3A_946, %parallel_loop3A_947] {strides = array<i32>} : memref<64x128xf32, #tpu.memory_space<vmem>>, vector<16xf32>,
          tpu.vector_store %arg9[%parallel_loop3A_946, %parallel_loop3A_947], %parallel_loop3A_945 {strides = array<i32>} : memref<64x128xf32, #tpu.memory_space<vmem>>, vector<16xf32>,
          %parallel_loop3A_949 = arith.constant 8 : i32
          %parallel_loop3A_950 = arith.muli %parallel_loop3A_192, %parallel_loop3A_949 : i32
          %parallel_loop3A_951 = arith.constant 7 : i32
          %parallel_loop3A_952 = arith.addi %parallel_loop3A_950, %parallel_loop3A_951 : i32
          %parallel_loop3A_953 = arith.index_cast %parallel_loop3A_192 : i32 to index
          %parallel_loop3A_954 = arith.constant 448 : index
          %parallel_loop3A_955 = tpu.vector_load %arg12[%parallel_loop3A_953, %parallel_loop3A_954] {strides = array<i32>} : memref<8x512xi32, #tpu.memory_space<vmem>>, vector<16xi32>,
          %parallel_loop3A_956 = vector.bitcast %parallel_loop3A_955 : vector<16xi32> to vector<32xbf16>
          %parallel_loop3A_957 = tpu.unpack_subelements %parallel_loop3A_956, 0 {pack_format = #tpu.pack_format<interleaved>} : vector<32xbf16> -> vector<16xf32>
          %parallel_loop3A_958 = tpu.unpack_subelements %parallel_loop3A_956, 1 {pack_format = #tpu.pack_format<interleaved>} : vector<32xbf16> -> vector<16xf32>
          %parallel_loop3A_959 = arith.index_cast %parallel_loop3A_952 : i32 to index
          %parallel_loop3A_960 = arith.constant 0 : index
          %parallel_loop3A_961 = tpu.vector_load %arg9[%parallel_loop3A_959, %parallel_loop3A_960] {strides = array<i32>} : memref<64x128xf32, #tpu.memory_space<vmem>>, vector<16xf32>,
          %parallel_loop3A_962 = arith.index_cast %parallel_loop3A_952 : i32 to index
          %parallel_loop3A_963 = arith.constant 16 : index
          %parallel_loop3A_964 = tpu.vector_load %arg9[%parallel_loop3A_962, %parallel_loop3A_963] {strides = array<i32>} : memref<64x128xf32, #tpu.memory_space<vmem>>, vector<16xf32>,
          %parallel_loop3A_965 = arith.addf %parallel_loop3A_961, %parallel_loop3A_957 : vector<16xf32>
          %parallel_loop3A_966 = arith.constant 0.000000e+00 : f32
          %parallel_loop3A_967 = vector.broadcast %parallel_loop3A_966 : f32 to vector<16xf32>
          %parallel_loop3A_968 = arith.maximumf %parallel_loop3A_965, %parallel_loop3A_967 : vector<16xf32>
          %parallel_loop3A_969 = arith.index_cast %parallel_loop3A_952 : i32 to index
          %parallel_loop3A_970 = arith.constant 0 : index
          %parallel_loop3A_971 = tpu.vector_load %arg9[%parallel_loop3A_969, %parallel_loop3A_970] {strides = array<i32>} : memref<64x128xf32, #tpu.memory_space<vmem>>, vector<16xf32>,
          tpu.vector_store %arg9[%parallel_loop3A_969, %parallel_loop3A_970], %parallel_loop3A_968 {strides = array<i32>} : memref<64x128xf32, #tpu.memory_space<vmem>>, vector<16xf32>,
          %parallel_loop3A_972 = arith.addf %parallel_loop3A_964, %parallel_loop3A_958 : vector<16xf32>
          %parallel_loop3A_973 = arith.constant 0.000000e+00 : f32
          %parallel_loop3A_974 = vector.broadcast %parallel_loop3A_973 : f32 to vector<16xf32>
          %parallel_loop3A_975 = arith.maximumf %parallel_loop3A_972, %parallel_loop3A_974 : vector<16xf32>
          %parallel_loop3A_976 = arith.index_cast %parallel_loop3A_952 : i32 to index
          %parallel_loop3A_977 = arith.constant 16 : index
          %parallel_loop3A_978 = tpu.vector_load %arg9[%parallel_loop3A_976, %parallel_loop3A_977] {strides = array<i32>} : memref<64x128xf32, #tpu.memory_space<vmem>>, vector<16xf32>,
          tpu.vector_store %arg9[%parallel_loop3A_976, %parallel_loop3A_977], %parallel_loop3A_975 {strides = array<i32>} : memref<64x128xf32, #tpu.memory_space<vmem>>, vector<16xf32>,
          %parallel_loop3A_979 = arith.index_cast %parallel_loop3A_192 : i32 to index
          %parallel_loop3A_980 = arith.constant 464 : index
          %parallel_loop3A_981 = tpu.vector_load %arg12[%parallel_loop3A_979, %parallel_loop3A_980] {strides = array<i32>} : memref<8x512xi32, #tpu.memory_space<vmem>>, vector<16xi32>,
          %parallel_loop3A_982 = vector.bitcast %parallel_loop3A_981 : vector<16xi32> to vector<32xbf16>
          %parallel_loop3A_983 = tpu.unpack_subelements %parallel_loop3A_982, 0 {pack_format = #tpu.pack_format<interleaved>} : vector<32xbf16> -> vector<16xf32>
          %parallel_loop3A_984 = tpu.unpack_subelements %parallel_loop3A_982, 1 {pack_format = #tpu.pack_format<interleaved>} : vector<32xbf16> -> vector<16xf32>
          %parallel_loop3A_985 = arith.index_cast %parallel_loop3A_952 : i32 to index
          %parallel_loop3A_986 = arith.constant 32 : index
          %parallel_loop3A_987 = tpu.vector_load %arg9[%parallel_loop3A_985, %parallel_loop3A_986] {strides = array<i32>} : memref<64x128xf32, #tpu.memory_space<vmem>>, vector<16xf32>,
          %parallel_loop3A_988 = arith.index_cast %parallel_loop3A_952 : i32 to index
          %parallel_loop3A_989 = arith.constant 48 : index
          %parallel_loop3A_990 = tpu.vector_load %arg9[%parallel_loop3A_988, %parallel_loop3A_989] {strides = array<i32>} : memref<64x128xf32, #tpu.memory_space<vmem>>, vector<16xf32>,
          %parallel_loop3A_991 = arith.addf %parallel_loop3A_987, %parallel_loop3A_983 : vector<16xf32>
          %parallel_loop3A_992 = arith.constant 0.000000e+00 : f32
          %parallel_loop3A_993 = vector.broadcast %parallel_loop3A_992 : f32 to vector<16xf32>
          %parallel_loop3A_994 = arith.maximumf %parallel_loop3A_991, %parallel_loop3A_993 : vector<16xf32>
          %parallel_loop3A_995 = arith.index_cast %parallel_loop3A_952 : i32 to index
          %parallel_loop3A_996 = arith.constant 32 : index
          %parallel_loop3A_997 = tpu.vector_load %arg9[%parallel_loop3A_995, %parallel_loop3A_996] {strides = array<i32>} : memref<64x128xf32, #tpu.memory_space<vmem>>, vector<16xf32>,
          tpu.vector_store %arg9[%parallel_loop3A_995, %parallel_loop3A_996], %parallel_loop3A_994 {strides = array<i32>} : memref<64x128xf32, #tpu.memory_space<vmem>>, vector<16xf32>,
          %parallel_loop3A_998 = arith.addf %parallel_loop3A_990, %parallel_loop3A_984 : vector<16xf32>
          %parallel_loop3A_999 = arith.constant 0.000000e+00 : f32
          %parallel_loop3A_1000 = vector.broadcast %parallel_loop3A_999 : f32 to vector<16xf32>
          %parallel_loop3A_1001 = arith.maximumf %parallel_loop3A_998, %parallel_loop3A_1000 : vector<16xf32>
          %parallel_loop3A_1002 = arith.index_cast %parallel_loop3A_952 : i32 to index
          %parallel_loop3A_1003 = arith.constant 48 : index
          %parallel_loop3A_1004 = tpu.vector_load %arg9[%parallel_loop3A_1002, %parallel_loop3A_1003] {strides = array<i32>} : memref<64x128xf32, #tpu.memory_space<vmem>>, vector<16xf32>,
          tpu.vector_store %arg9[%parallel_loop3A_1002, %parallel_loop3A_1003], %parallel_loop3A_1001 {strides = array<i32>} : memref<64x128xf32, #tpu.memory_space<vmem>>, vector<16xf32>,
          %parallel_loop3A_1005 = arith.index_cast %parallel_loop3A_192 : i32 to index
          %parallel_loop3A_1006 = arith.constant 480 : index
          %parallel_loop3A_1007 = tpu.vector_load %arg12[%parallel_loop3A_1005, %parallel_loop3A_1006] {strides = array<i32>} : memref<8x512xi32, #tpu.memory_space<vmem>>, vector<16xi32>,
          %parallel_loop3A_1008 = vector.bitcast %parallel_loop3A_1007 : vector<16xi32> to vector<32xbf16>
          %parallel_loop3A_1009 = tpu.unpack_subelements %parallel_loop3A_1008, 0 {pack_format = #tpu.pack_format<interleaved>} : vector<32xbf16> -> vector<16xf32>
          %parallel_loop3A_1010 = tpu.unpack_subelements %parallel_loop3A_1008, 1 {pack_format = #tpu.pack_format<interleaved>} : vector<32xbf16> -> vector<16xf32>
          %parallel_loop3A_1011 = arith.index_cast %parallel_loop3A_952 : i32 to index
          %parallel_loop3A_1012 = arith.constant 64 : index
          %parallel_loop3A_1013 = tpu.vector_load %arg9[%parallel_loop3A_1011, %parallel_loop3A_1012] {strides = array<i32>} : memref<64x128xf32, #tpu.memory_space<vmem>>, vector<16xf32>,
          %parallel_loop3A_1014 = arith.index_cast %parallel_loop3A_952 : i32 to index
          %parallel_loop3A_1015 = arith.constant 80 : index
          %parallel_loop3A_1016 = tpu.vector_load %arg9[%parallel_loop3A_1014, %parallel_loop3A_1015] {strides = array<i32>} : memref<64x128xf32, #tpu.memory_space<vmem>>, vector<16xf32>,
          %parallel_loop3A_1017 = arith.addf %parallel_loop3A_1013, %parallel_loop3A_1009 : vector<16xf32>
          %parallel_loop3A_1018 = arith.constant 0.000000e+00 : f32
          %parallel_loop3A_1019 = vector.broadcast %parallel_loop3A_1018 : f32 to vector<16xf32>
          %parallel_loop3A_1020 = arith.maximumf %parallel_loop3A_1017, %parallel_loop3A_1019 : vector<16xf32>
          %parallel_loop3A_1021 = arith.index_cast %parallel_loop3A_952 : i32 to index
          %parallel_loop3A_1022 = arith.constant 64 : index
          %parallel_loop3A_1023 = tpu.vector_load %arg9[%parallel_loop3A_1021, %parallel_loop3A_1022] {strides = array<i32>} : memref<64x128xf32, #tpu.memory_space<vmem>>, vector<16xf32>,
          tpu.vector_store %arg9[%parallel_loop3A_1021, %parallel_loop3A_1022], %parallel_loop3A_1020 {strides = array<i32>} : memref<64x128xf32, #tpu.memory_space<vmem>>, vector<16xf32>,
          %parallel_loop3A_1024 = arith.addf %parallel_loop3A_1016, %parallel_loop3A_1010 : vector<16xf32>
          %parallel_loop3A_1025 = arith.constant 0.000000e+00 : f32
          %parallel_loop3A_1026 = vector.broadcast %parallel_loop3A_1025 : f32 to vector<16xf32>
          %parallel_loop3A_1027 = arith.maximumf %parallel_loop3A_1024, %parallel_loop3A_1026 : vector<16xf32>
          %parallel_loop3A_1028 = arith.index_cast %parallel_loop3A_952 : i32 to index
          %parallel_loop3A_1029 = arith.constant 80 : index
          %parallel_loop3A_1030 = tpu.vector_load %arg9[%parallel_loop3A_1028, %parallel_loop3A_1029] {strides = array<i32>} : memref<64x128xf32, #tpu.memory_space<vmem>>, vector<16xf32>,
          tpu.vector_store %arg9[%parallel_loop3A_1028, %parallel_loop3A_1029], %parallel_loop3A_1027 {strides = array<i32>} : memref<64x128xf32, #tpu.memory_space<vmem>>, vector<16xf32>,
          %parallel_loop3A_1031 = arith.index_cast %parallel_loop3A_192 : i32 to index
          %parallel_loop3A_1032 = arith.constant 496 : index
          %parallel_loop3A_1033 = tpu.vector_load %arg12[%parallel_loop3A_1031, %parallel_loop3A_1032] {strides = array<i32>} : memref<8x512xi32, #tpu.memory_space<vmem>>, vector<16xi32>,
          %parallel_loop3A_1034 = vector.bitcast %parallel_loop3A_1033 : vector<16xi32> to vector<32xbf16>
          %parallel_loop3A_1035 = tpu.unpack_subelements %parallel_loop3A_1034, 0 {pack_format = #tpu.pack_format<interleaved>} : vector<32xbf16> -> vector<16xf32>
          %parallel_loop3A_1036 = tpu.unpack_subelements %parallel_loop3A_1034, 1 {pack_format = #tpu.pack_format<interleaved>} : vector<32xbf16> -> vector<16xf32>
          %parallel_loop3A_1037 = arith.index_cast %parallel_loop3A_952 : i32 to index
          %parallel_loop3A_1038 = arith.constant 96 : index
          %parallel_loop3A_1039 = tpu.vector_load %arg9[%parallel_loop3A_1037, %parallel_loop3A_1038] {strides = array<i32>} : memref<64x128xf32, #tpu.memory_space<vmem>>, vector<16xf32>,
          %parallel_loop3A_1040 = arith.index_cast %parallel_loop3A_952 : i32 to index
          %parallel_loop3A_1041 = arith.constant 112 : index
          %parallel_loop3A_1042 = tpu.vector_load %arg9[%parallel_loop3A_1040, %parallel_loop3A_1041] {strides = array<i32>} : memref<64x128xf32, #tpu.memory_space<vmem>>, vector<16xf32>,
          %parallel_loop3A_1043 = arith.addf %parallel_loop3A_1039, %parallel_loop3A_1035 : vector<16xf32>
          %parallel_loop3A_1044 = arith.constant 0.000000e+00 : f32
          %parallel_loop3A_1045 = vector.broadcast %parallel_loop3A_1044 : f32 to vector<16xf32>
          %parallel_loop3A_1046 = arith.maximumf %parallel_loop3A_1043, %parallel_loop3A_1045 : vector<16xf32>
          %parallel_loop3A_1047 = arith.index_cast %parallel_loop3A_952 : i32 to index
          %parallel_loop3A_1048 = arith.constant 96 : index
          %parallel_loop3A_1049 = tpu.vector_load %arg9[%parallel_loop3A_1047, %parallel_loop3A_1048] {strides = array<i32>} : memref<64x128xf32, #tpu.memory_space<vmem>>, vector<16xf32>,
          tpu.vector_store %arg9[%parallel_loop3A_1047, %parallel_loop3A_1048], %parallel_loop3A_1046 {strides = array<i32>} : memref<64x128xf32, #tpu.memory_space<vmem>>, vector<16xf32>,
          %parallel_loop3A_1050 = arith.addf %parallel_loop3A_1042, %parallel_loop3A_1036 : vector<16xf32>
          %parallel_loop3A_1051 = arith.constant 0.000000e+00 : f32
          %parallel_loop3A_1052 = vector.broadcast %parallel_loop3A_1051 : f32 to vector<16xf32>
          %parallel_loop3A_1053 = arith.maximumf %parallel_loop3A_1050, %parallel_loop3A_1052 : vector<16xf32>
          %parallel_loop3A_1054 = arith.index_cast %parallel_loop3A_952 : i32 to index
          %parallel_loop3A_1055 = arith.constant 112 : index
          %parallel_loop3A_1056 = tpu.vector_load %arg9[%parallel_loop3A_1054, %parallel_loop3A_1055] {strides = array<i32>} : memref<64x128xf32, #tpu.memory_space<vmem>>, vector<16xf32>,
          tpu.vector_store %arg9[%parallel_loop3A_1054, %parallel_loop3A_1055], %parallel_loop3A_1053 {strides = array<i32>} : memref<64x128xf32, #tpu.memory_space<vmem>>, vector<16xf32>,
        } {sc.loop_unroll_factor = 2 : i64, sc.parallel_access}
        %get3A = arith.constant 0 : index
        %get3A_164 = tpu.vector_load %arg18[%get3A] {strides = array<i32>} : memref<64xi32, #tpu.memory_space<vmem>>, vector<16xi32>,
        %broadcast_in_dim3A_165 = arith.constant true
        %broadcast_in_dim3A_166 = vector.broadcast %broadcast_in_dim3A_165 : i1 to vector<16xi1>
        %unique3A, %unique3A_167 = tpu.scan_count mask(%broadcast_in_dim3A_166 : vector<16xi1>) value(%get3A_164 : vector<16xi32>) : vector<16xi1>, vector<16xi32>
        %convert_element_type3A_168 = arith.sitofp %unique3A_167 : vector<16xi32> to vector<16xf32>
        tpu.vector_store_idx %arg21[%get3A_164], %convert_element_type3A_168 masked %unique3A {add = true} : memref<10240xf32, #tpu.memory_space<vmem>>[vector<16xi32>], vector<16xf32>, vector<16xi1>
        %get3A_169 = arith.constant 16 : index
        %get3A_170 = tpu.vector_load %arg18[%get3A_169] {strides = array<i32>} : memref<64xi32, #tpu.memory_space<vmem>>, vector<16xi32>,
        %broadcast_in_dim3A_171 = arith.constant true
        %broadcast_in_dim3A_172 = vector.broadcast %broadcast_in_dim3A_171 : i1 to vector<16xi1>
        %unique3A_173, %unique3A_174 = tpu.scan_count mask(%broadcast_in_dim3A_172 : vector<16xi1>) value(%get3A_170 : vector<16xi32>) : vector<16xi1>, vector<16xi32>
        %convert_element_type3A_175 = arith.sitofp %unique3A_174 : vector<16xi32> to vector<16xf32>
        tpu.vector_store_idx %arg21[%get3A_170], %convert_element_type3A_175 masked %unique3A_173 {add = true} : memref<10240xf32, #tpu.memory_space<vmem>>[vector<16xi32>], vector<16xf32>, vector<16xi1>
        %get3A_176 = arith.constant 32 : index
        %get3A_177 = tpu.vector_load %arg18[%get3A_176] {strides = array<i32>} : memref<64xi32, #tpu.memory_space<vmem>>, vector<16xi32>,
        %broadcast_in_dim3A_178 = arith.constant true
        %broadcast_in_dim3A_179 = vector.broadcast %broadcast_in_dim3A_178 : i1 to vector<16xi1>
        %unique3A_180, %unique3A_181 = tpu.scan_count mask(%broadcast_in_dim3A_179 : vector<16xi1>) value(%get3A_177 : vector<16xi32>) : vector<16xi1>, vector<16xi32>
        %convert_element_type3A_182 = arith.sitofp %unique3A_181 : vector<16xi32> to vector<16xf32>
        tpu.vector_store_idx %arg21[%get3A_177], %convert_element_type3A_182 masked %unique3A_180 {add = true} : memref<10240xf32, #tpu.memory_space<vmem>>[vector<16xi32>], vector<16xf32>, vector<16xi1>
        %get3A_183 = arith.constant 48 : index
        %get3A_184 = tpu.vector_load %arg18[%get3A_183] {strides = array<i32>} : memref<64xi32, #tpu.memory_space<vmem>>, vector<16xi32>,
        %broadcast_in_dim3A_185 = arith.constant true
        %broadcast_in_dim3A_186 = vector.broadcast %broadcast_in_dim3A_185 : i1 to vector<16xi1>
        %unique3A_187, %unique3A_188 = tpu.scan_count mask(%broadcast_in_dim3A_186 : vector<16xi1>) value(%get3A_184 : vector<16xi32>) : vector<16xi1>, vector<16xi32>
        %convert_element_type3A_189 = arith.sitofp %unique3A_188 : vector<16xi32> to vector<16xf32>
        tpu.vector_store_idx %arg21[%get3A_184], %convert_element_type3A_189 masked %unique3A_187 {add = true} : memref<10240xf32, #tpu.memory_space<vmem>>[vector<16xi32>], vector<16xf32>, vector<16xi1>
        %dma_start3A = arith.constant 0 : i32
        %dma_start3A_190 = arith.constant 0 : i32
        %dma_start3A_191 = tpu.memref_slice %arg8[%dma_start3A, %dma_start3A_190] : memref<10240x128xf32, #tpu.memory_space<vmem_shared>> -> memref<10240x128xf32, #tpu.memory_space<vmem_shared>>
        tpu.enqueue_indirect_dma source(%arg9 : memref<64x128xf32, #tpu.memory_space<vmem>>) target(%dma_start3A_191 : memref<10240x128xf32, #tpu.memory_space<vmem_shared>>) offsets(%arg18 : memref<64xi32, #tpu.memory_space<vmem>>) semaphore(%arg28 : memref<!tpu.dma_semaphore, #tpu.memory_space<semaphore_mem>>) {add = true}
      } else {
      }
    }
    %scan3A_39 = arith.constant 54 : i32
    "tpu.region"() ({
      %run_scoped3A = tpu.sem_alloc : memref<!tpu.dma_semaphore, #tpu.memory_space<semaphore_mem>>
      %dma_start3A = arith.constant 0 : i32
      %dma_start3A_61 = tpu.memref_slice %arg7[%add3A, %dma_start3A] : memref<32x10240xf32, #tpu.memory_space<hbm>> -> memref<1x10240xf32, #tpu.memory_space<hbm>>
      %dma_start3A_62 = tpu.memref_squeeze %dma_start3A_61 : memref<1x10240xf32, #tpu.memory_space<hbm>> -> memref<10240xf32, #tpu.memory_space<hbm>>
      %dma_start3A_63 = arith.constant 0 : i32
      %dma_start3A_64 = tpu.memref_slice %arg7[%add3A, %dma_start3A_63] : memref<32x10240xf32, #tpu.memory_space<hbm>> -> memref<1x10240xf32, #tpu.memory_space<hbm>>
      %dma_start3A_65 = tpu.memref_squeeze %dma_start3A_64 : memref<1x10240xf32, #tpu.memory_space<hbm>> -> memref<10240xf32, #tpu.memory_space<hbm>>
      tpu.enqueue_dma source(%arg21 : memref<10240xf32, #tpu.memory_space<vmem>>) target(%dma_start3A_65 : memref<10240xf32, #tpu.memory_space<hbm>>) target_semaphore(%run_scoped3A : memref<!tpu.dma_semaphore, #tpu.memory_space<semaphore_mem>>)
      %dma_wait3A = arith.constant 0 : i32
      %dma_wait3A_66 = tpu.memref_slice %arg7[%add3A, %dma_wait3A] : memref<32x10240xf32, #tpu.memory_space<hbm>> -> memref<1x10240xf32, #tpu.memory_space<hbm>>
      %dma_wait3A_67 = tpu.memref_squeeze %dma_wait3A_66 : memref<1x10240xf32, #tpu.memory_space<hbm>> -> memref<10240xf32, #tpu.memory_space<hbm>>
      %dma_wait3A_68 = arith.constant 0 : i32
      %dma_wait3A_69 = tpu.memref_slice %arg7[%add3A, %dma_wait3A_68] : memref<32x10240xf32, #tpu.memory_space<hbm>> -> memref<1x10240xf32, #tpu.memory_space<hbm>>
      %dma_wait3A_70 = tpu.memref_squeeze %dma_wait3A_69 : memref<1x10240xf32, #tpu.memory_space<hbm>> -> memref<10240xf32, #tpu.memory_space<hbm>>
      tpu.wait_dma2 semaphore(%run_scoped3A : memref<!tpu.dma_semaphore, #tpu.memory_space<semaphore_mem>>) src(%arg21 : memref<10240xf32, #tpu.memory_space<vmem>>) dst(%dma_wait3A_70 : memref<10240xf32, #tpu.memory_space<hbm>>)
      tpu.yield
    }) : () -> ()
    %barrier3A_40 = arith.constant 0 : index
    tpu.barrier barrier_id(%barrier3A_40)
    %add3A_41 = arith.constant 0 : i32
    %add3A_42 = arith.addi %mul3A_9, %add3A_41 : i32
    "tpu.region"() ({
      %run_scoped3A = tpu.sem_alloc : memref<!tpu.dma_semaphore, #tpu.memory_space<semaphore_mem>>
      %dma_start3A = arith.constant 0 : i32
      %dma_start3A_61 = tpu.memref_slice %arg8[%add3A_42, %dma_start3A] : memref<10240x128xf32, #tpu.memory_space<vmem_shared>> -> memref<64x128xf32, #tpu.memory_space<vmem_shared>>
      %dma_start3A_62 = arith.constant 0 : i32
      %dma_start3A_63 = tpu.memref_slice %arg8[%add3A_42, %dma_start3A_62] : memref<10240x128xf32, #tpu.memory_space<vmem_shared>> -> memref<64x128xf32, #tpu.memory_space<vmem_shared>>
      tpu.enqueue_dma source(%dma_start3A_63 : memref<64x128xf32, #tpu.memory_space<vmem_shared>>) target(%arg9 : memref<64x128xf32, #tpu.memory_space<vmem>>) target_semaphore(%run_scoped3A : memref<!tpu.dma_semaphore, #tpu.memory_space<semaphore_mem>>)
      %dma_wait3A = arith.constant 0 : i32
      %dma_wait3A_64 = tpu.memref_slice %arg8[%add3A_42, %dma_wait3A] : memref<10240x128xf32, #tpu.memory_space<vmem_shared>> -> memref<64x128xf32, #tpu.memory_space<vmem_shared>>
      %dma_wait3A_65 = arith.constant 0 : i32
      %dma_wait3A_66 = tpu.memref_slice %arg8[%add3A_42, %dma_wait3A_65] : memref<10240x128xf32, #tpu.memory_space<vmem_shared>> -> memref<64x128xf32, #tpu.memory_space<vmem_shared>>
      tpu.wait_dma2 semaphore(%run_scoped3A : memref<!tpu.dma_semaphore, #tpu.memory_space<semaphore_mem>>) src(%dma_wait3A_66 : memref<64x128xf32, #tpu.memory_space<vmem_shared>>) dst(%arg9 : memref<64x128xf32, #tpu.memory_space<vmem>>)
      tpu.yield
    }) : () -> ()
    "tpu.region"() ({
      %run_scoped3A = tpu.sem_alloc : memref<!tpu.dma_semaphore, #tpu.memory_space<semaphore_mem>>
      %dma_start3A = arith.constant 0 : i32
      %dma_start3A_61 = tpu.memref_slice %arg6[%arg0, %add3A_42, %dma_start3A] : memref<2x10240x128xf32, #tpu.memory_space<hbm>> -> memref<1x64x128xf32, #tpu.memory_space<hbm>>
      %dma_start3A_62 = tpu.memref_squeeze %dma_start3A_61 : memref<1x64x128xf32, #tpu.memory_space<hbm>> -> memref<64x128xf32, #tpu.memory_space<hbm>>
      %dma_start3A_63 = arith.constant 0 : i32
      %dma_start3A_64 = tpu.memref_slice %arg6[%arg0, %add3A_42, %dma_start3A_63] : memref<2x10240x128xf32, #tpu.memory_space<hbm>> -> memref<1x64x128xf32, #tpu.memory_space<hbm>>
      %dma_start3A_65 = tpu.memref_squeeze %dma_start3A_64 : memref<1x64x128xf32, #tpu.memory_space<hbm>> -> memref<64x128xf32, #tpu.memory_space<hbm>>
      tpu.enqueue_dma source(%arg9 : memref<64x128xf32, #tpu.memory_space<vmem>>) target(%dma_start3A_65 : memref<64x128xf32, #tpu.memory_space<hbm>>) target_semaphore(%run_scoped3A : memref<!tpu.dma_semaphore, #tpu.memory_space<semaphore_mem>>)
      %dma_wait3A = arith.constant 0 : i32
      %dma_wait3A_66 = tpu.memref_slice %arg6[%arg0, %add3A_42, %dma_wait3A] : memref<2x10240x128xf32, #tpu.memory_space<hbm>> -> memref<1x64x128xf32, #tpu.memory_space<hbm>>
      %dma_wait3A_67 = tpu.memref_squeeze %dma_wait3A_66 : memref<1x64x128xf32, #tpu.memory_space<hbm>> -> memref<64x128xf32, #tpu.memory_space<hbm>>
      %dma_wait3A_68 = arith.constant 0 : i32
      %dma_wait3A_69 = tpu.memref_slice %arg6[%arg0, %add3A_42, %dma_wait3A_68] : memref<2x10240x128xf32, #tpu.memory_space<hbm>> -> memref<1x64x128xf32, #tpu.memory_space<hbm>>
      %dma_wait3A_70 = tpu.memref_squeeze %dma_wait3A_69 : memref<1x64x128xf32, #tpu.memory_space<hbm>> -> memref<64x128xf32, #tpu.memory_space<hbm>>
      tpu.wait_dma2 semaphore(%run_scoped3A : memref<!tpu.dma_semaphore, #tpu.memory_space<semaphore_mem>>) src(%arg9 : memref<64x128xf32, #tpu.memory_space<vmem>>) dst(%dma_wait3A_70 : memref<64x128xf32, #tpu.memory_space<hbm>>)
      tpu.yield
    }) : () -> ()
    %add3A_43 = arith.constant 64 : i32
    %add3A_44 = arith.addi %mul3A_9, %add3A_43 : i32
    "tpu.region"() ({
      %run_scoped3A = tpu.sem_alloc : memref<!tpu.dma_semaphore, #tpu.memory_space<semaphore_mem>>
      %dma_start3A = arith.constant 0 : i32
      %dma_start3A_61 = tpu.memref_slice %arg8[%add3A_44, %dma_start3A] : memref<10240x128xf32, #tpu.memory_space<vmem_shared>> -> memref<64x128xf32, #tpu.memory_space<vmem_shared>>
      %dma_start3A_62 = arith.constant 0 : i32
      %dma_start3A_63 = tpu.memref_slice %arg8[%add3A_44, %dma_start3A_62] : memref<10240x128xf32, #tpu.memory_space<vmem_shared>> -> memref<64x128xf32, #tpu.memory_space<vmem_shared>>
      tpu.enqueue_dma source(%dma_start3A_63 : memref<64x128xf32, #tpu.memory_space<vmem_shared>>) target(%arg9 : memref<64x128xf32, #tpu.memory_space<vmem>>) target_semaphore(%run_scoped3A : memref<!tpu.dma_semaphore, #tpu.memory_space<semaphore_mem>>)
      %dma_wait3A = arith.constant 0 : i32
      %dma_wait3A_64 = tpu.memref_slice %arg8[%add3A_44, %dma_wait3A] : memref<10240x128xf32, #tpu.memory_space<vmem_shared>> -> memref<64x128xf32, #tpu.memory_space<vmem_shared>>
      %dma_wait3A_65 = arith.constant 0 : i32
      %dma_wait3A_66 = tpu.memref_slice %arg8[%add3A_44, %dma_wait3A_65] : memref<10240x128xf32, #tpu.memory_space<vmem_shared>> -> memref<64x128xf32, #tpu.memory_space<vmem_shared>>
      tpu.wait_dma2 semaphore(%run_scoped3A : memref<!tpu.dma_semaphore, #tpu.memory_space<semaphore_mem>>) src(%dma_wait3A_66 : memref<64x128xf32, #tpu.memory_space<vmem_shared>>) dst(%arg9 : memref<64x128xf32, #tpu.memory_space<vmem>>)
      tpu.yield
    }) : () -> ()
    "tpu.region"() ({
      %run_scoped3A = tpu.sem_alloc : memref<!tpu.dma_semaphore, #tpu.memory_space<semaphore_mem>>
      %dma_start3A = arith.constant 0 : i32
      %dma_start3A_61 = tpu.memref_slice %arg6[%arg0, %add3A_44, %dma_start3A] : memref<2x10240x128xf32, #tpu.memory_space<hbm>> -> memref<1x64x128xf32, #tpu.memory_space<hbm>>
      %dma_start3A_62 = tpu.memref_squeeze %dma_start3A_61 : memref<1x64x128xf32, #tpu.memory_space<hbm>> -> memref<64x128xf32, #tpu.memory_space<hbm>>
      %dma_start3A_63 = arith.constant 0 : i32
      %dma_start3A_64 = tpu.memref_slice %arg6[%arg0, %add3A_44, %dma_start3A_63] : memref<2x10240x128xf32, #tpu.memory_space<hbm>> -> memref<1x64x128xf32, #tpu.memory_space<hbm>>
      %dma_start3A_65 = tpu.memref_squeeze %dma_start3A_64 : memref<1x64x128xf32, #tpu.memory_space<hbm>> -> memref<64x128xf32, #tpu.memory_space<hbm>>
      tpu.enqueue_dma source(%arg9 : memref<64x128xf32, #tpu.memory_space<vmem>>) target(%dma_start3A_65 : memref<64x128xf32, #tpu.memory_space<hbm>>) target_semaphore(%run_scoped3A : memref<!tpu.dma_semaphore, #tpu.memory_space<semaphore_mem>>)
      %dma_wait3A = arith.constant 0 : i32
      %dma_wait3A_66 = tpu.memref_slice %arg6[%arg0, %add3A_44, %dma_wait3A] : memref<2x10240x128xf32, #tpu.memory_space<hbm>> -> memref<1x64x128xf32, #tpu.memory_space<hbm>>
      %dma_wait3A_67 = tpu.memref_squeeze %dma_wait3A_66 : memref<1x64x128xf32, #tpu.memory_space<hbm>> -> memref<64x128xf32, #tpu.memory_space<hbm>>
      %dma_wait3A_68 = arith.constant 0 : i32
      %dma_wait3A_69 = tpu.memref_slice %arg6[%arg0, %add3A_44, %dma_wait3A_68] : memref<2x10240x128xf32, #tpu.memory_space<hbm>> -> memref<1x64x128xf32, #tpu.memory_space<hbm>>
      %dma_wait3A_70 = tpu.memref_squeeze %dma_wait3A_69 : memref<1x64x128xf32, #tpu.memory_space<hbm>> -> memref<64x128xf32, #tpu.memory_space<hbm>>
      tpu.wait_dma2 semaphore(%run_scoped3A : memref<!tpu.dma_semaphore, #tpu.memory_space<semaphore_mem>>) src(%arg9 : memref<64x128xf32, #tpu.memory_space<vmem>>) dst(%dma_wait3A_70 : memref<64x128xf32, #tpu.memory_space<hbm>>)
      tpu.yield
    }) : () -> ()
    %add3A_45 = arith.constant 128 : i32
    %add3A_46 = arith.addi %mul3A_9, %add3A_45 : i32
    "tpu.region"() ({
      %run_scoped3A = tpu.sem_alloc : memref<!tpu.dma_semaphore, #tpu.memory_space<semaphore_mem>>
      %dma_start3A = arith.constant 0 : i32
      %dma_start3A_61 = tpu.memref_slice %arg8[%add3A_46, %dma_start3A] : memref<10240x128xf32, #tpu.memory_space<vmem_shared>> -> memref<64x128xf32, #tpu.memory_space<vmem_shared>>
      %dma_start3A_62 = arith.constant 0 : i32
      %dma_start3A_63 = tpu.memref_slice %arg8[%add3A_46, %dma_start3A_62] : memref<10240x128xf32, #tpu.memory_space<vmem_shared>> -> memref<64x128xf32, #tpu.memory_space<vmem_shared>>
      tpu.enqueue_dma source(%dma_start3A_63 : memref<64x128xf32, #tpu.memory_space<vmem_shared>>) target(%arg9 : memref<64x128xf32, #tpu.memory_space<vmem>>) target_semaphore(%run_scoped3A : memref<!tpu.dma_semaphore, #tpu.memory_space<semaphore_mem>>)
      %dma_wait3A = arith.constant 0 : i32
      %dma_wait3A_64 = tpu.memref_slice %arg8[%add3A_46, %dma_wait3A] : memref<10240x128xf32, #tpu.memory_space<vmem_shared>> -> memref<64x128xf32, #tpu.memory_space<vmem_shared>>
      %dma_wait3A_65 = arith.constant 0 : i32
      %dma_wait3A_66 = tpu.memref_slice %arg8[%add3A_46, %dma_wait3A_65] : memref<10240x128xf32, #tpu.memory_space<vmem_shared>> -> memref<64x128xf32, #tpu.memory_space<vmem_shared>>
      tpu.wait_dma2 semaphore(%run_scoped3A : memref<!tpu.dma_semaphore, #tpu.memory_space<semaphore_mem>>) src(%dma_wait3A_66 : memref<64x128xf32, #tpu.memory_space<vmem_shared>>) dst(%arg9 : memref<64x128xf32, #tpu.memory_space<vmem>>)
      tpu.yield
    }) : () -> ()
    "tpu.region"() ({
      %run_scoped3A = tpu.sem_alloc : memref<!tpu.dma_semaphore, #tpu.memory_space<semaphore_mem>>
      %dma_start3A = arith.constant 0 : i32
      %dma_start3A_61 = tpu.memref_slice %arg6[%arg0, %add3A_46, %dma_start3A] : memref<2x10240x128xf32, #tpu.memory_space<hbm>> -> memref<1x64x128xf32, #tpu.memory_space<hbm>>
      %dma_start3A_62 = tpu.memref_squeeze %dma_start3A_61 : memref<1x64x128xf32, #tpu.memory_space<hbm>> -> memref<64x128xf32, #tpu.memory_space<hbm>>
      %dma_start3A_63 = arith.constant 0 : i32
      %dma_start3A_64 = tpu.memref_slice %arg6[%arg0, %add3A_46, %dma_start3A_63] : memref<2x10240x128xf32, #tpu.memory_space<hbm>> -> memref<1x64x128xf32, #tpu.memory_space<hbm>>
      %dma_start3A_65 = tpu.memref_squeeze %dma_start3A_64 : memref<1x64x128xf32, #tpu.memory_space<hbm>> -> memref<64x128xf32, #tpu.memory_space<hbm>>
      tpu.enqueue_dma source(%arg9 : memref<64x128xf32, #tpu.memory_space<vmem>>) target(%dma_start3A_65 : memref<64x128xf32, #tpu.memory_space<hbm>>) target_semaphore(%run_scoped3A : memref<!tpu.dma_semaphore, #tpu.memory_space<semaphore_mem>>)
      %dma_wait3A = arith.constant 0 : i32
      %dma_wait3A_66 = tpu.memref_slice %arg6[%arg0, %add3A_46, %dma_wait3A] : memref<2x10240x128xf32, #tpu.memory_space<hbm>> -> memref<1x64x128xf32, #tpu.memory_space<hbm>>
      %dma_wait3A_67 = tpu.memref_squeeze %dma_wait3A_66 : memref<1x64x128xf32, #tpu.memory_space<hbm>> -> memref<64x128xf32, #tpu.memory_space<hbm>>
      %dma_wait3A_68 = arith.constant 0 : i32
      %dma_wait3A_69 = tpu.memref_slice %arg6[%arg0, %add3A_46, %dma_wait3A_68] : memref<2x10240x128xf32, #tpu.memory_space<hbm>> -> memref<1x64x128xf32, #tpu.memory_space<hbm>>
      %dma_wait3A_70 = tpu.memref_squeeze %dma_wait3A_69 : memref<1x64x128xf32, #tpu.memory_space<hbm>> -> memref<64x128xf32, #tpu.memory_space<hbm>>
      tpu.wait_dma2 semaphore(%run_scoped3A : memref<!tpu.dma_semaphore, #tpu.memory_space<semaphore_mem>>) src(%arg9 : memref<64x128xf32, #tpu.memory_space<vmem>>) dst(%dma_wait3A_70 : memref<64x128xf32, #tpu.memory_space<hbm>>)
      tpu.yield
    }) : () -> ()
    %add3A_47 = arith.constant 192 : i32
    %add3A_48 = arith.addi %mul3A_9, %add3A_47 : i32
    "tpu.region"() ({
      %run_scoped3A = tpu.sem_alloc : memref<!tpu.dma_semaphore, #tpu.memory_space<semaphore_mem>>
      %dma_start3A = arith.constant 0 : i32
      %dma_start3A_61 = tpu.memref_slice %arg8[%add3A_48, %dma_start3A] : memref<10240x128xf32, #tpu.memory_space<vmem_shared>> -> memref<64x128xf32, #tpu.memory_space<vmem_shared>>
      %dma_start3A_62 = arith.constant 0 : i32
      %dma_start3A_63 = tpu.memref_slice %arg8[%add3A_48, %dma_start3A_62] : memref<10240x128xf32, #tpu.memory_space<vmem_shared>> -> memref<64x128xf32, #tpu.memory_space<vmem_shared>>
      tpu.enqueue_dma source(%dma_start3A_63 : memref<64x128xf32, #tpu.memory_space<vmem_shared>>) target(%arg9 : memref<64x128xf32, #tpu.memory_space<vmem>>) target_semaphore(%run_scoped3A : memref<!tpu.dma_semaphore, #tpu.memory_space<semaphore_mem>>)
      %dma_wait3A = arith.constant 0 : i32
      %dma_wait3A_64 = tpu.memref_slice %arg8[%add3A_48, %dma_wait3A] : memref<10240x128xf32, #tpu.memory_space<vmem_shared>> -> memref<64x128xf32, #tpu.memory_space<vmem_shared>>
      %dma_wait3A_65 = arith.constant 0 : i32
      %dma_wait3A_66 = tpu.memref_slice %arg8[%add3A_48, %dma_wait3A_65] : memref<10240x128xf32, #tpu.memory_space<vmem_shared>> -> memref<64x128xf32, #tpu.memory_space<vmem_shared>>
      tpu.wait_dma2 semaphore(%run_scoped3A : memref<!tpu.dma_semaphore, #tpu.memory_space<semaphore_mem>>) src(%dma_wait3A_66 : memref<64x128xf32, #tpu.memory_space<vmem_shared>>) dst(%arg9 : memref<64x128xf32, #tpu.memory_space<vmem>>)
      tpu.yield
    }) : () -> ()
    "tpu.region"() ({
      %run_scoped3A = tpu.sem_alloc : memref<!tpu.dma_semaphore, #tpu.memory_space<semaphore_mem>>
      %dma_start3A = arith.constant 0 : i32
      %dma_start3A_61 = tpu.memref_slice %arg6[%arg0, %add3A_48, %dma_start3A] : memref<2x10240x128xf32, #tpu.memory_space<hbm>> -> memref<1x64x128xf32, #tpu.memory_space<hbm>>
      %dma_start3A_62 = tpu.memref_squeeze %dma_start3A_61 : memref<1x64x128xf32, #tpu.memory_space<hbm>> -> memref<64x128xf32, #tpu.memory_space<hbm>>
      %dma_start3A_63 = arith.constant 0 : i32
      %dma_start3A_64 = tpu.memref_slice %arg6[%arg0, %add3A_48, %dma_start3A_63] : memref<2x10240x128xf32, #tpu.memory_space<hbm>> -> memref<1x64x128xf32, #tpu.memory_space<hbm>>
      %dma_start3A_65 = tpu.memref_squeeze %dma_start3A_64 : memref<1x64x128xf32, #tpu.memory_space<hbm>> -> memref<64x128xf32, #tpu.memory_space<hbm>>
      tpu.enqueue_dma source(%arg9 : memref<64x128xf32, #tpu.memory_space<vmem>>) target(%dma_start3A_65 : memref<64x128xf32, #tpu.memory_space<hbm>>) target_semaphore(%run_scoped3A : memref<!tpu.dma_semaphore, #tpu.memory_space<semaphore_mem>>)
      %dma_wait3A = arith.constant 0 : i32
      %dma_wait3A_66 = tpu.memref_slice %arg6[%arg0, %add3A_48, %dma_wait3A] : memref<2x10240x128xf32, #tpu.memory_space<hbm>> -> memref<1x64x128xf32, #tpu.memory_space<hbm>>
      %dma_wait3A_67 = tpu.memref_squeeze %dma_wait3A_66 : memref<1x64x128xf32, #tpu.memory_space<hbm>> -> memref<64x128xf32, #tpu.memory_space<hbm>>
      %dma_wait3A_68 = arith.constant 0 : i32
      %dma_wait3A_69 = tpu.memref_slice %arg6[%arg0, %add3A_48, %dma_wait3A_68] : memref<2x10240x128xf32, #tpu.memory_space<hbm>> -> memref<1x64x128xf32, #tpu.memory_space<hbm>>
      %dma_wait3A_70 = tpu.memref_squeeze %dma_wait3A_69 : memref<1x64x128xf32, #tpu.memory_space<hbm>> -> memref<64x128xf32, #tpu.memory_space<hbm>>
      tpu.wait_dma2 semaphore(%run_scoped3A : memref<!tpu.dma_semaphore, #tpu.memory_space<semaphore_mem>>) src(%arg9 : memref<64x128xf32, #tpu.memory_space<vmem>>) dst(%dma_wait3A_70 : memref<64x128xf32, #tpu.memory_space<hbm>>)
      tpu.yield
    }) : () -> ()
    %add3A_49 = arith.constant 256 : i32
    %add3A_50 = arith.addi %mul3A_9, %add3A_49 : i32
    "tpu.region"() ({
      %run_scoped3A = tpu.sem_alloc : memref<!tpu.dma_semaphore, #tpu.memory_space<semaphore_mem>>
      %dma_start3A = arith.constant 0 : i32
      %dma_start3A_61 = tpu.memref_slice %arg8[%add3A_50, %dma_start3A] : memref<10240x128xf32, #tpu.memory_space<vmem_shared>> -> memref<64x128xf32, #tpu.memory_space<vmem_shared>>
      %dma_start3A_62 = arith.constant 0 : i32
      %dma_start3A_63 = tpu.memref_slice %arg8[%add3A_50, %dma_start3A_62] : memref<10240x128xf32, #tpu.memory_space<vmem_shared>> -> memref<64x128xf32, #tpu.memory_space<vmem_shared>>
      tpu.enqueue_dma source(%dma_start3A_63 : memref<64x128xf32, #tpu.memory_space<vmem_shared>>) target(%arg9 : memref<64x128xf32, #tpu.memory_space<vmem>>) target_semaphore(%run_scoped3A : memref<!tpu.dma_semaphore, #tpu.memory_space<semaphore_mem>>)
      %dma_wait3A = arith.constant 0 : i32
      %dma_wait3A_64 = tpu.memref_slice %arg8[%add3A_50, %dma_wait3A] : memref<10240x128xf32, #tpu.memory_space<vmem_shared>> -> memref<64x128xf32, #tpu.memory_space<vmem_shared>>
      %dma_wait3A_65 = arith.constant 0 : i32
      %dma_wait3A_66 = tpu.memref_slice %arg8[%add3A_50, %dma_wait3A_65] : memref<10240x128xf32, #tpu.memory_space<vmem_shared>> -> memref<64x128xf32, #tpu.memory_space<vmem_shared>>
      tpu.wait_dma2 semaphore(%run_scoped3A : memref<!tpu.dma_semaphore, #tpu.memory_space<semaphore_mem>>) src(%dma_wait3A_66 : memref<64x128xf32, #tpu.memory_space<vmem_shared>>) dst(%arg9 : memref<64x128xf32, #tpu.memory_space<vmem>>)
      tpu.yield
    }) : () -> ()
    "tpu.region"() ({
      %run_scoped3A = tpu.sem_alloc : memref<!tpu.dma_semaphore, #tpu.memory_space<semaphore_mem>>
      %dma_start3A = arith.constant 0 : i32
      %dma_start3A_61 = tpu.memref_slice %arg6[%arg0, %add3A_50, %dma_start3A] : memref<2x10240x128xf32, #tpu.memory_space<hbm>> -> memref<1x64x128xf32, #tpu.memory_space<hbm>>
      %dma_start3A_62 = tpu.memref_squeeze %dma_start3A_61 : memref<1x64x128xf32, #tpu.memory_space<hbm>> -> memref<64x128xf32, #tpu.memory_space<hbm>>
      %dma_start3A_63 = arith.constant 0 : i32
      %dma_start3A_64 = tpu.memref_slice %arg6[%arg0, %add3A_50, %dma_start3A_63] : memref<2x10240x128xf32, #tpu.memory_space<hbm>> -> memref<1x64x128xf32, #tpu.memory_space<hbm>>
      %dma_start3A_65 = tpu.memref_squeeze %dma_start3A_64 : memref<1x64x128xf32, #tpu.memory_space<hbm>> -> memref<64x128xf32, #tpu.memory_space<hbm>>
      tpu.enqueue_dma source(%arg9 : memref<64x128xf32, #tpu.memory_space<vmem>>) target(%dma_start3A_65 : memref<64x128xf32, #tpu.memory_space<hbm>>) target_semaphore(%run_scoped3A : memref<!tpu.dma_semaphore, #tpu.memory_space<semaphore_mem>>)
      %dma_wait3A = arith.constant 0 : i32
      %dma_wait3A_66 = tpu.memref_slice %arg6[%arg0, %add3A_50, %dma_wait3A] : memref<2x10240x128xf32, #tpu.memory_space<hbm>> -> memref<1x64x128xf32, #tpu.memory_space<hbm>>
      %dma_wait3A_67 = tpu.memref_squeeze %dma_wait3A_66 : memref<1x64x128xf32, #tpu.memory_space<hbm>> -> memref<64x128xf32, #tpu.memory_space<hbm>>
      %dma_wait3A_68 = arith.constant 0 : i32
      %dma_wait3A_69 = tpu.memref_slice %arg6[%arg0, %add3A_50, %dma_wait3A_68] : memref<2x10240x128xf32, #tpu.memory_space<hbm>> -> memref<1x64x128xf32, #tpu.memory_space<hbm>>
      %dma_wait3A_70 = tpu.memref_squeeze %dma_wait3A_69 : memref<1x64x128xf32, #tpu.memory_space<hbm>> -> memref<64x128xf32, #tpu.memory_space<hbm>>
      tpu.wait_dma2 semaphore(%run_scoped3A : memref<!tpu.dma_semaphore, #tpu.memory_space<semaphore_mem>>) src(%arg9 : memref<64x128xf32, #tpu.memory_space<vmem>>) dst(%dma_wait3A_70 : memref<64x128xf32, #tpu.memory_space<hbm>>)
      tpu.yield
    }) : () -> ()
    %add3A_51 = arith.constant 320 : i32
    %add3A_52 = arith.addi %mul3A_9, %add3A_51 : i32
    "tpu.region"() ({
      %run_scoped3A = tpu.sem_alloc : memref<!tpu.dma_semaphore, #tpu.memory_space<semaphore_mem>>
      %dma_start3A = arith.constant 0 : i32
      %dma_start3A_61 = tpu.memref_slice %arg8[%add3A_52, %dma_start3A] : memref<10240x128xf32, #tpu.memory_space<vmem_shared>> -> memref<64x128xf32, #tpu.memory_space<vmem_shared>>
      %dma_start3A_62 = arith.constant 0 : i32
      %dma_start3A_63 = tpu.memref_slice %arg8[%add3A_52, %dma_start3A_62] : memref<10240x128xf32, #tpu.memory_space<vmem_shared>> -> memref<64x128xf32, #tpu.memory_space<vmem_shared>>
      tpu.enqueue_dma source(%dma_start3A_63 : memref<64x128xf32, #tpu.memory_space<vmem_shared>>) target(%arg9 : memref<64x128xf32, #tpu.memory_space<vmem>>) target_semaphore(%run_scoped3A : memref<!tpu.dma_semaphore, #tpu.memory_space<semaphore_mem>>)
      %dma_wait3A = arith.constant 0 : i32
      %dma_wait3A_64 = tpu.memref_slice %arg8[%add3A_52, %dma_wait3A] : memref<10240x128xf32, #tpu.memory_space<vmem_shared>> -> memref<64x128xf32, #tpu.memory_space<vmem_shared>>
      %dma_wait3A_65 = arith.constant 0 : i32
      %dma_wait3A_66 = tpu.memref_slice %arg8[%add3A_52, %dma_wait3A_65] : memref<10240x128xf32, #tpu.memory_space<vmem_shared>> -> memref<64x128xf32, #tpu.memory_space<vmem_shared>>
      tpu.wait_dma2 semaphore(%run_scoped3A : memref<!tpu.dma_semaphore, #tpu.memory_space<semaphore_mem>>) src(%dma_wait3A_66 : memref<64x128xf32, #tpu.memory_space<vmem_shared>>) dst(%arg9 : memref<64x128xf32, #tpu.memory_space<vmem>>)
      tpu.yield
    }) : () -> ()
    "tpu.region"() ({
      %run_scoped3A = tpu.sem_alloc : memref<!tpu.dma_semaphore, #tpu.memory_space<semaphore_mem>>
      %dma_start3A = arith.constant 0 : i32
      %dma_start3A_61 = tpu.memref_slice %arg6[%arg0, %add3A_52, %dma_start3A] : memref<2x10240x128xf32, #tpu.memory_space<hbm>> -> memref<1x64x128xf32, #tpu.memory_space<hbm>>
      %dma_start3A_62 = tpu.memref_squeeze %dma_start3A_61 : memref<1x64x128xf32, #tpu.memory_space<hbm>> -> memref<64x128xf32, #tpu.memory_space<hbm>>
      %dma_start3A_63 = arith.constant 0 : i32
      %dma_start3A_64 = tpu.memref_slice %arg6[%arg0, %add3A_52, %dma_start3A_63] : memref<2x10240x128xf32, #tpu.memory_space<hbm>> -> memref<1x64x128xf32, #tpu.memory_space<hbm>>
      %dma_start3A_65 = tpu.memref_squeeze %dma_start3A_64 : memref<1x64x128xf32, #tpu.memory_space<hbm>> -> memref<64x128xf32, #tpu.memory_space<hbm>>
      tpu.enqueue_dma source(%arg9 : memref<64x128xf32, #tpu.memory_space<vmem>>) target(%dma_start3A_65 : memref<64x128xf32, #tpu.memory_space<hbm>>) target_semaphore(%run_scoped3A : memref<!tpu.dma_semaphore, #tpu.memory_space<semaphore_mem>>)
      %dma_wait3A = arith.constant 0 : i32
      %dma_wait3A_66 = tpu.memref_slice %arg6[%arg0, %add3A_52, %dma_wait3A] : memref<2x10240x128xf32, #tpu.memory_space<hbm>> -> memref<1x64x128xf32, #tpu.memory_space<hbm>>
      %dma_wait3A_67 = tpu.memref_squeeze %dma_wait3A_66 : memref<1x64x128xf32, #tpu.memory_space<hbm>> -> memref<64x128xf32, #tpu.memory_space<hbm>>
      %dma_wait3A_68 = arith.constant 0 : i32
      %dma_wait3A_69 = tpu.memref_slice %arg6[%arg0, %add3A_52, %dma_wait3A_68] : memref<2x10240x128xf32, #tpu.memory_space<hbm>> -> memref<1x64x128xf32, #tpu.memory_space<hbm>>
      %dma_wait3A_70 = tpu.memref_squeeze %dma_wait3A_69 : memref<1x64x128xf32, #tpu.memory_space<hbm>> -> memref<64x128xf32, #tpu.memory_space<hbm>>
      tpu.wait_dma2 semaphore(%run_scoped3A : memref<!tpu.dma_semaphore, #tpu.memory_space<semaphore_mem>>) src(%arg9 : memref<64x128xf32, #tpu.memory_space<vmem>>) dst(%dma_wait3A_70 : memref<64x128xf32, #tpu.memory_space<hbm>>)
      tpu.yield
    }) : () -> ()
    %add3A_53 = arith.constant 384 : i32
    %add3A_54 = arith.addi %mul3A_9, %add3A_53 : i32
    "tpu.region"() ({
      %run_scoped3A = tpu.sem_alloc : memref<!tpu.dma_semaphore, #tpu.memory_space<semaphore_mem>>
      %dma_start3A = arith.constant 0 : i32
      %dma_start3A_61 = tpu.memref_slice %arg8[%add3A_54, %dma_start3A] : memref<10240x128xf32, #tpu.memory_space<vmem_shared>> -> memref<64x128xf32, #tpu.memory_space<vmem_shared>>
      %dma_start3A_62 = arith.constant 0 : i32
      %dma_start3A_63 = tpu.memref_slice %arg8[%add3A_54, %dma_start3A_62] : memref<10240x128xf32, #tpu.memory_space<vmem_shared>> -> memref<64x128xf32, #tpu.memory_space<vmem_shared>>
      tpu.enqueue_dma source(%dma_start3A_63 : memref<64x128xf32, #tpu.memory_space<vmem_shared>>) target(%arg9 : memref<64x128xf32, #tpu.memory_space<vmem>>) target_semaphore(%run_scoped3A : memref<!tpu.dma_semaphore, #tpu.memory_space<semaphore_mem>>)
      %dma_wait3A = arith.constant 0 : i32
      %dma_wait3A_64 = tpu.memref_slice %arg8[%add3A_54, %dma_wait3A] : memref<10240x128xf32, #tpu.memory_space<vmem_shared>> -> memref<64x128xf32, #tpu.memory_space<vmem_shared>>
      %dma_wait3A_65 = arith.constant 0 : i32
      %dma_wait3A_66 = tpu.memref_slice %arg8[%add3A_54, %dma_wait3A_65] : memref<10240x128xf32, #tpu.memory_space<vmem_shared>> -> memref<64x128xf32, #tpu.memory_space<vmem_shared>>
      tpu.wait_dma2 semaphore(%run_scoped3A : memref<!tpu.dma_semaphore, #tpu.memory_space<semaphore_mem>>) src(%dma_wait3A_66 : memref<64x128xf32, #tpu.memory_space<vmem_shared>>) dst(%arg9 : memref<64x128xf32, #tpu.memory_space<vmem>>)
      tpu.yield
    }) : () -> ()
    "tpu.region"() ({
      %run_scoped3A = tpu.sem_alloc : memref<!tpu.dma_semaphore, #tpu.memory_space<semaphore_mem>>
      %dma_start3A = arith.constant 0 : i32
      %dma_start3A_61 = tpu.memref_slice %arg6[%arg0, %add3A_54, %dma_start3A] : memref<2x10240x128xf32, #tpu.memory_space<hbm>> -> memref<1x64x128xf32, #tpu.memory_space<hbm>>
      %dma_start3A_62 = tpu.memref_squeeze %dma_start3A_61 : memref<1x64x128xf32, #tpu.memory_space<hbm>> -> memref<64x128xf32, #tpu.memory_space<hbm>>
      %dma_start3A_63 = arith.constant 0 : i32
      %dma_start3A_64 = tpu.memref_slice %arg6[%arg0, %add3A_54, %dma_start3A_63] : memref<2x10240x128xf32, #tpu.memory_space<hbm>> -> memref<1x64x128xf32, #tpu.memory_space<hbm>>
      %dma_start3A_65 = tpu.memref_squeeze %dma_start3A_64 : memref<1x64x128xf32, #tpu.memory_space<hbm>> -> memref<64x128xf32, #tpu.memory_space<hbm>>
      tpu.enqueue_dma source(%arg9 : memref<64x128xf32, #tpu.memory_space<vmem>>) target(%dma_start3A_65 : memref<64x128xf32, #tpu.memory_space<hbm>>) target_semaphore(%run_scoped3A : memref<!tpu.dma_semaphore, #tpu.memory_space<semaphore_mem>>)
      %dma_wait3A = arith.constant 0 : i32
      %dma_wait3A_66 = tpu.memref_slice %arg6[%arg0, %add3A_54, %dma_wait3A] : memref<2x10240x128xf32, #tpu.memory_space<hbm>> -> memref<1x64x128xf32, #tpu.memory_space<hbm>>
      %dma_wait3A_67 = tpu.memref_squeeze %dma_wait3A_66 : memref<1x64x128xf32, #tpu.memory_space<hbm>> -> memref<64x128xf32, #tpu.memory_space<hbm>>
      %dma_wait3A_68 = arith.constant 0 : i32
      %dma_wait3A_69 = tpu.memref_slice %arg6[%arg0, %add3A_54, %dma_wait3A_68] : memref<2x10240x128xf32, #tpu.memory_space<hbm>> -> memref<1x64x128xf32, #tpu.memory_space<hbm>>
      %dma_wait3A_70 = tpu.memref_squeeze %dma_wait3A_69 : memref<1x64x128xf32, #tpu.memory_space<hbm>> -> memref<64x128xf32, #tpu.memory_space<hbm>>
      tpu.wait_dma2 semaphore(%run_scoped3A : memref<!tpu.dma_semaphore, #tpu.memory_space<semaphore_mem>>) src(%arg9 : memref<64x128xf32, #tpu.memory_space<vmem>>) dst(%dma_wait3A_70 : memref<64x128xf32, #tpu.memory_space<hbm>>)
      tpu.yield
    }) : () -> ()
    %add3A_55 = arith.constant 448 : i32
    %add3A_56 = arith.addi %mul3A_9, %add3A_55 : i32
    "tpu.region"() ({
      %run_scoped3A = tpu.sem_alloc : memref<!tpu.dma_semaphore, #tpu.memory_space<semaphore_mem>>
      %dma_start3A = arith.constant 0 : i32
      %dma_start3A_61 = tpu.memref_slice %arg8[%add3A_56, %dma_start3A] : memref<10240x128xf32, #tpu.memory_space<vmem_shared>> -> memref<64x128xf32, #tpu.memory_space<vmem_shared>>
      %dma_start3A_62 = arith.constant 0 : i32
      %dma_start3A_63 = tpu.memref_slice %arg8[%add3A_56, %dma_start3A_62] : memref<10240x128xf32, #tpu.memory_space<vmem_shared>> -> memref<64x128xf32, #tpu.memory_space<vmem_shared>>
      tpu.enqueue_dma source(%dma_start3A_63 : memref<64x128xf32, #tpu.memory_space<vmem_shared>>) target(%arg9 : memref<64x128xf32, #tpu.memory_space<vmem>>) target_semaphore(%run_scoped3A : memref<!tpu.dma_semaphore, #tpu.memory_space<semaphore_mem>>)
      %dma_wait3A = arith.constant 0 : i32
      %dma_wait3A_64 = tpu.memref_slice %arg8[%add3A_56, %dma_wait3A] : memref<10240x128xf32, #tpu.memory_space<vmem_shared>> -> memref<64x128xf32, #tpu.memory_space<vmem_shared>>
      %dma_wait3A_65 = arith.constant 0 : i32
      %dma_wait3A_66 = tpu.memref_slice %arg8[%add3A_56, %dma_wait3A_65] : memref<10240x128xf32, #tpu.memory_space<vmem_shared>> -> memref<64x128xf32, #tpu.memory_space<vmem_shared>>
      tpu.wait_dma2 semaphore(%run_scoped3A : memref<!tpu.dma_semaphore, #tpu.memory_space<semaphore_mem>>) src(%dma_wait3A_66 : memref<64x128xf32, #tpu.memory_space<vmem_shared>>) dst(%arg9 : memref<64x128xf32, #tpu.memory_space<vmem>>)
      tpu.yield
    }) : () -> ()
    "tpu.region"() ({
      %run_scoped3A = tpu.sem_alloc : memref<!tpu.dma_semaphore, #tpu.memory_space<semaphore_mem>>
      %dma_start3A = arith.constant 0 : i32
      %dma_start3A_61 = tpu.memref_slice %arg6[%arg0, %add3A_56, %dma_start3A] : memref<2x10240x128xf32, #tpu.memory_space<hbm>> -> memref<1x64x128xf32, #tpu.memory_space<hbm>>
      %dma_start3A_62 = tpu.memref_squeeze %dma_start3A_61 : memref<1x64x128xf32, #tpu.memory_space<hbm>> -> memref<64x128xf32, #tpu.memory_space<hbm>>
      %dma_start3A_63 = arith.constant 0 : i32
      %dma_start3A_64 = tpu.memref_slice %arg6[%arg0, %add3A_56, %dma_start3A_63] : memref<2x10240x128xf32, #tpu.memory_space<hbm>> -> memref<1x64x128xf32, #tpu.memory_space<hbm>>
      %dma_start3A_65 = tpu.memref_squeeze %dma_start3A_64 : memref<1x64x128xf32, #tpu.memory_space<hbm>> -> memref<64x128xf32, #tpu.memory_space<hbm>>
      tpu.enqueue_dma source(%arg9 : memref<64x128xf32, #tpu.memory_space<vmem>>) target(%dma_start3A_65 : memref<64x128xf32, #tpu.memory_space<hbm>>) target_semaphore(%run_scoped3A : memref<!tpu.dma_semaphore, #tpu.memory_space<semaphore_mem>>)
      %dma_wait3A = arith.constant 0 : i32
      %dma_wait3A_66 = tpu.memref_slice %arg6[%arg0, %add3A_56, %dma_wait3A] : memref<2x10240x128xf32, #tpu.memory_space<hbm>> -> memref<1x64x128xf32, #tpu.memory_space<hbm>>
      %dma_wait3A_67 = tpu.memref_squeeze %dma_wait3A_66 : memref<1x64x128xf32, #tpu.memory_space<hbm>> -> memref<64x128xf32, #tpu.memory_space<hbm>>
      %dma_wait3A_68 = arith.constant 0 : i32
      %dma_wait3A_69 = tpu.memref_slice %arg6[%arg0, %add3A_56, %dma_wait3A_68] : memref<2x10240x128xf32, #tpu.memory_space<hbm>> -> memref<1x64x128xf32, #tpu.memory_space<hbm>>
      %dma_wait3A_70 = tpu.memref_squeeze %dma_wait3A_69 : memref<1x64x128xf32, #tpu.memory_space<hbm>> -> memref<64x128xf32, #tpu.memory_space<hbm>>
      tpu.wait_dma2 semaphore(%run_scoped3A : memref<!tpu.dma_semaphore, #tpu.memory_space<semaphore_mem>>) src(%arg9 : memref<64x128xf32, #tpu.memory_space<vmem>>) dst(%dma_wait3A_70 : memref<64x128xf32, #tpu.memory_space<hbm>>)
      tpu.yield
    }) : () -> ()
    %add3A_57 = arith.constant 512 : i32
    %add3A_58 = arith.addi %mul3A_9, %add3A_57 : i32
    "tpu.region"() ({
      %run_scoped3A = tpu.sem_alloc : memref<!tpu.dma_semaphore, #tpu.memory_space<semaphore_mem>>
      %dma_start3A = arith.constant 0 : i32
      %dma_start3A_61 = tpu.memref_slice %arg8[%add3A_58, %dma_start3A] : memref<10240x128xf32, #tpu.memory_space<vmem_shared>> -> memref<64x128xf32, #tpu.memory_space<vmem_shared>>
      %dma_start3A_62 = arith.constant 0 : i32
      %dma_start3A_63 = tpu.memref_slice %arg8[%add3A_58, %dma_start3A_62] : memref<10240x128xf32, #tpu.memory_space<vmem_shared>> -> memref<64x128xf32, #tpu.memory_space<vmem_shared>>
      tpu.enqueue_dma source(%dma_start3A_63 : memref<64x128xf32, #tpu.memory_space<vmem_shared>>) target(%arg9 : memref<64x128xf32, #tpu.memory_space<vmem>>) target_semaphore(%run_scoped3A : memref<!tpu.dma_semaphore, #tpu.memory_space<semaphore_mem>>)
      %dma_wait3A = arith.constant 0 : i32
      %dma_wait3A_64 = tpu.memref_slice %arg8[%add3A_58, %dma_wait3A] : memref<10240x128xf32, #tpu.memory_space<vmem_shared>> -> memref<64x128xf32, #tpu.memory_space<vmem_shared>>
      %dma_wait3A_65 = arith.constant 0 : i32
      %dma_wait3A_66 = tpu.memref_slice %arg8[%add3A_58, %dma_wait3A_65] : memref<10240x128xf32, #tpu.memory_space<vmem_shared>> -> memref<64x128xf32, #tpu.memory_space<vmem_shared>>
      tpu.wait_dma2 semaphore(%run_scoped3A : memref<!tpu.dma_semaphore, #tpu.memory_space<semaphore_mem>>) src(%dma_wait3A_66 : memref<64x128xf32, #tpu.memory_space<vmem_shared>>) dst(%arg9 : memref<64x128xf32, #tpu.memory_space<vmem>>)
      tpu.yield
    }) : () -> ()
    "tpu.region"() ({
      %run_scoped3A = tpu.sem_alloc : memref<!tpu.dma_semaphore, #tpu.memory_space<semaphore_mem>>
      %dma_start3A = arith.constant 0 : i32
      %dma_start3A_61 = tpu.memref_slice %arg6[%arg0, %add3A_58, %dma_start3A] : memref<2x10240x128xf32, #tpu.memory_space<hbm>> -> memref<1x64x128xf32, #tpu.memory_space<hbm>>
      %dma_start3A_62 = tpu.memref_squeeze %dma_start3A_61 : memref<1x64x128xf32, #tpu.memory_space<hbm>> -> memref<64x128xf32, #tpu.memory_space<hbm>>
      %dma_start3A_63 = arith.constant 0 : i32
      %dma_start3A_64 = tpu.memref_slice %arg6[%arg0, %add3A_58, %dma_start3A_63] : memref<2x10240x128xf32, #tpu.memory_space<hbm>> -> memref<1x64x128xf32, #tpu.memory_space<hbm>>
      %dma_start3A_65 = tpu.memref_squeeze %dma_start3A_64 : memref<1x64x128xf32, #tpu.memory_space<hbm>> -> memref<64x128xf32, #tpu.memory_space<hbm>>
      tpu.enqueue_dma source(%arg9 : memref<64x128xf32, #tpu.memory_space<vmem>>) target(%dma_start3A_65 : memref<64x128xf32, #tpu.memory_space<hbm>>) target_semaphore(%run_scoped3A : memref<!tpu.dma_semaphore, #tpu.memory_space<semaphore_mem>>)
      %dma_wait3A = arith.constant 0 : i32
      %dma_wait3A_66 = tpu.memref_slice %arg6[%arg0, %add3A_58, %dma_wait3A] : memref<2x10240x128xf32, #tpu.memory_space<hbm>> -> memref<1x64x128xf32, #tpu.memory_space<hbm>>
      %dma_wait3A_67 = tpu.memref_squeeze %dma_wait3A_66 : memref<1x64x128xf32, #tpu.memory_space<hbm>> -> memref<64x128xf32, #tpu.memory_space<hbm>>
      %dma_wait3A_68 = arith.constant 0 : i32
      %dma_wait3A_69 = tpu.memref_slice %arg6[%arg0, %add3A_58, %dma_wait3A_68] : memref<2x10240x128xf32, #tpu.memory_space<hbm>> -> memref<1x64x128xf32, #tpu.memory_space<hbm>>
      %dma_wait3A_70 = tpu.memref_squeeze %dma_wait3A_69 : memref<1x64x128xf32, #tpu.memory_space<hbm>> -> memref<64x128xf32, #tpu.memory_space<hbm>>
      tpu.wait_dma2 semaphore(%run_scoped3A : memref<!tpu.dma_semaphore, #tpu.memory_space<semaphore_mem>>) src(%arg9 : memref<64x128xf32, #tpu.memory_space<vmem>>) dst(%dma_wait3A_70 : memref<64x128xf32, #tpu.memory_space<hbm>>)
      tpu.yield
    }) : () -> ()
    %add3A_59 = arith.constant 576 : i32
    %add3A_60 = arith.addi %mul3A_9, %add3A_59 : i32
    "tpu.region"() ({
      %run_scoped3A = tpu.sem_alloc : memref<!tpu.dma_semaphore, #tpu.memory_space<semaphore_mem>>
      %dma_start3A = arith.constant 0 : i32
      %dma_start3A_61 = tpu.memref_slice %arg8[%add3A_60, %dma_start3A] : memref<10240x128xf32, #tpu.memory_space<vmem_shared>> -> memref<64x128xf32, #tpu.memory_space<vmem_shared>>
      %dma_start3A_62 = arith.constant 0 : i32
      %dma_start3A_63 = tpu.memref_slice %arg8[%add3A_60, %dma_start3A_62] : memref<10240x128xf32, #tpu.memory_space<vmem_shared>> -> memref<64x128xf32, #tpu.memory_space<vmem_shared>>
      tpu.enqueue_dma source(%dma_start3A_63 : memref<64x128xf32, #tpu.memory_space<vmem_shared>>) target(%arg9 : memref<64x128xf32, #tpu.memory_space<vmem>>) target_semaphore(%run_scoped3A : memref<!tpu.dma_semaphore, #tpu.memory_space<semaphore_mem>>)
      %dma_wait3A = arith.constant 0 : i32
      %dma_wait3A_64 = tpu.memref_slice %arg8[%add3A_60, %dma_wait3A] : memref<10240x128xf32, #tpu.memory_space<vmem_shared>> -> memref<64x128xf32, #tpu.memory_space<vmem_shared>>
      %dma_wait3A_65 = arith.constant 0 : i32
      %dma_wait3A_66 = tpu.memref_slice %arg8[%add3A_60, %dma_wait3A_65] : memref<10240x128xf32, #tpu.memory_space<vmem_shared>> -> memref<64x128xf32, #tpu.memory_space<vmem_shared>>
      tpu.wait_dma2 semaphore(%run_scoped3A : memref<!tpu.dma_semaphore, #tpu.memory_space<semaphore_mem>>) src(%dma_wait3A_66 : memref<64x128xf32, #tpu.memory_space<vmem_shared>>) dst(%arg9 : memref<64x128xf32, #tpu.memory_space<vmem>>)
      tpu.yield
    }) : () -> ()
    "tpu.region"() ({
      %run_scoped3A = tpu.sem_alloc : memref<!tpu.dma_semaphore, #tpu.memory_space<semaphore_mem>>
      %dma_start3A = arith.constant 0 : i32
      %dma_start3A_61 = tpu.memref_slice %arg6[%arg0, %add3A_60, %dma_start3A] : memref<2x10240x128xf32, #tpu.memory_space<hbm>> -> memref<1x64x128xf32, #tpu.memory_space<hbm>>
      %dma_start3A_62 = tpu.memref_squeeze %dma_start3A_61 : memref<1x64x128xf32, #tpu.memory_space<hbm>> -> memref<64x128xf32, #tpu.memory_space<hbm>>
      %dma_start3A_63 = arith.constant 0 : i32
      %dma_start3A_64 = tpu.memref_slice %arg6[%arg0, %add3A_60, %dma_start3A_63] : memref<2x10240x128xf32, #tpu.memory_space<hbm>> -> memref<1x64x128xf32, #tpu.memory_space<hbm>>
      %dma_start3A_65 = tpu.memref_squeeze %dma_start3A_64 : memref<1x64x128xf32, #tpu.memory_space<hbm>> -> memref<64x128xf32, #tpu.memory_space<hbm>>
      tpu.enqueue_dma source(%arg9 : memref<64x128xf32, #tpu.memory_space<vmem>>) target(%dma_start3A_65 : memref<64x128xf32, #tpu.memory_space<hbm>>) target_semaphore(%run_scoped3A : memref<!tpu.dma_semaphore, #tpu.memory_space<semaphore_mem>>)
      %dma_wait3A = arith.constant 0 : i32
      %dma_wait3A_66 = tpu.memref_slice %arg6[%arg0, %add3A_60, %dma_wait3A] : memref<2x10240x128xf32, #tpu.memory_space<hbm>> -> memref<1x64x128xf32, #tpu.memory_space<hbm>>
      %dma_wait3A_67 = tpu.memref_squeeze %dma_wait3A_66 : memref<1x64x128xf32, #tpu.memory_space<hbm>> -> memref<64x128xf32, #tpu.memory_space<hbm>>
      %dma_wait3A_68 = arith.constant 0 : i32
      %dma_wait3A_69 = tpu.memref_slice %arg6[%arg0, %add3A_60, %dma_wait3A_68] : memref<2x10240x128xf32, #tpu.memory_space<hbm>> -> memref<1x64x128xf32, #tpu.memory_space<hbm>>
      %dma_wait3A_70 = tpu.memref_squeeze %dma_wait3A_69 : memref<1x64x128xf32, #tpu.memory_space<hbm>> -> memref<64x128xf32, #tpu.memory_space<hbm>>
      tpu.wait_dma2 semaphore(%run_scoped3A : memref<!tpu.dma_semaphore, #tpu.memory_space<semaphore_mem>>) src(%arg9 : memref<64x128xf32, #tpu.memory_space<vmem>>) dst(%dma_wait3A_70 : memref<64x128xf32, #tpu.memory_space<hbm>>)
      tpu.yield
    }) : () -> ()
    return
  }
}

module attributes {stable_mosaic.version = 14 : i64} {
  func.func @_mm_pack_body(%arg0: i32, %arg1: memref<2000x128xf32, #tpu.memory_space<vmem>>, %arg2: memref<128x512xf32, #tpu.memory_space<vmem>>, %arg3: memref<128x512xf32, #tpu.memory_space<vmem>>, %arg4: memref<1x512xf32, #tpu.memory_space<vmem>>, %arg5: memref<1x512xf32, #tpu.memory_space<vmem>>, %arg6: memref<1000x128xf32, #tpu.memory_space<vmem>>, %arg7: memref<128x128xf32, #tpu.memory_space<vmem>>, %arg8: memref<2000x512xi32, #tpu.memory_space<vmem>>, %arg9: memref<1000x128xf32, #tpu.memory_space<vmem>>) attributes {dimension_semantics = [#tpu.dimension_semantics<arbitrary>], iteration_bounds = array<i64: 20>, scalar_prefetch = 0 : i64, scratch_operands = 0 : i64, tpu.core_type = #tpu.core_type<tc>, window_params = [{transform_indices = @transform_0, window_bounds = array<i64: 2000, 128>}, {pipeline_mode = #tpu.pipeline_mode<synchronous>, transform_indices = @transform_1, window_bounds = array<i64: 128, 512>}, {pipeline_mode = #tpu.pipeline_mode<synchronous>, transform_indices = @transform_2, window_bounds = array<i64: 128, 512>}, {pipeline_mode = #tpu.pipeline_mode<synchronous>, transform_indices = @transform_3, window_bounds = array<i64: 1, 512>}, {pipeline_mode = #tpu.pipeline_mode<synchronous>, transform_indices = @transform_4, window_bounds = array<i64: 1, 512>}, {transform_indices = @transform_5, window_bounds = array<i64: 1000, 128>}, {pipeline_mode = #tpu.pipeline_mode<synchronous>, transform_indices = @transform_6, window_bounds = array<i64: 128, 128>}, {transform_indices = @transform_7, window_bounds = array<i64: 2000, 512>}, {transform_indices = @transform_8, window_bounds = array<i64: 1000, 128>}]} {
    %get3A = arith.constant 0 : index
    %get3A_0 = arith.constant 0 : index
    %get3A_1 = vector.load %arg1[%get3A, %get3A_0] : memref<2000x128xf32, #tpu.memory_space<vmem>>, vector<2000x128xf32>
    %get3A_2 = arith.constant 0 : index
    %get3A_3 = arith.constant 0 : index
    %get3A_4 = vector.load %arg2[%get3A_2, %get3A_3] : memref<128x512xf32, #tpu.memory_space<vmem>>, vector<128x512xf32>
    %dot_general3A = arith.constant dense<0.000000e+00> : vector<2000x512xf32>
    %dot_general3A_5 = tpu.matmul %get3A_1, %get3A_4, %dot_general3A {dimension_numbers = #tpu.dot_dimension_numbers<[1], [0], [0], [1], [0, 0, 1, 1], [], []>, transpose_lhs_hint = false} : vector<2000x128xf32>, vector<128x512xf32>, vector<2000x512xf32> -> vector<2000x512xf32>
    %get3A_6 = arith.constant 0 : index
    %get3A_7 = arith.constant 0 : index
    %get3A_8 = vector.load %arg4[%get3A_6, %get3A_7] : memref<1x512xf32, #tpu.memory_space<vmem>>, vector<1x512xf32>
    %add3A = vector.broadcast %get3A_8 : vector<1x512xf32> to vector<2000x512xf32>
    %add3A_9 = arith.addf %dot_general3A_5, %add3A : vector<2000x512xf32>
    %get3A_10 = arith.constant 0 : index
    %get3A_11 = arith.constant 0 : index
    %get3A_12 = vector.load %arg3[%get3A_10, %get3A_11] : memref<128x512xf32, #tpu.memory_space<vmem>>, vector<128x512xf32>
    %dot_general3A_13 = arith.constant dense<0.000000e+00> : vector<2000x512xf32>
    %dot_general3A_14 = tpu.matmul %get3A_1, %get3A_12, %dot_general3A_13 {dimension_numbers = #tpu.dot_dimension_numbers<[1], [0], [0], [1], [0, 0, 1, 1], [], []>, transpose_lhs_hint = false} : vector<2000x128xf32>, vector<128x512xf32>, vector<2000x512xf32> -> vector<2000x512xf32>
    %get3A_15 = arith.constant 0 : index
    %get3A_16 = arith.constant 0 : index
    %get3A_17 = vector.load %arg5[%get3A_15, %get3A_16] : memref<1x512xf32, #tpu.memory_space<vmem>>, vector<1x512xf32>
    %add3A_18 = vector.broadcast %get3A_17 : vector<1x512xf32> to vector<2000x512xf32>
    %add3A_19 = arith.addf %dot_general3A_14, %add3A_18 : vector<2000x512xf32>
    %bitcast_convert_type3A = tpu.bitcast %add3A_9 : vector<2000x512xf32> -> vector<2000x512xi32>
    %add3A_20 = arith.constant 32767 : i32
    %add3A_21 = vector.broadcast %add3A_20 : i32 to vector<2000x512xi32>
    %add3A_22 = arith.addi %bitcast_convert_type3A, %add3A_21 : vector<2000x512xi32>
    %shift_right_logical3A = arith.constant 16 : i32
    %shift_right_logical3A_23 = vector.broadcast %shift_right_logical3A : i32 to vector<2000x512xi32>
    %shift_right_logical3A_24 = arith.shrui %bitcast_convert_type3A, %shift_right_logical3A_23 : vector<2000x512xi32>
    %and3A = arith.constant 1 : i32
    %and3A_25 = vector.broadcast %and3A : i32 to vector<2000x512xi32>
    %and3A_26 = arith.andi %shift_right_logical3A_24, %and3A_25 : vector<2000x512xi32>
    %add3A_27 = arith.addi %add3A_22, %and3A_26 : vector<2000x512xi32>
    %shift_right_logical3A_28 = arith.constant 16 : i32
    %shift_right_logical3A_29 = vector.broadcast %shift_right_logical3A_28 : i32 to vector<2000x512xi32>
    %shift_right_logical3A_30 = arith.shrui %add3A_27, %shift_right_logical3A_29 : vector<2000x512xi32>
    %bitcast_convert_type3A_31 = tpu.bitcast %add3A_19 : vector<2000x512xf32> -> vector<2000x512xi32>
    %add3A_32 = arith.constant 32767 : i32
    %add3A_33 = vector.broadcast %add3A_32 : i32 to vector<2000x512xi32>
    %add3A_34 = arith.addi %bitcast_convert_type3A_31, %add3A_33 : vector<2000x512xi32>
    %shift_right_logical3A_35 = arith.constant 16 : i32
    %shift_right_logical3A_36 = vector.broadcast %shift_right_logical3A_35 : i32 to vector<2000x512xi32>
    %shift_right_logical3A_37 = arith.shrui %bitcast_convert_type3A_31, %shift_right_logical3A_36 : vector<2000x512xi32>
    %and3A_38 = arith.constant 1 : i32
    %and3A_39 = vector.broadcast %and3A_38 : i32 to vector<2000x512xi32>
    %and3A_40 = arith.andi %shift_right_logical3A_37, %and3A_39 : vector<2000x512xi32>
    %add3A_41 = arith.addi %add3A_34, %and3A_40 : vector<2000x512xi32>
    %shift_right_logical3A_42 = arith.constant 16 : i32
    %shift_right_logical3A_43 = vector.broadcast %shift_right_logical3A_42 : i32 to vector<2000x512xi32>
    %shift_right_logical3A_44 = arith.shrui %add3A_41, %shift_right_logical3A_43 : vector<2000x512xi32>
    %shift_left3A = arith.constant 16 : i32
    %shift_left3A_45 = vector.broadcast %shift_left3A : i32 to vector<2000x512xi32>
    %shift_left3A_46 = arith.shli %shift_right_logical3A_44, %shift_left3A_45 : vector<2000x512xi32>
    %or3A = arith.ori %shift_right_logical3A_30, %shift_left3A_46 : vector<2000x512xi32>
    %bitcast_convert_type3A_47 = tpu.bitcast %or3A : vector<2000x512xi32> -> vector<2000x512xi32>
    %swap3A = arith.constant 0 : index
    %swap3A_48 = arith.constant 0 : index
    %swap3A_49 = vector.load %arg8[%swap3A, %swap3A_48] : memref<2000x512xi32, #tpu.memory_space<vmem>>, vector<2000x512xi32>
    tpu.vector_store %arg8[%swap3A, %swap3A_48], %bitcast_convert_type3A_47 {strides = array<i32>} : memref<2000x512xi32, #tpu.memory_space<vmem>>, vector<2000x512xi32>,
    %get3A_50 = arith.constant 0 : index
    %get3A_51 = arith.constant 0 : index
    %get3A_52 = vector.load %arg6[%get3A_50, %get3A_51] : memref<1000x128xf32, #tpu.memory_space<vmem>>, vector<1000x128xf32>
    %get3A_53 = arith.constant 0 : index
    %get3A_54 = arith.constant 0 : index
    %get3A_55 = vector.load %arg7[%get3A_53, %get3A_54] : memref<128x128xf32, #tpu.memory_space<vmem>>, vector<128x128xf32>
    %dot_general3A_56 = arith.constant dense<0.000000e+00> : vector<1000x128xf32>
    %dot_general3A_57 = tpu.matmul %get3A_52, %get3A_55, %dot_general3A_56 {dimension_numbers = #tpu.dot_dimension_numbers<[1], [0], [0], [1], [0, 0, 1, 1], [], []>, transpose_lhs_hint = false} : vector<1000x128xf32>, vector<128x128xf32>, vector<1000x128xf32> -> vector<1000x128xf32>
    %swap3A_58 = arith.constant 0 : index
    %swap3A_59 = arith.constant 0 : index
    %swap3A_60 = vector.load %arg9[%swap3A_58, %swap3A_59] : memref<1000x128xf32, #tpu.memory_space<vmem>>, vector<1000x128xf32>
    tpu.vector_store %arg9[%swap3A_58, %swap3A_59], %dot_general3A_57 {strides = array<i32>} : memref<1000x128xf32, #tpu.memory_space<vmem>>, vector<1000x128xf32>,
    return
  }
  func.func @transform_0(%arg0: i32) -> (i32, i32) {
    %c0_i32 = arith.constant 0 : i32
    %c0_i32_0 = arith.constant 0 : i32
    return %arg0, %c0_i32 : i32, i32
  }
  func.func @transform_1(%arg0: i32) -> (i32, i32) {
    %c0_i32 = arith.constant 0 : i32
    %c0_i32_0 = arith.constant 0 : i32
    %c0_i32_1 = arith.constant 0 : i32
    return %c0_i32, %c0_i32_0 : i32, i32
  }
  func.func @transform_2(%arg0: i32) -> (i32, i32) {
    %c0_i32 = arith.constant 0 : i32
    %c0_i32_0 = arith.constant 0 : i32
    %c0_i32_1 = arith.constant 0 : i32
    return %c0_i32, %c0_i32_0 : i32, i32
  }
  func.func @transform_3(%arg0: i32) -> (i32, i32) {
    %c0_i32 = arith.constant 0 : i32
    %c0_i32_0 = arith.constant 0 : i32
    %c0_i32_1 = arith.constant 0 : i32
    return %c0_i32, %c0_i32_0 : i32, i32
  }
  func.func @transform_4(%arg0: i32) -> (i32, i32) {
    %c0_i32 = arith.constant 0 : i32
    %c0_i32_0 = arith.constant 0 : i32
    %c0_i32_1 = arith.constant 0 : i32
    return %c0_i32, %c0_i32_0 : i32, i32
  }
  func.func @transform_5(%arg0: i32) -> (i32, i32) {
    %jit3A = arith.constant 10 : i32
    %eq3A = arith.constant 0 : i32
    %eq3A_0 = arith.cmpi eq, %jit3A, %eq3A : i32
    %jit3A_1 = arith.constant 1 : i32
    %select_n3A = arith.select %eq3A_0, %jit3A_1, %jit3A : i32
    %rem3A = arith.remsi %arg0, %select_n3A : i32
    %ne3A = arith.constant 0 : i32
    %ne3A_2 = arith.cmpi ne, %rem3A, %ne3A : i32
    %lt3A = arith.constant 0 : i32
    %lt3A_3 = arith.cmpi slt, %rem3A, %lt3A : i32
    %lt3A_4 = arith.constant 0 : i32
    %lt3A_5 = arith.cmpi slt, %select_n3A, %lt3A_4 : i32
    %ne3A_6 = arith.xori %lt3A_3, %lt3A_5 : i1
    %and3A = arith.andi %ne3A_6, %ne3A_2 : i1
    %add3A = arith.addi %rem3A, %select_n3A : i32
    %select_n3A_7 = arith.select %and3A, %add3A, %rem3A : i32
    %c0_i32 = arith.constant 0 : i32
    %c0_i32_8 = arith.constant 0 : i32
    return %select_n3A_7, %c0_i32 : i32, i32
  }
  func.func @transform_6(%arg0: i32) -> (i32, i32) {
    %c0_i32 = arith.constant 0 : i32
    %c0_i32_0 = arith.constant 0 : i32
    %c0_i32_1 = arith.constant 0 : i32
    return %c0_i32, %c0_i32_0 : i32, i32
  }
  func.func @transform_7(%arg0: i32) -> (i32, i32) {
    %c0_i32 = arith.constant 0 : i32
    %c0_i32_0 = arith.constant 0 : i32
    return %arg0, %c0_i32 : i32, i32
  }
  func.func @transform_8(%arg0: i32) -> (i32, i32) {
    %jit3A = arith.constant 10 : i32
    %eq3A = arith.constant 0 : i32
    %eq3A_0 = arith.cmpi eq, %jit3A, %eq3A : i32
    %jit3A_1 = arith.constant 1 : i32
    %select_n3A = arith.select %eq3A_0, %jit3A_1, %jit3A : i32
    %rem3A = arith.remsi %arg0, %select_n3A : i32
    %ne3A = arith.constant 0 : i32
    %ne3A_2 = arith.cmpi ne, %rem3A, %ne3A : i32
    %lt3A = arith.constant 0 : i32
    %lt3A_3 = arith.cmpi slt, %rem3A, %lt3A : i32
    %lt3A_4 = arith.constant 0 : i32
    %lt3A_5 = arith.cmpi slt, %select_n3A, %lt3A_4 : i32
    %ne3A_6 = arith.xori %lt3A_3, %lt3A_5 : i1
    %and3A = arith.andi %ne3A_6, %ne3A_2 : i1
    %add3A = arith.addi %rem3A, %select_n3A : i32
    %select_n3A_7 = arith.select %and3A, %add3A, %rem3A : i32
    %c0_i32 = arith.constant 0 : i32
    %c0_i32_8 = arith.constant 0 : i32
    return %select_n3A_7, %c0_i32 : i32, i32
  }
}

module attributes {stable_mosaic.version = 14 : i64} {
  func.func @_combine_body(%arg0: i32, %arg1: memref<2x1024x128xf32, #tpu.memory_space<vmem>>, %arg2: memref<32x1024xf32, #tpu.memory_space<vmem>>, %arg3: memref<1024x128xf32, #tpu.memory_space<vmem>>, %arg4: memref<128x128xf32, #tpu.memory_space<vmem>>, %arg5: memref<1x128xf32, #tpu.memory_space<vmem>>, %arg6: memref<1x128xf32, #tpu.memory_space<vmem>>, %arg7: memref<1x128xf32, #tpu.memory_space<vmem>>, %arg8: memref<1024x128xf32, #tpu.memory_space<vmem>>) attributes {dimension_semantics = [#tpu.dimension_semantics<arbitrary>], iteration_bounds = array<i64: 10>, scalar_prefetch = 0 : i64, scratch_operands = 0 : i64, tpu.core_type = #tpu.core_type<tc>, window_params = [{transform_indices = @transform_0, window_bounds = array<i64: 2, 1024, 128>}, {transform_indices = @transform_1, window_bounds = array<i64: 32, 1024>}, {transform_indices = @transform_2, window_bounds = array<i64: 1024, 128>}, {pipeline_mode = #tpu.pipeline_mode<synchronous>, transform_indices = @transform_3, window_bounds = array<i64: 128, 128>}, {pipeline_mode = #tpu.pipeline_mode<synchronous>, transform_indices = @transform_4, window_bounds = array<i64: 1, 128>}, {pipeline_mode = #tpu.pipeline_mode<synchronous>, transform_indices = @transform_5, window_bounds = array<i64: 1, 128>}, {pipeline_mode = #tpu.pipeline_mode<synchronous>, transform_indices = @transform_6, window_bounds = array<i64: 1, 128>}, {transform_indices = @transform_7, window_bounds = array<i64: 1024, 128>}]} {
    %get3A = arith.constant 0 : index
    %get3A_0 = arith.constant 0 : index
    %get3A_1 = arith.constant 0 : index
    %get3A_2 = vector.load %arg1[%get3A, %get3A_0, %get3A_1] : memref<2x1024x128xf32, #tpu.memory_space<vmem>>, vector<2x1024x128xf32>
    %slice3A = vector.extract_strided_slice %get3A_2 {offsets = [0, 0, 0], sizes = [1, 1024, 128], strides = [1, 1, 1]} : vector<2x1024x128xf32> to vector<1x1024x128xf32>
    %squeeze3A = vector.shape_cast %slice3A : vector<1x1024x128xf32> to vector<1024x128xf32>
    %slice3A_3 = vector.extract_strided_slice %get3A_2 {offsets = [1, 0, 0], sizes = [1, 1024, 128], strides = [1, 1, 1]} : vector<2x1024x128xf32> to vector<1x1024x128xf32>
    %squeeze3A_4 = vector.shape_cast %slice3A_3 : vector<1x1024x128xf32> to vector<1024x128xf32>
    %add3A = arith.addf %squeeze3A, %squeeze3A_4 : vector<1024x128xf32>
    %get3A_5 = arith.constant 0 : index
    %get3A_6 = arith.constant 0 : index
    %get3A_7 = vector.load %arg2[%get3A_5, %get3A_6] : memref<32x1024xf32, #tpu.memory_space<vmem>>, vector<32x1024xf32>
    %reduce_sum3A = arith.constant dense<0.000000e+00> : vector<1024xf32>
    %reduce_sum3A_8 = vector.multi_reduction <add>, %get3A_7, %reduce_sum3A [0] : vector<32x1024xf32> to vector<1024xf32>
    %broadcast_in_dim3A = vector.shape_cast %reduce_sum3A_8 : vector<1024xf32> to vector<1024x1xf32>
    %get3A_9 = arith.constant 0 : index
    %get3A_10 = arith.constant 0 : index
    %get3A_11 = vector.load %arg6[%get3A_9, %get3A_10] : memref<1x128xf32, #tpu.memory_space<vmem>>, vector<1x128xf32>
    %sqrt3A = arith.constant 1.000010e+00 : f32
    %sqrt3A_12 = math.sqrt %sqrt3A : f32
    %div3A = arith.constant 1.000000e+00 : f32
    %div3A_13 = arith.divf %div3A, %sqrt3A_12 : f32
    %mul3A = vector.broadcast %div3A_13 : f32 to vector<1x128xf32>
    %mul3A_14 = arith.mulf %get3A_11, %mul3A : vector<1x128xf32>
    %gt3A = arith.constant 0.000000e+00 : f32
    %gt3A_15 = vector.broadcast %gt3A : f32 to vector<1024x1xf32>
    %gt3A_16 = arith.cmpf ogt, %broadcast_in_dim3A, %gt3A_15 : vector<1024x1xf32>
    %max3A = arith.constant 1.000000e+00 : f32
    %max3A_17 = vector.broadcast %max3A : f32 to vector<1024x1xf32>
    %max3A_18 = arith.maximumf %broadcast_in_dim3A, %max3A_17 : vector<1024x1xf32>
    %div3A_19 = vector.broadcast %max3A_18 : vector<1024x1xf32> to vector<1024x128xf32>
    %div3A_20 = arith.divf %add3A, %div3A_19 : vector<1024x128xf32>
    %mul3A_21 = vector.broadcast %mul3A_14 : vector<1x128xf32> to vector<1024x128xf32>
    %mul3A_22 = arith.mulf %div3A_20, %mul3A_21 : vector<1024x128xf32>
    %get3A_23 = arith.constant 0 : index
    %get3A_24 = arith.constant 0 : index
    %get3A_25 = vector.load %arg7[%get3A_23, %get3A_24] : memref<1x128xf32, #tpu.memory_space<vmem>>, vector<1x128xf32>
    %add3A_26 = vector.broadcast %get3A_25 : vector<1x128xf32> to vector<1024x128xf32>
    %add3A_27 = arith.addf %mul3A_22, %add3A_26 : vector<1024x128xf32>
    %jit3A = arith.constant 0.000000e+00 : f32
    %broadcast_in_dim3A_28 = vector.shape_cast %gt3A_16 : vector<1024x1xi1> to vector<1024x1xi1>
    %broadcast_in_dim3A_29 = vector.broadcast %broadcast_in_dim3A_28 : vector<1024x1xi1> to vector<1024x128xi1>
    %broadcast_in_dim3A_30 = vector.broadcast %jit3A : f32 to vector<1024x128xf32>
    %select_n3A = arith.select %broadcast_in_dim3A_29, %add3A_27, %broadcast_in_dim3A_30 : vector<1024x128xi1>, vector<1024x128xf32>
    %get3A_31 = arith.constant 0 : index
    %get3A_32 = arith.constant 0 : index
    %get3A_33 = vector.load %arg3[%get3A_31, %get3A_32] : memref<1024x128xf32, #tpu.memory_space<vmem>>, vector<1024x128xf32>
    %get3A_34 = arith.constant 0 : index
    %get3A_35 = arith.constant 0 : index
    %get3A_36 = vector.load %arg4[%get3A_34, %get3A_35] : memref<128x128xf32, #tpu.memory_space<vmem>>, vector<128x128xf32>
    %dot_general3A = arith.constant dense<0.000000e+00> : vector<1024x128xf32>
    %dot_general3A_37 = tpu.matmul %get3A_33, %get3A_36, %dot_general3A {dimension_numbers = #tpu.dot_dimension_numbers<[1], [0], [0], [1], [0, 0, 1, 1], [], []>, transpose_lhs_hint = false} : vector<1024x128xf32>, vector<128x128xf32>, vector<1024x128xf32> -> vector<1024x128xf32>
    %get3A_38 = arith.constant 0 : index
    %get3A_39 = arith.constant 0 : index
    %get3A_40 = vector.load %arg5[%get3A_38, %get3A_39] : memref<1x128xf32, #tpu.memory_space<vmem>>, vector<1x128xf32>
    %add3A_41 = vector.broadcast %get3A_40 : vector<1x128xf32> to vector<1024x128xf32>
    %add3A_42 = arith.addf %dot_general3A_37, %add3A_41 : vector<1024x128xf32>
    %add3A_43 = arith.addf %select_n3A, %add3A_42 : vector<1024x128xf32>
    %swap3A = arith.constant 0 : index
    %swap3A_44 = arith.constant 0 : index
    %swap3A_45 = vector.load %arg8[%swap3A, %swap3A_44] : memref<1024x128xf32, #tpu.memory_space<vmem>>, vector<1024x128xf32>
    tpu.vector_store %arg8[%swap3A, %swap3A_44], %add3A_43 {strides = array<i32>} : memref<1024x128xf32, #tpu.memory_space<vmem>>, vector<1024x128xf32>,
    return
  }
  func.func @transform_0(%arg0: i32) -> (i32, i32, i32) {
    %c0_i32 = arith.constant 0 : i32
    %c0_i32_0 = arith.constant 0 : i32
    %c0_i32_1 = arith.constant 0 : i32
    return %c0_i32, %arg0, %c0_i32_0 : i32, i32, i32
  }
  func.func @transform_1(%arg0: i32) -> (i32, i32) {
    %c0_i32 = arith.constant 0 : i32
    %c0_i32_0 = arith.constant 0 : i32
    return %c0_i32, %arg0 : i32, i32
  }
  func.func @transform_2(%arg0: i32) -> (i32, i32) {
    %c0_i32 = arith.constant 0 : i32
    %c0_i32_0 = arith.constant 0 : i32
    return %arg0, %c0_i32 : i32, i32
  }
  func.func @transform_3(%arg0: i32) -> (i32, i32) {
    %c0_i32 = arith.constant 0 : i32
    %c0_i32_0 = arith.constant 0 : i32
    %c0_i32_1 = arith.constant 0 : i32
    return %c0_i32, %c0_i32_0 : i32, i32
  }
  func.func @transform_4(%arg0: i32) -> (i32, i32) {
    %c0_i32 = arith.constant 0 : i32
    %c0_i32_0 = arith.constant 0 : i32
    %c0_i32_1 = arith.constant 0 : i32
    return %c0_i32, %c0_i32_0 : i32, i32
  }
  func.func @transform_5(%arg0: i32) -> (i32, i32) {
    %c0_i32 = arith.constant 0 : i32
    %c0_i32_0 = arith.constant 0 : i32
    %c0_i32_1 = arith.constant 0 : i32
    return %c0_i32, %c0_i32_0 : i32, i32
  }
  func.func @transform_6(%arg0: i32) -> (i32, i32) {
    %c0_i32 = arith.constant 0 : i32
    %c0_i32_0 = arith.constant 0 : i32
    %c0_i32_1 = arith.constant 0 : i32
    return %c0_i32, %c0_i32_0 : i32, i32
  }
  func.func @transform_7(%arg0: i32) -> (i32, i32) {
    %c0_i32 = arith.constant 0 : i32
    %c0_i32_0 = arith.constant 0 : i32
    return %arg0, %c0_i32 : i32, i32
  }
}

</mosaic_0001>

<sc_bundles>
// kernel: kernel.5.cloned.1.call-start
scs
__scs_entry_jumppad:
0x0: {  	(pc) =	sbr.rel $0x88, $3  }
0x1: {  	(tag) =	ssettag $0x0;
	lr =	simm.s32 $0x1  }
0x2: {  	[smem:$0x3F98] =	sst lr;
	_ =	strace $0xD0000000  }
0x3: {  	_ = 	snop  }
0x4: {  	_ = 	snop  }
0x5: {  	_ = 	snop  }
0x6: {  	_ = 	snop  }
0x7: {  	_ = 	snop  }
__scs_overlays_trampoline_lowered:
0x8: {  	[smem:$0x3FA7] =	sst s0  }
0x9: {  	[smem:$0x3FA8] =	sst s1  }
0xa: {  	[smem:$0x3FA9] =	sst s2  }
0xb: {  	[smem:$0x3FAA] =	sst s3  }
0xc: {  	[smem:$0x3FAB] =	sst s4  }
0xd: {  	[smem:$0x3FAC] =	sst s5  }
0xe: {  	[smem:$0x3FAD] =	sst s6  }
0xf: {  	[smem:$0x3FAE] =	sst s7  }
0x10: {  	[smem:$0x3FAF] =	sst s8  }
0x11: {  	[smem:$0x3FB0] =	sst s9;
	s0 =	simm.s32 @!p0 $0x0  }
0x12: {  	s1 =	sld [smem:$0x3F96];
	s0 =	simm.s32 @p0 $0x1  }
0x13: {  	[smem:$0x3FB1] =	sst s0;
	s0 =	simm.s32 @!p1 $0x0  }
0x14: {  	s2 =	sld [smem:$0x3F95];
	s0 =	simm.s32 @p1 $0x1  }
0x15: {  	[smem:$0x3FB2] =	sst s0;
	s0 =	simm.s32 @!p2 $0x0  }
0x16: {  	s3 =	sld [smem:$0x3FDB];
	s0 =	simm.s32 @p2 $0x1  }
0x17: {  	s4 =	simm.s32 $0x1BF5;
	[smem:$0x3FB4] =	sst s0  }
0x18: {  	s0 =	sld [smem:$0x3F97];
	_ =	swait.ge [sflag:s4], $0x0  }
0x19: {  	s7 =	sld [smem:$0x3F98]  }
0x1a: {  	s8 =	sadd.s32 $0xFFFFE003, lr  }
0x1b: {  	s9 =	sadd.s32 $0xFFFFFEF7, lr;
	s5 =	simm.s32 $0xFFFFFFFF;
	p2 =	slt.u32 s8, $0xFFFFF086  }
0x1c: {  	p1 =	slt.u32 s9, $0xF7A;
	s5 =	simm.s32 @!p2 $0x0  }
0x1d: {  	s5 =	simm.s32 @p1 $0x1;
	p0 =	seq.s32 s7, s2  }
0x1e: {  	s7 =	smul.u32 @!p0 $0xF7A, s2;
	p2 =	seq.s32 @!p0 s5, $0x0  }
0x1f: {  	s9 =	smul.u32 $0xF7A, s1;
	s8 =	simm.s32 @!p0 $0x1BF5;
	p2 =	por !p2, p0  }
0x20: {  	[sflag:s8] =	ssyncset.s32 @!p0 $0xFFFFF086;
	s6 =	sadd.s32 @!p0 s3, s7;
	s7 =	simm.s32 @!p0 $0x108  }
0x21: {  	s3 =	sadd.s32 s3, s9;
	s6 =	sadd.s32 @!p0 $0x88, s6;
	s7 =	simm.s32 @p2 $0x1082  }
0x22: {  	[simem:s7], [sflag:s8] =	dma.local @!p0 [hbm:s6], $0xF7A  }
0x23: {  	s9 =	sor.u32 $0xD0000000, s2;
	s6 =	simm.s32 $0x108;
	_ =	swait.ge @!p0 [sflag:s8], $0x0  }
0x24: {  	s3 =	sadd.s32 $0x88, s3;
	s6 =	simm.s32 @!p1 $0x1082;
	[sflag:s4] =	ssyncset.s32 $0xFFFFF086  }
0x25: {  	[simem:s6], [sflag:s4] =	dma.local [hbm:s3], $0xF7A  }
0x26: {  	[smem:$0x3F98] =	sst s1;
	(tag) =	ssettag s2;
	_ =	strace s9  }
0x27: {  	s1 =	sld [smem:$0x3FA8]  }
0x28: {  	s2 =	sld [smem:$0x3FA9]  }
0x29: {  	s4 =	sld [smem:$0x3FAB]  }
0x2a: {  	p0 =	seq.s32 s5, $0x0;
	s5 =	sld [smem:$0x3FAC]  }
0x2b: {  	s6 =	sld [smem:$0x3FAD]  }
0x2c: {  	s7 =	sld [smem:$0x3FAE]  }
0x2d: {  	s3 =	simm.s32 $0x108;
	s8 =	sld [smem:$0x3FAF]  }
0x2e: {  	s3 =	simm.s32 @!p0 $0x1082;
	s9 =	sld [smem:$0x3FB0]  }
0x2f: {  	lr =	sadd.s32 s0, s3;
	s0 =	sld [smem:$0x3FA7]  }
0x30: {  	s3 =	sld [smem:$0x3FAA]  }
0x31: {  	[smem:$0x3FB3] =	sst s10  }
0x32: {  	s10 =	sld [smem:$0x3FB1];
	_ =	sdelay $0x3  }
0x33: {  	p0 =	seq.s32 s10, $0x1;
	s10 =	sld [smem:$0x3FB3];
	_ =	sdelay $0x3  }
0x34: {  	[smem:$0x3FB3] =	sst s10  }
0x35: {  	s10 =	sld [smem:$0x3FB2];
	_ =	sdelay $0x3  }
0x36: {  	p1 =	seq.s32 s10, $0x1;
	s10 =	sld [smem:$0x3FB3];
	_ =	sdelay $0x3  }
0x37: {  	[smem:$0x3FB3] =	sst s10  }
0x38: {  	s10 =	sld [smem:$0x3FB4]  }
0x39: {  	_ = 	snop;
	(pc) =	sbr.ind lr, $3  }
0x3a: {  	_ = 	snop  }
0x3b: {  	_ = 	snop  }
0x3c: {  	p2 =	seq.s32 s10, $0x1;
	s10 =	sld [smem:$0x3FB3]  }
0x3d: {  	_ =	shalt  }
0x3e: {  	_ =	shalt  }
0x3f: {  	_ =	shalt  }
0x40: {  	_ =	shalt  }
0x41: {  	_ =	shalt  }
0x42: {  	_ =	shalt  }
0x43: {  	_ =	shalt  }
0x44: {  	_ =	shalt  }
0x45: {  	_ =	shalt  }
0x46: {  	_ =	shalt  }
0x47: {  	_ =	shalt  }
0x48: {  	_ =	shalt  }
0x49: {  	_ =	shalt  }
0x4a: {  	_ =	shalt  }
0x4b: {  	_ =	shalt  }
0x4c: {  	_ =	shalt  }
0x4d: {  	_ =	shalt  }
0x4e: {  	_ =	shalt  }
0x4f: {  	_ =	shalt  }
0x50: {  	_ =	shalt  }
0x51: {  	_ =	shalt  }
0x52: {  	_ =	shalt  }
0x53: {  	_ =	shalt  }
0x54: {  	_ =	shalt  }
0x55: {  	_ =	shalt  }
0x56: {  	_ =	shalt  }
0x57: {  	_ =	shalt  }
0x58: {  	_ =	shalt  }
0x59: {  	_ =	shalt  }
0x5a: {  	_ =	shalt  }
0x5b: {  	_ =	shalt  }
0x5c: {  	_ =	shalt  }
0x5d: {  	_ =	shalt  }
0x5e: {  	_ =	shalt  }
0x5f: {  	_ =	shalt  }
0x60: {  	_ =	shalt  }
0x61: {  	_ =	shalt  }
0x62: {  	_ =	shalt  }
0x63: {  	_ =	shalt  }
0x64: {  	_ =	shalt  }
0x65: {  	_ =	shalt  }
0x66: {  	_ =	shalt  }
0x67: {  	_ =	shalt  }
0x68: {  	_ =	shalt  }
0x69: {  	_ =	shalt  }
0x6a: {  	_ =	shalt  }
0x6b: {  	_ =	shalt  }
0x6c: {  	_ =	shalt  }
0x6d: {  	_ =	shalt  }
0x6e: {  	_ =	shalt  }
0x6f: {  	_ =	shalt  }
0x70: {  	_ =	shalt  }
0x71: {  	_ =	shalt  }
0x72: {  	_ =	shalt  }
0x73: {  	_ =	shalt  }
0x74: {  	_ =	shalt  }
0x75: {  	_ =	shalt  }
0x76: {  	_ =	shalt  }
0x77: {  	_ =	shalt  }
0x78: {  	_ =	shalt  }
0x79: {  	_ =	shalt  }
0x7a: {  	_ =	shalt  }
0x7b: {  	_ =	shalt  }
0x7c: {  	_ =	shalt  }
0x7d: {  	_ =	shalt  }
0x7e: {  	_ =	shalt  }
0x7f: {  	_ =	shalt  }
0x80: {  	_ =	shalt  }
0x81: {  	_ =	shalt  }
0x82: {  	_ =	shalt  }
0x83: {  	_ =	shalt  }
0x84: {  	_ =	shalt  }
0x85: {  	_ =	shalt  }
0x86: {  	_ =	shalt  }
0x87: {  	_ =	shalt  }
.Lfunc_end0:
.L_simem_size_0:
called_computation_lowered:
.L_overlay_start_0:
0x88: {  	s2 =	sld [smem:$0x3FD9]  }
0x89: {  	s3 =	sld [smem:$0x3FFE];
	_ =	sdelay $0x1  }
0x8a: {  	s1 =	srdreg.scid  }
0x8b: {  	s0 =	sand.u32 $0x1, s1  }
0x8c: {  	s17 =	sshll.u32 s0, $0xA;
	s2 =	sadd.s32 s3, s2  }
0x8d: {  	s2 =	sadd.s32 s2, s17  }
0x8e: {  	[smem:$0x3FBF] =	sst s2  }
0x8f: {  	_ = 	snop  }
0x90: {  	s2 =	sld [smem:$0x3FD0];
	(tm) =	ssettm $0x1  }
0x91: {  	s18 =	sld [smem:$0x3FFB];
	_ =	sdelay $0x3  }
0x92: {  	_ =	strace s18  }
0x93: {  	s3 =	sld [smem:$0x3FFC];
	_ =	sdelay $0x3  }
0x94: {  	_ =	strace s3  }
0x95: {  	s3 =	sld [smem:$0x3FFD];
	_ =	sdelay $0x3  }
0x96: {  	_ =	strace s3  }
0x97: {  	_ =	strace $0x8FFFFFFF  }
0x98: {  	s19 =	sld [smem:$0x3FDB];
	_ =	sdelay $0x1  }
0x99: {  	s4 =	simm.s32 $_scs_section_size  }
0x9a: {  	s5 =	simm.s32 $_size__tile_overlayer_lowered;
	s6 =	simm.s32 $_tile_overlayer_lowered  }
0x9b: {  	s22 =	simm.s32 $0x1BFF;
	s21 =	sshll.u32 s6, $0x1;
	s3 =	sadd.s32 s4, s19  }
0x9c: {  	s7 =	simm.s32 $0x0;
	s20 =	sshll.u32 s5, $0x1;
	s5 =	sadd.s32 s21, s3  }
0x9d: {  	[timem:s7], [sflag:s22] =	dma.local [hbm:s5], s20  }
0x9e: {  	_ =	swait.ge [sflag:s22], s20  }
0x9f: {  	s4 =	ssub.s32 $0x0, s20;
	[sflag:s22] =	ssyncset.done $0x0  }
0xa0: {  	[sflag:s22] =	ssyncadd.s32 s4;
	_ =	sdelay $0x1  }
0xa1: {  	s23 =	simm.s32 $0x1B8B  }
0xa2: {  	_ =	swait.ge [sflag:s23], $0x1  }
0xa3: {  	[sflag:s23] =	ssyncset.done $0x0  }
0xa4: {  	s25 =	simm.s32 $0x1B8E;
	s24 =	sld [smem:$0x3FFE];
	[sflag:s23] =	ssyncadd.s32 $0xFFFFFFFF  }
0xa5: {  	s26 =	simm.s32 $execute0_lowered;
	[smem:$0x3FD2] =	sst s25  }
0xa6: {  	s5 =	sshll.u32 s26, $0x1;
	_ =	strace $0x80000046;
	[dreg:$0x1] =	wrdreg $0xFFFFFFFF  }
0xa7: {  	s28 =	simm.s32 $_size_execute0_lowered;
	s3 =	sadd.s32 s3, s5;
	[dreg:$0x0] =	wrdreg $0x0  }
0xa8: {  	s5 =	sshll.u32 s28, $0x1;
	[dreg:$0x2] =	wrdreg s3  }
0xa9: {  	[dreg:$0x3] =	wrdreg s5  }
0xaa: {  	[dreg:$0x4] =	wrdreg $0xC0  }
0xab: {  	_ =	task [dreg:s7], $0x5FFFF  }
0xac: {  	[dreg:$0x1] =	wrdreg $0xFFFFFFFF  }
0xad: {  	[dreg:$0x0] =	wrdreg $0x60  }
0xae: {  	[dreg:$0x2] =	wrdreg s2  }
0xaf: {  	[dreg:$0x3] =	wrdreg s24  }
0xb0: {  	[dreg:$0x4] =	wrdreg $0x0  }
0xb1: {  	[dreg:$0x5] =	wrdreg $0x9  }
0xb2: {  	_ =	task.clear_ibuf [dreg:s7], $0x6FFFF;
	_ =	strace $0x90000046  }
0xb3: {  	s29 =	simm.s32 $0x9;
	_ =	strace $0x80000048  }
0xb4: {  	_ =	swait.ge [sflag:s29], $0x1  }
0xb5: {  	[sflag:s29] =	ssyncadd.s32 $0xFFFFFFFF  }
0xb6: {  	_ =	strace $0x90000048  }
0xb7: {  	_ =	sfence  }
0xb8: {  	s30 =	sld [smem:$0x0];
	_ =	sdelay $0x2  }
0xb9: {  	s31 =	sshll.u32 s1, $0xD;
	s1 =	sshrl.u32 s1, $0x2  }
0xba: {  	s3 =	sand.u32 $0x4000, s31;
	s1 =	sadd.s32 s1, s30  }
0xbb: {  	s0 =	sor.u32 s3, s0;
	s1 =	sshll.u32 s1, $0x11  }
0xbc: {  	s0 =	sor.u32 s1, s0  }
0xbd: {  	s0 =	sadd.s32 $0x8F2B, s0  }
0xbe: {  	[sflag:s0] =	ssyncadd.remote.s32 $0x1  }
0xbf: {  	_ =	sfence.sel $0xFFFF  }
0xc0: {  	[dreg:$0x0] =	wrdreg $0xFFFFFFFF;
	(pc) =	sbr.abs _section_cstart, $3  }
0xc1: {  	[dreg:$0x1] =	wrdreg $0xFFFFFFFF  }
0xc2: {  	_ =	task.clear_ibuf [dreg:s7], $0x2FFFF;
	_ =	strace $0x9FFFFFFF  }
0xc3: {  	(tm) =	ssettm $0x7FFFFFFF  }
tec
execute0_lowered:
.L_overlay_start_1:
0x0: {  	(tag) =	ssettag $0x1  }
0x1: {  	s1 =	rddreg [dreg:$0x0];
	s2 =	srdreg.scid  }
0x2: {  	s18 =	stileid.u32;
	s0 =	rddreg [dreg:$0x1];
	s5 =	simm.s32 $0x0  }
0x3: {  	s31 =	simm.s32 $0x18000;
	s4 =	sand.u32 $0x1, s2;
	s20 =	sshll.u32 s18, $0x1  }
0x4: {  	s21 =	sshrl.u32 s18, $0x2;
	[smem:$0x7FF] =	sst s5;
	s7 =	smul.u32 $0x14000, s18  }
0x5: {  	s8 =	sadd.s32 $0x286C00, s0;
	p0 =	slt.u32 s18, $0x4;
	s2 =	smul.u32 $0x14000, s21  }
0x6: {  	s3 =	sor.u32 s4, s20;
	s6 =	ssub.s32 $0x2, s4;
	s4 =	smul.u32 $0x140000, s4  }
0x7: {  	s22 =	sshll.u32 s3, $0x7;
	s23 =	sshrl.u32 s6, $0x1;
	s9 =	sadd.s32 $0x4000, s7  }
0x8: {  	s10 =	sadd.s32 $0x6000, s7;
	s11 =	sadd.s32 $0x8000, s7;
	s12 =	sadd.s32 $0xA000, s7  }
0x9: {  	s14 =	sadd.s32 $0xC000, s7;
	s15 =	sadd.s32 $0xE000, s7;
	s20 =	sadd.s32 $0x10000, s7  }
0xa: {  	s5 =	sand.u32 $0x380, s22;
	s13 =	sadd.s32 s7, s4;
	s25 =	sadd.s32 s4, s9  }
0xb: {  	s26 =	sadd.s32 s4, s10;
	s17 =	sadd.s32 s4, s11;
	s19 =	sadd.s32 s4, s14  }
0xc: {  	s21 =	sadd.s32 s4, s15;
	s5 =	sor.u32 s2, s5;
	s2 =	ssub.s32 s6, s23  }
0xd: {  	s6 =	sor.u32 $0x2000, s7;
	s7 =	sadd.s32 $0x12000, s7;
	s13 =	sshrl.u32 s13, $0x3  }
0xe: {  	s29 =	sshrl.u32 s26, $0x3;
	s30 =	sshrl.u32 s17, $0x3;
	s17 =	sadd.s32 s4, s12  }
0xf: {  	s22 =	sshrl.u32 s19, $0x3;
	s23 =	sshrl.u32 s21, $0x3;
	s16 =	sadd.s32 s4, s6  }
0x10: {  	s19 =	sadd.s32 $0x2000, s0;
	s13 =	sadd.s32 s8, s13;
	s16 =	sshrl.u32 s16, $0x3  }
0x11: {  	[dreg:$0x4] =	wrdreg s13;
	s13 =	sshrl.u32 s25, $0x3;
	s25 =	sadd.s32 s4, s20  }
0x12: {  	s4 =	sadd.s32 s4, s7;
	s24 =	sadd.s32 s8, s16;
	s13 =	sadd.s32 s8, s13  }
0x13: {  	s16 =	sadd.s32 s8, s30;
	s26 =	sshrl.u32 s25, $0x3;
	[dreg:$0x5] =	wrdreg s24  }
0x14: {  	s4 =	sshrl.u32 s4, $0x3;
	s30 =	smul.u32 $0x50000, s18;
	[dreg:$0x6] =	wrdreg s13  }
0x15: {  	s18 =	simm.s32 $0x9D;
	s13 =	sadd.s32 s8, s29;
	[dreg:$0x8] =	wrdreg s16  }
0x16: {  	s24 =	sadd.s32 s8, s23;
	s16 =	sadd.s32 s8, s26;
	[dreg:$0x7] =	wrdreg s13  }
0x17: {  	s4 =	sadd.s32 s8, s4;
	s29 =	sshrl.u32 s5, $0x3;
	[dreg:$0xb] =	wrdreg s24  }
0x18: {  	s18 =	simm.s32 @!p0 $0x9C;
	s5 =	simm.s32 $0x14000;
	[dreg:$0xc] =	wrdreg s16  }
0x19: {  	s13 =	sshrl.u32 s17, $0x3;
	[dreg:$0xd] =	wrdreg s4;
	s4 =	sadd.s32 s29, s0  }
0x1a: {  	s16 =	sadd.s32 $0x15C00, s0;
	s17 =	sadd.s32 $0xBE00, s0;
	s13 =	sadd.s32 s8, s13  }
0x1b: {  	s0 =	sor.u32 $0x2, s18;
	[dreg:$0x9] =	wrdreg s13;
	s13 =	sadd.s32 s8, s22  }
0x1c: {  	s29 =	sadd.s32 $0x2D6C00, s4;
	s4 =	sadd.s32 $0x1, s18;
	[dreg:$0xa] =	wrdreg s13  }
0x1d: {  	s8 =	sshrl.u32 s30, $0x2;
	s30 =	smax.u32 s2, $0x1;
	s13 =	rddreg [dreg:$0x2]  }
0x1e: {  	_ =	strace $0x80000047;
	s24 =	sadd.s32 s8, s13;
	[dreg:$0x18] =	wrdreg s29  }
0x1f: {  	s25 =	sadd.s32 s6, s13;
	s11 =	sadd.s32 s11, s13;
	[dreg:$0x19] =	wrdreg s30  }
0x20: {  	s26 =	sadd.s32 s9, s13;
	s12 =	sadd.s32 s12, s13;
	[dreg:$0x12] =	wrdreg s11  }
0x21: {  	s28 =	sadd.s32 s10, s13;
	s14 =	sadd.s32 s14, s13;
	[dreg:$0x13] =	wrdreg s12  }
0x22: {  	s21 =	sadd.s32 s15, s13;
	s22 =	sadd.s32 s20, s13;
	[dreg:$0x14] =	wrdreg s14  }
0x23: {  	s23 =	sadd.s32 s7, s13;
	s6 =	simm.s32 $0xA;
	[dreg:$0x15] =	wrdreg s21  }
0x24: {  	s7 =	simm.s32 $0x5;
	s8 =	simm.s32 $0x1D300;
	[dreg:$0x16] =	wrdreg s22  }
.Ltmp0:
0x25: {  	s9 =	simm.s32 $0x40;
	[dreg:$0x17] =	wrdreg s23;
	(pc) =	sbr.rel .LBB2_1-.Ltmp0, $4  }
0x26: {  	s10 =	simm.s32 $0x1D200;
	s15 =	simm.s32 $0x1D280;
	[dreg:$0xe] =	wrdreg s24  }
0x27: {  	s20 =	simm.s32 $0x4;
	s11 =	simm.s32 $0x16000;
	[dreg:$0xf] =	wrdreg s25  }
0x28: {  	s14 =	simm.s32 $0x6;
	s12 =	simm.s32 $0x9;
	[dreg:$0x10] =	wrdreg s26  }
0x29: {  	v0 =	vimm.f32 $0.0e+00;
	s21 =	simm.s32 $0x1D180;
	s22 =	simm.s32 $0x0;
	[dreg:$0x11] =	wrdreg s28  }
.LBB2_19:
0x2a: {  	s2 =	rddreg [dreg:$0x18];
	s23 =	simm.s32 $0x80;
	s24 =	simm.s32 $0x400  }
0x2b: {  	[hbm4b:s2+s23] =	stream.strided.scatter [tilespmem:s8], [sflag:$0xA], $0x2800, s24, s23, $0x38;
	[tilespmem:$0x1FB00] =	vst v63  }
0x2c: {  	_ =	swait.ge [sflag:s6], $0x2800  }
0x2d: {  	[sflag:s6] =	ssyncset.done $0x0  }
0x2e: {  	[sflag:s6] =	ssyncadd.s32 $0xFFFFD800  }
0x2f: {  	[bflag:$0x0] =	sbarrier.arrive $0xFFFF  }
0x30: {  	s24 =	rddreg [dreg:$0xe]  }
0x31: {  	[tilespmem:s5], [sflag:$0xA] =	stream.linear.gather [spmem:s24], $0x2000, $0x38;
	[tilespmem:$0x1FB00] =	vst v63  }
0x32: {  	_ =	swait.ge [sflag:s6], $0x2000  }
0x33: {  	[sflag:s6] =	ssyncset.done $0x0  }
0x34: {  	s2 =	simm.s32 $0x0;
	s26 =	rddreg [dreg:$0x4];
	[sflag:s6] =	ssyncadd.s32 $0xFFFFE000  }
0x35: {  	[hbm4b:s26+s2] =	stream.linear.scatter [tilespmem:s5], [sflag:$0xA], $0x2000, $0x38;
	[tilespmem:$0x1FB00] =	vst v63  }
0x36: {  	_ =	swait.ge [sflag:s6], $0x2000  }
0x37: {  	[sflag:s6] =	ssyncset.done $0x0  }
0x38: {  	s25 =	rddreg [dreg:$0xf];
	[sflag:s6] =	ssyncadd.s32 $0xFFFFE000  }
0x39: {  	[tilespmem:s5], [sflag:$0xA] =	stream.linear.gather [spmem:s25], $0x2000, $0x38;
	[tilespmem:$0x1FB00] =	vst v63  }
0x3a: {  	_ =	swait.ge [sflag:s6], $0x2000  }
0x3b: {  	[sflag:s6] =	ssyncset.done $0x0  }
0x3c: {  	s29 =	rddreg [dreg:$0x5];
	[sflag:s6] =	ssyncadd.s32 $0xFFFFE000  }
0x3d: {  	[hbm4b:s29+s2] =	stream.linear.scatter [tilespmem:s5], [sflag:$0xA], $0x2000, $0x38;
	[tilespmem:$0x1FB00] =	vst v63  }
0x3e: {  	_ =	swait.ge [sflag:s6], $0x2000  }
0x3f: {  	[sflag:s6] =	ssyncset.done $0x0  }
0x40: {  	s26 =	rddreg [dreg:$0x10];
	[sflag:s6] =	ssyncadd.s32 $0xFFFFE000  }
0x41: {  	[tilespmem:s5], [sflag:$0xA] =	stream.linear.gather [spmem:s26], $0x2000, $0x38;
	[tilespmem:$0x1FB00] =	vst v63  }
0x42: {  	_ =	swait.ge [sflag:s6], $0x2000  }
0x43: {  	[sflag:s6] =	ssyncset.done $0x0  }
0x44: {  	s30 =	rddreg [dreg:$0x6];
	[sflag:s6] =	ssyncadd.s32 $0xFFFFE000  }
0x45: {  	[hbm4b:s30+s2] =	stream.linear.scatter [tilespmem:s5], [sflag:$0xA], $0x2000, $0x38;
	[tilespmem:$0x1FB00] =	vst v63  }
0x46: {  	_ =	swait.ge [sflag:s6], $0x2000  }
0x47: {  	[sflag:s6] =	ssyncset.done $0x0  }
0x48: {  	s28 =	rddreg [dreg:$0x11];
	[sflag:s6] =	ssyncadd.s32 $0xFFFFE000  }
0x49: {  	[tilespmem:s5], [sflag:$0xA] =	stream.linear.gather [spmem:s28], $0x2000, $0x38;
	[tilespmem:$0x1FB00] =	vst v63  }
0x4a: {  	_ =	swait.ge [sflag:s6], $0x2000  }
0x4b: {  	[sflag:s6] =	ssyncset.done $0x0  }
0x4c: {  	s29 =	rddreg [dreg:$0x7];
	[sflag:s6] =	ssyncadd.s32 $0xFFFFE000  }
0x4d: {  	[hbm4b:s29+s2] =	stream.linear.scatter [tilespmem:s5], [sflag:$0xA], $0x2000, $0x38;
	[tilespmem:$0x1FB00] =	vst v63  }
0x4e: {  	_ =	swait.ge [sflag:s6], $0x2000  }
0x4f: {  	[sflag:s6] =	ssyncset.done $0x0  }
0x50: {  	s30 =	rddreg [dreg:$0x12];
	[sflag:s6] =	ssyncadd.s32 $0xFFFFE000  }
0x51: {  	[tilespmem:s5], [sflag:$0xA] =	stream.linear.gather [spmem:s30], $0x2000, $0x38;
	[tilespmem:$0x1FB00] =	vst v63  }
0x52: {  	_ =	swait.ge [sflag:s6], $0x2000  }
0x53: {  	[sflag:s6] =	ssyncset.done $0x0  }
0x54: {  	s29 =	rddreg [dreg:$0x8];
	[sflag:s6] =	ssyncadd.s32 $0xFFFFE000  }
0x55: {  	[hbm4b:s29+s2] =	stream.linear.scatter [tilespmem:s5], [sflag:$0xA], $0x2000, $0x38;
	[tilespmem:$0x1FB00] =	vst v63  }
0x56: {  	_ =	swait.ge [sflag:s6], $0x2000  }
0x57: {  	[sflag:s6] =	ssyncset.done $0x0  }
0x58: {  	s30 =	rddreg [dreg:$0x13];
	[sflag:s6] =	ssyncadd.s32 $0xFFFFE000  }
0x59: {  	[tilespmem:s5], [sflag:$0xA] =	stream.linear.gather [spmem:s30], $0x2000, $0x38;
	[tilespmem:$0x1FB00] =	vst v63  }
0x5a: {  	_ =	swait.ge [sflag:s6], $0x2000  }
0x5b: {  	[sflag:s6] =	ssyncset.done $0x0  }
0x5c: {  	s29 =	rddreg [dreg:$0x9];
	[sflag:s6] =	ssyncadd.s32 $0xFFFFE000  }
0x5d: {  	[hbm4b:s29+s2] =	stream.linear.scatter [tilespmem:s5], [sflag:$0xA], $0x2000, $0x38;
	[tilespmem:$0x1FB00] =	vst v63  }
0x5e: {  	_ =	swait.ge [sflag:s6], $0x2000  }
0x5f: {  	[sflag:s6] =	ssyncset.done $0x0  }
0x60: {  	s30 =	rddreg [dreg:$0x14];
	[sflag:s6] =	ssyncadd.s32 $0xFFFFE000  }
0x61: {  	[tilespmem:s5], [sflag:$0xA] =	stream.linear.gather [spmem:s30], $0x2000, $0x38;
	[tilespmem:$0x1FB00] =	vst v63  }
0x62: {  	_ =	swait.ge [sflag:s6], $0x2000  }
0x63: {  	[sflag:s6] =	ssyncset.done $0x0  }
0x64: {  	s29 =	rddreg [dreg:$0xa];
	[sflag:s6] =	ssyncadd.s32 $0xFFFFE000  }
0x65: {  	[hbm4b:s29+s2] =	stream.linear.scatter [tilespmem:s5], [sflag:$0xA], $0x2000, $0x38;
	[tilespmem:$0x1FB00] =	vst v63  }
0x66: {  	_ =	swait.ge [sflag:s6], $0x2000  }
0x67: {  	[sflag:s6] =	ssyncset.done $0x0  }
0x68: {  	s30 =	rddreg [dreg:$0x15];
	[sflag:s6] =	ssyncadd.s32 $0xFFFFE000  }
0x69: {  	[tilespmem:s5], [sflag:$0xA] =	stream.linear.gather [spmem:s30], $0x2000, $0x38;
	[tilespmem:$0x1FB00] =	vst v63  }
0x6a: {  	_ =	swait.ge [sflag:s6], $0x2000  }
0x6b: {  	[sflag:s6] =	ssyncset.done $0x0  }
0x6c: {  	s29 =	rddreg [dreg:$0xb];
	[sflag:s6] =	ssyncadd.s32 $0xFFFFE000  }
0x6d: {  	[hbm4b:s29+s2] =	stream.linear.scatter [tilespmem:s5], [sflag:$0xA], $0x2000, $0x38;
	[tilespmem:$0x1FB00] =	vst v63  }
0x6e: {  	_ =	swait.ge [sflag:s6], $0x2000  }
0x6f: {  	[sflag:s6] =	ssyncset.done $0x0  }
0x70: {  	s30 =	rddreg [dreg:$0x16];
	[sflag:s6] =	ssyncadd.s32 $0xFFFFE000  }
0x71: {  	[tilespmem:s5], [sflag:$0xA] =	stream.linear.gather [spmem:s30], $0x2000, $0x38;
	[tilespmem:$0x1FB00] =	vst v63  }
0x72: {  	_ =	swait.ge [sflag:s6], $0x2000  }
0x73: {  	[sflag:s6] =	ssyncset.done $0x0  }
0x74: {  	s29 =	rddreg [dreg:$0xc];
	[sflag:s6] =	ssyncadd.s32 $0xFFFFE000  }
0x75: {  	[hbm4b:s29+s2] =	stream.linear.scatter [tilespmem:s5], [sflag:$0xA], $0x2000, $0x38;
	[tilespmem:$0x1FB00] =	vst v63  }
0x76: {  	_ =	swait.ge [sflag:s6], $0x2000  }
0x77: {  	[sflag:s6] =	ssyncset.done $0x0  }
0x78: {  	s30 =	rddreg [dreg:$0x17];
	[sflag:s6] =	ssyncadd.s32 $0xFFFFE000  }
0x79: {  	[tilespmem:s5], [sflag:$0xA] =	stream.linear.gather [spmem:s30], $0x2000, $0x38;
	[tilespmem:$0x1FB00] =	vst v63  }
0x7a: {  	_ =	swait.ge [sflag:s6], $0x2000  }
0x7b: {  	[sflag:s6] =	ssyncset.done $0x0  }
0x7c: {  	s29 =	rddreg [dreg:$0xd];
	[sflag:s6] =	ssyncadd.s32 $0xFFFFE000  }
0x7d: {  	[hbm4b:s29+s2] =	stream.linear.scatter [tilespmem:s5], [sflag:$0xA], $0x2000, $0x38;
	[tilespmem:$0x1FB00] =	vst v63  }
0x7e: {  	_ =	swait.ge [sflag:s6], $0x2000  }
0x7f: {  	s22 =	sadd.s32 $0x1, s22;
	s30 =	rddreg [dreg:$0x19]  }
0x80: {  	p0 =	sne.s32 s22, s30  }
.Ltmp1:
0x81: {  	_ = 	snop;
	(pc) =	sbr.rel @!p0 .LBB2_20-.Ltmp1, $3  }
0x82: {  	_ =	sdelay $0x1  }
0x83: {  	[sflag:s6] =	ssyncset.done $0x0  }
0x84: {  	[sflag:s6] =	ssyncadd.s32 $0xFFFFE000  }
.LBB2_1:
0x85: {  	s2 =	simm.s32 $0x0;
	s23 =	simm.s32 $0x200  }
.LBB2_2:
0x86: {  	p0 =	sne.s32 s23, $0x7E00;
	[tilespmem:s2+$0x14070] =	vst v0  }
0x87: {  	[tilespmem:s2+$0x14000] =	vst v0  }
0x88: {  	[tilespmem:s2+$0x14010] =	vst v0  }
.Ltmp2:
0x89: {  	[tilespmem:s2+$0x14020] =	vst v0;
	(pc) =	sbr.rel @p0 .LBB2_2-.Ltmp2, $4  }
0x8a: {  	[tilespmem:s2+$0x14030] =	vst v0  }
0x8b: {  	[tilespmem:s2+$0x14040] =	vst v0  }
0x8c: {  	[tilespmem:s2+$0x14050] =	vst v0  }
0x8d: {  	[tilespmem:s2+$0x14060] =	vst v0;
	s2 =	sshra.s32 s23, $0x2;
	s23 =	sadd.s32 $0x200, s23  }
0x8e: {  	[tilespmem:s2+$0x14070] =	vst v0  }
0x8f: {  	[tilespmem:s2+$0x14000] =	vst v0  }
0x90: {  	[tilespmem:s2+$0x14010] =	vst v0  }
0x91: {  	[tilespmem:s2+$0x14020] =	vst v0  }
0x92: {  	[tilespmem:s2+$0x14030] =	vst v0  }
0x93: {  	[tilespmem:s2+$0x14040] =	vst v0  }
0x94: {  	[tilespmem:s2+$0x14050] =	vst v0  }
0x95: {  	[tilespmem:s2+$0x14060] =	vst v0  }
0x96: {  	[spmem:s24] =	stream.linear.scatter [tilespmem:s5], [sflag:$0xA], $0x2000, $0x38;
	[tilespmem:$0x1FB00] =	vst v63  }
0x97: {  	_ =	swait.ge [sflag:s6], $0x2000  }
0x98: {  	[sflag:s6] =	ssyncset.done $0x0  }
0x99: {  	[sflag:s6] =	ssyncadd.s32 $0xFFFFE000  }
0x9a: {  	[spmem:s25] =	stream.linear.scatter [tilespmem:s5], [sflag:$0xA], $0x2000, $0x38;
	[tilespmem:$0x1FB00] =	vst v63  }
0x9b: {  	_ =	swait.ge [sflag:s6], $0x2000  }
0x9c: {  	[sflag:s6] =	ssyncset.done $0x0  }
0x9d: {  	[sflag:s6] =	ssyncadd.s32 $0xFFFFE000  }
0x9e: {  	[spmem:s26] =	stream.linear.scatter [tilespmem:s5], [sflag:$0xA], $0x2000, $0x38;
	[tilespmem:$0x1FB00] =	vst v63  }
0x9f: {  	_ =	swait.ge [sflag:s6], $0x2000  }
0xa0: {  	[sflag:s6] =	ssyncset.done $0x0  }
0xa1: {  	[sflag:s6] =	ssyncadd.s32 $0xFFFFE000  }
0xa2: {  	[spmem:s28] =	stream.linear.scatter [tilespmem:s5], [sflag:$0xA], $0x2000, $0x38;
	[tilespmem:$0x1FB00] =	vst v63  }
0xa3: {  	_ =	swait.ge [sflag:s6], $0x2000  }
0xa4: {  	[sflag:s6] =	ssyncset.done $0x0  }
0xa5: {  	s24 =	rddreg [dreg:$0x12];
	[sflag:s6] =	ssyncadd.s32 $0xFFFFE000  }
0xa6: {  	[spmem:s24] =	stream.linear.scatter [tilespmem:s5], [sflag:$0xA], $0x2000, $0x38;
	[tilespmem:$0x1FB00] =	vst v63  }
0xa7: {  	_ =	swait.ge [sflag:s6], $0x2000  }
0xa8: {  	[sflag:s6] =	ssyncset.done $0x0  }
0xa9: {  	s25 =	rddreg [dreg:$0x13];
	[sflag:s6] =	ssyncadd.s32 $0xFFFFE000  }
0xaa: {  	[spmem:s25] =	stream.linear.scatter [tilespmem:s5], [sflag:$0xA], $0x2000, $0x38;
	[tilespmem:$0x1FB00] =	vst v63  }
0xab: {  	_ =	swait.ge [sflag:s6], $0x2000  }
0xac: {  	[sflag:s6] =	ssyncset.done $0x0  }
0xad: {  	s26 =	rddreg [dreg:$0x14];
	[sflag:s6] =	ssyncadd.s32 $0xFFFFE000  }
0xae: {  	[spmem:s26] =	stream.linear.scatter [tilespmem:s5], [sflag:$0xA], $0x2000, $0x38;
	[tilespmem:$0x1FB00] =	vst v63  }
0xaf: {  	_ =	swait.ge [sflag:s6], $0x2000  }
0xb0: {  	[sflag:s6] =	ssyncset.done $0x0  }
0xb1: {  	s28 =	rddreg [dreg:$0x15];
	[sflag:s6] =	ssyncadd.s32 $0xFFFFE000  }
0xb2: {  	[spmem:s28] =	stream.linear.scatter [tilespmem:s5], [sflag:$0xA], $0x2000, $0x38;
	[tilespmem:$0x1FB00] =	vst v63  }
0xb3: {  	_ =	swait.ge [sflag:s6], $0x2000  }
0xb4: {  	[sflag:s6] =	ssyncset.done $0x0  }
0xb5: {  	s29 =	rddreg [dreg:$0x16];
	[sflag:s6] =	ssyncadd.s32 $0xFFFFE000  }
0xb6: {  	[spmem:s29] =	stream.linear.scatter [tilespmem:s5], [sflag:$0xA], $0x2000, $0x38;
	[tilespmem:$0x1FB00] =	vst v63  }
0xb7: {  	_ =	swait.ge [sflag:s6], $0x2000  }
0xb8: {  	[sflag:s6] =	ssyncset.done $0x0  }
0xb9: {  	s30 =	rddreg [dreg:$0x17];
	[sflag:s6] =	ssyncadd.s32 $0xFFFFE000  }
0xba: {  	[spmem:s30] =	stream.linear.scatter [tilespmem:s5], [sflag:$0xA], $0x2000, $0x38;
	[tilespmem:$0x1FB00] =	vst v63  }
0xbb: {  	_ =	swait.ge [sflag:s6], $0x2000  }
0xbc: {  	[sflag:s6] =	ssyncset.done $0x0  }
0xbd: {  	s2 =	simm.s32 $0x40;
	s23 =	simm.s32 $0x0;
	[sflag:s6] =	ssyncadd.s32 $0xFFFFE000  }
.LBB2_4:
0xbe: {  	p0 =	sne.s32 s2, $0x9FC0;
	[tilespmem:s23+$0x1D300] =	vst v0;
	s23 =	smov.u32 s2;
	s2 =	sadd.s32 $0x40, s2  }
.Ltmp3:
0xbf: {  	(pc) =	sbr.rel @p0 .LBB2_4-.Ltmp3, $2  }
0xc0: {  	_ =	sdelay $0x2  }
0xc1: {  	s23 =	sshra.s32 s23, $0x2  }
.Ltmp4:
0xc2: {  	(pc) =	sbr.rel .LBB2_6-.Ltmp4, $4  }
0xc3: {  	_ = 	snop  }
0xc4: {  	[tilespmem:s23+$0x1D300] =	vst v0  }
0xc5: {  	[bflag:$0x0] =	sbarrier.arrive $0xFFFF  }
0xc6: {  	s23 =	simm.s32 $0x0  }
.LBB2_18:
0xc7: {  	s23 =	sadd.s32 $0x1, s23  }
0xc8: {  	p0 =	sne.s32 s23, $0x36  }
.Ltmp5:
0xc9: {  	_ = 	snop;
	(pc) =	sbr.rel @!p0 .LBB2_19-.Ltmp5, $1  }
0xca: {  	_ =	sdelay $0x3  }
.LBB2_6:
0xcb: {  	s24 =	smul.u32 $0x3, s23  }
0xcc: {  	p2 =	seq.s32 s23, $0x0  }
0xcd: {  	p0 =	sgt.u32 @!p2 s24, s0  }
0xce: {  	p1 =	por p0, p2;
	p0 =	sge.u32 s24, s18  }
0xcf: {  	s2 =	simm.s32 @!p1 $0x7;
	s25 =	smul.u32 @!p0 $0x60, s23  }
0xd0: {  	_ =	swait.ge @!p1 [sflag:s2], $0x2000  }
0xd1: {  	[sflag:s2] =	ssyncset.done @!p1 $0x0;
	s26 =	sor.u32 @!p0 s3, s25  }
0xd2: {  	p6 =	sne.s32 s23, $0x0;
	[sflag:s2] =	ssyncadd.s32 @!p1 $0xFFFFE000;
	s2 =	sshll.u32 @!p0 s26, $0x3  }
0xd3: {  	s29 =	simm.s32 @!p0 $0x0;
	s25 =	simm.s32 @!p0 $0x1D000;
	s28 =	sadd.s32 @!p0 s17, s2  }
0xd4: {  	[tilespmem:s25], [sflag:$0x1] =	stream.linear.gather @!p0 [hbm4b:s28+s29], $0x40, $0x38;
	[tilespmem:$0x1FB00] =	vst v63  }
0xd5: {  	p3 =	sle.u32 s24, s18;
	s2 =	sadd.s32 @!p0 s19, s2;
	s28 =	simm.s32 @!p0 $0x1D180  }
0xd6: {  	[tilespmem:s28], [sflag:$0x1] =	stream.linear.gather @!p0 [hbm4b:s2+s29], $0x40, $0x38;
	[tilespmem:$0x1FB00] =	vst v63  }
0xd7: {  	p1 =	por !p6, !p3;
	s2 =	sshll.u32 @!p0 s26, $0x9  }
0xd8: {  	p1 =	por !p1, !p1;
	s26 =	simm.s32 @!p0 $0x1A000;
	s2 =	sadd.s32 @!p0 s16, s2  }
0xd9: {  	[tilespmem:s26], [sflag:$0x1] =	stream.linear.gather @!p0 [hbm4b:s2+s29], $0x1000, $0x38;
	[tilespmem:$0x1FB00] =	vst v63  }
0xda: {  	s2 =	simm.s32 @p1 $0x3  }
0xdb: {  	_ =	swait.ge @p1 [sflag:s2], $0x40  }
0xdc: {  	[sflag:s2] =	ssyncset.done @p1 $0x0  }
0xdd: {  	[sflag:s2] =	ssyncadd.s32 @p1 $0xFFFFFFC0  }
0xde: {  	p3 =	sgt.u32 @!p2 s24, s4;
	_ =	swait.ge @p1 [sflag:s2], $0x40  }
0xdf: {  	p3 =	por p2, p3;
	[sflag:s2] =	ssyncset.done @p1 $0x0  }
.Ltmp6:
0xe0: {  	[sflag:s2] =	ssyncadd.s32 @p1 $0xFFFFFFC0;
	(pc) =	sbr.rel @p3 .LBB2_10-.Ltmp6, $4  }
0xe1: {  	_ =	swait.ge @p1 [sflag:s2], $0x1000  }
0xe2: {  	s28 =	simm.s32 @p1 $0x18000;
	[sflag:s2] =	ssyncset.done @p1 $0x0  }
0xe3: {  	s26 =	simm.s32 @p1 $0x1D100;
	[sflag:s2] =	ssyncadd.s32 @p1 $0xFFFFF000;
	s2 =	simm.s32 @p1 $0x40  }
0xe4: {  	[tilespmem:s28], [sflag:$0x6] =	stream.indirect.gather @p1 [hbm4b:s1+s2], $0x80, s26, s2, $0xb8;
	[tilespmem:$0x1FB00] =	vst v63  }
0xe5: {  	_ =	swait.ge [sflag:s7], $0x2000  }
0xe6: {  	[sflag:s7] =	ssyncset.done $0x0  }
0xe7: {  	s26 =	simm.s32 $0x0;
	[sflag:s7] =	ssyncadd.s32 $0xFFFFE000  }
.LBB2_8:
0xe8: {  	s2 =	sshll.u32 s26, $0x7  }
0xe9: {  	s29 =	sshll.u32 s26, $0xA;
	s30 =	sand.u32 $0x3FFFFF80, s2  }
0xea: {  	s28 =	sand.u32 $0x3FFFFC00, s29;
	s29 =	sor.u32 $0x1, s26;
	v1 =	vld [tilespmem:s30+$0x1B000]  }
0xeb: {  	v2 =	vld [tilespmem:s28+$0x16000];
	s2 =	sshll.u32 s29, $0x7  }
0xec: {  	v3 =	vld [tilespmem:s28+$0x16010];
	s29 =	sshll.u32 s29, $0xA;
	s2 =	sand.u32 $0x3FFFFF80, s2  }
0xed: {  	s29 =	sand.u32 $0x3FFFFC00, s29;
	v4 =	vld [tilespmem:s2+$0x1B000]  }
0xee: {  	v5 =	vld [tilespmem:s29+$0x16000]  }
0xef: {  	v7 =	vld [tilespmem:s29+$0x16010];
	v6 =	vunpack.i.l.bf16.f32 v1  }
0xf0: {  	v1 =	vunpack.i.u.bf16.f32 v1;
	v2 =	vadd.f32 v2, v6  }
0xf1: {  	v1 =	vadd.f32 v3, v1  }
0xf2: {  	v3 =	vunpack.i.l.bf16.f32 v4;
	v2 =	vmax.f32 v2, $0.0e+00  }
0xf3: {  	v1 =	vmax.f32 v1, $0.0e+00;
	v3 =	vadd.f32 v5, v3;
	[tilespmem:s28+$0x16000] =	vst v2;
	v2 =	vunpack.i.u.bf16.f32 v4  }
0xf4: {  	[tilespmem:s28+$0x16010] =	vst v1;
	v1 =	vadd.f32 v7, v2  }
0xf5: {  	v2 =	vld [tilespmem:s30+$0x1B010];
	v3 =	vmax.f32 v3, $0.0e+00  }
0xf6: {  	v20 =	vld [tilespmem:s28+$0x16020];
	[tilespmem:s29+$0x16000] =	vst v3;
	v1 =	vmax.f32 v1, $0.0e+00  }
0xf7: {  	v3 =	vld [tilespmem:s28+$0x16030];
	[tilespmem:s29+$0x16010] =	vst v1  }
0xf8: {  	v1 =	vld [tilespmem:s2+$0x1B010]  }
0xf9: {  	v21 =	vld [tilespmem:s29+$0x16020]  }
0xfa: {  	v23 =	vld [tilespmem:s29+$0x16030];
	v22 =	vunpack.i.l.bf16.f32 v2  }
0xfb: {  	v2 =	vunpack.i.u.bf16.f32 v2;
	v4 =	vadd.f32 v20, v22  }
0xfc: {  	v2 =	vadd.f32 v3, v2  }
0xfd: {  	v3 =	vmax.f32 v4, $0.0e+00;
	v24 =	vunpack.i.l.bf16.f32 v1  }
0xfe: {  	v2 =	vmax.f32 v2, $0.0e+00;
	[tilespmem:s28+$0x16020] =	vst v3;
	v1 =	vunpack.i.u.bf16.f32 v1;
	v3 =	vadd.f32 v21, v24  }
0xff: {  	[tilespmem:s28+$0x16030] =	vst v2;
	v1 =	vadd.f32 v23, v1  }
0x100: {  	v2 =	vld [tilespmem:s30+$0x1B020];
	v3 =	vmax.f32 v3, $0.0e+00  }
0x101: {  	v25 =	vld [tilespmem:s28+$0x16040];
	v1 =	vmax.f32 v1, $0.0e+00;
	[tilespmem:s29+$0x16020] =	vst v3  }
0x102: {  	v3 =	vld [tilespmem:s28+$0x16050];
	[tilespmem:s29+$0x16030] =	vst v1  }
0x103: {  	v1 =	vld [tilespmem:s2+$0x1B020]  }
0x104: {  	v26 =	vld [tilespmem:s29+$0x16040]  }
0x105: {  	v28 =	vld [tilespmem:s29+$0x16050];
	v27 =	vunpack.i.l.bf16.f32 v2  }
0x106: {  	v2 =	vunpack.i.u.bf16.f32 v2;
	v4 =	vadd.f32 v25, v27  }
0x107: {  	v2 =	vadd.f32 v3, v2  }
0x108: {  	v3 =	vmax.f32 v4, $0.0e+00;
	v29 =	vunpack.i.l.bf16.f32 v1  }
0x109: {  	[tilespmem:s28+$0x16040] =	vst v3;
	v1 =	vunpack.i.u.bf16.f32 v1;
	v2 =	vmax.f32 v2, $0.0e+00;
	v3 =	vadd.f32 v26, v29  }
0x10a: {  	v1 =	vadd.f32 v28, v1;
	[tilespmem:s28+$0x16050] =	vst v2  }
0x10b: {  	v2 =	vld [tilespmem:s30+$0x1B030];
	v3 =	vmax.f32 v3, $0.0e+00  }
0x10c: {  	v30 =	vld [tilespmem:s28+$0x16060];
	v1 =	vmax.f32 v1, $0.0e+00;
	[tilespmem:s29+$0x16040] =	vst v3  }
0x10d: {  	v3 =	vld [tilespmem:s28+$0x16070];
	[tilespmem:s29+$0x16050] =	vst v1  }
0x10e: {  	v1 =	vld [tilespmem:s2+$0x1B030]  }
0x10f: {  	v33 =	vld [tilespmem:s29+$0x16070]  }
0x110: {  	v31 =	vld [tilespmem:s29+$0x16060];
	v32 =	vunpack.i.l.bf16.f32 v2  }
0x111: {  	v2 =	vunpack.i.u.bf16.f32 v2;
	v4 =	vadd.f32 v30, v32  }
0x112: {  	v2 =	vadd.f32 v3, v2  }
0x113: {  	v34 =	vunpack.i.l.bf16.f32 v1;
	v1 =	vunpack.i.u.bf16.f32 v1;
	v3 =	vmax.f32 v4, $0.0e+00  }
0x114: {  	v2 =	vmax.f32 v2, $0.0e+00;
	v1 =	vadd.f32 v33, v1;
	[tilespmem:s28+$0x16060] =	vst v3  }
0x115: {  	v3 =	vadd.f32 v31, v34;
	[tilespmem:s28+$0x16070] =	vst v2  }
0x116: {  	v2 =	vld [tilespmem:s30+$0x1B040];
	v1 =	vmax.f32 v1, $0.0e+00  }
0x117: {  	v35 =	vld [tilespmem:s28+$0x16080];
	v3 =	vmax.f32 v3, $0.0e+00;
	[tilespmem:s29+$0x16070] =	vst v1  }
0x118: {  	[tilespmem:s29+$0x16060] =	vst v3;
	v3 =	vld [tilespmem:s28+$0x16090]  }
0x119: {  	v1 =	vld [tilespmem:s2+$0x1B040]  }
0x11a: {  	v36 =	vld [tilespmem:s29+$0x16080]  }
0x11b: {  	v38 =	vld [tilespmem:s29+$0x16090];
	v37 =	vunpack.i.l.bf16.f32 v2  }
0x11c: {  	v2 =	vunpack.i.u.bf16.f32 v2;
	v4 =	vadd.f32 v35, v37  }
0x11d: {  	v2 =	vadd.f32 v3, v2  }
0x11e: {  	v3 =	vmax.f32 v4, $0.0e+00;
	v39 =	vunpack.i.l.bf16.f32 v1  }
0x11f: {  	v1 =	vunpack.i.u.bf16.f32 v1;
	[tilespmem:s28+$0x16080] =	vst v3;
	v2 =	vmax.f32 v2, $0.0e+00;
	v3 =	vadd.f32 v36, v39  }
0x120: {  	v1 =	vadd.f32 v38, v1;
	[tilespmem:s28+$0x16090] =	vst v2  }
0x121: {  	v2 =	vld [tilespmem:s30+$0x1B050];
	v3 =	vmax.f32 v3, $0.0e+00  }
0x122: {  	v40 =	vld [tilespmem:s28+$0x160A0];
	v1 =	vmax.f32 v1, $0.0e+00;
	[tilespmem:s29+$0x16080] =	vst v3  }
0x123: {  	v3 =	vld [tilespmem:s28+$0x160B0];
	[tilespmem:s29+$0x16090] =	vst v1  }
0x124: {  	v1 =	vld [tilespmem:s2+$0x1B050]  }
0x125: {  	v43 =	vld [tilespmem:s29+$0x160B0]  }
0x126: {  	v41 =	vld [tilespmem:s29+$0x160A0];
	v42 =	vunpack.i.l.bf16.f32 v2  }
0x127: {  	v2 =	vunpack.i.u.bf16.f32 v2;
	v4 =	vadd.f32 v40, v42  }
0x128: {  	v2 =	vadd.f32 v3, v2  }
0x129: {  	v44 =	vunpack.i.l.bf16.f32 v1;
	v1 =	vunpack.i.u.bf16.f32 v1;
	v3 =	vmax.f32 v4, $0.0e+00  }
0x12a: {  	v2 =	vmax.f32 v2, $0.0e+00;
	v1 =	vadd.f32 v43, v1;
	[tilespmem:s28+$0x160A0] =	vst v3  }
0x12b: {  	v3 =	vadd.f32 v41, v44;
	[tilespmem:s28+$0x160B0] =	vst v2  }
0x12c: {  	v2 =	vld [tilespmem:s30+$0x1B060];
	v1 =	vmax.f32 v1, $0.0e+00  }
0x12d: {  	v45 =	vld [tilespmem:s28+$0x160C0];
	v3 =	vmax.f32 v3, $0.0e+00;
	[tilespmem:s29+$0x160B0] =	vst v1  }
0x12e: {  	[tilespmem:s29+$0x160A0] =	vst v3;
	v3 =	vld [tilespmem:s28+$0x160D0]  }
0x12f: {  	v1 =	vld [tilespmem:s2+$0x1B060]  }
0x130: {  	v46 =	vld [tilespmem:s29+$0x160C0]  }
0x131: {  	v48 =	vld [tilespmem:s29+$0x160D0];
	v47 =	vunpack.i.l.bf16.f32 v2  }
0x132: {  	v2 =	vunpack.i.u.bf16.f32 v2;
	v4 =	vadd.f32 v45, v47  }
0x133: {  	v2 =	vadd.f32 v3, v2  }
0x134: {  	v3 =	vmax.f32 v4, $0.0e+00;
	v49 =	vunpack.i.l.bf16.f32 v1  }
0x135: {  	v1 =	vunpack.i.u.bf16.f32 v1;
	[tilespmem:s28+$0x160C0] =	vst v3;
	v2 =	vmax.f32 v2, $0.0e+00;
	v3 =	vadd.f32 v46, v49  }
0x136: {  	v1 =	vadd.f32 v48, v1;
	[tilespmem:s28+$0x160D0] =	vst v2  }
0x137: {  	v2 =	vld [tilespmem:s30+$0x1B070];
	v3 =	vmax.f32 v3, $0.0e+00  }
0x138: {  	v50 =	vld [tilespmem:s28+$0x160E0];
	v1 =	vmax.f32 v1, $0.0e+00;
	[tilespmem:s29+$0x160C0] =	vst v3  }
0x139: {  	v3 =	vld [tilespmem:s28+$0x160F0];
	[tilespmem:s29+$0x160D0] =	vst v1  }
0x13a: {  	v1 =	vld [tilespmem:s2+$0x1B070]  }
0x13b: {  	v53 =	vld [tilespmem:s29+$0x160F0]  }
0x13c: {  	v51 =	vld [tilespmem:s29+$0x160E0];
	v52 =	vunpack.i.l.bf16.f32 v2  }
0x13d: {  	v2 =	vunpack.i.u.bf16.f32 v2;
	v4 =	vadd.f32 v50, v52  }
0x13e: {  	v2 =	vadd.f32 v3, v2  }
0x13f: {  	v54 =	vunpack.i.l.bf16.f32 v1;
	v1 =	vunpack.i.u.bf16.f32 v1;
	v3 =	vmax.f32 v4, $0.0e+00  }
0x140: {  	v2 =	vmax.f32 v2, $0.0e+00;
	v1 =	vadd.f32 v53, v1;
	[tilespmem:s28+$0x160E0] =	vst v3  }
0x141: {  	v3 =	vadd.f32 v51, v54;
	[tilespmem:s28+$0x160F0] =	vst v2  }
0x142: {  	v2 =	vld [tilespmem:s30+$0x1B400];
	v1 =	vmax.f32 v1, $0.0e+00  }
0x143: {  	v55 =	vld [tilespmem:s28+$0x16100];
	v3 =	vmax.f32 v3, $0.0e+00;
	[tilespmem:s29+$0x160F0] =	vst v1  }
0x144: {  	[tilespmem:s29+$0x160E0] =	vst v3;
	v3 =	vld [tilespmem:s28+$0x16110]  }
0x145: {  	v1 =	vld [tilespmem:s2+$0x1B400]  }
0x146: {  	v56 =	vld [tilespmem:s29+$0x16100]  }
0x147: {  	v58 =	vld [tilespmem:s29+$0x16110];
	v57 =	vunpack.i.l.bf16.f32 v2  }
0x148: {  	v2 =	vunpack.i.u.bf16.f32 v2;
	v4 =	vadd.f32 v55, v57  }
0x149: {  	v2 =	vadd.f32 v3, v2  }
0x14a: {  	v3 =	vmax.f32 v4, $0.0e+00;
	v59 =	vunpack.i.l.bf16.f32 v1  }
0x14b: {  	v1 =	vunpack.i.u.bf16.f32 v1;
	[tilespmem:s28+$0x16100] =	vst v3;
	v2 =	vmax.f32 v2, $0.0e+00;
	v3 =	vadd.f32 v56, v59  }
0x14c: {  	v1 =	vadd.f32 v58, v1;
	[tilespmem:s28+$0x16110] =	vst v2  }
0x14d: {  	v2 =	vld [tilespmem:s30+$0x1B410];
	v3 =	vmax.f32 v3, $0.0e+00  }
0x14e: {  	v60 =	vld [tilespmem:s28+$0x16120];
	v1 =	vmax.f32 v1, $0.0e+00;
	[tilespmem:s29+$0x16100] =	vst v3  }
0x14f: {  	v3 =	vld [tilespmem:s28+$0x16130];
	[tilespmem:s29+$0x16110] =	vst v1  }
0x150: {  	v1 =	vld [tilespmem:s2+$0x1B410]  }
0x151: {  	v63 =	vld [tilespmem:s29+$0x16130]  }
0x152: {  	v61 =	vld [tilespmem:s29+$0x16120];
	v62 =	vunpack.i.l.bf16.f32 v2  }
0x153: {  	v2 =	vunpack.i.u.bf16.f32 v2;
	v4 =	vadd.f32 v60, v62  }
0x154: {  	v2 =	vadd.f32 v3, v2  }
0x155: {  	v9 =	vunpack.i.l.bf16.f32 v1;
	v1 =	vunpack.i.u.bf16.f32 v1;
	v3 =	vmax.f32 v4, $0.0e+00  }
0x156: {  	v2 =	vmax.f32 v2, $0.0e+00;
	v1 =	vadd.f32 v63, v1;
	[tilespmem:s28+$0x16120] =	vst v3  }
0x157: {  	v3 =	vadd.f32 v61, v9;
	[tilespmem:s28+$0x16130] =	vst v2  }
0x158: {  	v2 =	vld [tilespmem:s30+$0x1B420];
	v1 =	vmax.f32 v1, $0.0e+00  }
0x159: {  	v10 =	vld [tilespmem:s28+$0x16140];
	v3 =	vmax.f32 v3, $0.0e+00;
	[tilespmem:s29+$0x16130] =	vst v1  }
0x15a: {  	[tilespmem:s29+$0x16120] =	vst v3;
	v3 =	vld [tilespmem:s28+$0x16150]  }
0x15b: {  	v1 =	vld [tilespmem:s2+$0x1B420]  }
0x15c: {  	v11 =	vld [tilespmem:s29+$0x16140]  }
0x15d: {  	v13 =	vld [tilespmem:s29+$0x16150];
	v12 =	vunpack.i.l.bf16.f32 v2  }
0x15e: {  	v2 =	vunpack.i.u.bf16.f32 v2;
	v4 =	vadd.f32 v10, v12  }
0x15f: {  	v2 =	vadd.f32 v3, v2  }
0x160: {  	v3 =	vmax.f32 v4, $0.0e+00;
	v14 =	vunpack.i.l.bf16.f32 v1  }
0x161: {  	v1 =	vunpack.i.u.bf16.f32 v1;
	[tilespmem:s28+$0x16140] =	vst v3;
	v2 =	vmax.f32 v2, $0.0e+00;
	v3 =	vadd.f32 v11, v14  }
0x162: {  	v1 =	vadd.f32 v13, v1;
	[tilespmem:s28+$0x16150] =	vst v2  }
0x163: {  	v2 =	vld [tilespmem:s30+$0x1B430];
	v3 =	vmax.f32 v3, $0.0e+00  }
0x164: {  	v15 =	vld [tilespmem:s28+$0x16160];
	v1 =	vmax.f32 v1, $0.0e+00;
	[tilespmem:s29+$0x16140] =	vst v3  }
0x165: {  	v3 =	vld [tilespmem:s28+$0x16170];
	[tilespmem:s29+$0x16150] =	vst v1  }
0x166: {  	v1 =	vld [tilespmem:s2+$0x1B430]  }
0x167: {  	v18 =	vld [tilespmem:s29+$0x16170]  }
0x168: {  	v16 =	vld [tilespmem:s29+$0x16160];
	v17 =	vunpack.i.l.bf16.f32 v2  }
0x169: {  	v2 =	vunpack.i.u.bf16.f32 v2;
	v4 =	vadd.f32 v15, v17  }
0x16a: {  	v2 =	vadd.f32 v3, v2  }
0x16b: {  	v19 =	vunpack.i.l.bf16.f32 v1;
	v1 =	vunpack.i.u.bf16.f32 v1;
	v3 =	vmax.f32 v4, $0.0e+00  }
0x16c: {  	v2 =	vmax.f32 v2, $0.0e+00;
	v1 =	vadd.f32 v18, v1;
	[tilespmem:s28+$0x16160] =	vst v3  }
0x16d: {  	v3 =	vadd.f32 v16, v19;
	[tilespmem:s28+$0x16170] =	vst v2  }
0x16e: {  	v2 =	vld [tilespmem:s30+$0x1B440];
	v1 =	vmax.f32 v1, $0.0e+00  }
0x16f: {  	v20 =	vld [tilespmem:s28+$0x16180];
	v3 =	vmax.f32 v3, $0.0e+00;
	[tilespmem:s29+$0x16170] =	vst v1  }
0x170: {  	[tilespmem:s29+$0x16160] =	vst v3;
	v3 =	vld [tilespmem:s28+$0x16190]  }
0x171: {  	v1 =	vld [tilespmem:s2+$0x1B440]  }
0x172: {  	v21 =	vld [tilespmem:s29+$0x16180]  }
0x173: {  	v23 =	vld [tilespmem:s29+$0x16190];
	v22 =	vunpack.i.l.bf16.f32 v2  }
0x174: {  	v2 =	vunpack.i.u.bf16.f32 v2;
	v4 =	vadd.f32 v20, v22  }
0x175: {  	v2 =	vadd.f32 v3, v2  }
0x176: {  	v3 =	vmax.f32 v4, $0.0e+00;
	v24 =	vunpack.i.l.bf16.f32 v1  }
0x177: {  	v1 =	vunpack.i.u.bf16.f32 v1;
	[tilespmem:s28+$0x16180] =	vst v3;
	v2 =	vmax.f32 v2, $0.0e+00;
	v3 =	vadd.f32 v21, v24  }
0x178: {  	v1 =	vadd.f32 v23, v1;
	[tilespmem:s28+$0x16190] =	vst v2  }
0x179: {  	v2 =	vld [tilespmem:s30+$0x1B450];
	v3 =	vmax.f32 v3, $0.0e+00  }
0x17a: {  	v25 =	vld [tilespmem:s28+$0x161A0];
	v1 =	vmax.f32 v1, $0.0e+00;
	[tilespmem:s29+$0x16180] =	vst v3  }
0x17b: {  	v3 =	vld [tilespmem:s28+$0x161B0];
	[tilespmem:s29+$0x16190] =	vst v1  }
0x17c: {  	v1 =	vld [tilespmem:s2+$0x1B450]  }
0x17d: {  	v28 =	vld [tilespmem:s29+$0x161B0]  }
0x17e: {  	v26 =	vld [tilespmem:s29+$0x161A0];
	v27 =	vunpack.i.l.bf16.f32 v2  }
0x17f: {  	v2 =	vunpack.i.u.bf16.f32 v2;
	v4 =	vadd.f32 v25, v27  }
0x180: {  	v2 =	vadd.f32 v3, v2  }
0x181: {  	v29 =	vunpack.i.l.bf16.f32 v1;
	v1 =	vunpack.i.u.bf16.f32 v1;
	v3 =	vmax.f32 v4, $0.0e+00  }
0x182: {  	v2 =	vmax.f32 v2, $0.0e+00;
	v1 =	vadd.f32 v28, v1;
	[tilespmem:s28+$0x161A0] =	vst v3  }
0x183: {  	v3 =	vadd.f32 v26, v29;
	[tilespmem:s28+$0x161B0] =	vst v2  }
0x184: {  	v2 =	vld [tilespmem:s30+$0x1B460];
	v1 =	vmax.f32 v1, $0.0e+00  }
0x185: {  	v30 =	vld [tilespmem:s28+$0x161C0];
	v3 =	vmax.f32 v3, $0.0e+00;
	[tilespmem:s29+$0x161B0] =	vst v1  }
0x186: {  	[tilespmem:s29+$0x161A0] =	vst v3;
	v3 =	vld [tilespmem:s28+$0x161D0]  }
0x187: {  	v1 =	vld [tilespmem:s2+$0x1B460]  }
0x188: {  	v31 =	vld [tilespmem:s29+$0x161C0]  }
0x189: {  	v33 =	vld [tilespmem:s29+$0x161D0];
	v32 =	vunpack.i.l.bf16.f32 v2  }
0x18a: {  	v2 =	vunpack.i.u.bf16.f32 v2;
	v4 =	vadd.f32 v30, v32  }
0x18b: {  	v2 =	vadd.f32 v3, v2  }
0x18c: {  	v3 =	vmax.f32 v4, $0.0e+00;
	v34 =	vunpack.i.l.bf16.f32 v1  }
0x18d: {  	v1 =	vunpack.i.u.bf16.f32 v1;
	[tilespmem:s28+$0x161C0] =	vst v3;
	v2 =	vmax.f32 v2, $0.0e+00;
	v3 =	vadd.f32 v31, v34  }
0x18e: {  	v1 =	vadd.f32 v33, v1;
	[tilespmem:s28+$0x161D0] =	vst v2  }
0x18f: {  	v2 =	vld [tilespmem:s30+$0x1B470];
	v3 =	vmax.f32 v3, $0.0e+00  }
0x190: {  	v35 =	vld [tilespmem:s28+$0x161E0];
	v1 =	vmax.f32 v1, $0.0e+00;
	[tilespmem:s29+$0x161C0] =	vst v3  }
0x191: {  	v3 =	vld [tilespmem:s28+$0x161F0];
	[tilespmem:s29+$0x161D0] =	vst v1  }
0x192: {  	v1 =	vld [tilespmem:s2+$0x1B470]  }
0x193: {  	v38 =	vld [tilespmem:s29+$0x161F0]  }
0x194: {  	v36 =	vld [tilespmem:s29+$0x161E0];
	v37 =	vunpack.i.l.bf16.f32 v2  }
0x195: {  	v2 =	vunpack.i.u.bf16.f32 v2;
	v4 =	vadd.f32 v35, v37  }
0x196: {  	v2 =	vadd.f32 v3, v2  }
0x197: {  	v39 =	vunpack.i.l.bf16.f32 v1;
	v1 =	vunpack.i.u.bf16.f32 v1;
	v3 =	vmax.f32 v4, $0.0e+00  }
0x198: {  	v2 =	vmax.f32 v2, $0.0e+00;
	v1 =	vadd.f32 v38, v1;
	[tilespmem:s28+$0x161E0] =	vst v3  }
0x199: {  	v3 =	vadd.f32 v36, v39;
	[tilespmem:s28+$0x161F0] =	vst v2  }
0x19a: {  	v2 =	vld [tilespmem:s30+$0x1B800];
	v1 =	vmax.f32 v1, $0.0e+00  }
0x19b: {  	v40 =	vld [tilespmem:s28+$0x16200];
	v3 =	vmax.f32 v3, $0.0e+00;
	[tilespmem:s29+$0x161F0] =	vst v1  }
0x19c: {  	[tilespmem:s29+$0x161E0] =	vst v3;
	v3 =	vld [tilespmem:s28+$0x16210]  }
0x19d: {  	v1 =	vld [tilespmem:s2+$0x1B800]  }
0x19e: {  	v41 =	vld [tilespmem:s29+$0x16200]  }
0x19f: {  	v43 =	vld [tilespmem:s29+$0x16210];
	v42 =	vunpack.i.l.bf16.f32 v2  }
0x1a0: {  	v2 =	vunpack.i.u.bf16.f32 v2;
	v4 =	vadd.f32 v40, v42  }
0x1a1: {  	v2 =	vadd.f32 v3, v2  }
0x1a2: {  	v3 =	vmax.f32 v4, $0.0e+00;
	v44 =	vunpack.i.l.bf16.f32 v1  }
0x1a3: {  	v1 =	vunpack.i.u.bf16.f32 v1;
	[tilespmem:s28+$0x16200] =	vst v3;
	v2 =	vmax.f32 v2, $0.0e+00;
	v3 =	vadd.f32 v41, v44  }
0x1a4: {  	v1 =	vadd.f32 v43, v1;
	[tilespmem:s28+$0x16210] =	vst v2  }
0x1a5: {  	v2 =	vld [tilespmem:s30+$0x1B810];
	v3 =	vmax.f32 v3, $0.0e+00  }
0x1a6: {  	v45 =	vld [tilespmem:s28+$0x16220];
	v1 =	vmax.f32 v1, $0.0e+00;
	[tilespmem:s29+$0x16200] =	vst v3  }
0x1a7: {  	v3 =	vld [tilespmem:s28+$0x16230];
	[tilespmem:s29+$0x16210] =	vst v1  }
0x1a8: {  	v1 =	vld [tilespmem:s2+$0x1B810]  }
0x1a9: {  	v48 =	vld [tilespmem:s29+$0x16230]  }
0x1aa: {  	v46 =	vld [tilespmem:s29+$0x16220];
	v47 =	vunpack.i.l.bf16.f32 v2  }
0x1ab: {  	v2 =	vunpack.i.u.bf16.f32 v2;
	v4 =	vadd.f32 v45, v47  }
0x1ac: {  	v2 =	vadd.f32 v3, v2  }
0x1ad: {  	v49 =	vunpack.i.l.bf16.f32 v1;
	v1 =	vunpack.i.u.bf16.f32 v1;
	v3 =	vmax.f32 v4, $0.0e+00  }
0x1ae: {  	v2 =	vmax.f32 v2, $0.0e+00;
	v1 =	vadd.f32 v48, v1;
	[tilespmem:s28+$0x16220] =	vst v3  }
0x1af: {  	v3 =	vadd.f32 v46, v49;
	[tilespmem:s28+$0x16230] =	vst v2  }
0x1b0: {  	v2 =	vld [tilespmem:s30+$0x1B820];
	v1 =	vmax.f32 v1, $0.0e+00  }
0x1b1: {  	v50 =	vld [tilespmem:s28+$0x16240];
	v3 =	vmax.f32 v3, $0.0e+00;
	[tilespmem:s29+$0x16230] =	vst v1  }
0x1b2: {  	[tilespmem:s29+$0x16220] =	vst v3;
	v3 =	vld [tilespmem:s28+$0x16250]  }
0x1b3: {  	v1 =	vld [tilespmem:s2+$0x1B820]  }
0x1b4: {  	v51 =	vld [tilespmem:s29+$0x16240]  }
0x1b5: {  	v53 =	vld [tilespmem:s29+$0x16250];
	v52 =	vunpack.i.l.bf16.f32 v2  }
0x1b6: {  	v2 =	vunpack.i.u.bf16.f32 v2;
	v4 =	vadd.f32 v50, v52  }
0x1b7: {  	v2 =	vadd.f32 v3, v2  }
0x1b8: {  	v3 =	vmax.f32 v4, $0.0e+00;
	v54 =	vunpack.i.l.bf16.f32 v1  }
0x1b9: {  	v1 =	vunpack.i.u.bf16.f32 v1;
	[tilespmem:s28+$0x16240] =	vst v3;
	v2 =	vmax.f32 v2, $0.0e+00;
	v3 =	vadd.f32 v51, v54  }
0x1ba: {  	v1 =	vadd.f32 v53, v1;
	[tilespmem:s28+$0x16250] =	vst v2  }
0x1bb: {  	v2 =	vld [tilespmem:s30+$0x1B830];
	v3 =	vmax.f32 v3, $0.0e+00  }
0x1bc: {  	v55 =	vld [tilespmem:s28+$0x16260];
	v1 =	vmax.f32 v1, $0.0e+00;
	[tilespmem:s29+$0x16240] =	vst v3  }
0x1bd: {  	v3 =	vld [tilespmem:s28+$0x16270];
	[tilespmem:s29+$0x16250] =	vst v1  }
0x1be: {  	v1 =	vld [tilespmem:s2+$0x1B830]  }
0x1bf: {  	v58 =	vld [tilespmem:s29+$0x16270]  }
0x1c0: {  	v56 =	vld [tilespmem:s29+$0x16260];
	v57 =	vunpack.i.l.bf16.f32 v2  }
0x1c1: {  	v2 =	vunpack.i.u.bf16.f32 v2;
	v4 =	vadd.f32 v55, v57  }
0x1c2: {  	v2 =	vadd.f32 v3, v2  }
0x1c3: {  	v59 =	vunpack.i.l.bf16.f32 v1;
	v1 =	vunpack.i.u.bf16.f32 v1;
	v3 =	vmax.f32 v4, $0.0e+00  }
0x1c4: {  	v2 =	vmax.f32 v2, $0.0e+00;
	v1 =	vadd.f32 v58, v1;
	[tilespmem:s28+$0x16260] =	vst v3  }
0x1c5: {  	v3 =	vadd.f32 v56, v59;
	[tilespmem:s28+$0x16270] =	vst v2  }
0x1c6: {  	v2 =	vld [tilespmem:s30+$0x1B840];
	v1 =	vmax.f32 v1, $0.0e+00  }
0x1c7: {  	v60 =	vld [tilespmem:s28+$0x16280];
	v3 =	vmax.f32 v3, $0.0e+00;
	[tilespmem:s29+$0x16270] =	vst v1  }
0x1c8: {  	[tilespmem:s29+$0x16260] =	vst v3;
	v3 =	vld [tilespmem:s28+$0x16290]  }
0x1c9: {  	v1 =	vld [tilespmem:s2+$0x1B840]  }
0x1ca: {  	v61 =	vld [tilespmem:s29+$0x16280]  }
0x1cb: {  	v63 =	vld [tilespmem:s29+$0x16290];
	v62 =	vunpack.i.l.bf16.f32 v2  }
0x1cc: {  	v2 =	vunpack.i.u.bf16.f32 v2;
	v4 =	vadd.f32 v60, v62  }
0x1cd: {  	v2 =	vadd.f32 v3, v2  }
0x1ce: {  	v3 =	vmax.f32 v4, $0.0e+00;
	v9 =	vunpack.i.l.bf16.f32 v1  }
0x1cf: {  	v1 =	vunpack.i.u.bf16.f32 v1;
	[tilespmem:s28+$0x16280] =	vst v3;
	v2 =	vmax.f32 v2, $0.0e+00;
	v3 =	vadd.f32 v61, v9  }
0x1d0: {  	v1 =	vadd.f32 v63, v1;
	[tilespmem:s28+$0x16290] =	vst v2  }
0x1d1: {  	v2 =	vld [tilespmem:s30+$0x1B850];
	v3 =	vmax.f32 v3, $0.0e+00  }
0x1d2: {  	v10 =	vld [tilespmem:s28+$0x162A0];
	v1 =	vmax.f32 v1, $0.0e+00;
	[tilespmem:s29+$0x16280] =	vst v3  }
0x1d3: {  	v3 =	vld [tilespmem:s28+$0x162B0];
	[tilespmem:s29+$0x16290] =	vst v1  }
0x1d4: {  	v1 =	vld [tilespmem:s2+$0x1B850]  }
0x1d5: {  	v13 =	vld [tilespmem:s29+$0x162B0]  }
0x1d6: {  	v11 =	vld [tilespmem:s29+$0x162A0];
	v12 =	vunpack.i.l.bf16.f32 v2  }
0x1d7: {  	v2 =	vunpack.i.u.bf16.f32 v2;
	v4 =	vadd.f32 v10, v12  }
0x1d8: {  	v2 =	vadd.f32 v3, v2  }
0x1d9: {  	v14 =	vunpack.i.l.bf16.f32 v1;
	v1 =	vunpack.i.u.bf16.f32 v1;
	v3 =	vmax.f32 v4, $0.0e+00  }
0x1da: {  	v2 =	vmax.f32 v2, $0.0e+00;
	v1 =	vadd.f32 v13, v1;
	[tilespmem:s28+$0x162A0] =	vst v3  }
0x1db: {  	v3 =	vadd.f32 v11, v14;
	[tilespmem:s28+$0x162B0] =	vst v2  }
0x1dc: {  	v2 =	vld [tilespmem:s30+$0x1B860];
	v1 =	vmax.f32 v1, $0.0e+00  }
0x1dd: {  	v15 =	vld [tilespmem:s28+$0x162C0];
	v3 =	vmax.f32 v3, $0.0e+00;
	[tilespmem:s29+$0x162B0] =	vst v1  }
0x1de: {  	[tilespmem:s29+$0x162A0] =	vst v3;
	v3 =	vld [tilespmem:s28+$0x162D0]  }
0x1df: {  	v1 =	vld [tilespmem:s2+$0x1B860]  }
0x1e0: {  	v16 =	vld [tilespmem:s29+$0x162C0]  }
0x1e1: {  	v18 =	vld [tilespmem:s29+$0x162D0];
	v17 =	vunpack.i.l.bf16.f32 v2  }
0x1e2: {  	v2 =	vunpack.i.u.bf16.f32 v2;
	v4 =	vadd.f32 v15, v17  }
0x1e3: {  	v2 =	vadd.f32 v3, v2  }
0x1e4: {  	v3 =	vmax.f32 v4, $0.0e+00;
	v19 =	vunpack.i.l.bf16.f32 v1  }
0x1e5: {  	v1 =	vunpack.i.u.bf16.f32 v1;
	[tilespmem:s28+$0x162C0] =	vst v3;
	v2 =	vmax.f32 v2, $0.0e+00;
	v3 =	vadd.f32 v16, v19  }
0x1e6: {  	v1 =	vadd.f32 v18, v1;
	[tilespmem:s28+$0x162D0] =	vst v2  }
0x1e7: {  	v2 =	vld [tilespmem:s30+$0x1B870];
	v3 =	vmax.f32 v3, $0.0e+00  }
0x1e8: {  	v20 =	vld [tilespmem:s28+$0x162E0];
	v1 =	vmax.f32 v1, $0.0e+00;
	[tilespmem:s29+$0x162C0] =	vst v3  }
0x1e9: {  	v3 =	vld [tilespmem:s28+$0x162F0];
	[tilespmem:s29+$0x162D0] =	vst v1  }
0x1ea: {  	v1 =	vld [tilespmem:s2+$0x1B870]  }
0x1eb: {  	v23 =	vld [tilespmem:s29+$0x162F0]  }
0x1ec: {  	v21 =	vld [tilespmem:s29+$0x162E0];
	v22 =	vunpack.i.l.bf16.f32 v2  }
0x1ed: {  	v2 =	vunpack.i.u.bf16.f32 v2;
	v4 =	vadd.f32 v20, v22  }
0x1ee: {  	v2 =	vadd.f32 v3, v2  }
0x1ef: {  	v24 =	vunpack.i.l.bf16.f32 v1;
	v1 =	vunpack.i.u.bf16.f32 v1;
	v3 =	vmax.f32 v4, $0.0e+00  }
0x1f0: {  	v2 =	vmax.f32 v2, $0.0e+00;
	v1 =	vadd.f32 v23, v1;
	[tilespmem:s28+$0x162E0] =	vst v3  }
0x1f1: {  	v3 =	vadd.f32 v21, v24;
	[tilespmem:s28+$0x162F0] =	vst v2  }
0x1f2: {  	v2 =	vld [tilespmem:s30+$0x1BC00];
	v1 =	vmax.f32 v1, $0.0e+00  }
0x1f3: {  	v25 =	vld [tilespmem:s28+$0x16300];
	v3 =	vmax.f32 v3, $0.0e+00;
	[tilespmem:s29+$0x162F0] =	vst v1  }
0x1f4: {  	[tilespmem:s29+$0x162E0] =	vst v3;
	v3 =	vld [tilespmem:s28+$0x16310]  }
0x1f5: {  	v1 =	vld [tilespmem:s2+$0x1BC00]  }
0x1f6: {  	v26 =	vld [tilespmem:s29+$0x16300]  }
0x1f7: {  	v28 =	vld [tilespmem:s29+$0x16310];
	v27 =	vunpack.i.l.bf16.f32 v2  }
0x1f8: {  	v2 =	vunpack.i.u.bf16.f32 v2;
	v4 =	vadd.f32 v25, v27  }
0x1f9: {  	v2 =	vadd.f32 v3, v2  }
0x1fa: {  	v3 =	vmax.f32 v4, $0.0e+00;
	v29 =	vunpack.i.l.bf16.f32 v1  }
0x1fb: {  	v1 =	vunpack.i.u.bf16.f32 v1;
	[tilespmem:s28+$0x16300] =	vst v3;
	v2 =	vmax.f32 v2, $0.0e+00;
	v3 =	vadd.f32 v26, v29  }
0x1fc: {  	v1 =	vadd.f32 v28, v1;
	[tilespmem:s28+$0x16310] =	vst v2  }
0x1fd: {  	v2 =	vld [tilespmem:s30+$0x1BC10];
	v3 =	vmax.f32 v3, $0.0e+00  }
0x1fe: {  	v30 =	vld [tilespmem:s28+$0x16320];
	v1 =	vmax.f32 v1, $0.0e+00;
	[tilespmem:s29+$0x16300] =	vst v3  }
0x1ff: {  	v3 =	vld [tilespmem:s28+$0x16330];
	[tilespmem:s29+$0x16310] =	vst v1  }
0x200: {  	v1 =	vld [tilespmem:s2+$0x1BC10]  }
0x201: {  	v33 =	vld [tilespmem:s29+$0x16330]  }
0x202: {  	v31 =	vld [tilespmem:s29+$0x16320];
	v32 =	vunpack.i.l.bf16.f32 v2  }
0x203: {  	v2 =	vunpack.i.u.bf16.f32 v2;
	v4 =	vadd.f32 v30, v32  }
0x204: {  	v2 =	vadd.f32 v3, v2  }
0x205: {  	v34 =	vunpack.i.l.bf16.f32 v1;
	v1 =	vunpack.i.u.bf16.f32 v1;
	v3 =	vmax.f32 v4, $0.0e+00  }
0x206: {  	v2 =	vmax.f32 v2, $0.0e+00;
	v1 =	vadd.f32 v33, v1;
	[tilespmem:s28+$0x16320] =	vst v3  }
0x207: {  	v3 =	vadd.f32 v31, v34;
	[tilespmem:s28+$0x16330] =	vst v2  }
0x208: {  	v2 =	vld [tilespmem:s30+$0x1BC20];
	v1 =	vmax.f32 v1, $0.0e+00  }
0x209: {  	v35 =	vld [tilespmem:s28+$0x16340];
	v3 =	vmax.f32 v3, $0.0e+00;
	[tilespmem:s29+$0x16330] =	vst v1  }
0x20a: {  	[tilespmem:s29+$0x16320] =	vst v3;
	v3 =	vld [tilespmem:s28+$0x16350]  }
0x20b: {  	v1 =	vld [tilespmem:s2+$0x1BC20]  }
0x20c: {  	v36 =	vld [tilespmem:s29+$0x16340]  }
0x20d: {  	v38 =	vld [tilespmem:s29+$0x16350];
	v37 =	vunpack.i.l.bf16.f32 v2  }
0x20e: {  	v2 =	vunpack.i.u.bf16.f32 v2;
	v4 =	vadd.f32 v35, v37  }
0x20f: {  	v2 =	vadd.f32 v3, v2  }
0x210: {  	v3 =	vmax.f32 v4, $0.0e+00;
	v39 =	vunpack.i.l.bf16.f32 v1  }
0x211: {  	v1 =	vunpack.i.u.bf16.f32 v1;
	[tilespmem:s28+$0x16340] =	vst v3;
	v2 =	vmax.f32 v2, $0.0e+00;
	v3 =	vadd.f32 v36, v39  }
0x212: {  	v1 =	vadd.f32 v38, v1;
	[tilespmem:s28+$0x16350] =	vst v2  }
0x213: {  	v2 =	vld [tilespmem:s30+$0x1BC30];
	v3 =	vmax.f32 v3, $0.0e+00  }
0x214: {  	v40 =	vld [tilespmem:s28+$0x16360];
	v1 =	vmax.f32 v1, $0.0e+00;
	[tilespmem:s29+$0x16340] =	vst v3  }
0x215: {  	v3 =	vld [tilespmem:s28+$0x16370];
	[tilespmem:s29+$0x16350] =	vst v1  }
0x216: {  	v1 =	vld [tilespmem:s2+$0x1BC30]  }
0x217: {  	v43 =	vld [tilespmem:s29+$0x16370]  }
0x218: {  	v41 =	vld [tilespmem:s29+$0x16360];
	v42 =	vunpack.i.l.bf16.f32 v2  }
0x219: {  	v2 =	vunpack.i.u.bf16.f32 v2;
	v4 =	vadd.f32 v40, v42  }
0x21a: {  	v2 =	vadd.f32 v3, v2  }
0x21b: {  	v44 =	vunpack.i.l.bf16.f32 v1;
	v1 =	vunpack.i.u.bf16.f32 v1;
	v3 =	vmax.f32 v4, $0.0e+00  }
0x21c: {  	v2 =	vmax.f32 v2, $0.0e+00;
	v1 =	vadd.f32 v43, v1;
	[tilespmem:s28+$0x16360] =	vst v3  }
0x21d: {  	v3 =	vadd.f32 v41, v44;
	[tilespmem:s28+$0x16370] =	vst v2  }
0x21e: {  	v2 =	vld [tilespmem:s30+$0x1BC40];
	v1 =	vmax.f32 v1, $0.0e+00  }
0x21f: {  	v45 =	vld [tilespmem:s28+$0x16380];
	v3 =	vmax.f32 v3, $0.0e+00;
	[tilespmem:s29+$0x16370] =	vst v1  }
0x220: {  	[tilespmem:s29+$0x16360] =	vst v3;
	v3 =	vld [tilespmem:s28+$0x16390]  }
0x221: {  	v1 =	vld [tilespmem:s2+$0x1BC40]  }
0x222: {  	v46 =	vld [tilespmem:s29+$0x16380]  }
0x223: {  	v48 =	vld [tilespmem:s29+$0x16390];
	v47 =	vunpack.i.l.bf16.f32 v2  }
0x224: {  	v4 =	vadd.f32 v45, v47  }
0x225: {  	v2 =	vunpack.i.u.bf16.f32 v2  }
0x226: {  	v2 =	vadd.f32 v3, v2;
	v3 =	vmax.f32 v4, $0.0e+00;
	v49 =	vunpack.i.l.bf16.f32 v1  }
0x227: {  	v1 =	vunpack.i.u.bf16.f32 v1;
	[tilespmem:s28+$0x16380] =	vst v3;
	v3 =	vadd.f32 v46, v49  }
0x228: {  	v2 =	vmax.f32 v2, $0.0e+00;
	v1 =	vadd.f32 v48, v1  }
0x229: {  	v50 =	vld [tilespmem:s28+$0x163A0];
	[tilespmem:s28+$0x16390] =	vst v2;
	v3 =	vmax.f32 v3, $0.0e+00  }
0x22a: {  	v2 =	vld [tilespmem:s30+$0x1BC50];
	v1 =	vmax.f32 v1, $0.0e+00;
	[tilespmem:s29+$0x16380] =	vst v3  }
0x22b: {  	v3 =	vld [tilespmem:s28+$0x163B0];
	[tilespmem:s29+$0x16390] =	vst v1  }
0x22c: {  	v1 =	vld [tilespmem:s2+$0x1BC50]  }
0x22d: {  	v53 =	vld [tilespmem:s29+$0x163B0]  }
0x22e: {  	v51 =	vld [tilespmem:s29+$0x163A0]  }
0x22f: {  	v52 =	vunpack.i.l.bf16.f32 v2  }
0x230: {  	v2 =	vunpack.i.u.bf16.f32 v2;
	v4 =	vadd.f32 v50, v52  }
0x231: {  	v2 =	vadd.f32 v3, v2;
	v54 =	vunpack.i.l.bf16.f32 v1;
	v1 =	vunpack.i.u.bf16.f32 v1  }
0x232: {  	v3 =	vmax.f32 v4, $0.0e+00;
	v1 =	vadd.f32 v53, v1  }
0x233: {  	v2 =	vmax.f32 v2, $0.0e+00;
	[tilespmem:s28+$0x163A0] =	vst v3;
	v3 =	vadd.f32 v51, v54  }
0x234: {  	v55 =	vld [tilespmem:s28+$0x163C0];
	[tilespmem:s28+$0x163B0] =	vst v2;
	v1 =	vmax.f32 v1, $0.0e+00  }
0x235: {  	v2 =	vld [tilespmem:s30+$0x1BC60];
	v3 =	vmax.f32 v3, $0.0e+00;
	[tilespmem:s29+$0x163B0] =	vst v1  }
0x236: {  	[tilespmem:s29+$0x163A0] =	vst v3;
	v3 =	vld [tilespmem:s28+$0x163D0]  }
0x237: {  	v1 =	vld [tilespmem:s2+$0x1BC60]  }
0x238: {  	v56 =	vld [tilespmem:s29+$0x163C0]  }
0x239: {  	v57 =	vld [tilespmem:s29+$0x163D0]  }
0x23a: {  	v58 =	vunpack.i.l.bf16.f32 v2  }
0x23b: {  	v2 =	vunpack.i.u.bf16.f32 v2;
	v4 =	vadd.f32 v55, v58  }
0x23c: {  	v2 =	vadd.f32 v3, v2;
	v3 =	vunpack.i.l.bf16.f32 v1  }
0x23d: {  	v4 =	vmax.f32 v4, $0.0e+00;
	v1 =	vunpack.i.u.bf16.f32 v1;
	v3 =	vadd.f32 v56, v3  }
0x23e: {  	[tilespmem:s28+$0x163C0] =	vst v4;
	v2 =	vmax.f32 v2, $0.0e+00;
	v1 =	vadd.f32 v57, v1  }
0x23f: {  	v59 =	vld [tilespmem:s28+$0x163F0];
	[tilespmem:s28+$0x163D0] =	vst v2;
	v2 =	vmax.f32 v3, $0.0e+00  }
0x240: {  	v1 =	vmax.f32 v1, $0.0e+00;
	[tilespmem:s29+$0x163C0] =	vst v2;
	v2 =	vld [tilespmem:s30+$0x1BC70]  }
0x241: {  	v3 =	vld [tilespmem:s28+$0x163E0];
	[tilespmem:s29+$0x163D0] =	vst v1  }
0x242: {  	v1 =	vld [tilespmem:s2+$0x1BC70]  }
0x243: {  	v60 =	vld [tilespmem:s29+$0x163E0]  }
0x244: {  	v61 =	vld [tilespmem:s29+$0x163F0]  }
0x245: {  	v62 =	vunpack.i.l.bf16.f32 v2  }
0x246: {  	v2 =	vunpack.i.u.bf16.f32 v2;
	v3 =	vadd.f32 v3, v62  }
0x247: {  	p3 =	slt.u32 s26, $0x6;
	v2 =	vadd.f32 v59, v2;
	v63 =	vunpack.i.l.bf16.f32 v1  }
.Ltmp7:
0x248: {  	v1 =	vunpack.i.u.bf16.f32 v1;
	v4 =	vadd.f32 v60, v63;
	v3 =	vmax.f32 v3, $0.0e+00;
	(pc) =	sbr.rel @p3 .LBB2_8-.Ltmp7, $4  }
0x249: {  	v1 =	vadd.f32 v61, v1;
	v2 =	vmax.f32 v2, $0.0e+00;
	[tilespmem:s28+$0x163E0] =	vst v3  }
0x24a: {  	[tilespmem:s28+$0x163F0] =	vst v2;
	v2 =	vmax.f32 v4, $0.0e+00  }
0x24b: {  	s30 =	sadd.s32 $0x2, s26;
	v1 =	vmax.f32 v1, $0.0e+00;
	[tilespmem:s29+$0x163E0] =	vst v2  }
0x24c: {  	s26 =	smov.u32 s30;
	[tilespmem:s29+$0x163F0] =	vst v1  }
0x24d: {  	v1 =	vld [tilespmem:$0x1D200];
	_ =	sdelay $0x4  }
0x24e: {  	(xrf1) =	vunique.msk.u32 $0xffff, v1;
	_ =	sdelay $0xd  }
0x24f: {  	_, v2, vm0 =	vpop (xrf1);
	_ =	sdelay $0x3  }
0x250: {  	v2 =	vcvt.s32.f32 v2;
	_ =	sdelay $0x1  }
0x251: {  	[tilespmem:v1+s8+$0x0] =	vst.idx.add.f32.msk vm0, v2  }
0x252: {  	v1 =	vld [tilespmem:$0x1D210];
	_ =	sdelay $0x4  }
0x253: {  	(xrf1) =	vunique.msk.u32 $0xffff, v1;
	_ =	sdelay $0xd  }
0x254: {  	_, v2, vm0 =	vpop (xrf1);
	_ =	sdelay $0x3  }
0x255: {  	v2 =	vcvt.s32.f32 v2;
	_ =	sdelay $0x1  }
0x256: {  	[tilespmem:v1+s8+$0x0] =	vst.idx.add.f32.msk vm0, v2  }
0x257: {  	v1 =	vld [tilespmem:$0x1D220];
	_ =	sdelay $0x4  }
0x258: {  	(xrf1) =	vunique.msk.u32 $0xffff, v1;
	_ =	sdelay $0xd  }
0x259: {  	_, v2, vm0 =	vpop (xrf1);
	_ =	sdelay $0x3  }
0x25a: {  	v2 =	vcvt.s32.f32 v2;
	_ =	sdelay $0x1  }
0x25b: {  	[tilespmem:v1+s8+$0x0] =	vst.idx.add.f32.msk vm0, v2  }
0x25c: {  	v1 =	vld [tilespmem:$0x1D230];
	_ =	sdelay $0x4  }
0x25d: {  	(xrf1) =	vunique.msk.u32 $0xffff, v1;
	_ =	sdelay $0xd  }
0x25e: {  	_, v2, vm0 =	vpop (xrf1);
	_ =	sdelay $0x3  }
0x25f: {  	v2 =	vcvt.s32.f32 v2;
	_ =	sdelay $0x1  }
0x260: {  	[tilespmem:v1+s8+$0x0] =	vst.idx.add.f32.msk vm0, v2  }
0x261: {  	[spmem:s13] =	stream.indirect.scatter.add.f32 [tilespmem:s11], [sflag:$0x8], $0x80, s10, s9, $0xb8;
	[tilespmem:$0x1FB00] =	vst v63  }
.LBB2_10:
0x262: {  	s2 =	sadd.s32 $0x1, s24;
	p3 =	sge.u32 @!p2 s24, s0  }
0x263: {  	p3 =	por p3, p2;
	p2 =	sge.u32 s2, s18  }
0x264: {  	s26 =	simm.s32 @!p3 $0x8;
	s2 =	sshll.u32 @!p2 s2, $0x5  }
0x265: {  	_ =	swait.ge @!p3 [sflag:s26], $0x2000;
	s2 =	sor.u32 @!p2 s3, s2  }
0x266: {  	[sflag:s26] =	ssyncset.done @!p3 $0x0;
	s28 =	sshll.u32 @!p2 s2, $0x3  }
0x267: {  	s29 =	simm.s32 @!p2 $0x0;
	[sflag:s26] =	ssyncadd.s32 @!p3 $0xFFFFE000;
	s26 =	sand.u32 @!p2 $0x1FFFFFF8, s28  }
0x268: {  	s30 =	simm.s32 @!p2 $0x1D080;
	s2 =	sshll.u32 @!p2 s2, $0x9;
	s28 =	sadd.s32 @!p2 s17, s26  }
0x269: {  	[tilespmem:s30], [sflag:$0x2] =	stream.linear.gather @!p2 [hbm4b:s28+s29], $0x40, $0x38;
	[tilespmem:$0x1FB00] =	vst v63  }
0x26a: {  	s2 =	sand.u32 @!p2 $0x1FFFFE00, s2;
	s26 =	sadd.s32 @!p2 s19, s26;
	s28 =	simm.s32 @!p2 $0x1D200  }
0x26b: {  	[tilespmem:s28], [sflag:$0x2] =	stream.linear.gather @!p2 [hbm4b:s26+s29], $0x40, $0x38;
	[tilespmem:$0x1FB00] =	vst v63  }
0x26c: {  	s2 =	sadd.s32 @!p2 s16, s2;
	s26 =	simm.s32 @!p2 $0x1B000  }
0x26d: {  	[tilespmem:s26], [sflag:$0x2] =	stream.linear.gather @!p2 [hbm4b:s2+s29], $0x1000, $0x38;
	[tilespmem:$0x1FB00] =	vst v63  }
0x26e: {  	s2 =	simm.s32 @!p0 $0x1  }
0x26f: {  	_ =	swait.ge @!p0 [sflag:s2], $0x40  }
0x270: {  	[sflag:s2] =	ssyncset.done @!p0 $0x0  }
0x271: {  	[sflag:s2] =	ssyncadd.s32 @!p0 $0xFFFFFFC0  }
0x272: {  	_ =	swait.ge @!p0 [sflag:s2], $0x40  }
0x273: {  	[sflag:s2] =	ssyncset.done @!p0 $0x0  }
.Ltmp8:
0x274: {  	[sflag:s2] =	ssyncadd.s32 @!p0 $0xFFFFFFC0;
	(pc) =	sbr.rel @!p1 .LBB2_14-.Ltmp8, $4  }
0x275: {  	_ =	swait.ge @!p0 [sflag:s2], $0x1000  }
0x276: {  	[sflag:s2] =	ssyncset.done @!p0 $0x0  }
0x277: {  	s26 =	simm.s32 @!p0 $0x14000;
	[sflag:s2] =	ssyncadd.s32 @!p0 $0xFFFFF000;
	s2 =	simm.s32 @!p0 $0x40  }
0x278: {  	[tilespmem:s26], [sflag:$0x4] =	stream.indirect.gather @!p0 [hbm4b:s1+s2], $0x80, s25, s2, $0xb8;
	[tilespmem:$0x1FB00] =	vst v63  }
0x279: {  	_ =	swait.ge [sflag:s14], $0x2000  }
0x27a: {  	[sflag:s14] =	ssyncset.done $0x0  }
0x27b: {  	s25 =	simm.s32 $0x0;
	[sflag:s14] =	ssyncadd.s32 $0xFFFFE000  }
.LBB2_12:
0x27c: {  	s2 =	sshll.u32 s25, $0x7  }
0x27d: {  	s28 =	sshll.u32 s25, $0xA;
	s29 =	sand.u32 $0x3FFFFF80, s2  }
0x27e: {  	s26 =	sand.u32 $0x3FFFFC00, s28;
	s28 =	sor.u32 $0x1, s25;
	v1 =	vld [tilespmem:s29+$0x1C000]  }
0x27f: {  	v2 =	vld [tilespmem:s26+$0x18000];
	s30 =	sshll.u32 s28, $0x7  }
0x280: {  	v3 =	vld [tilespmem:s26+$0x18010];
	s28 =	sshll.u32 s28, $0xA;
	s2 =	sand.u32 $0x3FFFFF80, s30  }
0x281: {  	s28 =	sand.u32 $0x3FFFFC00, s28;
	v4 =	vld [tilespmem:s2+$0x1C000]  }
0x282: {  	v5 =	vld [tilespmem:s28+$0x18000]  }
0x283: {  	v7 =	vld [tilespmem:s28+$0x18010];
	v6 =	vunpack.i.l.bf16.f32 v1  }
0x284: {  	v1 =	vunpack.i.u.bf16.f32 v1;
	v2 =	vadd.f32 v2, v6  }
0x285: {  	v1 =	vadd.f32 v3, v1  }
0x286: {  	v3 =	vunpack.i.l.bf16.f32 v4;
	v2 =	vmax.f32 v2, $0.0e+00  }
0x287: {  	v1 =	vmax.f32 v1, $0.0e+00;
	v3 =	vadd.f32 v5, v3;
	[tilespmem:s26+$0x18000] =	vst v2;
	v2 =	vunpack.i.u.bf16.f32 v4  }
0x288: {  	[tilespmem:s26+$0x18010] =	vst v1;
	v1 =	vadd.f32 v7, v2  }
0x289: {  	v2 =	vld [tilespmem:s29+$0x1C010];
	v3 =	vmax.f32 v3, $0.0e+00  }
0x28a: {  	v20 =	vld [tilespmem:s26+$0x18020];
	[tilespmem:s28+$0x18000] =	vst v3;
	v1 =	vmax.f32 v1, $0.0e+00  }
0x28b: {  	v3 =	vld [tilespmem:s26+$0x18030];
	[tilespmem:s28+$0x18010] =	vst v1  }
0x28c: {  	v1 =	vld [tilespmem:s2+$0x1C010]  }
0x28d: {  	v21 =	vld [tilespmem:s28+$0x18020]  }
0x28e: {  	v23 =	vld [tilespmem:s28+$0x18030];
	v22 =	vunpack.i.l.bf16.f32 v2  }
0x28f: {  	v2 =	vunpack.i.u.bf16.f32 v2;
	v4 =	vadd.f32 v20, v22  }
0x290: {  	v2 =	vadd.f32 v3, v2  }
0x291: {  	v3 =	vmax.f32 v4, $0.0e+00;
	v24 =	vunpack.i.l.bf16.f32 v1  }
0x292: {  	v2 =	vmax.f32 v2, $0.0e+00;
	[tilespmem:s26+$0x18020] =	vst v3;
	v1 =	vunpack.i.u.bf16.f32 v1;
	v3 =	vadd.f32 v21, v24  }
0x293: {  	[tilespmem:s26+$0x18030] =	vst v2;
	v1 =	vadd.f32 v23, v1  }
0x294: {  	v2 =	vld [tilespmem:s29+$0x1C020];
	v3 =	vmax.f32 v3, $0.0e+00  }
0x295: {  	v25 =	vld [tilespmem:s26+$0x18040];
	v1 =	vmax.f32 v1, $0.0e+00;
	[tilespmem:s28+$0x18020] =	vst v3  }
0x296: {  	v3 =	vld [tilespmem:s26+$0x18050];
	[tilespmem:s28+$0x18030] =	vst v1  }
0x297: {  	v1 =	vld [tilespmem:s2+$0x1C020]  }
0x298: {  	v26 =	vld [tilespmem:s28+$0x18040]  }
0x299: {  	v28 =	vld [tilespmem:s28+$0x18050];
	v27 =	vunpack.i.l.bf16.f32 v2  }
0x29a: {  	v2 =	vunpack.i.u.bf16.f32 v2;
	v4 =	vadd.f32 v25, v27  }
0x29b: {  	v2 =	vadd.f32 v3, v2  }
0x29c: {  	v3 =	vmax.f32 v4, $0.0e+00;
	v29 =	vunpack.i.l.bf16.f32 v1  }
0x29d: {  	[tilespmem:s26+$0x18040] =	vst v3;
	v1 =	vunpack.i.u.bf16.f32 v1;
	v2 =	vmax.f32 v2, $0.0e+00;
	v3 =	vadd.f32 v26, v29  }
0x29e: {  	v1 =	vadd.f32 v28, v1;
	[tilespmem:s26+$0x18050] =	vst v2  }
0x29f: {  	v2 =	vld [tilespmem:s29+$0x1C030];
	v3 =	vmax.f32 v3, $0.0e+00  }
0x2a0: {  	v30 =	vld [tilespmem:s26+$0x18060];
	v1 =	vmax.f32 v1, $0.0e+00;
	[tilespmem:s28+$0x18040] =	vst v3  }
0x2a1: {  	v3 =	vld [tilespmem:s26+$0x18070];
	[tilespmem:s28+$0x18050] =	vst v1  }
0x2a2: {  	v1 =	vld [tilespmem:s2+$0x1C030]  }
0x2a3: {  	v33 =	vld [tilespmem:s28+$0x18070]  }
0x2a4: {  	v31 =	vld [tilespmem:s28+$0x18060];
	v32 =	vunpack.i.l.bf16.f32 v2  }
0x2a5: {  	v2 =	vunpack.i.u.bf16.f32 v2;
	v4 =	vadd.f32 v30, v32  }
0x2a6: {  	v2 =	vadd.f32 v3, v2  }
0x2a7: {  	v34 =	vunpack.i.l.bf16.f32 v1;
	v1 =	vunpack.i.u.bf16.f32 v1;
	v3 =	vmax.f32 v4, $0.0e+00  }
0x2a8: {  	v2 =	vmax.f32 v2, $0.0e+00;
	v1 =	vadd.f32 v33, v1;
	[tilespmem:s26+$0x18060] =	vst v3  }
0x2a9: {  	v3 =	vadd.f32 v31, v34;
	[tilespmem:s26+$0x18070] =	vst v2  }
0x2aa: {  	v2 =	vld [tilespmem:s29+$0x1C040];
	v1 =	vmax.f32 v1, $0.0e+00  }
0x2ab: {  	v35 =	vld [tilespmem:s26+$0x18080];
	v3 =	vmax.f32 v3, $0.0e+00;
	[tilespmem:s28+$0x18070] =	vst v1  }
0x2ac: {  	[tilespmem:s28+$0x18060] =	vst v3;
	v3 =	vld [tilespmem:s26+$0x18090]  }
0x2ad: {  	v1 =	vld [tilespmem:s2+$0x1C040]  }
0x2ae: {  	v36 =	vld [tilespmem:s28+$0x18080]  }
0x2af: {  	v38 =	vld [tilespmem:s28+$0x18090];
	v37 =	vunpack.i.l.bf16.f32 v2  }
0x2b0: {  	v2 =	vunpack.i.u.bf16.f32 v2;
	v4 =	vadd.f32 v35, v37  }
0x2b1: {  	v2 =	vadd.f32 v3, v2  }
0x2b2: {  	v3 =	vmax.f32 v4, $0.0e+00;
	v39 =	vunpack.i.l.bf16.f32 v1  }
0x2b3: {  	v1 =	vunpack.i.u.bf16.f32 v1;
	[tilespmem:s26+$0x18080] =	vst v3;
	v2 =	vmax.f32 v2, $0.0e+00;
	v3 =	vadd.f32 v36, v39  }
0x2b4: {  	v1 =	vadd.f32 v38, v1;
	[tilespmem:s26+$0x18090] =	vst v2  }
0x2b5: {  	v2 =	vld [tilespmem:s29+$0x1C050];
	v3 =	vmax.f32 v3, $0.0e+00  }
0x2b6: {  	v40 =	vld [tilespmem:s26+$0x180A0];
	v1 =	vmax.f32 v1, $0.0e+00;
	[tilespmem:s28+$0x18080] =	vst v3  }
0x2b7: {  	v3 =	vld [tilespmem:s26+$0x180B0];
	[tilespmem:s28+$0x18090] =	vst v1  }
0x2b8: {  	v1 =	vld [tilespmem:s2+$0x1C050]  }
0x2b9: {  	v43 =	vld [tilespmem:s28+$0x180B0]  }
0x2ba: {  	v41 =	vld [tilespmem:s28+$0x180A0];
	v42 =	vunpack.i.l.bf16.f32 v2  }
0x2bb: {  	v2 =	vunpack.i.u.bf16.f32 v2;
	v4 =	vadd.f32 v40, v42  }
0x2bc: {  	v2 =	vadd.f32 v3, v2  }
0x2bd: {  	v44 =	vunpack.i.l.bf16.f32 v1;
	v1 =	vunpack.i.u.bf16.f32 v1;
	v3 =	vmax.f32 v4, $0.0e+00  }
0x2be: {  	v2 =	vmax.f32 v2, $0.0e+00;
	v1 =	vadd.f32 v43, v1;
	[tilespmem:s26+$0x180A0] =	vst v3  }
0x2bf: {  	v3 =	vadd.f32 v41, v44;
	[tilespmem:s26+$0x180B0] =	vst v2  }
0x2c0: {  	v2 =	vld [tilespmem:s29+$0x1C060];
	v1 =	vmax.f32 v1, $0.0e+00  }
0x2c1: {  	v45 =	vld [tilespmem:s26+$0x180C0];
	v3 =	vmax.f32 v3, $0.0e+00;
	[tilespmem:s28+$0x180B0] =	vst v1  }
0x2c2: {  	[tilespmem:s28+$0x180A0] =	vst v3;
	v3 =	vld [tilespmem:s26+$0x180D0]  }
0x2c3: {  	v1 =	vld [tilespmem:s2+$0x1C060]  }
0x2c4: {  	v46 =	vld [tilespmem:s28+$0x180C0]  }
0x2c5: {  	v48 =	vld [tilespmem:s28+$0x180D0];
	v47 =	vunpack.i.l.bf16.f32 v2  }
0x2c6: {  	v2 =	vunpack.i.u.bf16.f32 v2;
	v4 =	vadd.f32 v45, v47  }
0x2c7: {  	v2 =	vadd.f32 v3, v2  }
0x2c8: {  	v3 =	vmax.f32 v4, $0.0e+00;
	v49 =	vunpack.i.l.bf16.f32 v1  }
0x2c9: {  	v1 =	vunpack.i.u.bf16.f32 v1;
	[tilespmem:s26+$0x180C0] =	vst v3;
	v2 =	vmax.f32 v2, $0.0e+00;
	v3 =	vadd.f32 v46, v49  }
0x2ca: {  	v1 =	vadd.f32 v48, v1;
	[tilespmem:s26+$0x180D0] =	vst v2  }
0x2cb: {  	v2 =	vld [tilespmem:s29+$0x1C070];
	v3 =	vmax.f32 v3, $0.0e+00  }
0x2cc: {  	v50 =	vld [tilespmem:s26+$0x180E0];
	v1 =	vmax.f32 v1, $0.0e+00;
	[tilespmem:s28+$0x180C0] =	vst v3  }
0x2cd: {  	v3 =	vld [tilespmem:s26+$0x180F0];
	[tilespmem:s28+$0x180D0] =	vst v1  }
0x2ce: {  	v1 =	vld [tilespmem:s2+$0x1C070]  }
0x2cf: {  	v53 =	vld [tilespmem:s28+$0x180F0]  }
0x2d0: {  	v51 =	vld [tilespmem:s28+$0x180E0];
	v52 =	vunpack.i.l.bf16.f32 v2  }
0x2d1: {  	v2 =	vunpack.i.u.bf16.f32 v2;
	v4 =	vadd.f32 v50, v52  }
0x2d2: {  	v2 =	vadd.f32 v3, v2  }
0x2d3: {  	v54 =	vunpack.i.l.bf16.f32 v1;
	v1 =	vunpack.i.u.bf16.f32 v1;
	v3 =	vmax.f32 v4, $0.0e+00  }
0x2d4: {  	v2 =	vmax.f32 v2, $0.0e+00;
	v1 =	vadd.f32 v53, v1;
	[tilespmem:s26+$0x180E0] =	vst v3  }
0x2d5: {  	v3 =	vadd.f32 v51, v54;
	[tilespmem:s26+$0x180F0] =	vst v2  }
0x2d6: {  	v2 =	vld [tilespmem:s29+$0x1C400];
	v1 =	vmax.f32 v1, $0.0e+00  }
0x2d7: {  	v55 =	vld [tilespmem:s26+$0x18100];
	v3 =	vmax.f32 v3, $0.0e+00;
	[tilespmem:s28+$0x180F0] =	vst v1  }
0x2d8: {  	[tilespmem:s28+$0x180E0] =	vst v3;
	v3 =	vld [tilespmem:s26+$0x18110]  }
0x2d9: {  	v1 =	vld [tilespmem:s2+$0x1C400]  }
0x2da: {  	v56 =	vld [tilespmem:s28+$0x18100]  }
0x2db: {  	v58 =	vld [tilespmem:s28+$0x18110];
	v57 =	vunpack.i.l.bf16.f32 v2  }
0x2dc: {  	v2 =	vunpack.i.u.bf16.f32 v2;
	v4 =	vadd.f32 v55, v57  }
0x2dd: {  	v2 =	vadd.f32 v3, v2  }
0x2de: {  	v3 =	vmax.f32 v4, $0.0e+00;
	v59 =	vunpack.i.l.bf16.f32 v1  }
0x2df: {  	v1 =	vunpack.i.u.bf16.f32 v1;
	[tilespmem:s26+$0x18100] =	vst v3;
	v2 =	vmax.f32 v2, $0.0e+00;
	v3 =	vadd.f32 v56, v59  }
0x2e0: {  	v1 =	vadd.f32 v58, v1;
	[tilespmem:s26+$0x18110] =	vst v2  }
0x2e1: {  	v2 =	vld [tilespmem:s29+$0x1C410];
	v3 =	vmax.f32 v3, $0.0e+00  }
0x2e2: {  	v60 =	vld [tilespmem:s26+$0x18120];
	v1 =	vmax.f32 v1, $0.0e+00;
	[tilespmem:s28+$0x18100] =	vst v3  }
0x2e3: {  	v3 =	vld [tilespmem:s26+$0x18130];
	[tilespmem:s28+$0x18110] =	vst v1  }
0x2e4: {  	v1 =	vld [tilespmem:s2+$0x1C410]  }
0x2e5: {  	v63 =	vld [tilespmem:s28+$0x18130]  }
0x2e6: {  	v61 =	vld [tilespmem:s28+$0x18120];
	v62 =	vunpack.i.l.bf16.f32 v2  }
0x2e7: {  	v2 =	vunpack.i.u.bf16.f32 v2;
	v4 =	vadd.f32 v60, v62  }
0x2e8: {  	v2 =	vadd.f32 v3, v2  }
0x2e9: {  	v9 =	vunpack.i.l.bf16.f32 v1;
	v1 =	vunpack.i.u.bf16.f32 v1;
	v3 =	vmax.f32 v4, $0.0e+00  }
0x2ea: {  	v2 =	vmax.f32 v2, $0.0e+00;
	v1 =	vadd.f32 v63, v1;
	[tilespmem:s26+$0x18120] =	vst v3  }
0x2eb: {  	v3 =	vadd.f32 v61, v9;
	[tilespmem:s26+$0x18130] =	vst v2  }
0x2ec: {  	v2 =	vld [tilespmem:s29+$0x1C420];
	v1 =	vmax.f32 v1, $0.0e+00  }
0x2ed: {  	v10 =	vld [tilespmem:s26+$0x18140];
	v3 =	vmax.f32 v3, $0.0e+00;
	[tilespmem:s28+$0x18130] =	vst v1  }
0x2ee: {  	[tilespmem:s28+$0x18120] =	vst v3;
	v3 =	vld [tilespmem:s26+$0x18150]  }
0x2ef: {  	v1 =	vld [tilespmem:s2+$0x1C420]  }
0x2f0: {  	v11 =	vld [tilespmem:s28+$0x18140]  }
0x2f1: {  	v13 =	vld [tilespmem:s28+$0x18150];
	v12 =	vunpack.i.l.bf16.f32 v2  }
0x2f2: {  	v2 =	vunpack.i.u.bf16.f32 v2;
	v4 =	vadd.f32 v10, v12  }
0x2f3: {  	v2 =	vadd.f32 v3, v2  }
0x2f4: {  	v3 =	vmax.f32 v4, $0.0e+00;
	v14 =	vunpack.i.l.bf16.f32 v1  }
0x2f5: {  	v1 =	vunpack.i.u.bf16.f32 v1;
	[tilespmem:s26+$0x18140] =	vst v3;
	v2 =	vmax.f32 v2, $0.0e+00;
	v3 =	vadd.f32 v11, v14  }
0x2f6: {  	v1 =	vadd.f32 v13, v1;
	[tilespmem:s26+$0x18150] =	vst v2  }
0x2f7: {  	v2 =	vld [tilespmem:s29+$0x1C430];
	v3 =	vmax.f32 v3, $0.0e+00  }
0x2f8: {  	v15 =	vld [tilespmem:s26+$0x18160];
	v1 =	vmax.f32 v1, $0.0e+00;
	[tilespmem:s28+$0x18140] =	vst v3  }
0x2f9: {  	v3 =	vld [tilespmem:s26+$0x18170];
	[tilespmem:s28+$0x18150] =	vst v1  }
0x2fa: {  	v1 =	vld [tilespmem:s2+$0x1C430]  }
0x2fb: {  	v18 =	vld [tilespmem:s28+$0x18170]  }
0x2fc: {  	v16 =	vld [tilespmem:s28+$0x18160];
	v17 =	vunpack.i.l.bf16.f32 v2  }
0x2fd: {  	v2 =	vunpack.i.u.bf16.f32 v2;
	v4 =	vadd.f32 v15, v17  }
0x2fe: {  	v2 =	vadd.f32 v3, v2  }
0x2ff: {  	v19 =	vunpack.i.l.bf16.f32 v1;
	v1 =	vunpack.i.u.bf16.f32 v1;
	v3 =	vmax.f32 v4, $0.0e+00  }
0x300: {  	v2 =	vmax.f32 v2, $0.0e+00;
	v1 =	vadd.f32 v18, v1;
	[tilespmem:s26+$0x18160] =	vst v3  }
0x301: {  	v3 =	vadd.f32 v16, v19;
	[tilespmem:s26+$0x18170] =	vst v2  }
0x302: {  	v2 =	vld [tilespmem:s29+$0x1C440];
	v1 =	vmax.f32 v1, $0.0e+00  }
0x303: {  	v20 =	vld [tilespmem:s26+$0x18180];
	v3 =	vmax.f32 v3, $0.0e+00;
	[tilespmem:s28+$0x18170] =	vst v1  }
0x304: {  	[tilespmem:s28+$0x18160] =	vst v3;
	v3 =	vld [tilespmem:s26+$0x18190]  }
0x305: {  	v1 =	vld [tilespmem:s2+$0x1C440]  }
0x306: {  	v21 =	vld [tilespmem:s28+$0x18180]  }
0x307: {  	v23 =	vld [tilespmem:s28+$0x18190];
	v22 =	vunpack.i.l.bf16.f32 v2  }
0x308: {  	v2 =	vunpack.i.u.bf16.f32 v2;
	v4 =	vadd.f32 v20, v22  }
0x309: {  	v2 =	vadd.f32 v3, v2  }
0x30a: {  	v3 =	vmax.f32 v4, $0.0e+00;
	v24 =	vunpack.i.l.bf16.f32 v1  }
0x30b: {  	v1 =	vunpack.i.u.bf16.f32 v1;
	[tilespmem:s26+$0x18180] =	vst v3;
	v2 =	vmax.f32 v2, $0.0e+00;
	v3 =	vadd.f32 v21, v24  }
0x30c: {  	v1 =	vadd.f32 v23, v1;
	[tilespmem:s26+$0x18190] =	vst v2  }
0x30d: {  	v2 =	vld [tilespmem:s29+$0x1C450];
	v3 =	vmax.f32 v3, $0.0e+00  }
0x30e: {  	v25 =	vld [tilespmem:s26+$0x181A0];
	v1 =	vmax.f32 v1, $0.0e+00;
	[tilespmem:s28+$0x18180] =	vst v3  }
0x30f: {  	v3 =	vld [tilespmem:s26+$0x181B0];
	[tilespmem:s28+$0x18190] =	vst v1  }
0x310: {  	v1 =	vld [tilespmem:s2+$0x1C450]  }
0x311: {  	v28 =	vld [tilespmem:s28+$0x181B0]  }
0x312: {  	v26 =	vld [tilespmem:s28+$0x181A0];
	v27 =	vunpack.i.l.bf16.f32 v2  }
0x313: {  	v2 =	vunpack.i.u.bf16.f32 v2;
	v4 =	vadd.f32 v25, v27  }
0x314: {  	v2 =	vadd.f32 v3, v2  }
0x315: {  	v29 =	vunpack.i.l.bf16.f32 v1;
	v1 =	vunpack.i.u.bf16.f32 v1;
	v3 =	vmax.f32 v4, $0.0e+00  }
0x316: {  	v2 =	vmax.f32 v2, $0.0e+00;
	v1 =	vadd.f32 v28, v1;
	[tilespmem:s26+$0x181A0] =	vst v3  }
0x317: {  	v3 =	vadd.f32 v26, v29;
	[tilespmem:s26+$0x181B0] =	vst v2  }
0x318: {  	v2 =	vld [tilespmem:s29+$0x1C460];
	v1 =	vmax.f32 v1, $0.0e+00  }
0x319: {  	v30 =	vld [tilespmem:s26+$0x181C0];
	v3 =	vmax.f32 v3, $0.0e+00;
	[tilespmem:s28+$0x181B0] =	vst v1  }
0x31a: {  	[tilespmem:s28+$0x181A0] =	vst v3;
	v3 =	vld [tilespmem:s26+$0x181D0]  }
0x31b: {  	v1 =	vld [tilespmem:s2+$0x1C460]  }
0x31c: {  	v31 =	vld [tilespmem:s28+$0x181C0]  }
0x31d: {  	v33 =	vld [tilespmem:s28+$0x181D0];
	v32 =	vunpack.i.l.bf16.f32 v2  }
0x31e: {  	v2 =	vunpack.i.u.bf16.f32 v2;
	v4 =	vadd.f32 v30, v32  }
0x31f: {  	v2 =	vadd.f32 v3, v2  }
0x320: {  	v3 =	vmax.f32 v4, $0.0e+00;
	v34 =	vunpack.i.l.bf16.f32 v1  }
0x321: {  	v1 =	vunpack.i.u.bf16.f32 v1;
	[tilespmem:s26+$0x181C0] =	vst v3;
	v2 =	vmax.f32 v2, $0.0e+00;
	v3 =	vadd.f32 v31, v34  }
0x322: {  	v1 =	vadd.f32 v33, v1;
	[tilespmem:s26+$0x181D0] =	vst v2  }
0x323: {  	v2 =	vld [tilespmem:s29+$0x1C470];
	v3 =	vmax.f32 v3, $0.0e+00  }
0x324: {  	v35 =	vld [tilespmem:s26+$0x181E0];
	v1 =	vmax.f32 v1, $0.0e+00;
	[tilespmem:s28+$0x181C0] =	vst v3  }
0x325: {  	v3 =	vld [tilespmem:s26+$0x181F0];
	[tilespmem:s28+$0x181D0] =	vst v1  }
0x326: {  	v1 =	vld [tilespmem:s2+$0x1C470]  }
0x327: {  	v38 =	vld [tilespmem:s28+$0x181F0]  }
0x328: {  	v36 =	vld [tilespmem:s28+$0x181E0];
	v37 =	vunpack.i.l.bf16.f32 v2  }
0x329: {  	v2 =	vunpack.i.u.bf16.f32 v2;
	v4 =	vadd.f32 v35, v37  }
0x32a: {  	v2 =	vadd.f32 v3, v2  }
0x32b: {  	v39 =	vunpack.i.l.bf16.f32 v1;
	v1 =	vunpack.i.u.bf16.f32 v1;
	v3 =	vmax.f32 v4, $0.0e+00  }
0x32c: {  	v2 =	vmax.f32 v2, $0.0e+00;
	v1 =	vadd.f32 v38, v1;
	[tilespmem:s26+$0x181E0] =	vst v3  }
0x32d: {  	v3 =	vadd.f32 v36, v39;
	[tilespmem:s26+$0x181F0] =	vst v2  }
0x32e: {  	v2 =	vld [tilespmem:s29+$0x1C800];
	v1 =	vmax.f32 v1, $0.0e+00  }
0x32f: {  	v40 =	vld [tilespmem:s26+$0x18200];
	v3 =	vmax.f32 v3, $0.0e+00;
	[tilespmem:s28+$0x181F0] =	vst v1  }
0x330: {  	[tilespmem:s28+$0x181E0] =	vst v3;
	v3 =	vld [tilespmem:s26+$0x18210]  }
0x331: {  	v1 =	vld [tilespmem:s2+$0x1C800]  }
0x332: {  	v41 =	vld [tilespmem:s28+$0x18200]  }
0x333: {  	v43 =	vld [tilespmem:s28+$0x18210];
	v42 =	vunpack.i.l.bf16.f32 v2  }
0x334: {  	v2 =	vunpack.i.u.bf16.f32 v2;
	v4 =	vadd.f32 v40, v42  }
0x335: {  	v2 =	vadd.f32 v3, v2  }
0x336: {  	v3 =	vmax.f32 v4, $0.0e+00;
	v44 =	vunpack.i.l.bf16.f32 v1  }
0x337: {  	v1 =	vunpack.i.u.bf16.f32 v1;
	[tilespmem:s26+$0x18200] =	vst v3;
	v2 =	vmax.f32 v2, $0.0e+00;
	v3 =	vadd.f32 v41, v44  }
0x338: {  	v1 =	vadd.f32 v43, v1;
	[tilespmem:s26+$0x18210] =	vst v2  }
0x339: {  	v2 =	vld [tilespmem:s29+$0x1C810];
	v3 =	vmax.f32 v3, $0.0e+00  }
0x33a: {  	v45 =	vld [tilespmem:s26+$0x18220];
	v1 =	vmax.f32 v1, $0.0e+00;
	[tilespmem:s28+$0x18200] =	vst v3  }
0x33b: {  	v3 =	vld [tilespmem:s26+$0x18230];
	[tilespmem:s28+$0x18210] =	vst v1  }
0x33c: {  	v1 =	vld [tilespmem:s2+$0x1C810]  }
0x33d: {  	v48 =	vld [tilespmem:s28+$0x18230]  }
0x33e: {  	v46 =	vld [tilespmem:s28+$0x18220];
	v47 =	vunpack.i.l.bf16.f32 v2  }
0x33f: {  	v2 =	vunpack.i.u.bf16.f32 v2;
	v4 =	vadd.f32 v45, v47  }
0x340: {  	v2 =	vadd.f32 v3, v2  }
0x341: {  	v49 =	vunpack.i.l.bf16.f32 v1;
	v1 =	vunpack.i.u.bf16.f32 v1;
	v3 =	vmax.f32 v4, $0.0e+00  }
0x342: {  	v2 =	vmax.f32 v2, $0.0e+00;
	v1 =	vadd.f32 v48, v1;
	[tilespmem:s26+$0x18220] =	vst v3  }
0x343: {  	v3 =	vadd.f32 v46, v49;
	[tilespmem:s26+$0x18230] =	vst v2  }
0x344: {  	v2 =	vld [tilespmem:s29+$0x1C820];
	v1 =	vmax.f32 v1, $0.0e+00  }
0x345: {  	v50 =	vld [tilespmem:s26+$0x18240];
	v3 =	vmax.f32 v3, $0.0e+00;
	[tilespmem:s28+$0x18230] =	vst v1  }
0x346: {  	[tilespmem:s28+$0x18220] =	vst v3;
	v3 =	vld [tilespmem:s26+$0x18250]  }
0x347: {  	v1 =	vld [tilespmem:s2+$0x1C820]  }
0x348: {  	v51 =	vld [tilespmem:s28+$0x18240]  }
0x349: {  	v53 =	vld [tilespmem:s28+$0x18250];
	v52 =	vunpack.i.l.bf16.f32 v2  }
0x34a: {  	v2 =	vunpack.i.u.bf16.f32 v2;
	v4 =	vadd.f32 v50, v52  }
0x34b: {  	v2 =	vadd.f32 v3, v2  }
0x34c: {  	v3 =	vmax.f32 v4, $0.0e+00;
	v54 =	vunpack.i.l.bf16.f32 v1  }
0x34d: {  	v1 =	vunpack.i.u.bf16.f32 v1;
	[tilespmem:s26+$0x18240] =	vst v3;
	v2 =	vmax.f32 v2, $0.0e+00;
	v3 =	vadd.f32 v51, v54  }
0x34e: {  	v1 =	vadd.f32 v53, v1;
	[tilespmem:s26+$0x18250] =	vst v2  }
0x34f: {  	v2 =	vld [tilespmem:s29+$0x1C830];
	v3 =	vmax.f32 v3, $0.0e+00  }
0x350: {  	v55 =	vld [tilespmem:s26+$0x18260];
	v1 =	vmax.f32 v1, $0.0e+00;
	[tilespmem:s28+$0x18240] =	vst v3  }
0x351: {  	v3 =	vld [tilespmem:s26+$0x18270];
	[tilespmem:s28+$0x18250] =	vst v1  }
0x352: {  	v1 =	vld [tilespmem:s2+$0x1C830]  }
0x353: {  	v58 =	vld [tilespmem:s28+$0x18270]  }
0x354: {  	v56 =	vld [tilespmem:s28+$0x18260];
	v57 =	vunpack.i.l.bf16.f32 v2  }
0x355: {  	v2 =	vunpack.i.u.bf16.f32 v2;
	v4 =	vadd.f32 v55, v57  }
0x356: {  	v2 =	vadd.f32 v3, v2  }
0x357: {  	v59 =	vunpack.i.l.bf16.f32 v1;
	v1 =	vunpack.i.u.bf16.f32 v1;
	v3 =	vmax.f32 v4, $0.0e+00  }
0x358: {  	v2 =	vmax.f32 v2, $0.0e+00;
	v1 =	vadd.f32 v58, v1;
	[tilespmem:s26+$0x18260] =	vst v3  }
0x359: {  	v3 =	vadd.f32 v56, v59;
	[tilespmem:s26+$0x18270] =	vst v2  }
0x35a: {  	v2 =	vld [tilespmem:s29+$0x1C840];
	v1 =	vmax.f32 v1, $0.0e+00  }
0x35b: {  	v60 =	vld [tilespmem:s26+$0x18280];
	v3 =	vmax.f32 v3, $0.0e+00;
	[tilespmem:s28+$0x18270] =	vst v1  }
0x35c: {  	[tilespmem:s28+$0x18260] =	vst v3;
	v3 =	vld [tilespmem:s26+$0x18290]  }
0x35d: {  	v1 =	vld [tilespmem:s2+$0x1C840]  }
0x35e: {  	v61 =	vld [tilespmem:s28+$0x18280]  }
0x35f: {  	v63 =	vld [tilespmem:s28+$0x18290];
	v62 =	vunpack.i.l.bf16.f32 v2  }
0x360: {  	v2 =	vunpack.i.u.bf16.f32 v2;
	v4 =	vadd.f32 v60, v62  }
0x361: {  	v2 =	vadd.f32 v3, v2  }
0x362: {  	v3 =	vmax.f32 v4, $0.0e+00;
	v9 =	vunpack.i.l.bf16.f32 v1  }
0x363: {  	v1 =	vunpack.i.u.bf16.f32 v1;
	[tilespmem:s26+$0x18280] =	vst v3;
	v2 =	vmax.f32 v2, $0.0e+00;
	v3 =	vadd.f32 v61, v9  }
0x364: {  	v1 =	vadd.f32 v63, v1;
	[tilespmem:s26+$0x18290] =	vst v2  }
0x365: {  	v2 =	vld [tilespmem:s29+$0x1C850];
	v3 =	vmax.f32 v3, $0.0e+00  }
0x366: {  	v10 =	vld [tilespmem:s26+$0x182A0];
	v1 =	vmax.f32 v1, $0.0e+00;
	[tilespmem:s28+$0x18280] =	vst v3  }
0x367: {  	v3 =	vld [tilespmem:s26+$0x182B0];
	[tilespmem:s28+$0x18290] =	vst v1  }
0x368: {  	v1 =	vld [tilespmem:s2+$0x1C850]  }
0x369: {  	v13 =	vld [tilespmem:s28+$0x182B0]  }
0x36a: {  	v11 =	vld [tilespmem:s28+$0x182A0];
	v12 =	vunpack.i.l.bf16.f32 v2  }
0x36b: {  	v2 =	vunpack.i.u.bf16.f32 v2;
	v4 =	vadd.f32 v10, v12  }
0x36c: {  	v2 =	vadd.f32 v3, v2  }
0x36d: {  	v14 =	vunpack.i.l.bf16.f32 v1;
	v1 =	vunpack.i.u.bf16.f32 v1;
	v3 =	vmax.f32 v4, $0.0e+00  }
0x36e: {  	v2 =	vmax.f32 v2, $0.0e+00;
	v1 =	vadd.f32 v13, v1;
	[tilespmem:s26+$0x182A0] =	vst v3  }
0x36f: {  	v3 =	vadd.f32 v11, v14;
	[tilespmem:s26+$0x182B0] =	vst v2  }
0x370: {  	v2 =	vld [tilespmem:s29+$0x1C860];
	v1 =	vmax.f32 v1, $0.0e+00  }
0x371: {  	v15 =	vld [tilespmem:s26+$0x182C0];
	v3 =	vmax.f32 v3, $0.0e+00;
	[tilespmem:s28+$0x182B0] =	vst v1  }
0x372: {  	[tilespmem:s28+$0x182A0] =	vst v3;
	v3 =	vld [tilespmem:s26+$0x182D0]  }
0x373: {  	v1 =	vld [tilespmem:s2+$0x1C860]  }
0x374: {  	v16 =	vld [tilespmem:s28+$0x182C0]  }
0x375: {  	v18 =	vld [tilespmem:s28+$0x182D0];
	v17 =	vunpack.i.l.bf16.f32 v2  }
0x376: {  	v2 =	vunpack.i.u.bf16.f32 v2;
	v4 =	vadd.f32 v15, v17  }
0x377: {  	v2 =	vadd.f32 v3, v2  }
0x378: {  	v3 =	vmax.f32 v4, $0.0e+00;
	v19 =	vunpack.i.l.bf16.f32 v1  }
0x379: {  	v1 =	vunpack.i.u.bf16.f32 v1;
	[tilespmem:s26+$0x182C0] =	vst v3;
	v2 =	vmax.f32 v2, $0.0e+00;
	v3 =	vadd.f32 v16, v19  }
0x37a: {  	v1 =	vadd.f32 v18, v1;
	[tilespmem:s26+$0x182D0] =	vst v2  }
0x37b: {  	v2 =	vld [tilespmem:s29+$0x1C870];
	v3 =	vmax.f32 v3, $0.0e+00  }
0x37c: {  	v20 =	vld [tilespmem:s26+$0x182E0];
	v1 =	vmax.f32 v1, $0.0e+00;
	[tilespmem:s28+$0x182C0] =	vst v3  }
0x37d: {  	v3 =	vld [tilespmem:s26+$0x182F0];
	[tilespmem:s28+$0x182D0] =	vst v1  }
0x37e: {  	v1 =	vld [tilespmem:s2+$0x1C870]  }
0x37f: {  	v23 =	vld [tilespmem:s28+$0x182F0]  }
0x380: {  	v21 =	vld [tilespmem:s28+$0x182E0];
	v22 =	vunpack.i.l.bf16.f32 v2  }
0x381: {  	v2 =	vunpack.i.u.bf16.f32 v2;
	v4 =	vadd.f32 v20, v22  }
0x382: {  	v2 =	vadd.f32 v3, v2  }
0x383: {  	v24 =	vunpack.i.l.bf16.f32 v1;
	v1 =	vunpack.i.u.bf16.f32 v1;
	v3 =	vmax.f32 v4, $0.0e+00  }
0x384: {  	v2 =	vmax.f32 v2, $0.0e+00;
	v1 =	vadd.f32 v23, v1;
	[tilespmem:s26+$0x182E0] =	vst v3  }
0x385: {  	v3 =	vadd.f32 v21, v24;
	[tilespmem:s26+$0x182F0] =	vst v2  }
0x386: {  	v2 =	vld [tilespmem:s29+$0x1CC00];
	v1 =	vmax.f32 v1, $0.0e+00  }
0x387: {  	v25 =	vld [tilespmem:s26+$0x18300];
	v3 =	vmax.f32 v3, $0.0e+00;
	[tilespmem:s28+$0x182F0] =	vst v1  }
0x388: {  	[tilespmem:s28+$0x182E0] =	vst v3;
	v3 =	vld [tilespmem:s26+$0x18310]  }
0x389: {  	v1 =	vld [tilespmem:s2+$0x1CC00]  }
0x38a: {  	v26 =	vld [tilespmem:s28+$0x18300]  }
0x38b: {  	v28 =	vld [tilespmem:s28+$0x18310];
	v27 =	vunpack.i.l.bf16.f32 v2  }
0x38c: {  	v2 =	vunpack.i.u.bf16.f32 v2;
	v4 =	vadd.f32 v25, v27  }
0x38d: {  	v2 =	vadd.f32 v3, v2  }
0x38e: {  	v3 =	vmax.f32 v4, $0.0e+00;
	v29 =	vunpack.i.l.bf16.f32 v1  }
0x38f: {  	v1 =	vunpack.i.u.bf16.f32 v1;
	[tilespmem:s26+$0x18300] =	vst v3;
	v2 =	vmax.f32 v2, $0.0e+00;
	v3 =	vadd.f32 v26, v29  }
0x390: {  	v1 =	vadd.f32 v28, v1;
	[tilespmem:s26+$0x18310] =	vst v2  }
0x391: {  	v2 =	vld [tilespmem:s29+$0x1CC10];
	v3 =	vmax.f32 v3, $0.0e+00  }
0x392: {  	v30 =	vld [tilespmem:s26+$0x18320];
	v1 =	vmax.f32 v1, $0.0e+00;
	[tilespmem:s28+$0x18300] =	vst v3  }
0x393: {  	v3 =	vld [tilespmem:s26+$0x18330];
	[tilespmem:s28+$0x18310] =	vst v1  }
0x394: {  	v1 =	vld [tilespmem:s2+$0x1CC10]  }
0x395: {  	v33 =	vld [tilespmem:s28+$0x18330]  }
0x396: {  	v31 =	vld [tilespmem:s28+$0x18320];
	v32 =	vunpack.i.l.bf16.f32 v2  }
0x397: {  	v2 =	vunpack.i.u.bf16.f32 v2;
	v4 =	vadd.f32 v30, v32  }
0x398: {  	v2 =	vadd.f32 v3, v2  }
0x399: {  	v34 =	vunpack.i.l.bf16.f32 v1;
	v1 =	vunpack.i.u.bf16.f32 v1;
	v3 =	vmax.f32 v4, $0.0e+00  }
0x39a: {  	v2 =	vmax.f32 v2, $0.0e+00;
	v1 =	vadd.f32 v33, v1;
	[tilespmem:s26+$0x18320] =	vst v3  }
0x39b: {  	v3 =	vadd.f32 v31, v34;
	[tilespmem:s26+$0x18330] =	vst v2  }
0x39c: {  	v2 =	vld [tilespmem:s29+$0x1CC20];
	v1 =	vmax.f32 v1, $0.0e+00  }
0x39d: {  	v35 =	vld [tilespmem:s26+$0x18340];
	v3 =	vmax.f32 v3, $0.0e+00;
	[tilespmem:s28+$0x18330] =	vst v1  }
0x39e: {  	[tilespmem:s28+$0x18320] =	vst v3;
	v3 =	vld [tilespmem:s26+$0x18350]  }
0x39f: {  	v1 =	vld [tilespmem:s2+$0x1CC20]  }
0x3a0: {  	v36 =	vld [tilespmem:s28+$0x18340]  }
0x3a1: {  	v38 =	vld [tilespmem:s28+$0x18350];
	v37 =	vunpack.i.l.bf16.f32 v2  }
0x3a2: {  	v2 =	vunpack.i.u.bf16.f32 v2;
	v4 =	vadd.f32 v35, v37  }
0x3a3: {  	v2 =	vadd.f32 v3, v2  }
0x3a4: {  	v3 =	vmax.f32 v4, $0.0e+00;
	v39 =	vunpack.i.l.bf16.f32 v1  }
0x3a5: {  	v1 =	vunpack.i.u.bf16.f32 v1;
	[tilespmem:s26+$0x18340] =	vst v3;
	v2 =	vmax.f32 v2, $0.0e+00;
	v3 =	vadd.f32 v36, v39  }
0x3a6: {  	v1 =	vadd.f32 v38, v1;
	[tilespmem:s26+$0x18350] =	vst v2  }
0x3a7: {  	v2 =	vld [tilespmem:s29+$0x1CC30];
	v3 =	vmax.f32 v3, $0.0e+00  }
0x3a8: {  	v40 =	vld [tilespmem:s26+$0x18360];
	v1 =	vmax.f32 v1, $0.0e+00;
	[tilespmem:s28+$0x18340] =	vst v3  }
0x3a9: {  	v3 =	vld [tilespmem:s26+$0x18370];
	[tilespmem:s28+$0x18350] =	vst v1  }
0x3aa: {  	v1 =	vld [tilespmem:s2+$0x1CC30]  }
0x3ab: {  	v43 =	vld [tilespmem:s28+$0x18370]  }
0x3ac: {  	v41 =	vld [tilespmem:s28+$0x18360];
	v42 =	vunpack.i.l.bf16.f32 v2  }
0x3ad: {  	v2 =	vunpack.i.u.bf16.f32 v2;
	v4 =	vadd.f32 v40, v42  }
0x3ae: {  	v2 =	vadd.f32 v3, v2  }
0x3af: {  	v44 =	vunpack.i.l.bf16.f32 v1;
	v1 =	vunpack.i.u.bf16.f32 v1;
	v3 =	vmax.f32 v4, $0.0e+00  }
0x3b0: {  	v2 =	vmax.f32 v2, $0.0e+00;
	v1 =	vadd.f32 v43, v1;
	[tilespmem:s26+$0x18360] =	vst v3  }
0x3b1: {  	v3 =	vadd.f32 v41, v44;
	[tilespmem:s26+$0x18370] =	vst v2  }
0x3b2: {  	v2 =	vld [tilespmem:s29+$0x1CC40];
	v1 =	vmax.f32 v1, $0.0e+00  }
0x3b3: {  	v45 =	vld [tilespmem:s26+$0x18380];
	v3 =	vmax.f32 v3, $0.0e+00;
	[tilespmem:s28+$0x18370] =	vst v1  }
0x3b4: {  	[tilespmem:s28+$0x18360] =	vst v3;
	v3 =	vld [tilespmem:s26+$0x18390]  }
0x3b5: {  	v1 =	vld [tilespmem:s2+$0x1CC40]  }
0x3b6: {  	v46 =	vld [tilespmem:s28+$0x18380]  }
0x3b7: {  	v48 =	vld [tilespmem:s28+$0x18390];
	v47 =	vunpack.i.l.bf16.f32 v2  }
0x3b8: {  	v4 =	vadd.f32 v45, v47  }
0x3b9: {  	v2 =	vunpack.i.u.bf16.f32 v2  }
0x3ba: {  	v2 =	vadd.f32 v3, v2;
	v3 =	vmax.f32 v4, $0.0e+00;
	v49 =	vunpack.i.l.bf16.f32 v1  }
0x3bb: {  	v1 =	vunpack.i.u.bf16.f32 v1;
	[tilespmem:s26+$0x18380] =	vst v3;
	v3 =	vadd.f32 v46, v49  }
0x3bc: {  	v2 =	vmax.f32 v2, $0.0e+00;
	v1 =	vadd.f32 v48, v1  }
0x3bd: {  	v50 =	vld [tilespmem:s26+$0x183A0];
	[tilespmem:s26+$0x18390] =	vst v2;
	v3 =	vmax.f32 v3, $0.0e+00  }
0x3be: {  	v2 =	vld [tilespmem:s29+$0x1CC50];
	v1 =	vmax.f32 v1, $0.0e+00;
	[tilespmem:s28+$0x18380] =	vst v3  }
0x3bf: {  	v3 =	vld [tilespmem:s26+$0x183B0];
	[tilespmem:s28+$0x18390] =	vst v1  }
0x3c0: {  	v1 =	vld [tilespmem:s2+$0x1CC50]  }
0x3c1: {  	v53 =	vld [tilespmem:s28+$0x183B0]  }
0x3c2: {  	v51 =	vld [tilespmem:s28+$0x183A0]  }
0x3c3: {  	v52 =	vunpack.i.l.bf16.f32 v2  }
0x3c4: {  	v2 =	vunpack.i.u.bf16.f32 v2;
	v4 =	vadd.f32 v50, v52  }
0x3c5: {  	v2 =	vadd.f32 v3, v2;
	v54 =	vunpack.i.l.bf16.f32 v1;
	v1 =	vunpack.i.u.bf16.f32 v1  }
0x3c6: {  	v3 =	vmax.f32 v4, $0.0e+00;
	v1 =	vadd.f32 v53, v1  }
0x3c7: {  	v2 =	vmax.f32 v2, $0.0e+00;
	[tilespmem:s26+$0x183A0] =	vst v3;
	v3 =	vadd.f32 v51, v54  }
0x3c8: {  	v55 =	vld [tilespmem:s26+$0x183C0];
	[tilespmem:s26+$0x183B0] =	vst v2;
	v1 =	vmax.f32 v1, $0.0e+00  }
0x3c9: {  	v2 =	vld [tilespmem:s29+$0x1CC60];
	v3 =	vmax.f32 v3, $0.0e+00;
	[tilespmem:s28+$0x183B0] =	vst v1  }
0x3ca: {  	[tilespmem:s28+$0x183A0] =	vst v3;
	v3 =	vld [tilespmem:s26+$0x183D0]  }
0x3cb: {  	v1 =	vld [tilespmem:s2+$0x1CC60]  }
0x3cc: {  	v56 =	vld [tilespmem:s28+$0x183C0]  }
0x3cd: {  	v57 =	vld [tilespmem:s28+$0x183D0]  }
0x3ce: {  	v58 =	vunpack.i.l.bf16.f32 v2  }
0x3cf: {  	v2 =	vunpack.i.u.bf16.f32 v2;
	v4 =	vadd.f32 v55, v58  }
0x3d0: {  	v2 =	vadd.f32 v3, v2;
	v3 =	vunpack.i.l.bf16.f32 v1  }
0x3d1: {  	v4 =	vmax.f32 v4, $0.0e+00;
	v1 =	vunpack.i.u.bf16.f32 v1;
	v3 =	vadd.f32 v56, v3  }
0x3d2: {  	[tilespmem:s26+$0x183C0] =	vst v4;
	v2 =	vmax.f32 v2, $0.0e+00;
	v1 =	vadd.f32 v57, v1  }
0x3d3: {  	v59 =	vld [tilespmem:s26+$0x183F0];
	[tilespmem:s26+$0x183D0] =	vst v2;
	v2 =	vmax.f32 v3, $0.0e+00  }
0x3d4: {  	v1 =	vmax.f32 v1, $0.0e+00;
	[tilespmem:s28+$0x183C0] =	vst v2;
	v2 =	vld [tilespmem:s29+$0x1CC70]  }
0x3d5: {  	v3 =	vld [tilespmem:s26+$0x183E0];
	[tilespmem:s28+$0x183D0] =	vst v1  }
0x3d6: {  	v1 =	vld [tilespmem:s2+$0x1CC70]  }
0x3d7: {  	v60 =	vld [tilespmem:s28+$0x183E0]  }
0x3d8: {  	v61 =	vld [tilespmem:s28+$0x183F0]  }
0x3d9: {  	v62 =	vunpack.i.l.bf16.f32 v2  }
0x3da: {  	v2 =	vunpack.i.u.bf16.f32 v2;
	v3 =	vadd.f32 v3, v62  }
0x3db: {  	p0 =	slt.u32 s25, $0x6;
	v2 =	vadd.f32 v59, v2;
	v63 =	vunpack.i.l.bf16.f32 v1  }
.Ltmp9:
0x3dc: {  	v1 =	vunpack.i.u.bf16.f32 v1;
	v4 =	vadd.f32 v60, v63;
	v3 =	vmax.f32 v3, $0.0e+00;
	(pc) =	sbr.rel @p0 .LBB2_12-.Ltmp9, $4  }
0x3dd: {  	v1 =	vadd.f32 v61, v1;
	v2 =	vmax.f32 v2, $0.0e+00;
	[tilespmem:s26+$0x183E0] =	vst v3  }
0x3de: {  	[tilespmem:s26+$0x183F0] =	vst v2;
	v2 =	vmax.f32 v4, $0.0e+00  }
0x3df: {  	s30 =	sadd.s32 $0x2, s25;
	v1 =	vmax.f32 v1, $0.0e+00;
	[tilespmem:s28+$0x183E0] =	vst v2  }
0x3e0: {  	s25 =	smov.u32 s30;
	[tilespmem:s28+$0x183F0] =	vst v1  }
0x3e1: {  	v1 =	vld [tilespmem:$0x1D280];
	_ =	sdelay $0x4  }
0x3e2: {  	(xrf1) =	vunique.msk.u32 $0xffff, v1;
	_ =	sdelay $0xd  }
0x3e3: {  	_, v2, vm0 =	vpop (xrf1);
	_ =	sdelay $0x3  }
0x3e4: {  	v2 =	vcvt.s32.f32 v2;
	_ =	sdelay $0x1  }
0x3e5: {  	[tilespmem:v1+s8+$0x0] =	vst.idx.add.f32.msk vm0, v2  }
0x3e6: {  	v1 =	vld [tilespmem:$0x1D290];
	_ =	sdelay $0x4  }
0x3e7: {  	(xrf1) =	vunique.msk.u32 $0xffff, v1;
	_ =	sdelay $0xd  }
0x3e8: {  	_, v2, vm0 =	vpop (xrf1);
	_ =	sdelay $0x3  }
0x3e9: {  	v2 =	vcvt.s32.f32 v2;
	_ =	sdelay $0x1  }
0x3ea: {  	[tilespmem:v1+s8+$0x0] =	vst.idx.add.f32.msk vm0, v2  }
0x3eb: {  	v1 =	vld [tilespmem:$0x1D2A0];
	_ =	sdelay $0x4  }
0x3ec: {  	(xrf1) =	vunique.msk.u32 $0xffff, v1;
	_ =	sdelay $0xd  }
0x3ed: {  	_, v2, vm0 =	vpop (xrf1);
	_ =	sdelay $0x3  }
0x3ee: {  	v2 =	vcvt.s32.f32 v2;
	_ =	sdelay $0x1  }
0x3ef: {  	[tilespmem:v1+s8+$0x0] =	vst.idx.add.f32.msk vm0, v2  }
0x3f0: {  	v1 =	vld [tilespmem:$0x1D2B0];
	_ =	sdelay $0x4  }
0x3f1: {  	(xrf1) =	vunique.msk.u32 $0xffff, v1;
	_ =	sdelay $0xd  }
0x3f2: {  	_, v2, vm0 =	vpop (xrf1);
	_ =	sdelay $0x3  }
0x3f3: {  	v2 =	vcvt.s32.f32 v2;
	_ =	sdelay $0x1  }
0x3f4: {  	[tilespmem:v1+s8+$0x0] =	vst.idx.add.f32.msk vm0, v2  }
0x3f5: {  	[spmem:s13] =	stream.indirect.scatter.add.f32 [tilespmem:s31], [sflag:$0x9], $0x80, s15, s9, $0xb8;
	[tilespmem:$0x1FB00] =	vst v63  }
0x3f6: {  	_ =	swait.ge [sflag:s12], $0x2000  }
0x3f7: {  	[sflag:s12] =	ssyncset.done $0x0  }
0x3f8: {  	[sflag:s12] =	ssyncadd.s32 $0xFFFFE000  }
.LBB2_14:
0x3f9: {  	s2 =	sadd.s32 $0x2, s24  }
0x3fa: {  	p0 =	sge.u32 s2, s18  }
0x3fb: {  	s24 =	sshll.u32 @!p0 s2, $0x5  }
0x3fc: {  	s24 =	sor.u32 @!p0 s3, s24  }
0x3fd: {  	s25 =	sshll.u32 @!p0 s24, $0x3  }
0x3fe: {  	s28 =	simm.s32 @!p0 $0x0;
	s25 =	sand.u32 @!p0 $0x1FFFFFF8, s25  }
0x3ff: {  	s29 =	simm.s32 @!p0 $0x1D100;
	s24 =	sshll.u32 @!p0 s24, $0x9;
	s26 =	sadd.s32 @!p0 s17, s25  }
0x400: {  	[tilespmem:s29], [sflag:$0x3] =	stream.linear.gather @!p0 [hbm4b:s26+s28], $0x40, $0x38;
	[tilespmem:$0x1FB00] =	vst v63  }
0x401: {  	s24 =	sand.u32 @!p0 $0x1FFFFE00, s24;
	s25 =	sadd.s32 @!p0 s19, s25;
	s26 =	simm.s32 @!p0 $0x1D280  }
0x402: {  	[tilespmem:s26], [sflag:$0x3] =	stream.linear.gather @!p0 [hbm4b:s25+s28], $0x40, $0x38;
	[tilespmem:$0x1FB00] =	vst v63  }
0x403: {  	s24 =	sadd.s32 @!p0 s16, s24;
	s25 =	simm.s32 @!p0 $0x1C000  }
0x404: {  	[tilespmem:s25], [sflag:$0x3] =	stream.linear.gather @!p0 [hbm4b:s24+s28], $0x1000, $0x38;
	[tilespmem:$0x1FB00] =	vst v63  }
0x405: {  	p0 =	sgt.u32 s2, s18  }
0x406: {  	s24 =	simm.s32 @!p0 $0x2  }
0x407: {  	_ =	swait.ge @!p0 [sflag:s24], $0x40  }
0x408: {  	[sflag:s24] =	ssyncset.done @!p0 $0x0  }
0x409: {  	[sflag:s24] =	ssyncadd.s32 @!p0 $0xFFFFFFC0  }
0x40a: {  	_ =	swait.ge @!p0 [sflag:s24], $0x40  }
0x40b: {  	[sflag:s24] =	ssyncset.done @!p0 $0x0  }
0x40c: {  	[sflag:s24] =	ssyncadd.s32 @!p0 $0xFFFFFFC0  }
0x40d: {  	_ =	swait.ge @!p0 [sflag:s24], $0x1000  }
0x40e: {  	s25 =	simm.s32 @!p0 $0x1D080;
	[sflag:s24] =	ssyncset.done @!p0 $0x0  }
0x40f: {  	s26 =	simm.s32 @!p0 $0x16000;
	[sflag:s24] =	ssyncadd.s32 @!p0 $0xFFFFF000;
	s24 =	simm.s32 @!p0 $0x40  }
0x410: {  	[tilespmem:s26], [sflag:$0x5] =	stream.indirect.gather @!p0 [hbm4b:s1+s24], $0x80, s25, s24, $0xb8;
	[tilespmem:$0x1FB00] =	vst v63  }
0x411: {  	p0 =	sgt.u32 s2, s4  }
.Ltmp10:
0x412: {  	_ = 	snop;
	(pc) =	sbr.rel @p0 .LBB2_18-.Ltmp10, $1  }
0x413: {  	_ =	sdelay $0x3  }
0x414: {  	_ =	swait.ge [sflag:s20], $0x2000  }
0x415: {  	[sflag:s20] =	ssyncset.done $0x0  }
0x416: {  	s24 =	simm.s32 $0x0;
	[sflag:s20] =	ssyncadd.s32 $0xFFFFE000  }
.LBB2_16:
0x417: {  	s2 =	sshll.u32 s24, $0x7  }
0x418: {  	s26 =	sshll.u32 s24, $0xA;
	s28 =	sand.u32 $0x3FFFFF80, s2  }
0x419: {  	s25 =	sand.u32 $0x3FFFFC00, s26;
	s26 =	sor.u32 $0x1, s24;
	v1 =	vld [tilespmem:s28+$0x1A000]  }
0x41a: {  	v2 =	vld [tilespmem:s25+$0x14000];
	s29 =	sshll.u32 s26, $0x7  }
0x41b: {  	v3 =	vld [tilespmem:s25+$0x14010];
	s26 =	sshll.u32 s26, $0xA;
	s2 =	sand.u32 $0x3FFFFF80, s29  }
0x41c: {  	s26 =	sand.u32 $0x3FFFFC00, s26;
	v4 =	vld [tilespmem:s2+$0x1A000]  }
0x41d: {  	v5 =	vld [tilespmem:s26+$0x14000]  }
0x41e: {  	v7 =	vld [tilespmem:s26+$0x14010];
	v6 =	vunpack.i.l.bf16.f32 v1  }
0x41f: {  	v1 =	vunpack.i.u.bf16.f32 v1;
	v2 =	vadd.f32 v2, v6  }
0x420: {  	v1 =	vadd.f32 v3, v1  }
0x421: {  	v3 =	vunpack.i.l.bf16.f32 v4;
	v2 =	vmax.f32 v2, $0.0e+00  }
0x422: {  	v1 =	vmax.f32 v1, $0.0e+00;
	v3 =	vadd.f32 v5, v3;
	[tilespmem:s25+$0x14000] =	vst v2;
	v2 =	vunpack.i.u.bf16.f32 v4  }
0x423: {  	[tilespmem:s25+$0x14010] =	vst v1;
	v1 =	vadd.f32 v7, v2  }
0x424: {  	v2 =	vld [tilespmem:s28+$0x1A010];
	v3 =	vmax.f32 v3, $0.0e+00  }
0x425: {  	v20 =	vld [tilespmem:s25+$0x14020];
	[tilespmem:s26+$0x14000] =	vst v3;
	v1 =	vmax.f32 v1, $0.0e+00  }
0x426: {  	v3 =	vld [tilespmem:s25+$0x14030];
	[tilespmem:s26+$0x14010] =	vst v1  }
0x427: {  	v1 =	vld [tilespmem:s2+$0x1A010]  }
0x428: {  	v21 =	vld [tilespmem:s26+$0x14020]  }
0x429: {  	v23 =	vld [tilespmem:s26+$0x14030];
	v22 =	vunpack.i.l.bf16.f32 v2  }
0x42a: {  	v2 =	vunpack.i.u.bf16.f32 v2;
	v4 =	vadd.f32 v20, v22  }
0x42b: {  	v2 =	vadd.f32 v3, v2  }
0x42c: {  	v3 =	vmax.f32 v4, $0.0e+00;
	v24 =	vunpack.i.l.bf16.f32 v1  }
0x42d: {  	v2 =	vmax.f32 v2, $0.0e+00;
	[tilespmem:s25+$0x14020] =	vst v3;
	v1 =	vunpack.i.u.bf16.f32 v1;
	v3 =	vadd.f32 v21, v24  }
0x42e: {  	[tilespmem:s25+$0x14030] =	vst v2;
	v1 =	vadd.f32 v23, v1  }
0x42f: {  	v2 =	vld [tilespmem:s28+$0x1A020];
	v3 =	vmax.f32 v3, $0.0e+00  }
0x430: {  	v25 =	vld [tilespmem:s25+$0x14040];
	v1 =	vmax.f32 v1, $0.0e+00;
	[tilespmem:s26+$0x14020] =	vst v3  }
0x431: {  	v3 =	vld [tilespmem:s25+$0x14050];
	[tilespmem:s26+$0x14030] =	vst v1  }
0x432: {  	v1 =	vld [tilespmem:s2+$0x1A020]  }
0x433: {  	v26 =	vld [tilespmem:s26+$0x14040]  }
0x434: {  	v28 =	vld [tilespmem:s26+$0x14050];
	v27 =	vunpack.i.l.bf16.f32 v2  }
0x435: {  	v2 =	vunpack.i.u.bf16.f32 v2;
	v4 =	vadd.f32 v25, v27  }
0x436: {  	v2 =	vadd.f32 v3, v2  }
0x437: {  	v3 =	vmax.f32 v4, $0.0e+00;
	v29 =	vunpack.i.l.bf16.f32 v1  }
0x438: {  	[tilespmem:s25+$0x14040] =	vst v3;
	v1 =	vunpack.i.u.bf16.f32 v1;
	v2 =	vmax.f32 v2, $0.0e+00;
	v3 =	vadd.f32 v26, v29  }
0x439: {  	v1 =	vadd.f32 v28, v1;
	[tilespmem:s25+$0x14050] =	vst v2  }
0x43a: {  	v2 =	vld [tilespmem:s28+$0x1A030];
	v3 =	vmax.f32 v3, $0.0e+00  }
0x43b: {  	v30 =	vld [tilespmem:s25+$0x14060];
	v1 =	vmax.f32 v1, $0.0e+00;
	[tilespmem:s26+$0x14040] =	vst v3  }
0x43c: {  	v3 =	vld [tilespmem:s25+$0x14070];
	[tilespmem:s26+$0x14050] =	vst v1  }
0x43d: {  	v1 =	vld [tilespmem:s2+$0x1A030]  }
0x43e: {  	v33 =	vld [tilespmem:s26+$0x14070]  }
0x43f: {  	v31 =	vld [tilespmem:s26+$0x14060];
	v32 =	vunpack.i.l.bf16.f32 v2  }
0x440: {  	v2 =	vunpack.i.u.bf16.f32 v2;
	v4 =	vadd.f32 v30, v32  }
0x441: {  	v2 =	vadd.f32 v3, v2  }
0x442: {  	v34 =	vunpack.i.l.bf16.f32 v1;
	v1 =	vunpack.i.u.bf16.f32 v1;
	v3 =	vmax.f32 v4, $0.0e+00  }
0x443: {  	v2 =	vmax.f32 v2, $0.0e+00;
	v1 =	vadd.f32 v33, v1;
	[tilespmem:s25+$0x14060] =	vst v3  }
0x444: {  	v3 =	vadd.f32 v31, v34;
	[tilespmem:s25+$0x14070] =	vst v2  }
0x445: {  	v2 =	vld [tilespmem:s28+$0x1A040];
	v1 =	vmax.f32 v1, $0.0e+00  }
0x446: {  	v35 =	vld [tilespmem:s25+$0x14080];
	v3 =	vmax.f32 v3, $0.0e+00;
	[tilespmem:s26+$0x14070] =	vst v1  }
0x447: {  	[tilespmem:s26+$0x14060] =	vst v3;
	v3 =	vld [tilespmem:s25+$0x14090]  }
0x448: {  	v1 =	vld [tilespmem:s2+$0x1A040]  }
0x449: {  	v36 =	vld [tilespmem:s26+$0x14080]  }
0x44a: {  	v38 =	vld [tilespmem:s26+$0x14090];
	v37 =	vunpack.i.l.bf16.f32 v2  }
0x44b: {  	v2 =	vunpack.i.u.bf16.f32 v2;
	v4 =	vadd.f32 v35, v37  }
0x44c: {  	v2 =	vadd.f32 v3, v2  }
0x44d: {  	v3 =	vmax.f32 v4, $0.0e+00;
	v39 =	vunpack.i.l.bf16.f32 v1  }
0x44e: {  	v1 =	vunpack.i.u.bf16.f32 v1;
	[tilespmem:s25+$0x14080] =	vst v3;
	v2 =	vmax.f32 v2, $0.0e+00;
	v3 =	vadd.f32 v36, v39  }
0x44f: {  	v1 =	vadd.f32 v38, v1;
	[tilespmem:s25+$0x14090] =	vst v2  }
0x450: {  	v2 =	vld [tilespmem:s28+$0x1A050];
	v3 =	vmax.f32 v3, $0.0e+00  }
0x451: {  	v40 =	vld [tilespmem:s25+$0x140A0];
	v1 =	vmax.f32 v1, $0.0e+00;
	[tilespmem:s26+$0x14080] =	vst v3  }
0x452: {  	v3 =	vld [tilespmem:s25+$0x140B0];
	[tilespmem:s26+$0x14090] =	vst v1  }
0x453: {  	v1 =	vld [tilespmem:s2+$0x1A050]  }
0x454: {  	v43 =	vld [tilespmem:s26+$0x140B0]  }
0x455: {  	v41 =	vld [tilespmem:s26+$0x140A0];
	v42 =	vunpack.i.l.bf16.f32 v2  }
0x456: {  	v2 =	vunpack.i.u.bf16.f32 v2;
	v4 =	vadd.f32 v40, v42  }
0x457: {  	v2 =	vadd.f32 v3, v2  }
0x458: {  	v44 =	vunpack.i.l.bf16.f32 v1;
	v1 =	vunpack.i.u.bf16.f32 v1;
	v3 =	vmax.f32 v4, $0.0e+00  }
0x459: {  	v2 =	vmax.f32 v2, $0.0e+00;
	v1 =	vadd.f32 v43, v1;
	[tilespmem:s25+$0x140A0] =	vst v3  }
0x45a: {  	v3 =	vadd.f32 v41, v44;
	[tilespmem:s25+$0x140B0] =	vst v2  }
0x45b: {  	v2 =	vld [tilespmem:s28+$0x1A060];
	v1 =	vmax.f32 v1, $0.0e+00  }
0x45c: {  	v45 =	vld [tilespmem:s25+$0x140C0];
	v3 =	vmax.f32 v3, $0.0e+00;
	[tilespmem:s26+$0x140B0] =	vst v1  }
0x45d: {  	[tilespmem:s26+$0x140A0] =	vst v3;
	v3 =	vld [tilespmem:s25+$0x140D0]  }
0x45e: {  	v1 =	vld [tilespmem:s2+$0x1A060]  }
0x45f: {  	v46 =	vld [tilespmem:s26+$0x140C0]  }
0x460: {  	v48 =	vld [tilespmem:s26+$0x140D0];
	v47 =	vunpack.i.l.bf16.f32 v2  }
0x461: {  	v2 =	vunpack.i.u.bf16.f32 v2;
	v4 =	vadd.f32 v45, v47  }
0x462: {  	v2 =	vadd.f32 v3, v2  }
0x463: {  	v3 =	vmax.f32 v4, $0.0e+00;
	v49 =	vunpack.i.l.bf16.f32 v1  }
0x464: {  	v1 =	vunpack.i.u.bf16.f32 v1;
	[tilespmem:s25+$0x140C0] =	vst v3;
	v2 =	vmax.f32 v2, $0.0e+00;
	v3 =	vadd.f32 v46, v49  }
0x465: {  	v1 =	vadd.f32 v48, v1;
	[tilespmem:s25+$0x140D0] =	vst v2  }
0x466: {  	v2 =	vld [tilespmem:s28+$0x1A070];
	v3 =	vmax.f32 v3, $0.0e+00  }
0x467: {  	v50 =	vld [tilespmem:s25+$0x140E0];
	v1 =	vmax.f32 v1, $0.0e+00;
	[tilespmem:s26+$0x140C0] =	vst v3  }
0x468: {  	v3 =	vld [tilespmem:s25+$0x140F0];
	[tilespmem:s26+$0x140D0] =	vst v1  }
0x469: {  	v1 =	vld [tilespmem:s2+$0x1A070]  }
0x46a: {  	v53 =	vld [tilespmem:s26+$0x140F0]  }
0x46b: {  	v51 =	vld [tilespmem:s26+$0x140E0];
	v52 =	vunpack.i.l.bf16.f32 v2  }
0x46c: {  	v2 =	vunpack.i.u.bf16.f32 v2;
	v4 =	vadd.f32 v50, v52  }
0x46d: {  	v2 =	vadd.f32 v3, v2  }
0x46e: {  	v54 =	vunpack.i.l.bf16.f32 v1;
	v1 =	vunpack.i.u.bf16.f32 v1;
	v3 =	vmax.f32 v4, $0.0e+00  }
0x46f: {  	v2 =	vmax.f32 v2, $0.0e+00;
	v1 =	vadd.f32 v53, v1;
	[tilespmem:s25+$0x140E0] =	vst v3  }
0x470: {  	v3 =	vadd.f32 v51, v54;
	[tilespmem:s25+$0x140F0] =	vst v2  }
0x471: {  	v2 =	vld [tilespmem:s28+$0x1A400];
	v1 =	vmax.f32 v1, $0.0e+00  }
0x472: {  	v55 =	vld [tilespmem:s25+$0x14100];
	v3 =	vmax.f32 v3, $0.0e+00;
	[tilespmem:s26+$0x140F0] =	vst v1  }
0x473: {  	[tilespmem:s26+$0x140E0] =	vst v3;
	v3 =	vld [tilespmem:s25+$0x14110]  }
0x474: {  	v1 =	vld [tilespmem:s2+$0x1A400]  }
0x475: {  	v56 =	vld [tilespmem:s26+$0x14100]  }
0x476: {  	v58 =	vld [tilespmem:s26+$0x14110];
	v57 =	vunpack.i.l.bf16.f32 v2  }
0x477: {  	v2 =	vunpack.i.u.bf16.f32 v2;
	v4 =	vadd.f32 v55, v57  }
0x478: {  	v2 =	vadd.f32 v3, v2  }
0x479: {  	v3 =	vmax.f32 v4, $0.0e+00;
	v59 =	vunpack.i.l.bf16.f32 v1  }
0x47a: {  	v1 =	vunpack.i.u.bf16.f32 v1;
	[tilespmem:s25+$0x14100] =	vst v3;
	v2 =	vmax.f32 v2, $0.0e+00;
	v3 =	vadd.f32 v56, v59  }
0x47b: {  	v1 =	vadd.f32 v58, v1;
	[tilespmem:s25+$0x14110] =	vst v2  }
0x47c: {  	v2 =	vld [tilespmem:s28+$0x1A410];
	v3 =	vmax.f32 v3, $0.0e+00  }
0x47d: {  	v60 =	vld [tilespmem:s25+$0x14120];
	v1 =	vmax.f32 v1, $0.0e+00;
	[tilespmem:s26+$0x14100] =	vst v3  }
0x47e: {  	v3 =	vld [tilespmem:s25+$0x14130];
	[tilespmem:s26+$0x14110] =	vst v1  }
0x47f: {  	v1 =	vld [tilespmem:s2+$0x1A410]  }
0x480: {  	v63 =	vld [tilespmem:s26+$0x14130]  }
0x481: {  	v61 =	vld [tilespmem:s26+$0x14120];
	v62 =	vunpack.i.l.bf16.f32 v2  }
0x482: {  	v2 =	vunpack.i.u.bf16.f32 v2;
	v4 =	vadd.f32 v60, v62  }
0x483: {  	v2 =	vadd.f32 v3, v2  }
0x484: {  	v9 =	vunpack.i.l.bf16.f32 v1;
	v1 =	vunpack.i.u.bf16.f32 v1;
	v3 =	vmax.f32 v4, $0.0e+00  }
0x485: {  	v2 =	vmax.f32 v2, $0.0e+00;
	v1 =	vadd.f32 v63, v1;
	[tilespmem:s25+$0x14120] =	vst v3  }
0x486: {  	v3 =	vadd.f32 v61, v9;
	[tilespmem:s25+$0x14130] =	vst v2  }
0x487: {  	v2 =	vld [tilespmem:s28+$0x1A420];
	v1 =	vmax.f32 v1, $0.0e+00  }
0x488: {  	v10 =	vld [tilespmem:s25+$0x14140];
	v3 =	vmax.f32 v3, $0.0e+00;
	[tilespmem:s26+$0x14130] =	vst v1  }
0x489: {  	[tilespmem:s26+$0x14120] =	vst v3;
	v3 =	vld [tilespmem:s25+$0x14150]  }
0x48a: {  	v1 =	vld [tilespmem:s2+$0x1A420]  }
0x48b: {  	v11 =	vld [tilespmem:s26+$0x14140]  }
0x48c: {  	v13 =	vld [tilespmem:s26+$0x14150];
	v12 =	vunpack.i.l.bf16.f32 v2  }
0x48d: {  	v2 =	vunpack.i.u.bf16.f32 v2;
	v4 =	vadd.f32 v10, v12  }
0x48e: {  	v2 =	vadd.f32 v3, v2  }
0x48f: {  	v3 =	vmax.f32 v4, $0.0e+00;
	v14 =	vunpack.i.l.bf16.f32 v1  }
0x490: {  	v1 =	vunpack.i.u.bf16.f32 v1;
	[tilespmem:s25+$0x14140] =	vst v3;
	v2 =	vmax.f32 v2, $0.0e+00;
	v3 =	vadd.f32 v11, v14  }
0x491: {  	v1 =	vadd.f32 v13, v1;
	[tilespmem:s25+$0x14150] =	vst v2  }
0x492: {  	v2 =	vld [tilespmem:s28+$0x1A430];
	v3 =	vmax.f32 v3, $0.0e+00  }
0x493: {  	v15 =	vld [tilespmem:s25+$0x14160];
	v1 =	vmax.f32 v1, $0.0e+00;
	[tilespmem:s26+$0x14140] =	vst v3  }
0x494: {  	v3 =	vld [tilespmem:s25+$0x14170];
	[tilespmem:s26+$0x14150] =	vst v1  }
0x495: {  	v1 =	vld [tilespmem:s2+$0x1A430]  }
0x496: {  	v18 =	vld [tilespmem:s26+$0x14170]  }
0x497: {  	v16 =	vld [tilespmem:s26+$0x14160];
	v17 =	vunpack.i.l.bf16.f32 v2  }
0x498: {  	v2 =	vunpack.i.u.bf16.f32 v2;
	v4 =	vadd.f32 v15, v17  }
0x499: {  	v2 =	vadd.f32 v3, v2  }
0x49a: {  	v19 =	vunpack.i.l.bf16.f32 v1;
	v1 =	vunpack.i.u.bf16.f32 v1;
	v3 =	vmax.f32 v4, $0.0e+00  }
0x49b: {  	v2 =	vmax.f32 v2, $0.0e+00;
	v1 =	vadd.f32 v18, v1;
	[tilespmem:s25+$0x14160] =	vst v3  }
0x49c: {  	v3 =	vadd.f32 v16, v19;
	[tilespmem:s25+$0x14170] =	vst v2  }
0x49d: {  	v2 =	vld [tilespmem:s28+$0x1A440];
	v1 =	vmax.f32 v1, $0.0e+00  }
0x49e: {  	v20 =	vld [tilespmem:s25+$0x14180];
	v3 =	vmax.f32 v3, $0.0e+00;
	[tilespmem:s26+$0x14170] =	vst v1  }
0x49f: {  	[tilespmem:s26+$0x14160] =	vst v3;
	v3 =	vld [tilespmem:s25+$0x14190]  }
0x4a0: {  	v1 =	vld [tilespmem:s2+$0x1A440]  }
0x4a1: {  	v21 =	vld [tilespmem:s26+$0x14180]  }
0x4a2: {  	v23 =	vld [tilespmem:s26+$0x14190];
	v22 =	vunpack.i.l.bf16.f32 v2  }
0x4a3: {  	v2 =	vunpack.i.u.bf16.f32 v2;
	v4 =	vadd.f32 v20, v22  }
0x4a4: {  	v2 =	vadd.f32 v3, v2  }
0x4a5: {  	v3 =	vmax.f32 v4, $0.0e+00;
	v24 =	vunpack.i.l.bf16.f32 v1  }
0x4a6: {  	v1 =	vunpack.i.u.bf16.f32 v1;
	[tilespmem:s25+$0x14180] =	vst v3;
	v2 =	vmax.f32 v2, $0.0e+00;
	v3 =	vadd.f32 v21, v24  }
0x4a7: {  	v1 =	vadd.f32 v23, v1;
	[tilespmem:s25+$0x14190] =	vst v2  }
0x4a8: {  	v2 =	vld [tilespmem:s28+$0x1A450];
	v3 =	vmax.f32 v3, $0.0e+00  }
0x4a9: {  	v25 =	vld [tilespmem:s25+$0x141A0];
	v1 =	vmax.f32 v1, $0.0e+00;
	[tilespmem:s26+$0x14180] =	vst v3  }
0x4aa: {  	v3 =	vld [tilespmem:s25+$0x141B0];
	[tilespmem:s26+$0x14190] =	vst v1  }
0x4ab: {  	v1 =	vld [tilespmem:s2+$0x1A450]  }
0x4ac: {  	v28 =	vld [tilespmem:s26+$0x141B0]  }
0x4ad: {  	v26 =	vld [tilespmem:s26+$0x141A0];
	v27 =	vunpack.i.l.bf16.f32 v2  }
0x4ae: {  	v2 =	vunpack.i.u.bf16.f32 v2;
	v4 =	vadd.f32 v25, v27  }
0x4af: {  	v2 =	vadd.f32 v3, v2  }
0x4b0: {  	v29 =	vunpack.i.l.bf16.f32 v1;
	v1 =	vunpack.i.u.bf16.f32 v1;
	v3 =	vmax.f32 v4, $0.0e+00  }
0x4b1: {  	v2 =	vmax.f32 v2, $0.0e+00;
	v1 =	vadd.f32 v28, v1;
	[tilespmem:s25+$0x141A0] =	vst v3  }
0x4b2: {  	v3 =	vadd.f32 v26, v29;
	[tilespmem:s25+$0x141B0] =	vst v2  }
0x4b3: {  	v2 =	vld [tilespmem:s28+$0x1A460];
	v1 =	vmax.f32 v1, $0.0e+00  }
0x4b4: {  	v30 =	vld [tilespmem:s25+$0x141C0];
	v3 =	vmax.f32 v3, $0.0e+00;
	[tilespmem:s26+$0x141B0] =	vst v1  }
0x4b5: {  	[tilespmem:s26+$0x141A0] =	vst v3;
	v3 =	vld [tilespmem:s25+$0x141D0]  }
0x4b6: {  	v1 =	vld [tilespmem:s2+$0x1A460]  }
0x4b7: {  	v31 =	vld [tilespmem:s26+$0x141C0]  }
0x4b8: {  	v33 =	vld [tilespmem:s26+$0x141D0];
	v32 =	vunpack.i.l.bf16.f32 v2  }
0x4b9: {  	v2 =	vunpack.i.u.bf16.f32 v2;
	v4 =	vadd.f32 v30, v32  }
0x4ba: {  	v2 =	vadd.f32 v3, v2  }
0x4bb: {  	v3 =	vmax.f32 v4, $0.0e+00;
	v34 =	vunpack.i.l.bf16.f32 v1  }
0x4bc: {  	v1 =	vunpack.i.u.bf16.f32 v1;
	[tilespmem:s25+$0x141C0] =	vst v3;
	v2 =	vmax.f32 v2, $0.0e+00;
	v3 =	vadd.f32 v31, v34  }
0x4bd: {  	v1 =	vadd.f32 v33, v1;
	[tilespmem:s25+$0x141D0] =	vst v2  }
0x4be: {  	v2 =	vld [tilespmem:s28+$0x1A470];
	v3 =	vmax.f32 v3, $0.0e+00  }
0x4bf: {  	v35 =	vld [tilespmem:s25+$0x141E0];
	v1 =	vmax.f32 v1, $0.0e+00;
	[tilespmem:s26+$0x141C0] =	vst v3  }
0x4c0: {  	v3 =	vld [tilespmem:s25+$0x141F0];
	[tilespmem:s26+$0x141D0] =	vst v1  }
0x4c1: {  	v1 =	vld [tilespmem:s2+$0x1A470]  }
0x4c2: {  	v38 =	vld [tilespmem:s26+$0x141F0]  }
0x4c3: {  	v36 =	vld [tilespmem:s26+$0x141E0];
	v37 =	vunpack.i.l.bf16.f32 v2  }
0x4c4: {  	v2 =	vunpack.i.u.bf16.f32 v2;
	v4 =	vadd.f32 v35, v37  }
0x4c5: {  	v2 =	vadd.f32 v3, v2  }
0x4c6: {  	v39 =	vunpack.i.l.bf16.f32 v1;
	v1 =	vunpack.i.u.bf16.f32 v1;
	v3 =	vmax.f32 v4, $0.0e+00  }
0x4c7: {  	v2 =	vmax.f32 v2, $0.0e+00;
	v1 =	vadd.f32 v38, v1;
	[tilespmem:s25+$0x141E0] =	vst v3  }
0x4c8: {  	v3 =	vadd.f32 v36, v39;
	[tilespmem:s25+$0x141F0] =	vst v2  }
0x4c9: {  	v2 =	vld [tilespmem:s28+$0x1A800];
	v1 =	vmax.f32 v1, $0.0e+00  }
0x4ca: {  	v40 =	vld [tilespmem:s25+$0x14200];
	v3 =	vmax.f32 v3, $0.0e+00;
	[tilespmem:s26+$0x141F0] =	vst v1  }
0x4cb: {  	[tilespmem:s26+$0x141E0] =	vst v3;
	v3 =	vld [tilespmem:s25+$0x14210]  }
0x4cc: {  	v1 =	vld [tilespmem:s2+$0x1A800]  }
0x4cd: {  	v41 =	vld [tilespmem:s26+$0x14200]  }
0x4ce: {  	v43 =	vld [tilespmem:s26+$0x14210];
	v42 =	vunpack.i.l.bf16.f32 v2  }
0x4cf: {  	v2 =	vunpack.i.u.bf16.f32 v2;
	v4 =	vadd.f32 v40, v42  }
0x4d0: {  	v2 =	vadd.f32 v3, v2  }
0x4d1: {  	v3 =	vmax.f32 v4, $0.0e+00;
	v44 =	vunpack.i.l.bf16.f32 v1  }
0x4d2: {  	v1 =	vunpack.i.u.bf16.f32 v1;
	[tilespmem:s25+$0x14200] =	vst v3;
	v2 =	vmax.f32 v2, $0.0e+00;
	v3 =	vadd.f32 v41, v44  }
0x4d3: {  	v1 =	vadd.f32 v43, v1;
	[tilespmem:s25+$0x14210] =	vst v2  }
0x4d4: {  	v2 =	vld [tilespmem:s28+$0x1A810];
	v3 =	vmax.f32 v3, $0.0e+00  }
0x4d5: {  	v45 =	vld [tilespmem:s25+$0x14220];
	v1 =	vmax.f32 v1, $0.0e+00;
	[tilespmem:s26+$0x14200] =	vst v3  }
0x4d6: {  	v3 =	vld [tilespmem:s25+$0x14230];
	[tilespmem:s26+$0x14210] =	vst v1  }
0x4d7: {  	v1 =	vld [tilespmem:s2+$0x1A810]  }
0x4d8: {  	v48 =	vld [tilespmem:s26+$0x14230]  }
0x4d9: {  	v46 =	vld [tilespmem:s26+$0x14220];
	v47 =	vunpack.i.l.bf16.f32 v2  }
0x4da: {  	v2 =	vunpack.i.u.bf16.f32 v2;
	v4 =	vadd.f32 v45, v47  }
0x4db: {  	v2 =	vadd.f32 v3, v2  }
0x4dc: {  	v49 =	vunpack.i.l.bf16.f32 v1;
	v1 =	vunpack.i.u.bf16.f32 v1;
	v3 =	vmax.f32 v4, $0.0e+00  }
0x4dd: {  	v2 =	vmax.f32 v2, $0.0e+00;
	v1 =	vadd.f32 v48, v1;
	[tilespmem:s25+$0x14220] =	vst v3  }
0x4de: {  	v3 =	vadd.f32 v46, v49;
	[tilespmem:s25+$0x14230] =	vst v2  }
0x4df: {  	v2 =	vld [tilespmem:s28+$0x1A820];
	v1 =	vmax.f32 v1, $0.0e+00  }
0x4e0: {  	v50 =	vld [tilespmem:s25+$0x14240];
	v3 =	vmax.f32 v3, $0.0e+00;
	[tilespmem:s26+$0x14230] =	vst v1  }
0x4e1: {  	[tilespmem:s26+$0x14220] =	vst v3;
	v3 =	vld [tilespmem:s25+$0x14250]  }
0x4e2: {  	v1 =	vld [tilespmem:s2+$0x1A820]  }
0x4e3: {  	v51 =	vld [tilespmem:s26+$0x14240]  }
0x4e4: {  	v53 =	vld [tilespmem:s26+$0x14250];
	v52 =	vunpack.i.l.bf16.f32 v2  }
0x4e5: {  	v2 =	vunpack.i.u.bf16.f32 v2;
	v4 =	vadd.f32 v50, v52  }
0x4e6: {  	v2 =	vadd.f32 v3, v2  }
0x4e7: {  	v3 =	vmax.f32 v4, $0.0e+00;
	v54 =	vunpack.i.l.bf16.f32 v1  }
0x4e8: {  	v1 =	vunpack.i.u.bf16.f32 v1;
	[tilespmem:s25+$0x14240] =	vst v3;
	v2 =	vmax.f32 v2, $0.0e+00;
	v3 =	vadd.f32 v51, v54  }
0x4e9: {  	v1 =	vadd.f32 v53, v1;
	[tilespmem:s25+$0x14250] =	vst v2  }
0x4ea: {  	v2 =	vld [tilespmem:s28+$0x1A830];
	v3 =	vmax.f32 v3, $0.0e+00  }
0x4eb: {  	v55 =	vld [tilespmem:s25+$0x14260];
	v1 =	vmax.f32 v1, $0.0e+00;
	[tilespmem:s26+$0x14240] =	vst v3  }
0x4ec: {  	v3 =	vld [tilespmem:s25+$0x14270];
	[tilespmem:s26+$0x14250] =	vst v1  }
0x4ed: {  	v1 =	vld [tilespmem:s2+$0x1A830]  }
0x4ee: {  	v58 =	vld [tilespmem:s26+$0x14270]  }
0x4ef: {  	v56 =	vld [tilespmem:s26+$0x14260];
	v57 =	vunpack.i.l.bf16.f32 v2  }
0x4f0: {  	v2 =	vunpack.i.u.bf16.f32 v2;
	v4 =	vadd.f32 v55, v57  }
0x4f1: {  	v2 =	vadd.f32 v3, v2  }
0x4f2: {  	v59 =	vunpack.i.l.bf16.f32 v1;
	v1 =	vunpack.i.u.bf16.f32 v1;
	v3 =	vmax.f32 v4, $0.0e+00  }
0x4f3: {  	v2 =	vmax.f32 v2, $0.0e+00;
	v1 =	vadd.f32 v58, v1;
	[tilespmem:s25+$0x14260] =	vst v3  }
0x4f4: {  	v3 =	vadd.f32 v56, v59;
	[tilespmem:s25+$0x14270] =	vst v2  }
0x4f5: {  	v2 =	vld [tilespmem:s28+$0x1A840];
	v1 =	vmax.f32 v1, $0.0e+00  }
0x4f6: {  	v60 =	vld [tilespmem:s25+$0x14280];
	v3 =	vmax.f32 v3, $0.0e+00;
	[tilespmem:s26+$0x14270] =	vst v1  }
0x4f7: {  	[tilespmem:s26+$0x14260] =	vst v3;
	v3 =	vld [tilespmem:s25+$0x14290]  }
0x4f8: {  	v1 =	vld [tilespmem:s2+$0x1A840]  }
0x4f9: {  	v61 =	vld [tilespmem:s26+$0x14280]  }
0x4fa: {  	v63 =	vld [tilespmem:s26+$0x14290];
	v62 =	vunpack.i.l.bf16.f32 v2  }
0x4fb: {  	v2 =	vunpack.i.u.bf16.f32 v2;
	v4 =	vadd.f32 v60, v62  }
0x4fc: {  	v2 =	vadd.f32 v3, v2  }
0x4fd: {  	v3 =	vmax.f32 v4, $0.0e+00;
	v9 =	vunpack.i.l.bf16.f32 v1  }
0x4fe: {  	v1 =	vunpack.i.u.bf16.f32 v1;
	[tilespmem:s25+$0x14280] =	vst v3;
	v2 =	vmax.f32 v2, $0.0e+00;
	v3 =	vadd.f32 v61, v9  }
0x4ff: {  	v1 =	vadd.f32 v63, v1;
	[tilespmem:s25+$0x14290] =	vst v2  }
0x500: {  	v2 =	vld [tilespmem:s28+$0x1A850];
	v3 =	vmax.f32 v3, $0.0e+00  }
0x501: {  	v10 =	vld [tilespmem:s25+$0x142A0];
	v1 =	vmax.f32 v1, $0.0e+00;
	[tilespmem:s26+$0x14280] =	vst v3  }
0x502: {  	v3 =	vld [tilespmem:s25+$0x142B0];
	[tilespmem:s26+$0x14290] =	vst v1  }
0x503: {  	v1 =	vld [tilespmem:s2+$0x1A850]  }
0x504: {  	v13 =	vld [tilespmem:s26+$0x142B0]  }
0x505: {  	v11 =	vld [tilespmem:s26+$0x142A0];
	v12 =	vunpack.i.l.bf16.f32 v2  }
0x506: {  	v2 =	vunpack.i.u.bf16.f32 v2;
	v4 =	vadd.f32 v10, v12  }
0x507: {  	v2 =	vadd.f32 v3, v2  }
0x508: {  	v14 =	vunpack.i.l.bf16.f32 v1;
	v1 =	vunpack.i.u.bf16.f32 v1;
	v3 =	vmax.f32 v4, $0.0e+00  }
0x509: {  	v2 =	vmax.f32 v2, $0.0e+00;
	v1 =	vadd.f32 v13, v1;
	[tilespmem:s25+$0x142A0] =	vst v3  }
0x50a: {  	v3 =	vadd.f32 v11, v14;
	[tilespmem:s25+$0x142B0] =	vst v2  }
0x50b: {  	v2 =	vld [tilespmem:s28+$0x1A860];
	v1 =	vmax.f32 v1, $0.0e+00  }
0x50c: {  	v15 =	vld [tilespmem:s25+$0x142C0];
	v3 =	vmax.f32 v3, $0.0e+00;
	[tilespmem:s26+$0x142B0] =	vst v1  }
0x50d: {  	[tilespmem:s26+$0x142A0] =	vst v3;
	v3 =	vld [tilespmem:s25+$0x142D0]  }
0x50e: {  	v1 =	vld [tilespmem:s2+$0x1A860]  }
0x50f: {  	v16 =	vld [tilespmem:s26+$0x142C0]  }
0x510: {  	v18 =	vld [tilespmem:s26+$0x142D0];
	v17 =	vunpack.i.l.bf16.f32 v2  }
0x511: {  	v2 =	vunpack.i.u.bf16.f32 v2;
	v4 =	vadd.f32 v15, v17  }
0x512: {  	v2 =	vadd.f32 v3, v2  }
0x513: {  	v3 =	vmax.f32 v4, $0.0e+00;
	v19 =	vunpack.i.l.bf16.f32 v1  }
0x514: {  	v1 =	vunpack.i.u.bf16.f32 v1;
	[tilespmem:s25+$0x142C0] =	vst v3;
	v2 =	vmax.f32 v2, $0.0e+00;
	v3 =	vadd.f32 v16, v19  }
0x515: {  	v1 =	vadd.f32 v18, v1;
	[tilespmem:s25+$0x142D0] =	vst v2  }
0x516: {  	v2 =	vld [tilespmem:s28+$0x1A870];
	v3 =	vmax.f32 v3, $0.0e+00  }
0x517: {  	v20 =	vld [tilespmem:s25+$0x142E0];
	v1 =	vmax.f32 v1, $0.0e+00;
	[tilespmem:s26+$0x142C0] =	vst v3  }
0x518: {  	v3 =	vld [tilespmem:s25+$0x142F0];
	[tilespmem:s26+$0x142D0] =	vst v1  }
0x519: {  	v1 =	vld [tilespmem:s2+$0x1A870]  }
0x51a: {  	v23 =	vld [tilespmem:s26+$0x142F0]  }
0x51b: {  	v21 =	vld [tilespmem:s26+$0x142E0];
	v22 =	vunpack.i.l.bf16.f32 v2  }
0x51c: {  	v2 =	vunpack.i.u.bf16.f32 v2;
	v4 =	vadd.f32 v20, v22  }
0x51d: {  	v2 =	vadd.f32 v3, v2  }
0x51e: {  	v24 =	vunpack.i.l.bf16.f32 v1;
	v1 =	vunpack.i.u.bf16.f32 v1;
	v3 =	vmax.f32 v4, $0.0e+00  }
0x51f: {  	v2 =	vmax.f32 v2, $0.0e+00;
	v1 =	vadd.f32 v23, v1;
	[tilespmem:s25+$0x142E0] =	vst v3  }
0x520: {  	v3 =	vadd.f32 v21, v24;
	[tilespmem:s25+$0x142F0] =	vst v2  }
0x521: {  	v2 =	vld [tilespmem:s28+$0x1AC00];
	v1 =	vmax.f32 v1, $0.0e+00  }
0x522: {  	v25 =	vld [tilespmem:s25+$0x14300];
	v3 =	vmax.f32 v3, $0.0e+00;
	[tilespmem:s26+$0x142F0] =	vst v1  }
0x523: {  	[tilespmem:s26+$0x142E0] =	vst v3;
	v3 =	vld [tilespmem:s25+$0x14310]  }
0x524: {  	v1 =	vld [tilespmem:s2+$0x1AC00]  }
0x525: {  	v26 =	vld [tilespmem:s26+$0x14300]  }
0x526: {  	v28 =	vld [tilespmem:s26+$0x14310];
	v27 =	vunpack.i.l.bf16.f32 v2  }
0x527: {  	v2 =	vunpack.i.u.bf16.f32 v2;
	v4 =	vadd.f32 v25, v27  }
0x528: {  	v2 =	vadd.f32 v3, v2  }
0x529: {  	v3 =	vmax.f32 v4, $0.0e+00;
	v29 =	vunpack.i.l.bf16.f32 v1  }
0x52a: {  	v1 =	vunpack.i.u.bf16.f32 v1;
	[tilespmem:s25+$0x14300] =	vst v3;
	v2 =	vmax.f32 v2, $0.0e+00;
	v3 =	vadd.f32 v26, v29  }
0x52b: {  	v1 =	vadd.f32 v28, v1;
	[tilespmem:s25+$0x14310] =	vst v2  }
0x52c: {  	v2 =	vld [tilespmem:s28+$0x1AC10];
	v3 =	vmax.f32 v3, $0.0e+00  }
0x52d: {  	v30 =	vld [tilespmem:s25+$0x14320];
	v1 =	vmax.f32 v1, $0.0e+00;
	[tilespmem:s26+$0x14300] =	vst v3  }
0x52e: {  	v3 =	vld [tilespmem:s25+$0x14330];
	[tilespmem:s26+$0x14310] =	vst v1  }
0x52f: {  	v1 =	vld [tilespmem:s2+$0x1AC10]  }
0x530: {  	v33 =	vld [tilespmem:s26+$0x14330]  }
0x531: {  	v31 =	vld [tilespmem:s26+$0x14320];
	v32 =	vunpack.i.l.bf16.f32 v2  }
0x532: {  	v2 =	vunpack.i.u.bf16.f32 v2;
	v4 =	vadd.f32 v30, v32  }
0x533: {  	v2 =	vadd.f32 v3, v2  }
0x534: {  	v34 =	vunpack.i.l.bf16.f32 v1;
	v1 =	vunpack.i.u.bf16.f32 v1;
	v3 =	vmax.f32 v4, $0.0e+00  }
0x535: {  	v2 =	vmax.f32 v2, $0.0e+00;
	v1 =	vadd.f32 v33, v1;
	[tilespmem:s25+$0x14320] =	vst v3  }
0x536: {  	v3 =	vadd.f32 v31, v34;
	[tilespmem:s25+$0x14330] =	vst v2  }
0x537: {  	v2 =	vld [tilespmem:s28+$0x1AC20];
	v1 =	vmax.f32 v1, $0.0e+00  }
0x538: {  	v35 =	vld [tilespmem:s25+$0x14340];
	v3 =	vmax.f32 v3, $0.0e+00;
	[tilespmem:s26+$0x14330] =	vst v1  }
0x539: {  	[tilespmem:s26+$0x14320] =	vst v3;
	v3 =	vld [tilespmem:s25+$0x14350]  }
0x53a: {  	v1 =	vld [tilespmem:s2+$0x1AC20]  }
0x53b: {  	v36 =	vld [tilespmem:s26+$0x14340]  }
0x53c: {  	v38 =	vld [tilespmem:s26+$0x14350];
	v37 =	vunpack.i.l.bf16.f32 v2  }
0x53d: {  	v2 =	vunpack.i.u.bf16.f32 v2;
	v4 =	vadd.f32 v35, v37  }
0x53e: {  	v2 =	vadd.f32 v3, v2  }
0x53f: {  	v3 =	vmax.f32 v4, $0.0e+00;
	v39 =	vunpack.i.l.bf16.f32 v1  }
0x540: {  	v1 =	vunpack.i.u.bf16.f32 v1;
	[tilespmem:s25+$0x14340] =	vst v3;
	v2 =	vmax.f32 v2, $0.0e+00;
	v3 =	vadd.f32 v36, v39  }
0x541: {  	v1 =	vadd.f32 v38, v1;
	[tilespmem:s25+$0x14350] =	vst v2  }
0x542: {  	v2 =	vld [tilespmem:s28+$0x1AC30];
	v3 =	vmax.f32 v3, $0.0e+00  }
0x543: {  	v40 =	vld [tilespmem:s25+$0x14360];
	v1 =	vmax.f32 v1, $0.0e+00;
	[tilespmem:s26+$0x14340] =	vst v3  }
0x544: {  	v3 =	vld [tilespmem:s25+$0x14370];
	[tilespmem:s26+$0x14350] =	vst v1  }
0x545: {  	v1 =	vld [tilespmem:s2+$0x1AC30]  }
0x546: {  	v43 =	vld [tilespmem:s26+$0x14370]  }
0x547: {  	v41 =	vld [tilespmem:s26+$0x14360];
	v42 =	vunpack.i.l.bf16.f32 v2  }
0x548: {  	v2 =	vunpack.i.u.bf16.f32 v2;
	v4 =	vadd.f32 v40, v42  }
0x549: {  	v2 =	vadd.f32 v3, v2  }
0x54a: {  	v44 =	vunpack.i.l.bf16.f32 v1;
	v1 =	vunpack.i.u.bf16.f32 v1;
	v3 =	vmax.f32 v4, $0.0e+00  }
0x54b: {  	v2 =	vmax.f32 v2, $0.0e+00;
	v1 =	vadd.f32 v43, v1;
	[tilespmem:s25+$0x14360] =	vst v3  }
0x54c: {  	v3 =	vadd.f32 v41, v44;
	[tilespmem:s25+$0x14370] =	vst v2  }
0x54d: {  	v2 =	vld [tilespmem:s28+$0x1AC40];
	v1 =	vmax.f32 v1, $0.0e+00  }
0x54e: {  	v45 =	vld [tilespmem:s25+$0x14380];
	v3 =	vmax.f32 v3, $0.0e+00;
	[tilespmem:s26+$0x14370] =	vst v1  }
0x54f: {  	[tilespmem:s26+$0x14360] =	vst v3;
	v3 =	vld [tilespmem:s25+$0x14390]  }
0x550: {  	v1 =	vld [tilespmem:s2+$0x1AC40]  }
0x551: {  	v46 =	vld [tilespmem:s26+$0x14380]  }
0x552: {  	v48 =	vld [tilespmem:s26+$0x14390];
	v47 =	vunpack.i.l.bf16.f32 v2  }
0x553: {  	v4 =	vadd.f32 v45, v47  }
0x554: {  	v2 =	vunpack.i.u.bf16.f32 v2  }
0x555: {  	v2 =	vadd.f32 v3, v2;
	v3 =	vmax.f32 v4, $0.0e+00;
	v49 =	vunpack.i.l.bf16.f32 v1  }
0x556: {  	v1 =	vunpack.i.u.bf16.f32 v1;
	[tilespmem:s25+$0x14380] =	vst v3;
	v3 =	vadd.f32 v46, v49  }
0x557: {  	v2 =	vmax.f32 v2, $0.0e+00;
	v1 =	vadd.f32 v48, v1  }
0x558: {  	v50 =	vld [tilespmem:s25+$0x143A0];
	[tilespmem:s25+$0x14390] =	vst v2;
	v3 =	vmax.f32 v3, $0.0e+00  }
0x559: {  	v2 =	vld [tilespmem:s28+$0x1AC50];
	v1 =	vmax.f32 v1, $0.0e+00;
	[tilespmem:s26+$0x14380] =	vst v3  }
0x55a: {  	v3 =	vld [tilespmem:s25+$0x143B0];
	[tilespmem:s26+$0x14390] =	vst v1  }
0x55b: {  	v1 =	vld [tilespmem:s2+$0x1AC50]  }
0x55c: {  	v53 =	vld [tilespmem:s26+$0x143B0]  }
0x55d: {  	v51 =	vld [tilespmem:s26+$0x143A0]  }
0x55e: {  	v52 =	vunpack.i.l.bf16.f32 v2  }
0x55f: {  	v2 =	vunpack.i.u.bf16.f32 v2;
	v4 =	vadd.f32 v50, v52  }
0x560: {  	v2 =	vadd.f32 v3, v2;
	v54 =	vunpack.i.l.bf16.f32 v1;
	v1 =	vunpack.i.u.bf16.f32 v1  }
0x561: {  	v3 =	vmax.f32 v4, $0.0e+00;
	v1 =	vadd.f32 v53, v1  }
0x562: {  	v2 =	vmax.f32 v2, $0.0e+00;
	[tilespmem:s25+$0x143A0] =	vst v3;
	v3 =	vadd.f32 v51, v54  }
0x563: {  	v55 =	vld [tilespmem:s25+$0x143C0];
	[tilespmem:s25+$0x143B0] =	vst v2;
	v1 =	vmax.f32 v1, $0.0e+00  }
0x564: {  	v2 =	vld [tilespmem:s28+$0x1AC60];
	v3 =	vmax.f32 v3, $0.0e+00;
	[tilespmem:s26+$0x143B0] =	vst v1  }
0x565: {  	[tilespmem:s26+$0x143A0] =	vst v3;
	v3 =	vld [tilespmem:s25+$0x143D0]  }
0x566: {  	v1 =	vld [tilespmem:s2+$0x1AC60]  }
0x567: {  	v56 =	vld [tilespmem:s26+$0x143C0]  }
0x568: {  	v57 =	vld [tilespmem:s26+$0x143D0]  }
0x569: {  	v58 =	vunpack.i.l.bf16.f32 v2  }
0x56a: {  	v2 =	vunpack.i.u.bf16.f32 v2;
	v4 =	vadd.f32 v55, v58  }
0x56b: {  	v2 =	vadd.f32 v3, v2;
	v3 =	vunpack.i.l.bf16.f32 v1  }
0x56c: {  	v4 =	vmax.f32 v4, $0.0e+00;
	v1 =	vunpack.i.u.bf16.f32 v1;
	v3 =	vadd.f32 v56, v3  }
0x56d: {  	[tilespmem:s25+$0x143C0] =	vst v4;
	v2 =	vmax.f32 v2, $0.0e+00;
	v1 =	vadd.f32 v57, v1  }
0x56e: {  	v59 =	vld [tilespmem:s25+$0x143F0];
	[tilespmem:s25+$0x143D0] =	vst v2;
	v2 =	vmax.f32 v3, $0.0e+00  }
0x56f: {  	v1 =	vmax.f32 v1, $0.0e+00;
	[tilespmem:s26+$0x143C0] =	vst v2;
	v2 =	vld [tilespmem:s28+$0x1AC70]  }
0x570: {  	v3 =	vld [tilespmem:s25+$0x143E0];
	[tilespmem:s26+$0x143D0] =	vst v1  }
0x571: {  	v1 =	vld [tilespmem:s2+$0x1AC70]  }
0x572: {  	v60 =	vld [tilespmem:s26+$0x143E0]  }
0x573: {  	v61 =	vld [tilespmem:s26+$0x143F0]  }
0x574: {  	v62 =	vunpack.i.l.bf16.f32 v2  }
0x575: {  	v2 =	vunpack.i.u.bf16.f32 v2;
	v3 =	vadd.f32 v3, v62  }
0x576: {  	p0 =	slt.u32 s24, $0x6;
	v2 =	vadd.f32 v59, v2;
	v63 =	vunpack.i.l.bf16.f32 v1  }
.Ltmp11:
0x577: {  	v1 =	vunpack.i.u.bf16.f32 v1;
	v4 =	vadd.f32 v60, v63;
	v3 =	vmax.f32 v3, $0.0e+00;
	(pc) =	sbr.rel @p0 .LBB2_16-.Ltmp11, $4  }
0x578: {  	v1 =	vadd.f32 v61, v1;
	v2 =	vmax.f32 v2, $0.0e+00;
	[tilespmem:s25+$0x143E0] =	vst v3  }
0x579: {  	[tilespmem:s25+$0x143F0] =	vst v2;
	v2 =	vmax.f32 v4, $0.0e+00  }
0x57a: {  	s30 =	sadd.s32 $0x2, s24;
	v1 =	vmax.f32 v1, $0.0e+00;
	[tilespmem:s26+$0x143E0] =	vst v2  }
0x57b: {  	s24 =	smov.u32 s30;
	[tilespmem:s26+$0x143F0] =	vst v1  }
0x57c: {  	v1 =	vld [tilespmem:$0x1D180];
	_ =	sdelay $0x4  }
0x57d: {  	(xrf1) =	vunique.msk.u32 $0xffff, v1;
	_ =	sdelay $0xd  }
0x57e: {  	_, v2, vm0 =	vpop (xrf1);
	_ =	sdelay $0x3  }
0x57f: {  	v2 =	vcvt.s32.f32 v2;
	_ =	sdelay $0x1  }
0x580: {  	[tilespmem:v1+s8+$0x0] =	vst.idx.add.f32.msk vm0, v2  }
0x581: {  	v1 =	vld [tilespmem:$0x1D190];
	_ =	sdelay $0x4  }
0x582: {  	(xrf1) =	vunique.msk.u32 $0xffff, v1;
	_ =	sdelay $0xd  }
0x583: {  	_, v2, vm0 =	vpop (xrf1);
	_ =	sdelay $0x3  }
0x584: {  	v2 =	vcvt.s32.f32 v2;
	_ =	sdelay $0x1  }
0x585: {  	[tilespmem:v1+s8+$0x0] =	vst.idx.add.f32.msk vm0, v2  }
0x586: {  	v1 =	vld [tilespmem:$0x1D1A0];
	_ =	sdelay $0x4  }
0x587: {  	(xrf1) =	vunique.msk.u32 $0xffff, v1;
	_ =	sdelay $0xd  }
0x588: {  	_, v2, vm0 =	vpop (xrf1);
	_ =	sdelay $0x3  }
0x589: {  	v2 =	vcvt.s32.f32 v2;
	_ =	sdelay $0x1  }
0x58a: {  	[tilespmem:v1+s8+$0x0] =	vst.idx.add.f32.msk vm0, v2  }
0x58b: {  	v1 =	vld [tilespmem:$0x1D1B0];
	_ =	sdelay $0x4  }
0x58c: {  	(xrf1) =	vunique.msk.u32 $0xffff, v1;
	_ =	sdelay $0xd  }
0x58d: {  	_, v2, vm0 =	vpop (xrf1);
	_ =	sdelay $0x2  }
.Ltmp12:
0x58e: {  	_ = 	snop;
	(pc) =	sbr.rel .LBB2_18-.Ltmp12, $3  }
0x58f: {  	v2 =	vcvt.s32.f32 v2;
	_ =	sdelay $0x1  }
0x590: {  	[tilespmem:v1+s8+$0x0] =	vst.idx.add.f32.msk vm0, v2  }
0x591: {  	[spmem:s13] =	stream.indirect.scatter.add.f32 [tilespmem:s5], [sflag:$0x7], $0x80, s21, s9, $0xb8;
	[tilespmem:$0x1FB00] =	vst v63  }
.LBB2_20:
0x592: {  	_ =	sfence.sel $0x180000  }
0x593: {  	[bflag:$0x0] =	sbarrier.arrive $0xFFFF  }
0x594: {  	_ =	strace $0x90000047  }
0x595: {  	s0 =	stileid.u32;
	[bflag:$0x2] =	sbarrier.arrive $0xFFFF  }
0x596: {  	p0 =	sne.s32 s0, $0x0;
	s0 =	rddreg [dreg:$0x3]  }
0x597: {  	s0 =	sadd.s32 @!p0 $0x100000, s0  }
0x598: {  	[sflag:s0] =	ssyncadd.tile.s32 @!p0 $0x1;
	_ =	shalt  }
.Lfunc_end2:
_tile_overlayer_lowered:
.L_overlay_start_2:
0x599: {  	(tag) =	ssettag $0x2  }
0x59a: {  	s0 =	rddreg [dreg:$0x0];
	s2 =	stileid.u32  }
0x59b: {  	s1 =	rddreg [dreg:$0x1];
	p0 =	sne.s32 s2, $0x0  }
0x59c: {  	s3 =	rddreg [dreg:$0x2];
	[bflag:$0x3] =	sbarrier.arrive $0xFFFF;
	s2 =	simm.s32 @!p0 $0x1C0A  }
0x59d: {  	[timem:s3], [sflag:s2] =	dma.local @!p0 [hbm:s0], s1  }
0x59e: {  	s0 =	simm.s32 @!p0 $0xA  }
0x59f: {  	_ =	swait.ge @!p0 [sflag:s0], s1  }
0x5a0: {  	s1 =	ssub.s32 @!p0 $0x0, s1;
	[sflag:s0] =	ssyncset.done @!p0 $0x0  }
0x5a1: {  	[sflag:s0] =	ssyncadd.s32 @!p0 s1  }
0x5a2: {  	[bflag:$0x3] =	sbarrier.arrive $0xFFFF  }
0x5a3: {  	_ =	shalt  }

</sc_bundles>
